<compile_context>
chip_gen: v7x
topology: tpu7x:2x2x1
jax: 0.10.2.dev20260603
libtpu: 0.0.44.dev20260713+nightly
codegen_flags: <defaults>
</compile_context>

<pallas_src>
import functools

import jax
import jax.numpy as jnp
from jax import lax
from jax.experimental import pallas as pl
from jax.experimental.pallas import tpu as pltpu
from jax.experimental.pallas import tpu_sc as plsc

H = 128
NW = 32
CHUNK = 128
BLK = 2048
STAGES = 4


@functools.lru_cache(maxsize=None)
def _make_gather(k):
    assert k >= 2
    n_flat = NW * k * CHUNK

    mesh = plsc.VectorSubcoreMesh(core_axis_name="c", subcore_axis_name="s")

    @functools.partial(
        pl.kernel,
        mesh=mesh,
        out_type=jax.ShapeDtypeStruct((n_flat, H), jnp.int32),
        scratch_types=[
            pltpu.VMEM((k * CHUNK,), jnp.int32),
            pltpu.VMEM((2, CHUNK, H), jnp.int32),
            pltpu.SemaphoreType.DMA,
            pltpu.SemaphoreType.DMA,
            pltpu.SemaphoreType.DMA,
            pltpu.SemaphoreType.DMA,
        ],
    )
    def gather(tab_hbm, idx_hbm, out_hbm, idx_v, buf, g0, g1, s0, s1):
        wid = lax.axis_index("s") * 2 + lax.axis_index("c")
        base = wid * k
        pltpu.sync_copy(idx_hbm.at[pl.ds(base * CHUNK, k * CHUNK)], idx_v)

        gsem = (g0, g1)
        ssem = (s0, s1)

        def start_gather(j, par):
            idx_ref = idx_v.at[pl.ds(j * CHUNK, CHUNK)]
            pltpu.make_async_copy(tab_hbm.at[idx_ref], buf.at[par], gsem[par]).start()

        def wait_gather(par):
            pltpu.make_async_copy(
                tab_hbm.at[idx_v.at[pl.ds(0, CHUNK)]], buf.at[par], gsem[par]).wait()

        def start_store(j, par):
            row0 = (base + j) * CHUNK
            pltpu.make_async_copy(
                buf.at[par], out_hbm.at[pl.ds(row0, CHUNK)], ssem[par]).start()

        def wait_store(par):
            pltpu.make_async_copy(
                buf.at[par], out_hbm.at[pl.ds(0, CHUNK)], ssem[par]).wait()

        start_gather(0, 0)

        def body(jj, carry):
            for par in (0, 1):
                j = jj * 2 + par
                wait_gather(par)

                @pl.when(j > 0)
                def _():
                    wait_store(1 - par)

                @pl.when(j + 1 < k)
                def _():
                    start_gather(j + 1, 1 - par)

                start_store(j, par)
            return carry

        lax.fori_loop(0, k // 2, body, 0)

        if k % 2:
            wait_gather(0)
            wait_store(1)
            start_store(k - 1, 0)
        wait_store((k - 1) % 2)

    return gather


def _tc_body(hc0_ref, hc1_ref, iou_ref,
             wf0_ref, wf1_ref, bf_ref, wio0_ref, wio1_ref, bio_ref, scc_ref,
             hprev_ref, cprev_ref, ho_ref, co_ref):
    del hprev_ref, cprev_ref
    x0 = hc0_ref[...]
    x1 = hc1_ref[...]
    h0f = lax.bitcast_convert_type(x0 << 16, jnp.float32)
    c0 = lax.bitcast_convert_type(x0 & jnp.int32(-65536), jnp.float32)
    h1f = lax.bitcast_convert_type(x1 << 16, jnp.float32)
    c1 = lax.bitcast_convert_type(x1 & jnp.int32(-65536), jnp.float32)
    h0 = h0f.astype(jnp.bfloat16)
    h1 = h1f.astype(jnp.bfloat16)
    iou = iou_ref[...]

    f = jax.nn.sigmoid(
        jnp.dot(h0, wf0_ref[...], preferred_element_type=jnp.float32)
        + jnp.dot(h1, wf1_ref[...], preferred_element_type=jnp.float32)
        + bf_ref[...])
    c_red = f[:, :H] * c0 + f[:, H:] * c1

    h_norm = jnp.sqrt(jnp.sum(h0f * h0f + h1f * h1f, axis=1, keepdims=True))
    iou_norm = jnp.sqrt(jnp.sum(iou * iou, axis=1, keepdims=True))
    s = iou_norm / jnp.maximum(h_norm, 1e-12)
    iou_new = s * (
        jnp.dot(h0, wio0_ref[...], preferred_element_type=jnp.float32)
        + jnp.dot(h1, wio1_ref[...], preferred_element_type=jnp.float32)
    ) + bio_ref[...]

    cr_norm = jnp.sqrt(jnp.sum(c_red * c_red, axis=1, keepdims=True))
    c0_norm = jnp.sqrt(jnp.sum(c0 * c0, axis=1, keepdims=True))
    c_data = c_red * (c0_norm * scc_ref[0, 0] / jnp.maximum(cr_norm, 1e-12))

    i_g = jax.nn.sigmoid(iou_new[:, :H])
    o_g = jax.nn.sigmoid(iou_new[:, H:2 * H])
    u_g = jnp.tanh(iou_new[:, 2 * H:])
    c_out = i_g * u_g + c_data
    ho_ref[...] = o_g * jnp.tanh(c_out)
    co_ref[...] = c_out


def _tc_stage(grid, off, blk0, n, aliases, hc_rows, iou,
              wf0, wf1, bf, wio0, wio1, bio, scc, prev_h, prev_c):
    return pl.pallas_call(
        _tc_body,
        grid=(grid,),
        in_specs=[
            pl.BlockSpec((BLK, H), lambda i: (i, 0)),
            pl.BlockSpec((BLK, H), lambda i: (i + off, 0)),
            pl.BlockSpec((BLK, 3 * H), lambda i: (i + blk0, 0)),
            pl.BlockSpec((H, 2 * H), lambda i: (0, 0)),
            pl.BlockSpec((H, 2 * H), lambda i: (0, 0)),
            pl.BlockSpec((1, 2 * H), lambda i: (0, 0)),
            pl.BlockSpec((H, 3 * H), lambda i: (0, 0)),
            pl.BlockSpec((H, 3 * H), lambda i: (0, 0)),
            pl.BlockSpec((1, 3 * H), lambda i: (0, 0)),
            pl.BlockSpec((1, 1), lambda i: (0, 0)),
            pl.BlockSpec(memory_space=pl.ANY),
            pl.BlockSpec(memory_space=pl.ANY),
        ],
        out_specs=[
            pl.BlockSpec((BLK, H), lambda i: (i + blk0, 0)),
            pl.BlockSpec((BLK, H), lambda i: (i + blk0, 0)),
        ],
        out_shape=[
            jax.ShapeDtypeStruct((n, H), jnp.float32),
            jax.ShapeDtypeStruct((n, H), jnp.float32),
        ],
        input_output_aliases=aliases,
    )(hc_rows, hc_rows, iou,
      wf0, wf1, bf, wio0, wio1, bio, scc, prev_h, prev_c)


def kernel(h, c, iou, children, U_iou_w, b_iou, U_f_w, U_f_b, scale_iou, scale_c):
    n = h.shape[0]
    ch = children.astype(jnp.int32)

    h_bits = lax.bitcast_convert_type(h.astype(jnp.bfloat16), jnp.uint16).astype(jnp.uint32)
    c_bits = lax.bitcast_convert_type(c.astype(jnp.bfloat16), jnp.uint16).astype(jnp.uint32)
    hc_packed = lax.bitcast_convert_type(h_bits | (c_bits << 16), jnp.int32)

    wf = U_f_w.T.astype(jnp.bfloat16)
    wio = (U_iou_w.T * scale_iou[0]).astype(jnp.bfloat16)
    bf = U_f_b.reshape(1, 2 * H)
    scc = scale_c.reshape(1, 1)

    align_sc = max(NW * CHUNK // 2, BLK)
    step = (n // (STAGES * BLK)) * BLK
    starts = [s * step for s in range(STAGES)]
    sizes = [step] * (STAGES - 1) + [n - (STAGES - 1) * step]

    h_out = c_out = None
    for s in range(STAGES):
        lo, size = starts[s], sizes[s]
        n_half = -(-size // align_sc) * align_sc
        k = n_half // align_sc
        pad = n_half - size
        idx = jnp.concatenate([
            jnp.pad(lax.slice_in_dim(ch[:, 0], lo, lo + size), (0, pad)),
            jnp.pad(lax.slice_in_dim(ch[:, 1], lo, lo + size), (0, pad)),
        ])
        hc_rows = _make_gather(k)(hc_packed, idx)

        grid = -(-size // BLK)
        off = n_half // BLK
        blk0 = lo // BLK

        if s == 0:
            aliases = {}
            prev_h = jnp.zeros((8, H), jnp.float32)
            prev_c = jnp.zeros((8, H), jnp.float32)
        else:
            aliases = {10: 0, 11: 1}
            prev_h, prev_c = h_out, c_out

        h_out, c_out = _tc_stage(grid, off, blk0, n, aliases,
                                 hc_rows, iou,
                                 wf[:H], wf[H:], bf, wio[:H], wio[H:],
                                 b_iou, scc, prev_h, prev_c)

    return h_out, c_out

# --- scband reference (transcript-rebuilt; emitter-appended) ---
"""Pipeline reference for scband-tree-lstmcell-31980326486846 (READ-ONLY COPY).

The authoritative reference and input builder live on the scoring server;
editing this copy changes nothing except your own understanding.
"""

import jax, jax.numpy as jnp
import numpy as np

H = 128
N = 100000


def msg_norm(feats, msg, scale):
    # DGL MessageNorm (learn_scale=True): L2-normalize msg, rescale by ||feats||
    msg_n = msg / jnp.maximum(jnp.linalg.norm(msg, axis=-1, keepdims=True), 1e-12)
    feats_norm = jnp.linalg.norm(feats, axis=-1, keepdims=True)
    return msg_n * feats_norm * scale


def setup_inputs(seed: int = 0) -> dict:
    key = jax.random.key(seed)
    ks = jax.random.split(key, 8)
    h = jax.random.normal(ks[0], (N, H), dtype=jnp.float32)
    c = jax.random.normal(ks[1], (N, H), dtype=jnp.float32)
    iou = jax.random.normal(ks[2], (N, 3 * H), dtype=jnp.float32)
    children = jax.random.randint(ks[3], (N, 2), 0, N)
    # learned parameters per init_kwargs (h_size=128)
    U_iou_w = jax.random.normal(ks[4], (3 * H, 2 * H), dtype=jnp.float32) / np.sqrt(2 * H)
    b_iou = jnp.zeros((1, 3 * H), dtype=jnp.float32)
    U_f_w = jax.random.normal(ks[5], (2 * H, 2 * H), dtype=jnp.float32) / np.sqrt(2 * H)
    U_f_b = jnp.zeros((2 * H,), dtype=jnp.float32)
    scale_iou = jnp.ones((1,), dtype=jnp.float32)
    scale_c = jnp.ones((1,), dtype=jnp.float32)
    return {
        "h": h, "c": c, "iou": iou, "children": children,
        "U_iou_w": U_iou_w, "b_iou": b_iou, "U_f_w": U_f_w, "U_f_b": U_f_b,
        "scale_iou": scale_iou, "scale_c": scale_c,
    }


def reference(h, c, iou, children, U_iou_w, b_iou, U_f_w, U_f_b, scale_iou, scale_c):
    # message_func: gather children h/c -> mailbox [N, 2, H]
    mb_h = jnp.take(h, children, axis=0)
    mb_c = jnp.take(c, children, axis=0)
    Np = mb_h.shape[0]
    # reduce_func
    h_cat = mb_h.reshape(Np, 2 * H)
    f = jax.nn.sigmoid(h_cat @ U_f_w.T + U_f_b).reshape(Np, 2, H)
    c_red = jnp.sum(f * mb_c, axis=1)
    iou_new = msg_norm(iou, h_cat, scale_iou) @ U_iou_w.T
    c_data = msg_norm(mb_c[:, 0, :], c_red, scale_c)
    # apply_node_func
    iou_b = iou_new + b_iou
    i, o, u = jnp.split(iou_b, 3, axis=1)
    i = jax.nn.sigmoid(i)
    o = jax.nn.sigmoid(o)
    u = jnp.tanh(u)
    c_out = i * u + c_data
    h_out = o * jnp.tanh(c_out)
    return h_out, c_out

if __name__ == "__main__":
    import jax
    _d = setup_inputs()
    print(jax.jit(kernel)(*tuple(_d.values())))

</pallas_src>

<mosaic_0001>
#map = affine_map<(d0, d1) -> (0, 0)>
#map1 = affine_map<(d0, d1) -> (0)>
module attributes {stable_mosaic.version = 14 : i64} {
  func.func @gather(%arg0: i32, %arg1: i32, %arg2: memref<100000x128xi32, #tpu.memory_space<hbm>>, %arg3: memref<49152xi32, #tpu.memory_space<hbm>>, %arg4: memref<49152x128xi32, #tpu.memory_space<hbm>>, %arg5: memref<1536xi32, #tpu.memory_space<vmem>>, %arg6: memref<2x128x128xi32, #tpu.memory_space<vmem>>, %arg7: memref<!tpu.dma_semaphore, #tpu.memory_space<semaphore_mem>>, %arg8: memref<!tpu.dma_semaphore, #tpu.memory_space<semaphore_mem>>, %arg9: memref<!tpu.dma_semaphore, #tpu.memory_space<semaphore_mem>>, %arg10: memref<!tpu.dma_semaphore, #tpu.memory_space<semaphore_mem>>) attributes {dimension_semantics = [#tpu.dimension_semantics<core_parallel>, #tpu.dimension_semantics<subcore_parallel>], iteration_bounds = array<i64: 2, 16>, scalar_prefetch = 0 : i64, scratch_operands = 6 : i64, tpu.core_type = #tpu.core_type<sc_vector_subcore>, window_params = [{transform_indices = #map}, {transform_indices = #map1}, {transform_indices = #map}]} {
    %mul3A = arith.constant 2 : i32
    %mul3A_0 = arith.muli %arg1, %mul3A : i32
    %add3A = arith.addi %mul3A_0, %arg0 : i32
    %mul3A_1 = arith.constant 12 : i32
    %mul3A_2 = arith.muli %add3A, %mul3A_1 : i32
    %mul3A_3 = arith.constant 128 : i32
    %mul3A_4 = arith.muli %mul3A_2, %mul3A_3 : i32
    "tpu.region"() ({
      %run_scoped3A = tpu.sem_alloc : memref<!tpu.dma_semaphore, #tpu.memory_space<semaphore_mem>>
      %dma_start3A_33 = tpu.memref_slice %arg3[%mul3A_4] : memref<49152xi32, #tpu.memory_space<hbm>> -> memref<1536xi32, #tpu.memory_space<hbm>>
      %dma_start3A_34 = tpu.memref_slice %arg3[%mul3A_4] : memref<49152xi32, #tpu.memory_space<hbm>> -> memref<1536xi32, #tpu.memory_space<hbm>>
      tpu.enqueue_dma source(%dma_start3A_34 : memref<1536xi32, #tpu.memory_space<hbm>>) target(%arg5 : memref<1536xi32, #tpu.memory_space<vmem>>) target_semaphore(%run_scoped3A : memref<!tpu.dma_semaphore, #tpu.memory_space<semaphore_mem>>)
      %dma_wait3A_35 = tpu.memref_slice %arg3[%mul3A_4] : memref<49152xi32, #tpu.memory_space<hbm>> -> memref<1536xi32, #tpu.memory_space<hbm>>
      %dma_wait3A_36 = tpu.memref_slice %arg3[%mul3A_4] : memref<49152xi32, #tpu.memory_space<hbm>> -> memref<1536xi32, #tpu.memory_space<hbm>>
      tpu.wait_dma2 semaphore(%run_scoped3A : memref<!tpu.dma_semaphore, #tpu.memory_space<semaphore_mem>>) src(%dma_wait3A_36 : memref<1536xi32, #tpu.memory_space<hbm>>) dst(%arg5 : memref<1536xi32, #tpu.memory_space<vmem>>)
      tpu.yield
    }) : () -> ()
    %dma_start3A = arith.constant 0 : i32
    %dma_start3A_5 = arith.constant 0 : i32
    %dma_start3A_6 = arith.constant 0 : i32
    %dma_start3A_7 = tpu.memref_slice %arg6[%dma_start3A, %dma_start3A_5, %dma_start3A_6] : memref<2x128x128xi32, #tpu.memory_space<vmem>> -> memref<1x128x128xi32, #tpu.memory_space<vmem>>
    %dma_start3A_8 = tpu.memref_squeeze %dma_start3A_7 : memref<1x128x128xi32, #tpu.memory_space<vmem>> -> memref<128x128xi32, #tpu.memory_space<vmem>>
    %dma_start3A_9 = arith.constant 0 : i32
    %dma_start3A_10 = tpu.memref_slice %arg5[%dma_start3A_9] : memref<1536xi32, #tpu.memory_space<vmem>> -> memref<128xi32, #tpu.memory_space<vmem>>
    %dma_start3A_11 = arith.constant 0 : i32
    %dma_start3A_12 = arith.constant 0 : i32
    %dma_start3A_13 = tpu.memref_slice %arg2[%dma_start3A_11, %dma_start3A_12] : memref<100000x128xi32, #tpu.memory_space<hbm>> -> memref<100000x128xi32, #tpu.memory_space<hbm>>
    tpu.enqueue_indirect_dma source(%dma_start3A_13 : memref<100000x128xi32, #tpu.memory_space<hbm>>) target(%dma_start3A_8 : memref<128x128xi32, #tpu.memory_space<vmem>>) offsets(%dma_start3A_10 : memref<128xi32, #tpu.memory_space<vmem>>) semaphore(%arg7 : memref<!tpu.dma_semaphore, #tpu.memory_space<semaphore_mem>>)
    %scan3A = arith.constant 0 : i32
    %scan3A_14 = arith.constant 0 : i32
    %scan3A_15 = arith.constant 6 : i32
    %scan3A_16 = arith.addi %scan3A_14, %scan3A_15 : i32
    %scan3A_17 = arith.constant 1 : i32
    scf.for %scan3A_33 = %scan3A_14 to %scan3A_16 step %scan3A_17  : i32 {
      %mul3A_34 = arith.constant 2 : i32
      %mul3A_35 = arith.muli %scan3A_33, %mul3A_34 : i32
      %add3A_36 = arith.constant 0 : i32
      %add3A_37 = arith.addi %mul3A_35, %add3A_36 : i32
      %dma_wait3A_38 = arith.constant 0 : i32
      %dma_wait3A_39 = arith.constant 0 : i32
      %dma_wait3A_40 = arith.constant 0 : i32
      %dma_wait3A_41 = tpu.memref_slice %arg6[%dma_wait3A_38, %dma_wait3A_39, %dma_wait3A_40] : memref<2x128x128xi32, #tpu.memory_space<vmem>> -> memref<1x128x128xi32, #tpu.memory_space<vmem>>
      %dma_wait3A_42 = tpu.memref_squeeze %dma_wait3A_41 : memref<1x128x128xi32, #tpu.memory_space<vmem>> -> memref<128x128xi32, #tpu.memory_space<vmem>>
      %dma_wait3A_43 = arith.constant 0 : i32
      %dma_wait3A_44 = tpu.memref_slice %arg5[%dma_wait3A_43] : memref<1536xi32, #tpu.memory_space<vmem>> -> memref<128xi32, #tpu.memory_space<vmem>>
      %dma_wait3A_45 = arith.constant 0 : i32
      %dma_wait3A_46 = arith.constant 0 : i32
      %dma_wait3A_47 = tpu.memref_slice %arg2[%dma_wait3A_45, %dma_wait3A_46] : memref<100000x128xi32, #tpu.memory_space<hbm>> -> memref<100000x128xi32, #tpu.memory_space<hbm>>
      tpu.wait_indirect_dma semaphore(%arg7 : memref<!tpu.dma_semaphore, #tpu.memory_space<semaphore_mem>>) src(%dma_wait3A_47 : memref<100000x128xi32, #tpu.memory_space<hbm>>) dst(%dma_wait3A_42 : memref<128x128xi32, #tpu.memory_space<vmem>>)
      %gt3A = arith.constant 0 : i32
      %gt3A_48 = arith.cmpi sgt, %add3A_37, %gt3A : i32
      %convert_element_type3A = arith.extui %gt3A_48 : i1 to i32
      %cond3A = arith.constant 0 : i32
      %cond3A_49 = arith.cmpi ne, %convert_element_type3A, %cond3A : i32
      scf.if %cond3A_49 {
        %dma_wait3A_114 = arith.constant 1 : i32
        %dma_wait3A_115 = arith.constant 0 : i32
        %dma_wait3A_116 = arith.constant 0 : i32
        %dma_wait3A_117 = tpu.memref_slice %arg6[%dma_wait3A_114, %dma_wait3A_115, %dma_wait3A_116] : memref<2x128x128xi32, #tpu.memory_space<vmem>> -> memref<1x128x128xi32, #tpu.memory_space<vmem>>
        %dma_wait3A_118 = tpu.memref_squeeze %dma_wait3A_117 : memref<1x128x128xi32, #tpu.memory_space<vmem>> -> memref<128x128xi32, #tpu.memory_space<vmem>>
        %dma_wait3A_119 = arith.constant 0 : i32
        %dma_wait3A_120 = arith.constant 0 : i32
        %dma_wait3A_121 = tpu.memref_slice %arg4[%dma_wait3A_119, %dma_wait3A_120] : memref<49152x128xi32, #tpu.memory_space<hbm>> -> memref<128x128xi32, #tpu.memory_space<hbm>>
        %dma_wait3A_122 = arith.constant 0 : i32
        %dma_wait3A_123 = arith.constant 0 : i32
        %dma_wait3A_124 = tpu.memref_slice %arg4[%dma_wait3A_122, %dma_wait3A_123] : memref<49152x128xi32, #tpu.memory_space<hbm>> -> memref<128x128xi32, #tpu.memory_space<hbm>>
        %dma_wait3A_125 = arith.constant 0 : i32
        %dma_wait3A_126 = arith.constant 0 : i32
        %dma_wait3A_127 = tpu.memref_slice %arg6[%dma_wait3A_114, %dma_wait3A_125, %dma_wait3A_126] : memref<2x128x128xi32, #tpu.memory_space<vmem>> -> memref<1x128x128xi32, #tpu.memory_space<vmem>>
        %dma_wait3A_128 = tpu.memref_squeeze %dma_wait3A_127 : memref<1x128x128xi32, #tpu.memory_space<vmem>> -> memref<128x128xi32, #tpu.memory_space<vmem>>
        tpu.wait_dma2 semaphore(%arg10 : memref<!tpu.dma_semaphore, #tpu.memory_space<semaphore_mem>>) src(%dma_wait3A_128 : memref<128x128xi32, #tpu.memory_space<vmem>>) dst(%dma_wait3A_124 : memref<128x128xi32, #tpu.memory_space<hbm>>)
      } else {
      }
      %add3A_50 = arith.constant 1 : i32
      %add3A_51 = arith.addi %add3A_37, %add3A_50 : i32
      %lt3A = arith.constant 12 : i32
      %lt3A_52 = arith.cmpi slt, %add3A_51, %lt3A : i32
      %convert_element_type3A_53 = arith.extui %lt3A_52 : i1 to i32
      %cond3A_54 = arith.constant 0 : i32
      %cond3A_55 = arith.cmpi ne, %convert_element_type3A_53, %cond3A_54 : i32
      scf.if %cond3A_55 {
        %add3A_114 = arith.constant 1 : i32
        %add3A_115 = arith.addi %add3A_37, %add3A_114 : i32
        %mul3A_116 = arith.constant 128 : i32
        %mul3A_117 = arith.muli %add3A_115, %mul3A_116 : i32
        %dma_start3A_118 = arith.constant 1 : i32
        %dma_start3A_119 = arith.constant 0 : i32
        %dma_start3A_120 = arith.constant 0 : i32
        %dma_start3A_121 = tpu.memref_slice %arg6[%dma_start3A_118, %dma_start3A_119, %dma_start3A_120] : memref<2x128x128xi32, #tpu.memory_space<vmem>> -> memref<1x128x128xi32, #tpu.memory_space<vmem>>
        %dma_start3A_122 = tpu.memref_squeeze %dma_start3A_121 : memref<1x128x128xi32, #tpu.memory_space<vmem>> -> memref<128x128xi32, #tpu.memory_space<vmem>>
        %dma_start3A_123 = tpu.memref_slice %arg5[%mul3A_117] : memref<1536xi32, #tpu.memory_space<vmem>> -> memref<128xi32, #tpu.memory_space<vmem>>
        %dma_start3A_124 = arith.constant 0 : i32
        %dma_start3A_125 = arith.constant 0 : i32
        %dma_start3A_126 = tpu.memref_slice %arg2[%dma_start3A_124, %dma_start3A_125] : memref<100000x128xi32, #tpu.memory_space<hbm>> -> memref<100000x128xi32, #tpu.memory_space<hbm>>
        tpu.enqueue_indirect_dma source(%dma_start3A_126 : memref<100000x128xi32, #tpu.memory_space<hbm>>) target(%dma_start3A_122 : memref<128x128xi32, #tpu.memory_space<vmem>>) offsets(%dma_start3A_123 : memref<128xi32, #tpu.memory_space<vmem>>) semaphore(%arg8 : memref<!tpu.dma_semaphore, #tpu.memory_space<semaphore_mem>>)
      } else {
      }
      %add3A_56 = arith.addi %mul3A_2, %add3A_37 : i32
      %mul3A_57 = arith.constant 128 : i32
      %mul3A_58 = arith.muli %add3A_56, %mul3A_57 : i32
      %dma_start3A_59 = arith.constant 0 : i32
      %dma_start3A_60 = arith.constant 0 : i32
      %dma_start3A_61 = arith.constant 0 : i32
      %dma_start3A_62 = tpu.memref_slice %arg6[%dma_start3A_59, %dma_start3A_60, %dma_start3A_61] : memref<2x128x128xi32, #tpu.memory_space<vmem>> -> memref<1x128x128xi32, #tpu.memory_space<vmem>>
      %dma_start3A_63 = tpu.memref_squeeze %dma_start3A_62 : memref<1x128x128xi32, #tpu.memory_space<vmem>> -> memref<128x128xi32, #tpu.memory_space<vmem>>
      %dma_start3A_64 = arith.constant 0 : i32
      %dma_start3A_65 = tpu.memref_slice %arg4[%mul3A_58, %dma_start3A_64] : memref<49152x128xi32, #tpu.memory_space<hbm>> -> memref<128x128xi32, #tpu.memory_space<hbm>>
      %dma_start3A_66 = arith.constant 0 : i32
      %dma_start3A_67 = tpu.memref_slice %arg4[%mul3A_58, %dma_start3A_66] : memref<49152x128xi32, #tpu.memory_space<hbm>> -> memref<128x128xi32, #tpu.memory_space<hbm>>
      %dma_start3A_68 = arith.constant 0 : i32
      %dma_start3A_69 = arith.constant 0 : i32
      %dma_start3A_70 = tpu.memref_slice %arg6[%dma_start3A_59, %dma_start3A_68, %dma_start3A_69] : memref<2x128x128xi32, #tpu.memory_space<vmem>> -> memref<1x128x128xi32, #tpu.memory_space<vmem>>
      %dma_start3A_71 = tpu.memref_squeeze %dma_start3A_70 : memref<1x128x128xi32, #tpu.memory_space<vmem>> -> memref<128x128xi32, #tpu.memory_space<vmem>>
      tpu.enqueue_dma source(%dma_start3A_71 : memref<128x128xi32, #tpu.memory_space<vmem>>) target(%dma_start3A_67 : memref<128x128xi32, #tpu.memory_space<hbm>>) target_semaphore(%arg9 : memref<!tpu.dma_semaphore, #tpu.memory_space<semaphore_mem>>)
      %mul3A_72 = arith.constant 2 : i32
      %mul3A_73 = arith.muli %scan3A_33, %mul3A_72 : i32
      %add3A_74 = arith.constant 1 : i32
      %add3A_75 = arith.addi %mul3A_73, %add3A_74 : i32
      %dma_wait3A_76 = arith.constant 1 : i32
      %dma_wait3A_77 = arith.constant 0 : i32
      %dma_wait3A_78 = arith.constant 0 : i32
      %dma_wait3A_79 = tpu.memref_slice %arg6[%dma_wait3A_76, %dma_wait3A_77, %dma_wait3A_78] : memref<2x128x128xi32, #tpu.memory_space<vmem>> -> memref<1x128x128xi32, #tpu.memory_space<vmem>>
      %dma_wait3A_80 = tpu.memref_squeeze %dma_wait3A_79 : memref<1x128x128xi32, #tpu.memory_space<vmem>> -> memref<128x128xi32, #tpu.memory_space<vmem>>
      %dma_wait3A_81 = arith.constant 0 : i32
      %dma_wait3A_82 = tpu.memref_slice %arg5[%dma_wait3A_81] : memref<1536xi32, #tpu.memory_space<vmem>> -> memref<128xi32, #tpu.memory_space<vmem>>
      %dma_wait3A_83 = arith.constant 0 : i32
      %dma_wait3A_84 = arith.constant 0 : i32
      %dma_wait3A_85 = tpu.memref_slice %arg2[%dma_wait3A_83, %dma_wait3A_84] : memref<100000x128xi32, #tpu.memory_space<hbm>> -> memref<100000x128xi32, #tpu.memory_space<hbm>>
      tpu.wait_indirect_dma semaphore(%arg8 : memref<!tpu.dma_semaphore, #tpu.memory_space<semaphore_mem>>) src(%dma_wait3A_85 : memref<100000x128xi32, #tpu.memory_space<hbm>>) dst(%dma_wait3A_80 : memref<128x128xi32, #tpu.memory_space<vmem>>)
      %gt3A_86 = arith.constant 0 : i32
      %gt3A_87 = arith.cmpi sgt, %add3A_75, %gt3A_86 : i32
      %convert_element_type3A_88 = arith.extui %gt3A_87 : i1 to i32
      %cond3A_89 = arith.constant 0 : i32
      %cond3A_90 = arith.cmpi ne, %convert_element_type3A_88, %cond3A_89 : i32
      scf.if %cond3A_90 {
        %dma_wait3A_114 = arith.constant 0 : i32
        %dma_wait3A_115 = arith.constant 0 : i32
        %dma_wait3A_116 = arith.constant 0 : i32
        %dma_wait3A_117 = tpu.memref_slice %arg6[%dma_wait3A_114, %dma_wait3A_115, %dma_wait3A_116] : memref<2x128x128xi32, #tpu.memory_space<vmem>> -> memref<1x128x128xi32, #tpu.memory_space<vmem>>
        %dma_wait3A_118 = tpu.memref_squeeze %dma_wait3A_117 : memref<1x128x128xi32, #tpu.memory_space<vmem>> -> memref<128x128xi32, #tpu.memory_space<vmem>>
        %dma_wait3A_119 = arith.constant 0 : i32
        %dma_wait3A_120 = arith.constant 0 : i32
        %dma_wait3A_121 = tpu.memref_slice %arg4[%dma_wait3A_119, %dma_wait3A_120] : memref<49152x128xi32, #tpu.memory_space<hbm>> -> memref<128x128xi32, #tpu.memory_space<hbm>>
        %dma_wait3A_122 = arith.constant 0 : i32
        %dma_wait3A_123 = arith.constant 0 : i32
        %dma_wait3A_124 = tpu.memref_slice %arg4[%dma_wait3A_122, %dma_wait3A_123] : memref<49152x128xi32, #tpu.memory_space<hbm>> -> memref<128x128xi32, #tpu.memory_space<hbm>>
        %dma_wait3A_125 = arith.constant 0 : i32
        %dma_wait3A_126 = arith.constant 0 : i32
        %dma_wait3A_127 = tpu.memref_slice %arg6[%dma_wait3A_114, %dma_wait3A_125, %dma_wait3A_126] : memref<2x128x128xi32, #tpu.memory_space<vmem>> -> memref<1x128x128xi32, #tpu.memory_space<vmem>>
        %dma_wait3A_128 = tpu.memref_squeeze %dma_wait3A_127 : memref<1x128x128xi32, #tpu.memory_space<vmem>> -> memref<128x128xi32, #tpu.memory_space<vmem>>
        tpu.wait_dma2 semaphore(%arg9 : memref<!tpu.dma_semaphore, #tpu.memory_space<semaphore_mem>>) src(%dma_wait3A_128 : memref<128x128xi32, #tpu.memory_space<vmem>>) dst(%dma_wait3A_124 : memref<128x128xi32, #tpu.memory_space<hbm>>)
      } else {
      }
      %add3A_91 = arith.constant 1 : i32
      %add3A_92 = arith.addi %add3A_75, %add3A_91 : i32
      %lt3A_93 = arith.constant 12 : i32
      %lt3A_94 = arith.cmpi slt, %add3A_92, %lt3A_93 : i32
      %convert_element_type3A_95 = arith.extui %lt3A_94 : i1 to i32
      %cond3A_96 = arith.constant 0 : i32
      %cond3A_97 = arith.cmpi ne, %convert_element_type3A_95, %cond3A_96 : i32
      scf.if %cond3A_97 {
        %add3A_114 = arith.constant 1 : i32
        %add3A_115 = arith.addi %add3A_75, %add3A_114 : i32
        %mul3A_116 = arith.constant 128 : i32
        %mul3A_117 = arith.muli %add3A_115, %mul3A_116 : i32
        %dma_start3A_118 = arith.constant 0 : i32
        %dma_start3A_119 = arith.constant 0 : i32
        %dma_start3A_120 = arith.constant 0 : i32
        %dma_start3A_121 = tpu.memref_slice %arg6[%dma_start3A_118, %dma_start3A_119, %dma_start3A_120] : memref<2x128x128xi32, #tpu.memory_space<vmem>> -> memref<1x128x128xi32, #tpu.memory_space<vmem>>
        %dma_start3A_122 = tpu.memref_squeeze %dma_start3A_121 : memref<1x128x128xi32, #tpu.memory_space<vmem>> -> memref<128x128xi32, #tpu.memory_space<vmem>>
        %dma_start3A_123 = tpu.memref_slice %arg5[%mul3A_117] : memref<1536xi32, #tpu.memory_space<vmem>> -> memref<128xi32, #tpu.memory_space<vmem>>
        %dma_start3A_124 = arith.constant 0 : i32
        %dma_start3A_125 = arith.constant 0 : i32
        %dma_start3A_126 = tpu.memref_slice %arg2[%dma_start3A_124, %dma_start3A_125] : memref<100000x128xi32, #tpu.memory_space<hbm>> -> memref<100000x128xi32, #tpu.memory_space<hbm>>
        tpu.enqueue_indirect_dma source(%dma_start3A_126 : memref<100000x128xi32, #tpu.memory_space<hbm>>) target(%dma_start3A_122 : memref<128x128xi32, #tpu.memory_space<vmem>>) offsets(%dma_start3A_123 : memref<128xi32, #tpu.memory_space<vmem>>) semaphore(%arg7 : memref<!tpu.dma_semaphore, #tpu.memory_space<semaphore_mem>>)
      } else {
      }
      %add3A_98 = arith.addi %mul3A_2, %add3A_75 : i32
      %mul3A_99 = arith.constant 128 : i32
      %mul3A_100 = arith.muli %add3A_98, %mul3A_99 : i32
      %dma_start3A_101 = arith.constant 1 : i32
      %dma_start3A_102 = arith.constant 0 : i32
      %dma_start3A_103 = arith.constant 0 : i32
      %dma_start3A_104 = tpu.memref_slice %arg6[%dma_start3A_101, %dma_start3A_102, %dma_start3A_103] : memref<2x128x128xi32, #tpu.memory_space<vmem>> -> memref<1x128x128xi32, #tpu.memory_space<vmem>>
      %dma_start3A_105 = tpu.memref_squeeze %dma_start3A_104 : memref<1x128x128xi32, #tpu.memory_space<vmem>> -> memref<128x128xi32, #tpu.memory_space<vmem>>
      %dma_start3A_106 = arith.constant 0 : i32
      %dma_start3A_107 = tpu.memref_slice %arg4[%mul3A_100, %dma_start3A_106] : memref<49152x128xi32, #tpu.memory_space<hbm>> -> memref<128x128xi32, #tpu.memory_space<hbm>>
      %dma_start3A_108 = arith.constant 0 : i32
      %dma_start3A_109 = tpu.memref_slice %arg4[%mul3A_100, %dma_start3A_108] : memref<49152x128xi32, #tpu.memory_space<hbm>> -> memref<128x128xi32, #tpu.memory_space<hbm>>
      %dma_start3A_110 = arith.constant 0 : i32
      %dma_start3A_111 = arith.constant 0 : i32
      %dma_start3A_112 = tpu.memref_slice %arg6[%dma_start3A_101, %dma_start3A_110, %dma_start3A_111] : memref<2x128x128xi32, #tpu.memory_space<vmem>> -> memref<1x128x128xi32, #tpu.memory_space<vmem>>
      %dma_start3A_113 = tpu.memref_squeeze %dma_start3A_112 : memref<1x128x128xi32, #tpu.memory_space<vmem>> -> memref<128x128xi32, #tpu.memory_space<vmem>>
      tpu.enqueue_dma source(%dma_start3A_113 : memref<128x128xi32, #tpu.memory_space<vmem>>) target(%dma_start3A_109 : memref<128x128xi32, #tpu.memory_space<hbm>>) target_semaphore(%arg10 : memref<!tpu.dma_semaphore, #tpu.memory_space<semaphore_mem>>)
    }
    %scan3A_18 = arith.constant 6 : i32
    %dma_wait3A = arith.constant 1 : i32
    %dma_wait3A_19 = arith.constant 0 : i32
    %dma_wait3A_20 = arith.constant 0 : i32
    %dma_wait3A_21 = tpu.memref_slice %arg6[%dma_wait3A, %dma_wait3A_19, %dma_wait3A_20] : memref<2x128x128xi32, #tpu.memory_space<vmem>> -> memref<1x128x128xi32, #tpu.memory_space<vmem>>
    %dma_wait3A_22 = tpu.memref_squeeze %dma_wait3A_21 : memref<1x128x128xi32, #tpu.memory_space<vmem>> -> memref<128x128xi32, #tpu.memory_space<vmem>>
    %dma_wait3A_23 = arith.constant 0 : i32
    %dma_wait3A_24 = arith.constant 0 : i32
    %dma_wait3A_25 = tpu.memref_slice %arg4[%dma_wait3A_23, %dma_wait3A_24] : memref<49152x128xi32, #tpu.memory_space<hbm>> -> memref<128x128xi32, #tpu.memory_space<hbm>>
    %dma_wait3A_26 = arith.constant 0 : i32
    %dma_wait3A_27 = arith.constant 0 : i32
    %dma_wait3A_28 = tpu.memref_slice %arg4[%dma_wait3A_26, %dma_wait3A_27] : memref<49152x128xi32, #tpu.memory_space<hbm>> -> memref<128x128xi32, #tpu.memory_space<hbm>>
    %dma_wait3A_29 = arith.constant 0 : i32
    %dma_wait3A_30 = arith.constant 0 : i32
    %dma_wait3A_31 = tpu.memref_slice %arg6[%dma_wait3A, %dma_wait3A_29, %dma_wait3A_30] : memref<2x128x128xi32, #tpu.memory_space<vmem>> -> memref<1x128x128xi32, #tpu.memory_space<vmem>>
    %dma_wait3A_32 = tpu.memref_squeeze %dma_wait3A_31 : memref<1x128x128xi32, #tpu.memory_space<vmem>> -> memref<128x128xi32, #tpu.memory_space<vmem>>
    tpu.wait_dma2 semaphore(%arg10 : memref<!tpu.dma_semaphore, #tpu.memory_space<semaphore_mem>>) src(%dma_wait3A_32 : memref<128x128xi32, #tpu.memory_space<vmem>>) dst(%dma_wait3A_28 : memref<128x128xi32, #tpu.memory_space<hbm>>)
    return
  }
}

#map = affine_map<(d0, d1) -> (0, 0)>
#map1 = affine_map<(d0, d1) -> (0)>
module attributes {stable_mosaic.version = 14 : i64} {
  func.func @gather(%arg0: i32, %arg1: i32, %arg2: memref<100000x128xi32, #tpu.memory_space<hbm>>, %arg3: memref<53248xi32, #tpu.memory_space<hbm>>, %arg4: memref<53248x128xi32, #tpu.memory_space<hbm>>, %arg5: memref<1664xi32, #tpu.memory_space<vmem>>, %arg6: memref<2x128x128xi32, #tpu.memory_space<vmem>>, %arg7: memref<!tpu.dma_semaphore, #tpu.memory_space<semaphore_mem>>, %arg8: memref<!tpu.dma_semaphore, #tpu.memory_space<semaphore_mem>>, %arg9: memref<!tpu.dma_semaphore, #tpu.memory_space<semaphore_mem>>, %arg10: memref<!tpu.dma_semaphore, #tpu.memory_space<semaphore_mem>>) attributes {dimension_semantics = [#tpu.dimension_semantics<core_parallel>, #tpu.dimension_semantics<subcore_parallel>], iteration_bounds = array<i64: 2, 16>, scalar_prefetch = 0 : i64, scratch_operands = 6 : i64, tpu.core_type = #tpu.core_type<sc_vector_subcore>, window_params = [{transform_indices = #map}, {transform_indices = #map1}, {transform_indices = #map}]} {
    %mul3A = arith.constant 2 : i32
    %mul3A_0 = arith.muli %arg1, %mul3A : i32
    %add3A = arith.addi %mul3A_0, %arg0 : i32
    %mul3A_1 = arith.constant 13 : i32
    %mul3A_2 = arith.muli %add3A, %mul3A_1 : i32
    %mul3A_3 = arith.constant 128 : i32
    %mul3A_4 = arith.muli %mul3A_2, %mul3A_3 : i32
    "tpu.region"() ({
      %run_scoped3A = tpu.sem_alloc : memref<!tpu.dma_semaphore, #tpu.memory_space<semaphore_mem>>
      %dma_start3A_75 = tpu.memref_slice %arg3[%mul3A_4] : memref<53248xi32, #tpu.memory_space<hbm>> -> memref<1664xi32, #tpu.memory_space<hbm>>
      %dma_start3A_76 = tpu.memref_slice %arg3[%mul3A_4] : memref<53248xi32, #tpu.memory_space<hbm>> -> memref<1664xi32, #tpu.memory_space<hbm>>
      tpu.enqueue_dma source(%dma_start3A_76 : memref<1664xi32, #tpu.memory_space<hbm>>) target(%arg5 : memref<1664xi32, #tpu.memory_space<vmem>>) target_semaphore(%run_scoped3A : memref<!tpu.dma_semaphore, #tpu.memory_space<semaphore_mem>>)
      %dma_wait3A_77 = tpu.memref_slice %arg3[%mul3A_4] : memref<53248xi32, #tpu.memory_space<hbm>> -> memref<1664xi32, #tpu.memory_space<hbm>>
      %dma_wait3A_78 = tpu.memref_slice %arg3[%mul3A_4] : memref<53248xi32, #tpu.memory_space<hbm>> -> memref<1664xi32, #tpu.memory_space<hbm>>
      tpu.wait_dma2 semaphore(%run_scoped3A : memref<!tpu.dma_semaphore, #tpu.memory_space<semaphore_mem>>) src(%dma_wait3A_78 : memref<1664xi32, #tpu.memory_space<hbm>>) dst(%arg5 : memref<1664xi32, #tpu.memory_space<vmem>>)
      tpu.yield
    }) : () -> ()
    %dma_start3A = arith.constant 0 : i32
    %dma_start3A_5 = arith.constant 0 : i32
    %dma_start3A_6 = arith.constant 0 : i32
    %dma_start3A_7 = tpu.memref_slice %arg6[%dma_start3A, %dma_start3A_5, %dma_start3A_6] : memref<2x128x128xi32, #tpu.memory_space<vmem>> -> memref<1x128x128xi32, #tpu.memory_space<vmem>>
    %dma_start3A_8 = tpu.memref_squeeze %dma_start3A_7 : memref<1x128x128xi32, #tpu.memory_space<vmem>> -> memref<128x128xi32, #tpu.memory_space<vmem>>
    %dma_start3A_9 = arith.constant 0 : i32
    %dma_start3A_10 = tpu.memref_slice %arg5[%dma_start3A_9] : memref<1664xi32, #tpu.memory_space<vmem>> -> memref<128xi32, #tpu.memory_space<vmem>>
    %dma_start3A_11 = arith.constant 0 : i32
    %dma_start3A_12 = arith.constant 0 : i32
    %dma_start3A_13 = tpu.memref_slice %arg2[%dma_start3A_11, %dma_start3A_12] : memref<100000x128xi32, #tpu.memory_space<hbm>> -> memref<100000x128xi32, #tpu.memory_space<hbm>>
    tpu.enqueue_indirect_dma source(%dma_start3A_13 : memref<100000x128xi32, #tpu.memory_space<hbm>>) target(%dma_start3A_8 : memref<128x128xi32, #tpu.memory_space<vmem>>) offsets(%dma_start3A_10 : memref<128xi32, #tpu.memory_space<vmem>>) semaphore(%arg7 : memref<!tpu.dma_semaphore, #tpu.memory_space<semaphore_mem>>)
    %scan3A = arith.constant 0 : i32
    %scan3A_14 = arith.constant 0 : i32
    %scan3A_15 = arith.constant 6 : i32
    %scan3A_16 = arith.addi %scan3A_14, %scan3A_15 : i32
    %scan3A_17 = arith.constant 1 : i32
    scf.for %scan3A_75 = %scan3A_14 to %scan3A_16 step %scan3A_17  : i32 {
      %mul3A_76 = arith.constant 2 : i32
      %mul3A_77 = arith.muli %scan3A_75, %mul3A_76 : i32
      %add3A_78 = arith.constant 0 : i32
      %add3A_79 = arith.addi %mul3A_77, %add3A_78 : i32
      %dma_wait3A_80 = arith.constant 0 : i32
      %dma_wait3A_81 = arith.constant 0 : i32
      %dma_wait3A_82 = arith.constant 0 : i32
      %dma_wait3A_83 = tpu.memref_slice %arg6[%dma_wait3A_80, %dma_wait3A_81, %dma_wait3A_82] : memref<2x128x128xi32, #tpu.memory_space<vmem>> -> memref<1x128x128xi32, #tpu.memory_space<vmem>>
      %dma_wait3A_84 = tpu.memref_squeeze %dma_wait3A_83 : memref<1x128x128xi32, #tpu.memory_space<vmem>> -> memref<128x128xi32, #tpu.memory_space<vmem>>
      %dma_wait3A_85 = arith.constant 0 : i32
      %dma_wait3A_86 = tpu.memref_slice %arg5[%dma_wait3A_85] : memref<1664xi32, #tpu.memory_space<vmem>> -> memref<128xi32, #tpu.memory_space<vmem>>
      %dma_wait3A_87 = arith.constant 0 : i32
      %dma_wait3A_88 = arith.constant 0 : i32
      %dma_wait3A_89 = tpu.memref_slice %arg2[%dma_wait3A_87, %dma_wait3A_88] : memref<100000x128xi32, #tpu.memory_space<hbm>> -> memref<100000x128xi32, #tpu.memory_space<hbm>>
      tpu.wait_indirect_dma semaphore(%arg7 : memref<!tpu.dma_semaphore, #tpu.memory_space<semaphore_mem>>) src(%dma_wait3A_89 : memref<100000x128xi32, #tpu.memory_space<hbm>>) dst(%dma_wait3A_84 : memref<128x128xi32, #tpu.memory_space<vmem>>)
      %gt3A = arith.constant 0 : i32
      %gt3A_90 = arith.cmpi sgt, %add3A_79, %gt3A : i32
      %convert_element_type3A = arith.extui %gt3A_90 : i1 to i32
      %cond3A = arith.constant 0 : i32
      %cond3A_91 = arith.cmpi ne, %convert_element_type3A, %cond3A : i32
      scf.if %cond3A_91 {
        %dma_wait3A_156 = arith.constant 1 : i32
        %dma_wait3A_157 = arith.constant 0 : i32
        %dma_wait3A_158 = arith.constant 0 : i32
        %dma_wait3A_159 = tpu.memref_slice %arg6[%dma_wait3A_156, %dma_wait3A_157, %dma_wait3A_158] : memref<2x128x128xi32, #tpu.memory_space<vmem>> -> memref<1x128x128xi32, #tpu.memory_space<vmem>>
        %dma_wait3A_160 = tpu.memref_squeeze %dma_wait3A_159 : memref<1x128x128xi32, #tpu.memory_space<vmem>> -> memref<128x128xi32, #tpu.memory_space<vmem>>
        %dma_wait3A_161 = arith.constant 0 : i32
        %dma_wait3A_162 = arith.constant 0 : i32
        %dma_wait3A_163 = tpu.memref_slice %arg4[%dma_wait3A_161, %dma_wait3A_162] : memref<53248x128xi32, #tpu.memory_space<hbm>> -> memref<128x128xi32, #tpu.memory_space<hbm>>
        %dma_wait3A_164 = arith.constant 0 : i32
        %dma_wait3A_165 = arith.constant 0 : i32
        %dma_wait3A_166 = tpu.memref_slice %arg4[%dma_wait3A_164, %dma_wait3A_165] : memref<53248x128xi32, #tpu.memory_space<hbm>> -> memref<128x128xi32, #tpu.memory_space<hbm>>
        %dma_wait3A_167 = arith.constant 0 : i32
        %dma_wait3A_168 = arith.constant 0 : i32
        %dma_wait3A_169 = tpu.memref_slice %arg6[%dma_wait3A_156, %dma_wait3A_167, %dma_wait3A_168] : memref<2x128x128xi32, #tpu.memory_space<vmem>> -> memref<1x128x128xi32, #tpu.memory_space<vmem>>
        %dma_wait3A_170 = tpu.memref_squeeze %dma_wait3A_169 : memref<1x128x128xi32, #tpu.memory_space<vmem>> -> memref<128x128xi32, #tpu.memory_space<vmem>>
        tpu.wait_dma2 semaphore(%arg10 : memref<!tpu.dma_semaphore, #tpu.memory_space<semaphore_mem>>) src(%dma_wait3A_170 : memref<128x128xi32, #tpu.memory_space<vmem>>) dst(%dma_wait3A_166 : memref<128x128xi32, #tpu.memory_space<hbm>>)
      } else {
      }
      %add3A_92 = arith.constant 1 : i32
      %add3A_93 = arith.addi %add3A_79, %add3A_92 : i32
      %lt3A = arith.constant 13 : i32
      %lt3A_94 = arith.cmpi slt, %add3A_93, %lt3A : i32
      %convert_element_type3A_95 = arith.extui %lt3A_94 : i1 to i32
      %cond3A_96 = arith.constant 0 : i32
      %cond3A_97 = arith.cmpi ne, %convert_element_type3A_95, %cond3A_96 : i32
      scf.if %cond3A_97 {
        %add3A_156 = arith.constant 1 : i32
        %add3A_157 = arith.addi %add3A_79, %add3A_156 : i32
        %mul3A_158 = arith.constant 128 : i32
        %mul3A_159 = arith.muli %add3A_157, %mul3A_158 : i32
        %dma_start3A_160 = arith.constant 1 : i32
        %dma_start3A_161 = arith.constant 0 : i32
        %dma_start3A_162 = arith.constant 0 : i32
        %dma_start3A_163 = tpu.memref_slice %arg6[%dma_start3A_160, %dma_start3A_161, %dma_start3A_162] : memref<2x128x128xi32, #tpu.memory_space<vmem>> -> memref<1x128x128xi32, #tpu.memory_space<vmem>>
        %dma_start3A_164 = tpu.memref_squeeze %dma_start3A_163 : memref<1x128x128xi32, #tpu.memory_space<vmem>> -> memref<128x128xi32, #tpu.memory_space<vmem>>
        %dma_start3A_165 = tpu.memref_slice %arg5[%mul3A_159] : memref<1664xi32, #tpu.memory_space<vmem>> -> memref<128xi32, #tpu.memory_space<vmem>>
        %dma_start3A_166 = arith.constant 0 : i32
        %dma_start3A_167 = arith.constant 0 : i32
        %dma_start3A_168 = tpu.memref_slice %arg2[%dma_start3A_166, %dma_start3A_167] : memref<100000x128xi32, #tpu.memory_space<hbm>> -> memref<100000x128xi32, #tpu.memory_space<hbm>>
        tpu.enqueue_indirect_dma source(%dma_start3A_168 : memref<100000x128xi32, #tpu.memory_space<hbm>>) target(%dma_start3A_164 : memref<128x128xi32, #tpu.memory_space<vmem>>) offsets(%dma_start3A_165 : memref<128xi32, #tpu.memory_space<vmem>>) semaphore(%arg8 : memref<!tpu.dma_semaphore, #tpu.memory_space<semaphore_mem>>)
      } else {
      }
      %add3A_98 = arith.addi %mul3A_2, %add3A_79 : i32
      %mul3A_99 = arith.constant 128 : i32
      %mul3A_100 = arith.muli %add3A_98, %mul3A_99 : i32
      %dma_start3A_101 = arith.constant 0 : i32
      %dma_start3A_102 = arith.constant 0 : i32
      %dma_start3A_103 = arith.constant 0 : i32
      %dma_start3A_104 = tpu.memref_slice %arg6[%dma_start3A_101, %dma_start3A_102, %dma_start3A_103] : memref<2x128x128xi32, #tpu.memory_space<vmem>> -> memref<1x128x128xi32, #tpu.memory_space<vmem>>
      %dma_start3A_105 = tpu.memref_squeeze %dma_start3A_104 : memref<1x128x128xi32, #tpu.memory_space<vmem>> -> memref<128x128xi32, #tpu.memory_space<vmem>>
      %dma_start3A_106 = arith.constant 0 : i32
      %dma_start3A_107 = tpu.memref_slice %arg4[%mul3A_100, %dma_start3A_106] : memref<53248x128xi32, #tpu.memory_space<hbm>> -> memref<128x128xi32, #tpu.memory_space<hbm>>
      %dma_start3A_108 = arith.constant 0 : i32
      %dma_start3A_109 = tpu.memref_slice %arg4[%mul3A_100, %dma_start3A_108] : memref<53248x128xi32, #tpu.memory_space<hbm>> -> memref<128x128xi32, #tpu.memory_space<hbm>>
      %dma_start3A_110 = arith.constant 0 : i32
      %dma_start3A_111 = arith.constant 0 : i32
      %dma_start3A_112 = tpu.memref_slice %arg6[%dma_start3A_101, %dma_start3A_110, %dma_start3A_111] : memref<2x128x128xi32, #tpu.memory_space<vmem>> -> memref<1x128x128xi32, #tpu.memory_space<vmem>>
      %dma_start3A_113 = tpu.memref_squeeze %dma_start3A_112 : memref<1x128x128xi32, #tpu.memory_space<vmem>> -> memref<128x128xi32, #tpu.memory_space<vmem>>
      tpu.enqueue_dma source(%dma_start3A_113 : memref<128x128xi32, #tpu.memory_space<vmem>>) target(%dma_start3A_109 : memref<128x128xi32, #tpu.memory_space<hbm>>) target_semaphore(%arg9 : memref<!tpu.dma_semaphore, #tpu.memory_space<semaphore_mem>>)
      %mul3A_114 = arith.constant 2 : i32
      %mul3A_115 = arith.muli %scan3A_75, %mul3A_114 : i32
      %add3A_116 = arith.constant 1 : i32
      %add3A_117 = arith.addi %mul3A_115, %add3A_116 : i32
      %dma_wait3A_118 = arith.constant 1 : i32
      %dma_wait3A_119 = arith.constant 0 : i32
      %dma_wait3A_120 = arith.constant 0 : i32
      %dma_wait3A_121 = tpu.memref_slice %arg6[%dma_wait3A_118, %dma_wait3A_119, %dma_wait3A_120] : memref<2x128x128xi32, #tpu.memory_space<vmem>> -> memref<1x128x128xi32, #tpu.memory_space<vmem>>
      %dma_wait3A_122 = tpu.memref_squeeze %dma_wait3A_121 : memref<1x128x128xi32, #tpu.memory_space<vmem>> -> memref<128x128xi32, #tpu.memory_space<vmem>>
      %dma_wait3A_123 = arith.constant 0 : i32
      %dma_wait3A_124 = tpu.memref_slice %arg5[%dma_wait3A_123] : memref<1664xi32, #tpu.memory_space<vmem>> -> memref<128xi32, #tpu.memory_space<vmem>>
      %dma_wait3A_125 = arith.constant 0 : i32
      %dma_wait3A_126 = arith.constant 0 : i32
      %dma_wait3A_127 = tpu.memref_slice %arg2[%dma_wait3A_125, %dma_wait3A_126] : memref<100000x128xi32, #tpu.memory_space<hbm>> -> memref<100000x128xi32, #tpu.memory_space<hbm>>
      tpu.wait_indirect_dma semaphore(%arg8 : memref<!tpu.dma_semaphore, #tpu.memory_space<semaphore_mem>>) src(%dma_wait3A_127 : memref<100000x128xi32, #tpu.memory_space<hbm>>) dst(%dma_wait3A_122 : memref<128x128xi32, #tpu.memory_space<vmem>>)
      %gt3A_128 = arith.constant 0 : i32
      %gt3A_129 = arith.cmpi sgt, %add3A_117, %gt3A_128 : i32
      %convert_element_type3A_130 = arith.extui %gt3A_129 : i1 to i32
      %cond3A_131 = arith.constant 0 : i32
      %cond3A_132 = arith.cmpi ne, %convert_element_type3A_130, %cond3A_131 : i32
      scf.if %cond3A_132 {
        %dma_wait3A_156 = arith.constant 0 : i32
        %dma_wait3A_157 = arith.constant 0 : i32
        %dma_wait3A_158 = arith.constant 0 : i32
        %dma_wait3A_159 = tpu.memref_slice %arg6[%dma_wait3A_156, %dma_wait3A_157, %dma_wait3A_158] : memref<2x128x128xi32, #tpu.memory_space<vmem>> -> memref<1x128x128xi32, #tpu.memory_space<vmem>>
        %dma_wait3A_160 = tpu.memref_squeeze %dma_wait3A_159 : memref<1x128x128xi32, #tpu.memory_space<vmem>> -> memref<128x128xi32, #tpu.memory_space<vmem>>
        %dma_wait3A_161 = arith.constant 0 : i32
        %dma_wait3A_162 = arith.constant 0 : i32
        %dma_wait3A_163 = tpu.memref_slice %arg4[%dma_wait3A_161, %dma_wait3A_162] : memref<53248x128xi32, #tpu.memory_space<hbm>> -> memref<128x128xi32, #tpu.memory_space<hbm>>
        %dma_wait3A_164 = arith.constant 0 : i32
        %dma_wait3A_165 = arith.constant 0 : i32
        %dma_wait3A_166 = tpu.memref_slice %arg4[%dma_wait3A_164, %dma_wait3A_165] : memref<53248x128xi32, #tpu.memory_space<hbm>> -> memref<128x128xi32, #tpu.memory_space<hbm>>
        %dma_wait3A_167 = arith.constant 0 : i32
        %dma_wait3A_168 = arith.constant 0 : i32
        %dma_wait3A_169 = tpu.memref_slice %arg6[%dma_wait3A_156, %dma_wait3A_167, %dma_wait3A_168] : memref<2x128x128xi32, #tpu.memory_space<vmem>> -> memref<1x128x128xi32, #tpu.memory_space<vmem>>
        %dma_wait3A_170 = tpu.memref_squeeze %dma_wait3A_169 : memref<1x128x128xi32, #tpu.memory_space<vmem>> -> memref<128x128xi32, #tpu.memory_space<vmem>>
        tpu.wait_dma2 semaphore(%arg9 : memref<!tpu.dma_semaphore, #tpu.memory_space<semaphore_mem>>) src(%dma_wait3A_170 : memref<128x128xi32, #tpu.memory_space<vmem>>) dst(%dma_wait3A_166 : memref<128x128xi32, #tpu.memory_space<hbm>>)
      } else {
      }
      %add3A_133 = arith.constant 1 : i32
      %add3A_134 = arith.addi %add3A_117, %add3A_133 : i32
      %lt3A_135 = arith.constant 13 : i32
      %lt3A_136 = arith.cmpi slt, %add3A_134, %lt3A_135 : i32
      %convert_element_type3A_137 = arith.extui %lt3A_136 : i1 to i32
      %cond3A_138 = arith.constant 0 : i32
      %cond3A_139 = arith.cmpi ne, %convert_element_type3A_137, %cond3A_138 : i32
      scf.if %cond3A_139 {
        %add3A_156 = arith.constant 1 : i32
        %add3A_157 = arith.addi %add3A_117, %add3A_156 : i32
        %mul3A_158 = arith.constant 128 : i32
        %mul3A_159 = arith.muli %add3A_157, %mul3A_158 : i32
        %dma_start3A_160 = arith.constant 0 : i32
        %dma_start3A_161 = arith.constant 0 : i32
        %dma_start3A_162 = arith.constant 0 : i32
        %dma_start3A_163 = tpu.memref_slice %arg6[%dma_start3A_160, %dma_start3A_161, %dma_start3A_162] : memref<2x128x128xi32, #tpu.memory_space<vmem>> -> memref<1x128x128xi32, #tpu.memory_space<vmem>>
        %dma_start3A_164 = tpu.memref_squeeze %dma_start3A_163 : memref<1x128x128xi32, #tpu.memory_space<vmem>> -> memref<128x128xi32, #tpu.memory_space<vmem>>
        %dma_start3A_165 = tpu.memref_slice %arg5[%mul3A_159] : memref<1664xi32, #tpu.memory_space<vmem>> -> memref<128xi32, #tpu.memory_space<vmem>>
        %dma_start3A_166 = arith.constant 0 : i32
        %dma_start3A_167 = arith.constant 0 : i32
        %dma_start3A_168 = tpu.memref_slice %arg2[%dma_start3A_166, %dma_start3A_167] : memref<100000x128xi32, #tpu.memory_space<hbm>> -> memref<100000x128xi32, #tpu.memory_space<hbm>>
        tpu.enqueue_indirect_dma source(%dma_start3A_168 : memref<100000x128xi32, #tpu.memory_space<hbm>>) target(%dma_start3A_164 : memref<128x128xi32, #tpu.memory_space<vmem>>) offsets(%dma_start3A_165 : memref<128xi32, #tpu.memory_space<vmem>>) semaphore(%arg7 : memref<!tpu.dma_semaphore, #tpu.memory_space<semaphore_mem>>)
      } else {
      }
      %add3A_140 = arith.addi %mul3A_2, %add3A_117 : i32
      %mul3A_141 = arith.constant 128 : i32
      %mul3A_142 = arith.muli %add3A_140, %mul3A_141 : i32
      %dma_start3A_143 = arith.constant 1 : i32
      %dma_start3A_144 = arith.constant 0 : i32
      %dma_start3A_145 = arith.constant 0 : i32
      %dma_start3A_146 = tpu.memref_slice %arg6[%dma_start3A_143, %dma_start3A_144, %dma_start3A_145] : memref<2x128x128xi32, #tpu.memory_space<vmem>> -> memref<1x128x128xi32, #tpu.memory_space<vmem>>
      %dma_start3A_147 = tpu.memref_squeeze %dma_start3A_146 : memref<1x128x128xi32, #tpu.memory_space<vmem>> -> memref<128x128xi32, #tpu.memory_space<vmem>>
      %dma_start3A_148 = arith.constant 0 : i32
      %dma_start3A_149 = tpu.memref_slice %arg4[%mul3A_142, %dma_start3A_148] : memref<53248x128xi32, #tpu.memory_space<hbm>> -> memref<128x128xi32, #tpu.memory_space<hbm>>
      %dma_start3A_150 = arith.constant 0 : i32
      %dma_start3A_151 = tpu.memref_slice %arg4[%mul3A_142, %dma_start3A_150] : memref<53248x128xi32, #tpu.memory_space<hbm>> -> memref<128x128xi32, #tpu.memory_space<hbm>>
      %dma_start3A_152 = arith.constant 0 : i32
      %dma_start3A_153 = arith.constant 0 : i32
      %dma_start3A_154 = tpu.memref_slice %arg6[%dma_start3A_143, %dma_start3A_152, %dma_start3A_153] : memref<2x128x128xi32, #tpu.memory_space<vmem>> -> memref<1x128x128xi32, #tpu.memory_space<vmem>>
      %dma_start3A_155 = tpu.memref_squeeze %dma_start3A_154 : memref<1x128x128xi32, #tpu.memory_space<vmem>> -> memref<128x128xi32, #tpu.memory_space<vmem>>
      tpu.enqueue_dma source(%dma_start3A_155 : memref<128x128xi32, #tpu.memory_space<vmem>>) target(%dma_start3A_151 : memref<128x128xi32, #tpu.memory_space<hbm>>) target_semaphore(%arg10 : memref<!tpu.dma_semaphore, #tpu.memory_space<semaphore_mem>>)
    }
    %scan3A_18 = arith.constant 6 : i32
    %dma_wait3A = arith.constant 0 : i32
    %dma_wait3A_19 = arith.constant 0 : i32
    %dma_wait3A_20 = arith.constant 0 : i32
    %dma_wait3A_21 = tpu.memref_slice %arg6[%dma_wait3A, %dma_wait3A_19, %dma_wait3A_20] : memref<2x128x128xi32, #tpu.memory_space<vmem>> -> memref<1x128x128xi32, #tpu.memory_space<vmem>>
    %dma_wait3A_22 = tpu.memref_squeeze %dma_wait3A_21 : memref<1x128x128xi32, #tpu.memory_space<vmem>> -> memref<128x128xi32, #tpu.memory_space<vmem>>
    %dma_wait3A_23 = arith.constant 0 : i32
    %dma_wait3A_24 = tpu.memref_slice %arg5[%dma_wait3A_23] : memref<1664xi32, #tpu.memory_space<vmem>> -> memref<128xi32, #tpu.memory_space<vmem>>
    %dma_wait3A_25 = arith.constant 0 : i32
    %dma_wait3A_26 = arith.constant 0 : i32
    %dma_wait3A_27 = tpu.memref_slice %arg2[%dma_wait3A_25, %dma_wait3A_26] : memref<100000x128xi32, #tpu.memory_space<hbm>> -> memref<100000x128xi32, #tpu.memory_space<hbm>>
    tpu.wait_indirect_dma semaphore(%arg7 : memref<!tpu.dma_semaphore, #tpu.memory_space<semaphore_mem>>) src(%dma_wait3A_27 : memref<100000x128xi32, #tpu.memory_space<hbm>>) dst(%dma_wait3A_22 : memref<128x128xi32, #tpu.memory_space<vmem>>)
    %dma_wait3A_28 = arith.constant 1 : i32
    %dma_wait3A_29 = arith.constant 0 : i32
    %dma_wait3A_30 = arith.constant 0 : i32
    %dma_wait3A_31 = tpu.memref_slice %arg6[%dma_wait3A_28, %dma_wait3A_29, %dma_wait3A_30] : memref<2x128x128xi32, #tpu.memory_space<vmem>> -> memref<1x128x128xi32, #tpu.memory_space<vmem>>
    %dma_wait3A_32 = tpu.memref_squeeze %dma_wait3A_31 : memref<1x128x128xi32, #tpu.memory_space<vmem>> -> memref<128x128xi32, #tpu.memory_space<vmem>>
    %dma_wait3A_33 = arith.constant 0 : i32
    %dma_wait3A_34 = arith.constant 0 : i32
    %dma_wait3A_35 = tpu.memref_slice %arg4[%dma_wait3A_33, %dma_wait3A_34] : memref<53248x128xi32, #tpu.memory_space<hbm>> -> memref<128x128xi32, #tpu.memory_space<hbm>>
    %dma_wait3A_36 = arith.constant 0 : i32
    %dma_wait3A_37 = arith.constant 0 : i32
    %dma_wait3A_38 = tpu.memref_slice %arg4[%dma_wait3A_36, %dma_wait3A_37] : memref<53248x128xi32, #tpu.memory_space<hbm>> -> memref<128x128xi32, #tpu.memory_space<hbm>>
    %dma_wait3A_39 = arith.constant 0 : i32
    %dma_wait3A_40 = arith.constant 0 : i32
    %dma_wait3A_41 = tpu.memref_slice %arg6[%dma_wait3A_28, %dma_wait3A_39, %dma_wait3A_40] : memref<2x128x128xi32, #tpu.memory_space<vmem>> -> memref<1x128x128xi32, #tpu.memory_space<vmem>>
    %dma_wait3A_42 = tpu.memref_squeeze %dma_wait3A_41 : memref<1x128x128xi32, #tpu.memory_space<vmem>> -> memref<128x128xi32, #tpu.memory_space<vmem>>
    tpu.wait_dma2 semaphore(%arg10 : memref<!tpu.dma_semaphore, #tpu.memory_space<semaphore_mem>>) src(%dma_wait3A_42 : memref<128x128xi32, #tpu.memory_space<vmem>>) dst(%dma_wait3A_38 : memref<128x128xi32, #tpu.memory_space<hbm>>)
    %add3A_43 = arith.constant 12 : i32
    %add3A_44 = arith.addi %mul3A_2, %add3A_43 : i32
    %mul3A_45 = arith.constant 128 : i32
    %mul3A_46 = arith.muli %add3A_44, %mul3A_45 : i32
    %dma_start3A_47 = arith.constant 0 : i32
    %dma_start3A_48 = arith.constant 0 : i32
    %dma_start3A_49 = arith.constant 0 : i32
    %dma_start3A_50 = tpu.memref_slice %arg6[%dma_start3A_47, %dma_start3A_48, %dma_start3A_49] : memref<2x128x128xi32, #tpu.memory_space<vmem>> -> memref<1x128x128xi32, #tpu.memory_space<vmem>>
    %dma_start3A_51 = tpu.memref_squeeze %dma_start3A_50 : memref<1x128x128xi32, #tpu.memory_space<vmem>> -> memref<128x128xi32, #tpu.memory_space<vmem>>
    %dma_start3A_52 = arith.constant 0 : i32
    %dma_start3A_53 = tpu.memref_slice %arg4[%mul3A_46, %dma_start3A_52] : memref<53248x128xi32, #tpu.memory_space<hbm>> -> memref<128x128xi32, #tpu.memory_space<hbm>>
    %dma_start3A_54 = arith.constant 0 : i32
    %dma_start3A_55 = tpu.memref_slice %arg4[%mul3A_46, %dma_start3A_54] : memref<53248x128xi32, #tpu.memory_space<hbm>> -> memref<128x128xi32, #tpu.memory_space<hbm>>
    %dma_start3A_56 = arith.constant 0 : i32
    %dma_start3A_57 = arith.constant 0 : i32
    %dma_start3A_58 = tpu.memref_slice %arg6[%dma_start3A_47, %dma_start3A_56, %dma_start3A_57] : memref<2x128x128xi32, #tpu.memory_space<vmem>> -> memref<1x128x128xi32, #tpu.memory_space<vmem>>
    %dma_start3A_59 = tpu.memref_squeeze %dma_start3A_58 : memref<1x128x128xi32, #tpu.memory_space<vmem>> -> memref<128x128xi32, #tpu.memory_space<vmem>>
    tpu.enqueue_dma source(%dma_start3A_59 : memref<128x128xi32, #tpu.memory_space<vmem>>) target(%dma_start3A_55 : memref<128x128xi32, #tpu.memory_space<hbm>>) target_semaphore(%arg9 : memref<!tpu.dma_semaphore, #tpu.memory_space<semaphore_mem>>)
    %dma_wait3A_60 = arith.constant 0 : i32
    %dma_wait3A_61 = arith.constant 0 : i32
    %dma_wait3A_62 = arith.constant 0 : i32
    %dma_wait3A_63 = tpu.memref_slice %arg6[%dma_wait3A_60, %dma_wait3A_61, %dma_wait3A_62] : memref<2x128x128xi32, #tpu.memory_space<vmem>> -> memref<1x128x128xi32, #tpu.memory_space<vmem>>
    %dma_wait3A_64 = tpu.memref_squeeze %dma_wait3A_63 : memref<1x128x128xi32, #tpu.memory_space<vmem>> -> memref<128x128xi32, #tpu.memory_space<vmem>>
    %dma_wait3A_65 = arith.constant 0 : i32
    %dma_wait3A_66 = arith.constant 0 : i32
    %dma_wait3A_67 = tpu.memref_slice %arg4[%dma_wait3A_65, %dma_wait3A_66] : memref<53248x128xi32, #tpu.memory_space<hbm>> -> memref<128x128xi32, #tpu.memory_space<hbm>>
    %dma_wait3A_68 = arith.constant 0 : i32
    %dma_wait3A_69 = arith.constant 0 : i32
    %dma_wait3A_70 = tpu.memref_slice %arg4[%dma_wait3A_68, %dma_wait3A_69] : memref<53248x128xi32, #tpu.memory_space<hbm>> -> memref<128x128xi32, #tpu.memory_space<hbm>>
    %dma_wait3A_71 = arith.constant 0 : i32
    %dma_wait3A_72 = arith.constant 0 : i32
    %dma_wait3A_73 = tpu.memref_slice %arg6[%dma_wait3A_60, %dma_wait3A_71, %dma_wait3A_72] : memref<2x128x128xi32, #tpu.memory_space<vmem>> -> memref<1x128x128xi32, #tpu.memory_space<vmem>>
    %dma_wait3A_74 = tpu.memref_squeeze %dma_wait3A_73 : memref<1x128x128xi32, #tpu.memory_space<vmem>> -> memref<128x128xi32, #tpu.memory_space<vmem>>
    tpu.wait_dma2 semaphore(%arg9 : memref<!tpu.dma_semaphore, #tpu.memory_space<semaphore_mem>>) src(%dma_wait3A_74 : memref<128x128xi32, #tpu.memory_space<vmem>>) dst(%dma_wait3A_70 : memref<128x128xi32, #tpu.memory_space<hbm>>)
    return
  }
}

#map = affine_map<(d0, d1) -> (0, 0)>
#map1 = affine_map<(d0, d1) -> (0)>
module attributes {stable_mosaic.version = 14 : i64} {
  func.func @gather(%arg0: i32, %arg1: i32, %arg2: memref<100000x128xi32, #tpu.memory_space<hbm>>, %arg3: memref<49152xi32, #tpu.memory_space<hbm>>, %arg4: memref<49152x128xi32, #tpu.memory_space<hbm>>, %arg5: memref<1536xi32, #tpu.memory_space<vmem>>, %arg6: memref<2x128x128xi32, #tpu.memory_space<vmem>>, %arg7: memref<!tpu.dma_semaphore, #tpu.memory_space<semaphore_mem>>, %arg8: memref<!tpu.dma_semaphore, #tpu.memory_space<semaphore_mem>>, %arg9: memref<!tpu.dma_semaphore, #tpu.memory_space<semaphore_mem>>, %arg10: memref<!tpu.dma_semaphore, #tpu.memory_space<semaphore_mem>>) attributes {dimension_semantics = [#tpu.dimension_semantics<core_parallel>, #tpu.dimension_semantics<subcore_parallel>], iteration_bounds = array<i64: 2, 16>, scalar_prefetch = 0 : i64, scratch_operands = 6 : i64, tpu.core_type = #tpu.core_type<sc_vector_subcore>, window_params = [{transform_indices = #map}, {transform_indices = #map1}, {transform_indices = #map}]} {
    %mul3A = arith.constant 2 : i32
    %mul3A_0 = arith.muli %arg1, %mul3A : i32
    %add3A = arith.addi %mul3A_0, %arg0 : i32
    %mul3A_1 = arith.constant 12 : i32
    %mul3A_2 = arith.muli %add3A, %mul3A_1 : i32
    %mul3A_3 = arith.constant 128 : i32
    %mul3A_4 = arith.muli %mul3A_2, %mul3A_3 : i32
    "tpu.region"() ({
      %run_scoped3A = tpu.sem_alloc : memref<!tpu.dma_semaphore, #tpu.memory_space<semaphore_mem>>
      %dma_start3A_33 = tpu.memref_slice %arg3[%mul3A_4] : memref<49152xi32, #tpu.memory_space<hbm>> -> memref<1536xi32, #tpu.memory_space<hbm>>
      %dma_start3A_34 = tpu.memref_slice %arg3[%mul3A_4] : memref<49152xi32, #tpu.memory_space<hbm>> -> memref<1536xi32, #tpu.memory_space<hbm>>
      tpu.enqueue_dma source(%dma_start3A_34 : memref<1536xi32, #tpu.memory_space<hbm>>) target(%arg5 : memref<1536xi32, #tpu.memory_space<vmem>>) target_semaphore(%run_scoped3A : memref<!tpu.dma_semaphore, #tpu.memory_space<semaphore_mem>>)
      %dma_wait3A_35 = tpu.memref_slice %arg3[%mul3A_4] : memref<49152xi32, #tpu.memory_space<hbm>> -> memref<1536xi32, #tpu.memory_space<hbm>>
      %dma_wait3A_36 = tpu.memref_slice %arg3[%mul3A_4] : memref<49152xi32, #tpu.memory_space<hbm>> -> memref<1536xi32, #tpu.memory_space<hbm>>
      tpu.wait_dma2 semaphore(%run_scoped3A : memref<!tpu.dma_semaphore, #tpu.memory_space<semaphore_mem>>) src(%dma_wait3A_36 : memref<1536xi32, #tpu.memory_space<hbm>>) dst(%arg5 : memref<1536xi32, #tpu.memory_space<vmem>>)
      tpu.yield
    }) : () -> ()
    %dma_start3A = arith.constant 0 : i32
    %dma_start3A_5 = arith.constant 0 : i32
    %dma_start3A_6 = arith.constant 0 : i32
    %dma_start3A_7 = tpu.memref_slice %arg6[%dma_start3A, %dma_start3A_5, %dma_start3A_6] : memref<2x128x128xi32, #tpu.memory_space<vmem>> -> memref<1x128x128xi32, #tpu.memory_space<vmem>>
    %dma_start3A_8 = tpu.memref_squeeze %dma_start3A_7 : memref<1x128x128xi32, #tpu.memory_space<vmem>> -> memref<128x128xi32, #tpu.memory_space<vmem>>
    %dma_start3A_9 = arith.constant 0 : i32
    %dma_start3A_10 = tpu.memref_slice %arg5[%dma_start3A_9] : memref<1536xi32, #tpu.memory_space<vmem>> -> memref<128xi32, #tpu.memory_space<vmem>>
    %dma_start3A_11 = arith.constant 0 : i32
    %dma_start3A_12 = arith.constant 0 : i32
    %dma_start3A_13 = tpu.memref_slice %arg2[%dma_start3A_11, %dma_start3A_12] : memref<100000x128xi32, #tpu.memory_space<hbm>> -> memref<100000x128xi32, #tpu.memory_space<hbm>>
    tpu.enqueue_indirect_dma source(%dma_start3A_13 : memref<100000x128xi32, #tpu.memory_space<hbm>>) target(%dma_start3A_8 : memref<128x128xi32, #tpu.memory_space<vmem>>) offsets(%dma_start3A_10 : memref<128xi32, #tpu.memory_space<vmem>>) semaphore(%arg7 : memref<!tpu.dma_semaphore, #tpu.memory_space<semaphore_mem>>)
    %scan3A = arith.constant 0 : i32
    %scan3A_14 = arith.constant 0 : i32
    %scan3A_15 = arith.constant 6 : i32
    %scan3A_16 = arith.addi %scan3A_14, %scan3A_15 : i32
    %scan3A_17 = arith.constant 1 : i32
    scf.for %scan3A_33 = %scan3A_14 to %scan3A_16 step %scan3A_17  : i32 {
      %mul3A_34 = arith.constant 2 : i32
      %mul3A_35 = arith.muli %scan3A_33, %mul3A_34 : i32
      %add3A_36 = arith.constant 0 : i32
      %add3A_37 = arith.addi %mul3A_35, %add3A_36 : i32
      %dma_wait3A_38 = arith.constant 0 : i32
      %dma_wait3A_39 = arith.constant 0 : i32
      %dma_wait3A_40 = arith.constant 0 : i32
      %dma_wait3A_41 = tpu.memref_slice %arg6[%dma_wait3A_38, %dma_wait3A_39, %dma_wait3A_40] : memref<2x128x128xi32, #tpu.memory_space<vmem>> -> memref<1x128x128xi32, #tpu.memory_space<vmem>>
      %dma_wait3A_42 = tpu.memref_squeeze %dma_wait3A_41 : memref<1x128x128xi32, #tpu.memory_space<vmem>> -> memref<128x128xi32, #tpu.memory_space<vmem>>
      %dma_wait3A_43 = arith.constant 0 : i32
      %dma_wait3A_44 = tpu.memref_slice %arg5[%dma_wait3A_43] : memref<1536xi32, #tpu.memory_space<vmem>> -> memref<128xi32, #tpu.memory_space<vmem>>
      %dma_wait3A_45 = arith.constant 0 : i32
      %dma_wait3A_46 = arith.constant 0 : i32
      %dma_wait3A_47 = tpu.memref_slice %arg2[%dma_wait3A_45, %dma_wait3A_46] : memref<100000x128xi32, #tpu.memory_space<hbm>> -> memref<100000x128xi32, #tpu.memory_space<hbm>>
      tpu.wait_indirect_dma semaphore(%arg7 : memref<!tpu.dma_semaphore, #tpu.memory_space<semaphore_mem>>) src(%dma_wait3A_47 : memref<100000x128xi32, #tpu.memory_space<hbm>>) dst(%dma_wait3A_42 : memref<128x128xi32, #tpu.memory_space<vmem>>)
      %gt3A = arith.constant 0 : i32
      %gt3A_48 = arith.cmpi sgt, %add3A_37, %gt3A : i32
      %convert_element_type3A = arith.extui %gt3A_48 : i1 to i32
      %cond3A = arith.constant 0 : i32
      %cond3A_49 = arith.cmpi ne, %convert_element_type3A, %cond3A : i32
      scf.if %cond3A_49 {
        %dma_wait3A_114 = arith.constant 1 : i32
        %dma_wait3A_115 = arith.constant 0 : i32
        %dma_wait3A_116 = arith.constant 0 : i32
        %dma_wait3A_117 = tpu.memref_slice %arg6[%dma_wait3A_114, %dma_wait3A_115, %dma_wait3A_116] : memref<2x128x128xi32, #tpu.memory_space<vmem>> -> memref<1x128x128xi32, #tpu.memory_space<vmem>>
        %dma_wait3A_118 = tpu.memref_squeeze %dma_wait3A_117 : memref<1x128x128xi32, #tpu.memory_space<vmem>> -> memref<128x128xi32, #tpu.memory_space<vmem>>
        %dma_wait3A_119 = arith.constant 0 : i32
        %dma_wait3A_120 = arith.constant 0 : i32
        %dma_wait3A_121 = tpu.memref_slice %arg4[%dma_wait3A_119, %dma_wait3A_120] : memref<49152x128xi32, #tpu.memory_space<hbm>> -> memref<128x128xi32, #tpu.memory_space<hbm>>
        %dma_wait3A_122 = arith.constant 0 : i32
        %dma_wait3A_123 = arith.constant 0 : i32
        %dma_wait3A_124 = tpu.memref_slice %arg4[%dma_wait3A_122, %dma_wait3A_123] : memref<49152x128xi32, #tpu.memory_space<hbm>> -> memref<128x128xi32, #tpu.memory_space<hbm>>
        %dma_wait3A_125 = arith.constant 0 : i32
        %dma_wait3A_126 = arith.constant 0 : i32
        %dma_wait3A_127 = tpu.memref_slice %arg6[%dma_wait3A_114, %dma_wait3A_125, %dma_wait3A_126] : memref<2x128x128xi32, #tpu.memory_space<vmem>> -> memref<1x128x128xi32, #tpu.memory_space<vmem>>
        %dma_wait3A_128 = tpu.memref_squeeze %dma_wait3A_127 : memref<1x128x128xi32, #tpu.memory_space<vmem>> -> memref<128x128xi32, #tpu.memory_space<vmem>>
        tpu.wait_dma2 semaphore(%arg10 : memref<!tpu.dma_semaphore, #tpu.memory_space<semaphore_mem>>) src(%dma_wait3A_128 : memref<128x128xi32, #tpu.memory_space<vmem>>) dst(%dma_wait3A_124 : memref<128x128xi32, #tpu.memory_space<hbm>>)
      } else {
      }
      %add3A_50 = arith.constant 1 : i32
      %add3A_51 = arith.addi %add3A_37, %add3A_50 : i32
      %lt3A = arith.constant 12 : i32
      %lt3A_52 = arith.cmpi slt, %add3A_51, %lt3A : i32
      %convert_element_type3A_53 = arith.extui %lt3A_52 : i1 to i32
      %cond3A_54 = arith.constant 0 : i32
      %cond3A_55 = arith.cmpi ne, %convert_element_type3A_53, %cond3A_54 : i32
      scf.if %cond3A_55 {
        %add3A_114 = arith.constant 1 : i32
        %add3A_115 = arith.addi %add3A_37, %add3A_114 : i32
        %mul3A_116 = arith.constant 128 : i32
        %mul3A_117 = arith.muli %add3A_115, %mul3A_116 : i32
        %dma_start3A_118 = arith.constant 1 : i32
        %dma_start3A_119 = arith.constant 0 : i32
        %dma_start3A_120 = arith.constant 0 : i32
        %dma_start3A_121 = tpu.memref_slice %arg6[%dma_start3A_118, %dma_start3A_119, %dma_start3A_120] : memref<2x128x128xi32, #tpu.memory_space<vmem>> -> memref<1x128x128xi32, #tpu.memory_space<vmem>>
        %dma_start3A_122 = tpu.memref_squeeze %dma_start3A_121 : memref<1x128x128xi32, #tpu.memory_space<vmem>> -> memref<128x128xi32, #tpu.memory_space<vmem>>
        %dma_start3A_123 = tpu.memref_slice %arg5[%mul3A_117] : memref<1536xi32, #tpu.memory_space<vmem>> -> memref<128xi32, #tpu.memory_space<vmem>>
        %dma_start3A_124 = arith.constant 0 : i32
        %dma_start3A_125 = arith.constant 0 : i32
        %dma_start3A_126 = tpu.memref_slice %arg2[%dma_start3A_124, %dma_start3A_125] : memref<100000x128xi32, #tpu.memory_space<hbm>> -> memref<100000x128xi32, #tpu.memory_space<hbm>>
        tpu.enqueue_indirect_dma source(%dma_start3A_126 : memref<100000x128xi32, #tpu.memory_space<hbm>>) target(%dma_start3A_122 : memref<128x128xi32, #tpu.memory_space<vmem>>) offsets(%dma_start3A_123 : memref<128xi32, #tpu.memory_space<vmem>>) semaphore(%arg8 : memref<!tpu.dma_semaphore, #tpu.memory_space<semaphore_mem>>)
      } else {
      }
      %add3A_56 = arith.addi %mul3A_2, %add3A_37 : i32
      %mul3A_57 = arith.constant 128 : i32
      %mul3A_58 = arith.muli %add3A_56, %mul3A_57 : i32
      %dma_start3A_59 = arith.constant 0 : i32
      %dma_start3A_60 = arith.constant 0 : i32
      %dma_start3A_61 = arith.constant 0 : i32
      %dma_start3A_62 = tpu.memref_slice %arg6[%dma_start3A_59, %dma_start3A_60, %dma_start3A_61] : memref<2x128x128xi32, #tpu.memory_space<vmem>> -> memref<1x128x128xi32, #tpu.memory_space<vmem>>
      %dma_start3A_63 = tpu.memref_squeeze %dma_start3A_62 : memref<1x128x128xi32, #tpu.memory_space<vmem>> -> memref<128x128xi32, #tpu.memory_space<vmem>>
      %dma_start3A_64 = arith.constant 0 : i32
      %dma_start3A_65 = tpu.memref_slice %arg4[%mul3A_58, %dma_start3A_64] : memref<49152x128xi32, #tpu.memory_space<hbm>> -> memref<128x128xi32, #tpu.memory_space<hbm>>
      %dma_start3A_66 = arith.constant 0 : i32
      %dma_start3A_67 = tpu.memref_slice %arg4[%mul3A_58, %dma_start3A_66] : memref<49152x128xi32, #tpu.memory_space<hbm>> -> memref<128x128xi32, #tpu.memory_space<hbm>>
      %dma_start3A_68 = arith.constant 0 : i32
      %dma_start3A_69 = arith.constant 0 : i32
      %dma_start3A_70 = tpu.memref_slice %arg6[%dma_start3A_59, %dma_start3A_68, %dma_start3A_69] : memref<2x128x128xi32, #tpu.memory_space<vmem>> -> memref<1x128x128xi32, #tpu.memory_space<vmem>>
      %dma_start3A_71 = tpu.memref_squeeze %dma_start3A_70 : memref<1x128x128xi32, #tpu.memory_space<vmem>> -> memref<128x128xi32, #tpu.memory_space<vmem>>
      tpu.enqueue_dma source(%dma_start3A_71 : memref<128x128xi32, #tpu.memory_space<vmem>>) target(%dma_start3A_67 : memref<128x128xi32, #tpu.memory_space<hbm>>) target_semaphore(%arg9 : memref<!tpu.dma_semaphore, #tpu.memory_space<semaphore_mem>>)
      %mul3A_72 = arith.constant 2 : i32
      %mul3A_73 = arith.muli %scan3A_33, %mul3A_72 : i32
      %add3A_74 = arith.constant 1 : i32
      %add3A_75 = arith.addi %mul3A_73, %add3A_74 : i32
      %dma_wait3A_76 = arith.constant 1 : i32
      %dma_wait3A_77 = arith.constant 0 : i32
      %dma_wait3A_78 = arith.constant 0 : i32
      %dma_wait3A_79 = tpu.memref_slice %arg6[%dma_wait3A_76, %dma_wait3A_77, %dma_wait3A_78] : memref<2x128x128xi32, #tpu.memory_space<vmem>> -> memref<1x128x128xi32, #tpu.memory_space<vmem>>
      %dma_wait3A_80 = tpu.memref_squeeze %dma_wait3A_79 : memref<1x128x128xi32, #tpu.memory_space<vmem>> -> memref<128x128xi32, #tpu.memory_space<vmem>>
      %dma_wait3A_81 = arith.constant 0 : i32
      %dma_wait3A_82 = tpu.memref_slice %arg5[%dma_wait3A_81] : memref<1536xi32, #tpu.memory_space<vmem>> -> memref<128xi32, #tpu.memory_space<vmem>>
      %dma_wait3A_83 = arith.constant 0 : i32
      %dma_wait3A_84 = arith.constant 0 : i32
      %dma_wait3A_85 = tpu.memref_slice %arg2[%dma_wait3A_83, %dma_wait3A_84] : memref<100000x128xi32, #tpu.memory_space<hbm>> -> memref<100000x128xi32, #tpu.memory_space<hbm>>
      tpu.wait_indirect_dma semaphore(%arg8 : memref<!tpu.dma_semaphore, #tpu.memory_space<semaphore_mem>>) src(%dma_wait3A_85 : memref<100000x128xi32, #tpu.memory_space<hbm>>) dst(%dma_wait3A_80 : memref<128x128xi32, #tpu.memory_space<vmem>>)
      %gt3A_86 = arith.constant 0 : i32
      %gt3A_87 = arith.cmpi sgt, %add3A_75, %gt3A_86 : i32
      %convert_element_type3A_88 = arith.extui %gt3A_87 : i1 to i32
      %cond3A_89 = arith.constant 0 : i32
      %cond3A_90 = arith.cmpi ne, %convert_element_type3A_88, %cond3A_89 : i32
      scf.if %cond3A_90 {
        %dma_wait3A_114 = arith.constant 0 : i32
        %dma_wait3A_115 = arith.constant 0 : i32
        %dma_wait3A_116 = arith.constant 0 : i32
        %dma_wait3A_117 = tpu.memref_slice %arg6[%dma_wait3A_114, %dma_wait3A_115, %dma_wait3A_116] : memref<2x128x128xi32, #tpu.memory_space<vmem>> -> memref<1x128x128xi32, #tpu.memory_space<vmem>>
        %dma_wait3A_118 = tpu.memref_squeeze %dma_wait3A_117 : memref<1x128x128xi32, #tpu.memory_space<vmem>> -> memref<128x128xi32, #tpu.memory_space<vmem>>
        %dma_wait3A_119 = arith.constant 0 : i32
        %dma_wait3A_120 = arith.constant 0 : i32
        %dma_wait3A_121 = tpu.memref_slice %arg4[%dma_wait3A_119, %dma_wait3A_120] : memref<49152x128xi32, #tpu.memory_space<hbm>> -> memref<128x128xi32, #tpu.memory_space<hbm>>
        %dma_wait3A_122 = arith.constant 0 : i32
        %dma_wait3A_123 = arith.constant 0 : i32
        %dma_wait3A_124 = tpu.memref_slice %arg4[%dma_wait3A_122, %dma_wait3A_123] : memref<49152x128xi32, #tpu.memory_space<hbm>> -> memref<128x128xi32, #tpu.memory_space<hbm>>
        %dma_wait3A_125 = arith.constant 0 : i32
        %dma_wait3A_126 = arith.constant 0 : i32
        %dma_wait3A_127 = tpu.memref_slice %arg6[%dma_wait3A_114, %dma_wait3A_125, %dma_wait3A_126] : memref<2x128x128xi32, #tpu.memory_space<vmem>> -> memref<1x128x128xi32, #tpu.memory_space<vmem>>
        %dma_wait3A_128 = tpu.memref_squeeze %dma_wait3A_127 : memref<1x128x128xi32, #tpu.memory_space<vmem>> -> memref<128x128xi32, #tpu.memory_space<vmem>>
        tpu.wait_dma2 semaphore(%arg9 : memref<!tpu.dma_semaphore, #tpu.memory_space<semaphore_mem>>) src(%dma_wait3A_128 : memref<128x128xi32, #tpu.memory_space<vmem>>) dst(%dma_wait3A_124 : memref<128x128xi32, #tpu.memory_space<hbm>>)
      } else {
      }
      %add3A_91 = arith.constant 1 : i32
      %add3A_92 = arith.addi %add3A_75, %add3A_91 : i32
      %lt3A_93 = arith.constant 12 : i32
      %lt3A_94 = arith.cmpi slt, %add3A_92, %lt3A_93 : i32
      %convert_element_type3A_95 = arith.extui %lt3A_94 : i1 to i32
      %cond3A_96 = arith.constant 0 : i32
      %cond3A_97 = arith.cmpi ne, %convert_element_type3A_95, %cond3A_96 : i32
      scf.if %cond3A_97 {
        %add3A_114 = arith.constant 1 : i32
        %add3A_115 = arith.addi %add3A_75, %add3A_114 : i32
        %mul3A_116 = arith.constant 128 : i32
        %mul3A_117 = arith.muli %add3A_115, %mul3A_116 : i32
        %dma_start3A_118 = arith.constant 0 : i32
        %dma_start3A_119 = arith.constant 0 : i32
        %dma_start3A_120 = arith.constant 0 : i32
        %dma_start3A_121 = tpu.memref_slice %arg6[%dma_start3A_118, %dma_start3A_119, %dma_start3A_120] : memref<2x128x128xi32, #tpu.memory_space<vmem>> -> memref<1x128x128xi32, #tpu.memory_space<vmem>>
        %dma_start3A_122 = tpu.memref_squeeze %dma_start3A_121 : memref<1x128x128xi32, #tpu.memory_space<vmem>> -> memref<128x128xi32, #tpu.memory_space<vmem>>
        %dma_start3A_123 = tpu.memref_slice %arg5[%mul3A_117] : memref<1536xi32, #tpu.memory_space<vmem>> -> memref<128xi32, #tpu.memory_space<vmem>>
        %dma_start3A_124 = arith.constant 0 : i32
        %dma_start3A_125 = arith.constant 0 : i32
        %dma_start3A_126 = tpu.memref_slice %arg2[%dma_start3A_124, %dma_start3A_125] : memref<100000x128xi32, #tpu.memory_space<hbm>> -> memref<100000x128xi32, #tpu.memory_space<hbm>>
        tpu.enqueue_indirect_dma source(%dma_start3A_126 : memref<100000x128xi32, #tpu.memory_space<hbm>>) target(%dma_start3A_122 : memref<128x128xi32, #tpu.memory_space<vmem>>) offsets(%dma_start3A_123 : memref<128xi32, #tpu.memory_space<vmem>>) semaphore(%arg7 : memref<!tpu.dma_semaphore, #tpu.memory_space<semaphore_mem>>)
      } else {
      }
      %add3A_98 = arith.addi %mul3A_2, %add3A_75 : i32
      %mul3A_99 = arith.constant 128 : i32
      %mul3A_100 = arith.muli %add3A_98, %mul3A_99 : i32
      %dma_start3A_101 = arith.constant 1 : i32
      %dma_start3A_102 = arith.constant 0 : i32
      %dma_start3A_103 = arith.constant 0 : i32
      %dma_start3A_104 = tpu.memref_slice %arg6[%dma_start3A_101, %dma_start3A_102, %dma_start3A_103] : memref<2x128x128xi32, #tpu.memory_space<vmem>> -> memref<1x128x128xi32, #tpu.memory_space<vmem>>
      %dma_start3A_105 = tpu.memref_squeeze %dma_start3A_104 : memref<1x128x128xi32, #tpu.memory_space<vmem>> -> memref<128x128xi32, #tpu.memory_space<vmem>>
      %dma_start3A_106 = arith.constant 0 : i32
      %dma_start3A_107 = tpu.memref_slice %arg4[%mul3A_100, %dma_start3A_106] : memref<49152x128xi32, #tpu.memory_space<hbm>> -> memref<128x128xi32, #tpu.memory_space<hbm>>
      %dma_start3A_108 = arith.constant 0 : i32
      %dma_start3A_109 = tpu.memref_slice %arg4[%mul3A_100, %dma_start3A_108] : memref<49152x128xi32, #tpu.memory_space<hbm>> -> memref<128x128xi32, #tpu.memory_space<hbm>>
      %dma_start3A_110 = arith.constant 0 : i32
      %dma_start3A_111 = arith.constant 0 : i32
      %dma_start3A_112 = tpu.memref_slice %arg6[%dma_start3A_101, %dma_start3A_110, %dma_start3A_111] : memref<2x128x128xi32, #tpu.memory_space<vmem>> -> memref<1x128x128xi32, #tpu.memory_space<vmem>>
      %dma_start3A_113 = tpu.memref_squeeze %dma_start3A_112 : memref<1x128x128xi32, #tpu.memory_space<vmem>> -> memref<128x128xi32, #tpu.memory_space<vmem>>
      tpu.enqueue_dma source(%dma_start3A_113 : memref<128x128xi32, #tpu.memory_space<vmem>>) target(%dma_start3A_109 : memref<128x128xi32, #tpu.memory_space<hbm>>) target_semaphore(%arg10 : memref<!tpu.dma_semaphore, #tpu.memory_space<semaphore_mem>>)
    }
    %scan3A_18 = arith.constant 6 : i32
    %dma_wait3A = arith.constant 1 : i32
    %dma_wait3A_19 = arith.constant 0 : i32
    %dma_wait3A_20 = arith.constant 0 : i32
    %dma_wait3A_21 = tpu.memref_slice %arg6[%dma_wait3A, %dma_wait3A_19, %dma_wait3A_20] : memref<2x128x128xi32, #tpu.memory_space<vmem>> -> memref<1x128x128xi32, #tpu.memory_space<vmem>>
    %dma_wait3A_22 = tpu.memref_squeeze %dma_wait3A_21 : memref<1x128x128xi32, #tpu.memory_space<vmem>> -> memref<128x128xi32, #tpu.memory_space<vmem>>
    %dma_wait3A_23 = arith.constant 0 : i32
    %dma_wait3A_24 = arith.constant 0 : i32
    %dma_wait3A_25 = tpu.memref_slice %arg4[%dma_wait3A_23, %dma_wait3A_24] : memref<49152x128xi32, #tpu.memory_space<hbm>> -> memref<128x128xi32, #tpu.memory_space<hbm>>
    %dma_wait3A_26 = arith.constant 0 : i32
    %dma_wait3A_27 = arith.constant 0 : i32
    %dma_wait3A_28 = tpu.memref_slice %arg4[%dma_wait3A_26, %dma_wait3A_27] : memref<49152x128xi32, #tpu.memory_space<hbm>> -> memref<128x128xi32, #tpu.memory_space<hbm>>
    %dma_wait3A_29 = arith.constant 0 : i32
    %dma_wait3A_30 = arith.constant 0 : i32
    %dma_wait3A_31 = tpu.memref_slice %arg6[%dma_wait3A, %dma_wait3A_29, %dma_wait3A_30] : memref<2x128x128xi32, #tpu.memory_space<vmem>> -> memref<1x128x128xi32, #tpu.memory_space<vmem>>
    %dma_wait3A_32 = tpu.memref_squeeze %dma_wait3A_31 : memref<1x128x128xi32, #tpu.memory_space<vmem>> -> memref<128x128xi32, #tpu.memory_space<vmem>>
    tpu.wait_dma2 semaphore(%arg10 : memref<!tpu.dma_semaphore, #tpu.memory_space<semaphore_mem>>) src(%dma_wait3A_32 : memref<128x128xi32, #tpu.memory_space<vmem>>) dst(%dma_wait3A_28 : memref<128x128xi32, #tpu.memory_space<hbm>>)
    return
  }
}

#map = affine_map<(d0, d1) -> (0, 0)>
#map1 = affine_map<(d0, d1) -> (0)>
module attributes {stable_mosaic.version = 14 : i64} {
  func.func @gather(%arg0: i32, %arg1: i32, %arg2: memref<100000x128xi32, #tpu.memory_space<hbm>>, %arg3: memref<49152xi32, #tpu.memory_space<hbm>>, %arg4: memref<49152x128xi32, #tpu.memory_space<hbm>>, %arg5: memref<1536xi32, #tpu.memory_space<vmem>>, %arg6: memref<2x128x128xi32, #tpu.memory_space<vmem>>, %arg7: memref<!tpu.dma_semaphore, #tpu.memory_space<semaphore_mem>>, %arg8: memref<!tpu.dma_semaphore, #tpu.memory_space<semaphore_mem>>, %arg9: memref<!tpu.dma_semaphore, #tpu.memory_space<semaphore_mem>>, %arg10: memref<!tpu.dma_semaphore, #tpu.memory_space<semaphore_mem>>) attributes {dimension_semantics = [#tpu.dimension_semantics<core_parallel>, #tpu.dimension_semantics<subcore_parallel>], iteration_bounds = array<i64: 2, 16>, scalar_prefetch = 0 : i64, scratch_operands = 6 : i64, tpu.core_type = #tpu.core_type<sc_vector_subcore>, window_params = [{transform_indices = #map}, {transform_indices = #map1}, {transform_indices = #map}]} {
    %mul3A = arith.constant 2 : i32
    %mul3A_0 = arith.muli %arg1, %mul3A : i32
    %add3A = arith.addi %mul3A_0, %arg0 : i32
    %mul3A_1 = arith.constant 12 : i32
    %mul3A_2 = arith.muli %add3A, %mul3A_1 : i32
    %mul3A_3 = arith.constant 128 : i32
    %mul3A_4 = arith.muli %mul3A_2, %mul3A_3 : i32
    "tpu.region"() ({
      %run_scoped3A = tpu.sem_alloc : memref<!tpu.dma_semaphore, #tpu.memory_space<semaphore_mem>>
      %dma_start3A_33 = tpu.memref_slice %arg3[%mul3A_4] : memref<49152xi32, #tpu.memory_space<hbm>> -> memref<1536xi32, #tpu.memory_space<hbm>>
      %dma_start3A_34 = tpu.memref_slice %arg3[%mul3A_4] : memref<49152xi32, #tpu.memory_space<hbm>> -> memref<1536xi32, #tpu.memory_space<hbm>>
      tpu.enqueue_dma source(%dma_start3A_34 : memref<1536xi32, #tpu.memory_space<hbm>>) target(%arg5 : memref<1536xi32, #tpu.memory_space<vmem>>) target_semaphore(%run_scoped3A : memref<!tpu.dma_semaphore, #tpu.memory_space<semaphore_mem>>)
      %dma_wait3A_35 = tpu.memref_slice %arg3[%mul3A_4] : memref<49152xi32, #tpu.memory_space<hbm>> -> memref<1536xi32, #tpu.memory_space<hbm>>
      %dma_wait3A_36 = tpu.memref_slice %arg3[%mul3A_4] : memref<49152xi32, #tpu.memory_space<hbm>> -> memref<1536xi32, #tpu.memory_space<hbm>>
      tpu.wait_dma2 semaphore(%run_scoped3A : memref<!tpu.dma_semaphore, #tpu.memory_space<semaphore_mem>>) src(%dma_wait3A_36 : memref<1536xi32, #tpu.memory_space<hbm>>) dst(%arg5 : memref<1536xi32, #tpu.memory_space<vmem>>)
      tpu.yield
    }) : () -> ()
    %dma_start3A = arith.constant 0 : i32
    %dma_start3A_5 = arith.constant 0 : i32
    %dma_start3A_6 = arith.constant 0 : i32
    %dma_start3A_7 = tpu.memref_slice %arg6[%dma_start3A, %dma_start3A_5, %dma_start3A_6] : memref<2x128x128xi32, #tpu.memory_space<vmem>> -> memref<1x128x128xi32, #tpu.memory_space<vmem>>
    %dma_start3A_8 = tpu.memref_squeeze %dma_start3A_7 : memref<1x128x128xi32, #tpu.memory_space<vmem>> -> memref<128x128xi32, #tpu.memory_space<vmem>>
    %dma_start3A_9 = arith.constant 0 : i32
    %dma_start3A_10 = tpu.memref_slice %arg5[%dma_start3A_9] : memref<1536xi32, #tpu.memory_space<vmem>> -> memref<128xi32, #tpu.memory_space<vmem>>
    %dma_start3A_11 = arith.constant 0 : i32
    %dma_start3A_12 = arith.constant 0 : i32
    %dma_start3A_13 = tpu.memref_slice %arg2[%dma_start3A_11, %dma_start3A_12] : memref<100000x128xi32, #tpu.memory_space<hbm>> -> memref<100000x128xi32, #tpu.memory_space<hbm>>
    tpu.enqueue_indirect_dma source(%dma_start3A_13 : memref<100000x128xi32, #tpu.memory_space<hbm>>) target(%dma_start3A_8 : memref<128x128xi32, #tpu.memory_space<vmem>>) offsets(%dma_start3A_10 : memref<128xi32, #tpu.memory_space<vmem>>) semaphore(%arg7 : memref<!tpu.dma_semaphore, #tpu.memory_space<semaphore_mem>>)
    %scan3A = arith.constant 0 : i32
    %scan3A_14 = arith.constant 0 : i32
    %scan3A_15 = arith.constant 6 : i32
    %scan3A_16 = arith.addi %scan3A_14, %scan3A_15 : i32
    %scan3A_17 = arith.constant 1 : i32
    scf.for %scan3A_33 = %scan3A_14 to %scan3A_16 step %scan3A_17  : i32 {
      %mul3A_34 = arith.constant 2 : i32
      %mul3A_35 = arith.muli %scan3A_33, %mul3A_34 : i32
      %add3A_36 = arith.constant 0 : i32
      %add3A_37 = arith.addi %mul3A_35, %add3A_36 : i32
      %dma_wait3A_38 = arith.constant 0 : i32
      %dma_wait3A_39 = arith.constant 0 : i32
      %dma_wait3A_40 = arith.constant 0 : i32
      %dma_wait3A_41 = tpu.memref_slice %arg6[%dma_wait3A_38, %dma_wait3A_39, %dma_wait3A_40] : memref<2x128x128xi32, #tpu.memory_space<vmem>> -> memref<1x128x128xi32, #tpu.memory_space<vmem>>
      %dma_wait3A_42 = tpu.memref_squeeze %dma_wait3A_41 : memref<1x128x128xi32, #tpu.memory_space<vmem>> -> memref<128x128xi32, #tpu.memory_space<vmem>>
      %dma_wait3A_43 = arith.constant 0 : i32
      %dma_wait3A_44 = tpu.memref_slice %arg5[%dma_wait3A_43] : memref<1536xi32, #tpu.memory_space<vmem>> -> memref<128xi32, #tpu.memory_space<vmem>>
      %dma_wait3A_45 = arith.constant 0 : i32
      %dma_wait3A_46 = arith.constant 0 : i32
      %dma_wait3A_47 = tpu.memref_slice %arg2[%dma_wait3A_45, %dma_wait3A_46] : memref<100000x128xi32, #tpu.memory_space<hbm>> -> memref<100000x128xi32, #tpu.memory_space<hbm>>
      tpu.wait_indirect_dma semaphore(%arg7 : memref<!tpu.dma_semaphore, #tpu.memory_space<semaphore_mem>>) src(%dma_wait3A_47 : memref<100000x128xi32, #tpu.memory_space<hbm>>) dst(%dma_wait3A_42 : memref<128x128xi32, #tpu.memory_space<vmem>>)
      %gt3A = arith.constant 0 : i32
      %gt3A_48 = arith.cmpi sgt, %add3A_37, %gt3A : i32
      %convert_element_type3A = arith.extui %gt3A_48 : i1 to i32
      %cond3A = arith.constant 0 : i32
      %cond3A_49 = arith.cmpi ne, %convert_element_type3A, %cond3A : i32
      scf.if %cond3A_49 {
        %dma_wait3A_114 = arith.constant 1 : i32
        %dma_wait3A_115 = arith.constant 0 : i32
        %dma_wait3A_116 = arith.constant 0 : i32
        %dma_wait3A_117 = tpu.memref_slice %arg6[%dma_wait3A_114, %dma_wait3A_115, %dma_wait3A_116] : memref<2x128x128xi32, #tpu.memory_space<vmem>> -> memref<1x128x128xi32, #tpu.memory_space<vmem>>
        %dma_wait3A_118 = tpu.memref_squeeze %dma_wait3A_117 : memref<1x128x128xi32, #tpu.memory_space<vmem>> -> memref<128x128xi32, #tpu.memory_space<vmem>>
        %dma_wait3A_119 = arith.constant 0 : i32
        %dma_wait3A_120 = arith.constant 0 : i32
        %dma_wait3A_121 = tpu.memref_slice %arg4[%dma_wait3A_119, %dma_wait3A_120] : memref<49152x128xi32, #tpu.memory_space<hbm>> -> memref<128x128xi32, #tpu.memory_space<hbm>>
        %dma_wait3A_122 = arith.constant 0 : i32
        %dma_wait3A_123 = arith.constant 0 : i32
        %dma_wait3A_124 = tpu.memref_slice %arg4[%dma_wait3A_122, %dma_wait3A_123] : memref<49152x128xi32, #tpu.memory_space<hbm>> -> memref<128x128xi32, #tpu.memory_space<hbm>>
        %dma_wait3A_125 = arith.constant 0 : i32
        %dma_wait3A_126 = arith.constant 0 : i32
        %dma_wait3A_127 = tpu.memref_slice %arg6[%dma_wait3A_114, %dma_wait3A_125, %dma_wait3A_126] : memref<2x128x128xi32, #tpu.memory_space<vmem>> -> memref<1x128x128xi32, #tpu.memory_space<vmem>>
        %dma_wait3A_128 = tpu.memref_squeeze %dma_wait3A_127 : memref<1x128x128xi32, #tpu.memory_space<vmem>> -> memref<128x128xi32, #tpu.memory_space<vmem>>
        tpu.wait_dma2 semaphore(%arg10 : memref<!tpu.dma_semaphore, #tpu.memory_space<semaphore_mem>>) src(%dma_wait3A_128 : memref<128x128xi32, #tpu.memory_space<vmem>>) dst(%dma_wait3A_124 : memref<128x128xi32, #tpu.memory_space<hbm>>)
      } else {
      }
      %add3A_50 = arith.constant 1 : i32
      %add3A_51 = arith.addi %add3A_37, %add3A_50 : i32
      %lt3A = arith.constant 12 : i32
      %lt3A_52 = arith.cmpi slt, %add3A_51, %lt3A : i32
      %convert_element_type3A_53 = arith.extui %lt3A_52 : i1 to i32
      %cond3A_54 = arith.constant 0 : i32
      %cond3A_55 = arith.cmpi ne, %convert_element_type3A_53, %cond3A_54 : i32
      scf.if %cond3A_55 {
        %add3A_114 = arith.constant 1 : i32
        %add3A_115 = arith.addi %add3A_37, %add3A_114 : i32
        %mul3A_116 = arith.constant 128 : i32
        %mul3A_117 = arith.muli %add3A_115, %mul3A_116 : i32
        %dma_start3A_118 = arith.constant 1 : i32
        %dma_start3A_119 = arith.constant 0 : i32
        %dma_start3A_120 = arith.constant 0 : i32
        %dma_start3A_121 = tpu.memref_slice %arg6[%dma_start3A_118, %dma_start3A_119, %dma_start3A_120] : memref<2x128x128xi32, #tpu.memory_space<vmem>> -> memref<1x128x128xi32, #tpu.memory_space<vmem>>
        %dma_start3A_122 = tpu.memref_squeeze %dma_start3A_121 : memref<1x128x128xi32, #tpu.memory_space<vmem>> -> memref<128x128xi32, #tpu.memory_space<vmem>>
        %dma_start3A_123 = tpu.memref_slice %arg5[%mul3A_117] : memref<1536xi32, #tpu.memory_space<vmem>> -> memref<128xi32, #tpu.memory_space<vmem>>
        %dma_start3A_124 = arith.constant 0 : i32
        %dma_start3A_125 = arith.constant 0 : i32
        %dma_start3A_126 = tpu.memref_slice %arg2[%dma_start3A_124, %dma_start3A_125] : memref<100000x128xi32, #tpu.memory_space<hbm>> -> memref<100000x128xi32, #tpu.memory_space<hbm>>
        tpu.enqueue_indirect_dma source(%dma_start3A_126 : memref<100000x128xi32, #tpu.memory_space<hbm>>) target(%dma_start3A_122 : memref<128x128xi32, #tpu.memory_space<vmem>>) offsets(%dma_start3A_123 : memref<128xi32, #tpu.memory_space<vmem>>) semaphore(%arg8 : memref<!tpu.dma_semaphore, #tpu.memory_space<semaphore_mem>>)
      } else {
      }
      %add3A_56 = arith.addi %mul3A_2, %add3A_37 : i32
      %mul3A_57 = arith.constant 128 : i32
      %mul3A_58 = arith.muli %add3A_56, %mul3A_57 : i32
      %dma_start3A_59 = arith.constant 0 : i32
      %dma_start3A_60 = arith.constant 0 : i32
      %dma_start3A_61 = arith.constant 0 : i32
      %dma_start3A_62 = tpu.memref_slice %arg6[%dma_start3A_59, %dma_start3A_60, %dma_start3A_61] : memref<2x128x128xi32, #tpu.memory_space<vmem>> -> memref<1x128x128xi32, #tpu.memory_space<vmem>>
      %dma_start3A_63 = tpu.memref_squeeze %dma_start3A_62 : memref<1x128x128xi32, #tpu.memory_space<vmem>> -> memref<128x128xi32, #tpu.memory_space<vmem>>
      %dma_start3A_64 = arith.constant 0 : i32
      %dma_start3A_65 = tpu.memref_slice %arg4[%mul3A_58, %dma_start3A_64] : memref<49152x128xi32, #tpu.memory_space<hbm>> -> memref<128x128xi32, #tpu.memory_space<hbm>>
      %dma_start3A_66 = arith.constant 0 : i32
      %dma_start3A_67 = tpu.memref_slice %arg4[%mul3A_58, %dma_start3A_66] : memref<49152x128xi32, #tpu.memory_space<hbm>> -> memref<128x128xi32, #tpu.memory_space<hbm>>
      %dma_start3A_68 = arith.constant 0 : i32
      %dma_start3A_69 = arith.constant 0 : i32
      %dma_start3A_70 = tpu.memref_slice %arg6[%dma_start3A_59, %dma_start3A_68, %dma_start3A_69] : memref<2x128x128xi32, #tpu.memory_space<vmem>> -> memref<1x128x128xi32, #tpu.memory_space<vmem>>
      %dma_start3A_71 = tpu.memref_squeeze %dma_start3A_70 : memref<1x128x128xi32, #tpu.memory_space<vmem>> -> memref<128x128xi32, #tpu.memory_space<vmem>>
      tpu.enqueue_dma source(%dma_start3A_71 : memref<128x128xi32, #tpu.memory_space<vmem>>) target(%dma_start3A_67 : memref<128x128xi32, #tpu.memory_space<hbm>>) target_semaphore(%arg9 : memref<!tpu.dma_semaphore, #tpu.memory_space<semaphore_mem>>)
      %mul3A_72 = arith.constant 2 : i32
      %mul3A_73 = arith.muli %scan3A_33, %mul3A_72 : i32
      %add3A_74 = arith.constant 1 : i32
      %add3A_75 = arith.addi %mul3A_73, %add3A_74 : i32
      %dma_wait3A_76 = arith.constant 1 : i32
      %dma_wait3A_77 = arith.constant 0 : i32
      %dma_wait3A_78 = arith.constant 0 : i32
      %dma_wait3A_79 = tpu.memref_slice %arg6[%dma_wait3A_76, %dma_wait3A_77, %dma_wait3A_78] : memref<2x128x128xi32, #tpu.memory_space<vmem>> -> memref<1x128x128xi32, #tpu.memory_space<vmem>>
      %dma_wait3A_80 = tpu.memref_squeeze %dma_wait3A_79 : memref<1x128x128xi32, #tpu.memory_space<vmem>> -> memref<128x128xi32, #tpu.memory_space<vmem>>
      %dma_wait3A_81 = arith.constant 0 : i32
      %dma_wait3A_82 = tpu.memref_slice %arg5[%dma_wait3A_81] : memref<1536xi32, #tpu.memory_space<vmem>> -> memref<128xi32, #tpu.memory_space<vmem>>
      %dma_wait3A_83 = arith.constant 0 : i32
      %dma_wait3A_84 = arith.constant 0 : i32
      %dma_wait3A_85 = tpu.memref_slice %arg2[%dma_wait3A_83, %dma_wait3A_84] : memref<100000x128xi32, #tpu.memory_space<hbm>> -> memref<100000x128xi32, #tpu.memory_space<hbm>>
      tpu.wait_indirect_dma semaphore(%arg8 : memref<!tpu.dma_semaphore, #tpu.memory_space<semaphore_mem>>) src(%dma_wait3A_85 : memref<100000x128xi32, #tpu.memory_space<hbm>>) dst(%dma_wait3A_80 : memref<128x128xi32, #tpu.memory_space<vmem>>)
      %gt3A_86 = arith.constant 0 : i32
      %gt3A_87 = arith.cmpi sgt, %add3A_75, %gt3A_86 : i32
      %convert_element_type3A_88 = arith.extui %gt3A_87 : i1 to i32
      %cond3A_89 = arith.constant 0 : i32
      %cond3A_90 = arith.cmpi ne, %convert_element_type3A_88, %cond3A_89 : i32
      scf.if %cond3A_90 {
        %dma_wait3A_114 = arith.constant 0 : i32
        %dma_wait3A_115 = arith.constant 0 : i32
        %dma_wait3A_116 = arith.constant 0 : i32
        %dma_wait3A_117 = tpu.memref_slice %arg6[%dma_wait3A_114, %dma_wait3A_115, %dma_wait3A_116] : memref<2x128x128xi32, #tpu.memory_space<vmem>> -> memref<1x128x128xi32, #tpu.memory_space<vmem>>
        %dma_wait3A_118 = tpu.memref_squeeze %dma_wait3A_117 : memref<1x128x128xi32, #tpu.memory_space<vmem>> -> memref<128x128xi32, #tpu.memory_space<vmem>>
        %dma_wait3A_119 = arith.constant 0 : i32
        %dma_wait3A_120 = arith.constant 0 : i32
        %dma_wait3A_121 = tpu.memref_slice %arg4[%dma_wait3A_119, %dma_wait3A_120] : memref<49152x128xi32, #tpu.memory_space<hbm>> -> memref<128x128xi32, #tpu.memory_space<hbm>>
        %dma_wait3A_122 = arith.constant 0 : i32
        %dma_wait3A_123 = arith.constant 0 : i32
        %dma_wait3A_124 = tpu.memref_slice %arg4[%dma_wait3A_122, %dma_wait3A_123] : memref<49152x128xi32, #tpu.memory_space<hbm>> -> memref<128x128xi32, #tpu.memory_space<hbm>>
        %dma_wait3A_125 = arith.constant 0 : i32
        %dma_wait3A_126 = arith.constant 0 : i32
        %dma_wait3A_127 = tpu.memref_slice %arg6[%dma_wait3A_114, %dma_wait3A_125, %dma_wait3A_126] : memref<2x128x128xi32, #tpu.memory_space<vmem>> -> memref<1x128x128xi32, #tpu.memory_space<vmem>>
        %dma_wait3A_128 = tpu.memref_squeeze %dma_wait3A_127 : memref<1x128x128xi32, #tpu.memory_space<vmem>> -> memref<128x128xi32, #tpu.memory_space<vmem>>
        tpu.wait_dma2 semaphore(%arg9 : memref<!tpu.dma_semaphore, #tpu.memory_space<semaphore_mem>>) src(%dma_wait3A_128 : memref<128x128xi32, #tpu.memory_space<vmem>>) dst(%dma_wait3A_124 : memref<128x128xi32, #tpu.memory_space<hbm>>)
      } else {
      }
      %add3A_91 = arith.constant 1 : i32
      %add3A_92 = arith.addi %add3A_75, %add3A_91 : i32
      %lt3A_93 = arith.constant 12 : i32
      %lt3A_94 = arith.cmpi slt, %add3A_92, %lt3A_93 : i32
      %convert_element_type3A_95 = arith.extui %lt3A_94 : i1 to i32
      %cond3A_96 = arith.constant 0 : i32
      %cond3A_97 = arith.cmpi ne, %convert_element_type3A_95, %cond3A_96 : i32
      scf.if %cond3A_97 {
        %add3A_114 = arith.constant 1 : i32
        %add3A_115 = arith.addi %add3A_75, %add3A_114 : i32
        %mul3A_116 = arith.constant 128 : i32
        %mul3A_117 = arith.muli %add3A_115, %mul3A_116 : i32
        %dma_start3A_118 = arith.constant 0 : i32
        %dma_start3A_119 = arith.constant 0 : i32
        %dma_start3A_120 = arith.constant 0 : i32
        %dma_start3A_121 = tpu.memref_slice %arg6[%dma_start3A_118, %dma_start3A_119, %dma_start3A_120] : memref<2x128x128xi32, #tpu.memory_space<vmem>> -> memref<1x128x128xi32, #tpu.memory_space<vmem>>
        %dma_start3A_122 = tpu.memref_squeeze %dma_start3A_121 : memref<1x128x128xi32, #tpu.memory_space<vmem>> -> memref<128x128xi32, #tpu.memory_space<vmem>>
        %dma_start3A_123 = tpu.memref_slice %arg5[%mul3A_117] : memref<1536xi32, #tpu.memory_space<vmem>> -> memref<128xi32, #tpu.memory_space<vmem>>
        %dma_start3A_124 = arith.constant 0 : i32
        %dma_start3A_125 = arith.constant 0 : i32
        %dma_start3A_126 = tpu.memref_slice %arg2[%dma_start3A_124, %dma_start3A_125] : memref<100000x128xi32, #tpu.memory_space<hbm>> -> memref<100000x128xi32, #tpu.memory_space<hbm>>
        tpu.enqueue_indirect_dma source(%dma_start3A_126 : memref<100000x128xi32, #tpu.memory_space<hbm>>) target(%dma_start3A_122 : memref<128x128xi32, #tpu.memory_space<vmem>>) offsets(%dma_start3A_123 : memref<128xi32, #tpu.memory_space<vmem>>) semaphore(%arg7 : memref<!tpu.dma_semaphore, #tpu.memory_space<semaphore_mem>>)
      } else {
      }
      %add3A_98 = arith.addi %mul3A_2, %add3A_75 : i32
      %mul3A_99 = arith.constant 128 : i32
      %mul3A_100 = arith.muli %add3A_98, %mul3A_99 : i32
      %dma_start3A_101 = arith.constant 1 : i32
      %dma_start3A_102 = arith.constant 0 : i32
      %dma_start3A_103 = arith.constant 0 : i32
      %dma_start3A_104 = tpu.memref_slice %arg6[%dma_start3A_101, %dma_start3A_102, %dma_start3A_103] : memref<2x128x128xi32, #tpu.memory_space<vmem>> -> memref<1x128x128xi32, #tpu.memory_space<vmem>>
      %dma_start3A_105 = tpu.memref_squeeze %dma_start3A_104 : memref<1x128x128xi32, #tpu.memory_space<vmem>> -> memref<128x128xi32, #tpu.memory_space<vmem>>
      %dma_start3A_106 = arith.constant 0 : i32
      %dma_start3A_107 = tpu.memref_slice %arg4[%mul3A_100, %dma_start3A_106] : memref<49152x128xi32, #tpu.memory_space<hbm>> -> memref<128x128xi32, #tpu.memory_space<hbm>>
      %dma_start3A_108 = arith.constant 0 : i32
      %dma_start3A_109 = tpu.memref_slice %arg4[%mul3A_100, %dma_start3A_108] : memref<49152x128xi32, #tpu.memory_space<hbm>> -> memref<128x128xi32, #tpu.memory_space<hbm>>
      %dma_start3A_110 = arith.constant 0 : i32
      %dma_start3A_111 = arith.constant 0 : i32
      %dma_start3A_112 = tpu.memref_slice %arg6[%dma_start3A_101, %dma_start3A_110, %dma_start3A_111] : memref<2x128x128xi32, #tpu.memory_space<vmem>> -> memref<1x128x128xi32, #tpu.memory_space<vmem>>
      %dma_start3A_113 = tpu.memref_squeeze %dma_start3A_112 : memref<1x128x128xi32, #tpu.memory_space<vmem>> -> memref<128x128xi32, #tpu.memory_space<vmem>>
      tpu.enqueue_dma source(%dma_start3A_113 : memref<128x128xi32, #tpu.memory_space<vmem>>) target(%dma_start3A_109 : memref<128x128xi32, #tpu.memory_space<hbm>>) target_semaphore(%arg10 : memref<!tpu.dma_semaphore, #tpu.memory_space<semaphore_mem>>)
    }
    %scan3A_18 = arith.constant 6 : i32
    %dma_wait3A = arith.constant 1 : i32
    %dma_wait3A_19 = arith.constant 0 : i32
    %dma_wait3A_20 = arith.constant 0 : i32
    %dma_wait3A_21 = tpu.memref_slice %arg6[%dma_wait3A, %dma_wait3A_19, %dma_wait3A_20] : memref<2x128x128xi32, #tpu.memory_space<vmem>> -> memref<1x128x128xi32, #tpu.memory_space<vmem>>
    %dma_wait3A_22 = tpu.memref_squeeze %dma_wait3A_21 : memref<1x128x128xi32, #tpu.memory_space<vmem>> -> memref<128x128xi32, #tpu.memory_space<vmem>>
    %dma_wait3A_23 = arith.constant 0 : i32
    %dma_wait3A_24 = arith.constant 0 : i32
    %dma_wait3A_25 = tpu.memref_slice %arg4[%dma_wait3A_23, %dma_wait3A_24] : memref<49152x128xi32, #tpu.memory_space<hbm>> -> memref<128x128xi32, #tpu.memory_space<hbm>>
    %dma_wait3A_26 = arith.constant 0 : i32
    %dma_wait3A_27 = arith.constant 0 : i32
    %dma_wait3A_28 = tpu.memref_slice %arg4[%dma_wait3A_26, %dma_wait3A_27] : memref<49152x128xi32, #tpu.memory_space<hbm>> -> memref<128x128xi32, #tpu.memory_space<hbm>>
    %dma_wait3A_29 = arith.constant 0 : i32
    %dma_wait3A_30 = arith.constant 0 : i32
    %dma_wait3A_31 = tpu.memref_slice %arg6[%dma_wait3A, %dma_wait3A_29, %dma_wait3A_30] : memref<2x128x128xi32, #tpu.memory_space<vmem>> -> memref<1x128x128xi32, #tpu.memory_space<vmem>>
    %dma_wait3A_32 = tpu.memref_squeeze %dma_wait3A_31 : memref<1x128x128xi32, #tpu.memory_space<vmem>> -> memref<128x128xi32, #tpu.memory_space<vmem>>
    tpu.wait_dma2 semaphore(%arg10 : memref<!tpu.dma_semaphore, #tpu.memory_space<semaphore_mem>>) src(%dma_wait3A_32 : memref<128x128xi32, #tpu.memory_space<vmem>>) dst(%dma_wait3A_28 : memref<128x128xi32, #tpu.memory_space<hbm>>)
    return
  }
}

module attributes {stable_mosaic.version = 14 : i64} {
  func.func @_tc_body(%arg0: i32, %arg1: memref<2048x128xi32, #tpu.memory_space<vmem>>, %arg2: memref<2048x128xi32, #tpu.memory_space<vmem>>, %arg3: memref<2048x384xf32, #tpu.memory_space<vmem>>, %arg4: memref<128x256xbf16, #tpu.memory_space<vmem>>, %arg5: memref<128x256xbf16, #tpu.memory_space<vmem>>, %arg6: memref<1x256xf32, #tpu.memory_space<vmem>>, %arg7: memref<128x384xbf16, #tpu.memory_space<vmem>>, %arg8: memref<128x384xbf16, #tpu.memory_space<vmem>>, %arg9: memref<1x384xf32, #tpu.memory_space<vmem>>, %arg10: memref<1x1xf32, #tpu.memory_space<vmem>>, %arg11: memref<100000x128xf32, #tpu.memory_space<any>>, %arg12: memref<100000x128xf32, #tpu.memory_space<any>>, %arg13: memref<2048x128xf32, #tpu.memory_space<vmem>>, %arg14: memref<2048x128xf32, #tpu.memory_space<vmem>>) attributes {dimension_semantics = [#tpu.dimension_semantics<arbitrary>], iteration_bounds = array<i64: 12>, scalar_prefetch = 0 : i64, scratch_operands = 0 : i64, tpu.core_type = #tpu.core_type<tc>, window_params = [{transform_indices = @transform_0, window_bounds = array<i64: 2048, 128>}, {transform_indices = @transform_1, window_bounds = array<i64: 2048, 128>}, {transform_indices = @transform_2, window_bounds = array<i64: 2048, 384>}, {pipeline_mode = #tpu.pipeline_mode<synchronous>, transform_indices = @transform_3, window_bounds = array<i64: 128, 256>}, {pipeline_mode = #tpu.pipeline_mode<synchronous>, transform_indices = @transform_4, window_bounds = array<i64: 128, 256>}, {pipeline_mode = #tpu.pipeline_mode<synchronous>, transform_indices = @transform_5, window_bounds = array<i64: 1, 256>}, {pipeline_mode = #tpu.pipeline_mode<synchronous>, transform_indices = @transform_6, window_bounds = array<i64: 128, 384>}, {pipeline_mode = #tpu.pipeline_mode<synchronous>, transform_indices = @transform_7, window_bounds = array<i64: 128, 384>}, {pipeline_mode = #tpu.pipeline_mode<synchronous>, transform_indices = @transform_8, window_bounds = array<i64: 1, 384>}, {pipeline_mode = #tpu.pipeline_mode<synchronous>, transform_indices = @transform_9, window_bounds = array<i64: 1, 1>}, {}, {}, {transform_indices = @transform_12, window_bounds = array<i64: 2048, 128>}, {transform_indices = @transform_13, window_bounds = array<i64: 2048, 128>}]} {
    %get3A = arith.constant 0 : index
    %get3A_0 = arith.constant 0 : index
    %get3A_1 = vector.load %arg1[%get3A, %get3A_0] : memref<2048x128xi32, #tpu.memory_space<vmem>>, vector<2048x128xi32>
    %get3A_2 = arith.constant 0 : index
    %get3A_3 = arith.constant 0 : index
    %get3A_4 = vector.load %arg2[%get3A_2, %get3A_3] : memref<2048x128xi32, #tpu.memory_space<vmem>>, vector<2048x128xi32>
    %shift_left3A = arith.constant 16 : i32
    %shift_left3A_5 = vector.broadcast %shift_left3A : i32 to vector<2048x128xi32>
    %shift_left3A_6 = arith.shli %get3A_1, %shift_left3A_5 : vector<2048x128xi32>
    %bitcast_convert_type3A = tpu.bitcast %shift_left3A_6 : vector<2048x128xi32> -> vector<2048x128xf32>
    %and3A = arith.constant -65536 : i32
    %and3A_7 = vector.broadcast %and3A : i32 to vector<2048x128xi32>
    %and3A_8 = arith.andi %get3A_1, %and3A_7 : vector<2048x128xi32>
    %bitcast_convert_type3A_9 = tpu.bitcast %and3A_8 : vector<2048x128xi32> -> vector<2048x128xf32>
    %shift_left3A_10 = arith.constant 16 : i32
    %shift_left3A_11 = vector.broadcast %shift_left3A_10 : i32 to vector<2048x128xi32>
    %shift_left3A_12 = arith.shli %get3A_4, %shift_left3A_11 : vector<2048x128xi32>
    %bitcast_convert_type3A_13 = tpu.bitcast %shift_left3A_12 : vector<2048x128xi32> -> vector<2048x128xf32>
    %and3A_14 = arith.constant -65536 : i32
    %and3A_15 = vector.broadcast %and3A_14 : i32 to vector<2048x128xi32>
    %and3A_16 = arith.andi %get3A_4, %and3A_15 : vector<2048x128xi32>
    %bitcast_convert_type3A_17 = tpu.bitcast %and3A_16 : vector<2048x128xi32> -> vector<2048x128xf32>
    %convert_element_type3A = arith.truncf %bitcast_convert_type3A : vector<2048x128xf32> to vector<2048x128xbf16>
    %convert_element_type3A_18 = arith.truncf %bitcast_convert_type3A_13 : vector<2048x128xf32> to vector<2048x128xbf16>
    %get3A_19 = arith.constant 0 : index
    %get3A_20 = arith.constant 0 : index
    %get3A_21 = vector.load %arg3[%get3A_19, %get3A_20] : memref<2048x384xf32, #tpu.memory_space<vmem>>, vector<2048x384xf32>
    %get3A_22 = arith.constant 0 : index
    %get3A_23 = arith.constant 0 : index
    %get3A_24 = vector.load %arg4[%get3A_22, %get3A_23] : memref<128x256xbf16, #tpu.memory_space<vmem>>, vector<128x256xbf16>
    %dot_general3A = arith.constant dense<0.000000e+00> : vector<2048x256xf32>
    %dot_general3A_25 = tpu.matmul %convert_element_type3A, %get3A_24, %dot_general3A {dimension_numbers = #tpu.dot_dimension_numbers<[1], [0], [0], [1], [0, 0, 1, 1], [], []>, transpose_lhs_hint = false} : vector<2048x128xbf16>, vector<128x256xbf16>, vector<2048x256xf32> -> vector<2048x256xf32>
    %get3A_26 = arith.constant 0 : index
    %get3A_27 = arith.constant 0 : index
    %get3A_28 = vector.load %arg5[%get3A_26, %get3A_27] : memref<128x256xbf16, #tpu.memory_space<vmem>>, vector<128x256xbf16>
    %dot_general3A_29 = arith.constant dense<0.000000e+00> : vector<2048x256xf32>
    %dot_general3A_30 = tpu.matmul %convert_element_type3A_18, %get3A_28, %dot_general3A_29 {dimension_numbers = #tpu.dot_dimension_numbers<[1], [0], [0], [1], [0, 0, 1, 1], [], []>, transpose_lhs_hint = false} : vector<2048x128xbf16>, vector<128x256xbf16>, vector<2048x256xf32> -> vector<2048x256xf32>
    %add3A = arith.addf %dot_general3A_25, %dot_general3A_30 : vector<2048x256xf32>
    %get3A_31 = arith.constant 0 : index
    %get3A_32 = arith.constant 0 : index
    %get3A_33 = vector.load %arg6[%get3A_31, %get3A_32] : memref<1x256xf32, #tpu.memory_space<vmem>>, vector<1x256xf32>
    %add3A_34 = vector.broadcast %get3A_33 : vector<1x256xf32> to vector<2048x256xf32>
    %add3A_35 = arith.addf %add3A, %add3A_34 : vector<2048x256xf32>
    %logistic3A = arith.negf %add3A_35 : vector<2048x256xf32>
    %logistic3A_36 = math.exp %logistic3A : vector<2048x256xf32>
    %logistic3A_37 = arith.constant 1.000000e+00 : f32
    %logistic3A_38 = vector.broadcast %logistic3A_37 : f32 to vector<2048x256xf32>
    %logistic3A_39 = arith.addf %logistic3A_38, %logistic3A_36 : vector<2048x256xf32>
    %logistic3A_40 = arith.divf %logistic3A_38, %logistic3A_39 : vector<2048x256xf32>
    %slice3A = vector.extract_strided_slice %logistic3A_40 {offsets = [0, 0], sizes = [2048, 128], strides = [1, 1]} : vector<2048x256xf32> to vector<2048x128xf32>
    %mul3A = arith.mulf %slice3A, %bitcast_convert_type3A_9 : vector<2048x128xf32>
    %slice3A_41 = vector.extract_strided_slice %logistic3A_40 {offsets = [0, 128], sizes = [2048, 128], strides = [1, 1]} : vector<2048x256xf32> to vector<2048x128xf32>
    %mul3A_42 = arith.mulf %slice3A_41, %bitcast_convert_type3A_17 : vector<2048x128xf32>
    %add3A_43 = arith.addf %mul3A, %mul3A_42 : vector<2048x128xf32>
    %mul3A_44 = arith.mulf %bitcast_convert_type3A, %bitcast_convert_type3A : vector<2048x128xf32>
    %mul3A_45 = arith.mulf %bitcast_convert_type3A_13, %bitcast_convert_type3A_13 : vector<2048x128xf32>
    %add3A_46 = arith.addf %mul3A_44, %mul3A_45 : vector<2048x128xf32>
    %reduce_sum3A = arith.constant dense<0.000000e+00> : vector<2048xf32>
    %reduce_sum3A_47 = vector.multi_reduction <add>, %add3A_46, %reduce_sum3A [1] : vector<2048x128xf32> to vector<2048xf32>
    %broadcast_in_dim3A = vector.shape_cast %reduce_sum3A_47 : vector<2048xf32> to vector<2048x1xf32>
    %sqrt3A = math.sqrt %broadcast_in_dim3A : vector<2048x1xf32>
    %mul3A_48 = arith.mulf %get3A_21, %get3A_21 : vector<2048x384xf32>
    %reduce_sum3A_49 = arith.constant dense<0.000000e+00> : vector<2048xf32>
    %reduce_sum3A_50 = vector.multi_reduction <add>, %mul3A_48, %reduce_sum3A_49 [1] : vector<2048x384xf32> to vector<2048xf32>
    %broadcast_in_dim3A_51 = vector.shape_cast %reduce_sum3A_50 : vector<2048xf32> to vector<2048x1xf32>
    %sqrt3A_52 = math.sqrt %broadcast_in_dim3A_51 : vector<2048x1xf32>
    %max3A = arith.constant 9.99999996E-13 : f32
    %max3A_53 = vector.broadcast %max3A : f32 to vector<2048x1xf32>
    %max3A_54 = arith.maximumf %sqrt3A, %max3A_53 : vector<2048x1xf32>
    %div3A = arith.divf %sqrt3A_52, %max3A_54 : vector<2048x1xf32>
    %get3A_55 = arith.constant 0 : index
    %get3A_56 = arith.constant 0 : index
    %get3A_57 = vector.load %arg7[%get3A_55, %get3A_56] : memref<128x384xbf16, #tpu.memory_space<vmem>>, vector<128x384xbf16>
    %dot_general3A_58 = arith.constant dense<0.000000e+00> : vector<2048x384xf32>
    %dot_general3A_59 = tpu.matmul %convert_element_type3A, %get3A_57, %dot_general3A_58 {dimension_numbers = #tpu.dot_dimension_numbers<[1], [0], [0], [1], [0, 0, 1, 1], [], []>, transpose_lhs_hint = false} : vector<2048x128xbf16>, vector<128x384xbf16>, vector<2048x384xf32> -> vector<2048x384xf32>
    %get3A_60 = arith.constant 0 : index
    %get3A_61 = arith.constant 0 : index
    %get3A_62 = vector.load %arg8[%get3A_60, %get3A_61] : memref<128x384xbf16, #tpu.memory_space<vmem>>, vector<128x384xbf16>
    %dot_general3A_63 = arith.constant dense<0.000000e+00> : vector<2048x384xf32>
    %dot_general3A_64 = tpu.matmul %convert_element_type3A_18, %get3A_62, %dot_general3A_63 {dimension_numbers = #tpu.dot_dimension_numbers<[1], [0], [0], [1], [0, 0, 1, 1], [], []>, transpose_lhs_hint = false} : vector<2048x128xbf16>, vector<128x384xbf16>, vector<2048x384xf32> -> vector<2048x384xf32>
    %add3A_65 = arith.addf %dot_general3A_59, %dot_general3A_64 : vector<2048x384xf32>
    %mul3A_66 = vector.broadcast %div3A : vector<2048x1xf32> to vector<2048x384xf32>
    %mul3A_67 = arith.mulf %mul3A_66, %add3A_65 : vector<2048x384xf32>
    %get3A_68 = arith.constant 0 : index
    %get3A_69 = arith.constant 0 : index
    %get3A_70 = vector.load %arg9[%get3A_68, %get3A_69] : memref<1x384xf32, #tpu.memory_space<vmem>>, vector<1x384xf32>
    %add3A_71 = vector.broadcast %get3A_70 : vector<1x384xf32> to vector<2048x384xf32>
    %add3A_72 = arith.addf %mul3A_67, %add3A_71 : vector<2048x384xf32>
    %mul3A_73 = arith.mulf %add3A_43, %add3A_43 : vector<2048x128xf32>
    %reduce_sum3A_74 = arith.constant dense<0.000000e+00> : vector<2048xf32>
    %reduce_sum3A_75 = vector.multi_reduction <add>, %mul3A_73, %reduce_sum3A_74 [1] : vector<2048x128xf32> to vector<2048xf32>
    %broadcast_in_dim3A_76 = vector.shape_cast %reduce_sum3A_75 : vector<2048xf32> to vector<2048x1xf32>
    %sqrt3A_77 = math.sqrt %broadcast_in_dim3A_76 : vector<2048x1xf32>
    %mul3A_78 = arith.mulf %bitcast_convert_type3A_9, %bitcast_convert_type3A_9 : vector<2048x128xf32>
    %reduce_sum3A_79 = arith.constant dense<0.000000e+00> : vector<2048xf32>
    %reduce_sum3A_80 = vector.multi_reduction <add>, %mul3A_78, %reduce_sum3A_79 [1] : vector<2048x128xf32> to vector<2048xf32>
    %broadcast_in_dim3A_81 = vector.shape_cast %reduce_sum3A_80 : vector<2048xf32> to vector<2048x1xf32>
    %sqrt3A_82 = math.sqrt %broadcast_in_dim3A_81 : vector<2048x1xf32>
    %get3A_83 = arith.constant 0 : index
    %get3A_84 = arith.constant 0 : index
    %get3A_85 = vector.load %arg10[%get3A_83, %get3A_84] : memref<1x1xf32, #tpu.memory_space<vmem>>, vector<1x1xf32>
    %get3A_86 = vector.extract %get3A_85[0, 0] : f32 from vector<1x1xf32>
    %mul3A_87 = vector.broadcast %get3A_86 : f32 to vector<2048x1xf32>
    %mul3A_88 = arith.mulf %sqrt3A_82, %mul3A_87 : vector<2048x1xf32>
    %max3A_89 = arith.constant 9.99999996E-13 : f32
    %max3A_90 = vector.broadcast %max3A_89 : f32 to vector<2048x1xf32>
    %max3A_91 = arith.maximumf %sqrt3A_77, %max3A_90 : vector<2048x1xf32>
    %div3A_92 = arith.divf %mul3A_88, %max3A_91 : vector<2048x1xf32>
    %mul3A_93 = vector.broadcast %div3A_92 : vector<2048x1xf32> to vector<2048x128xf32>
    %mul3A_94 = arith.mulf %add3A_43, %mul3A_93 : vector<2048x128xf32>
    %slice3A_95 = vector.extract_strided_slice %add3A_72 {offsets = [0, 0], sizes = [2048, 128], strides = [1, 1]} : vector<2048x384xf32> to vector<2048x128xf32>
    %logistic3A_96 = arith.negf %slice3A_95 : vector<2048x128xf32>
    %logistic3A_97 = math.exp %logistic3A_96 : vector<2048x128xf32>
    %logistic3A_98 = arith.constant 1.000000e+00 : f32
    %logistic3A_99 = vector.broadcast %logistic3A_98 : f32 to vector<2048x128xf32>
    %logistic3A_100 = arith.addf %logistic3A_99, %logistic3A_97 : vector<2048x128xf32>
    %logistic3A_101 = arith.divf %logistic3A_99, %logistic3A_100 : vector<2048x128xf32>
    %slice3A_102 = vector.extract_strided_slice %add3A_72 {offsets = [0, 128], sizes = [2048, 128], strides = [1, 1]} : vector<2048x384xf32> to vector<2048x128xf32>
    %logistic3A_103 = arith.negf %slice3A_102 : vector<2048x128xf32>
    %logistic3A_104 = math.exp %logistic3A_103 : vector<2048x128xf32>
    %logistic3A_105 = arith.constant 1.000000e+00 : f32
    %logistic3A_106 = vector.broadcast %logistic3A_105 : f32 to vector<2048x128xf32>
    %logistic3A_107 = arith.addf %logistic3A_106, %logistic3A_104 : vector<2048x128xf32>
    %logistic3A_108 = arith.divf %logistic3A_106, %logistic3A_107 : vector<2048x128xf32>
    %slice3A_109 = vector.extract_strided_slice %add3A_72 {offsets = [0, 256], sizes = [2048, 128], strides = [1, 1]} : vector<2048x384xf32> to vector<2048x128xf32>
    %tanh3A = math.tanh %slice3A_109 : vector<2048x128xf32>
    %mul3A_110 = arith.mulf %logistic3A_101, %tanh3A : vector<2048x128xf32>
    %add3A_111 = arith.addf %mul3A_110, %mul3A_94 : vector<2048x128xf32>
    %tanh3A_112 = math.tanh %add3A_111 : vector<2048x128xf32>
    %mul3A_113 = arith.mulf %logistic3A_108, %tanh3A_112 : vector<2048x128xf32>
    %swap3A = arith.constant 0 : index
    %swap3A_114 = arith.constant 0 : index
    %swap3A_115 = vector.load %arg13[%swap3A, %swap3A_114] : memref<2048x128xf32, #tpu.memory_space<vmem>>, vector<2048x128xf32>
    tpu.vector_store %arg13[%swap3A, %swap3A_114], %mul3A_113 {strides = array<i32>} : memref<2048x128xf32, #tpu.memory_space<vmem>>, vector<2048x128xf32>,
    %swap3A_116 = arith.constant 0 : index
    %swap3A_117 = arith.constant 0 : index
    %swap3A_118 = vector.load %arg14[%swap3A_116, %swap3A_117] : memref<2048x128xf32, #tpu.memory_space<vmem>>, vector<2048x128xf32>
    tpu.vector_store %arg14[%swap3A_116, %swap3A_117], %add3A_111 {strides = array<i32>} : memref<2048x128xf32, #tpu.memory_space<vmem>>, vector<2048x128xf32>,
    return
  }
  func.func @transform_0(%arg0: i32) -> (i32, i32) {
    %c0_i32 = arith.constant 0 : i32
    %c0_i32_0 = arith.constant 0 : i32
    return %arg0, %c0_i32 : i32, i32
  }
  func.func @transform_1(%arg0: i32) -> (i32, i32) {
    %add3A = arith.constant 12 : i32
    %add3A_0 = arith.addi %arg0, %add3A : i32
    %c0_i32 = arith.constant 0 : i32
    %c0_i32_1 = arith.constant 0 : i32
    return %add3A_0, %c0_i32 : i32, i32
  }
  func.func @transform_2(%arg0: i32) -> (i32, i32) {
    %add3A = arith.constant 12 : i32
    %add3A_0 = arith.addi %arg0, %add3A : i32
    %c0_i32 = arith.constant 0 : i32
    %c0_i32_1 = arith.constant 0 : i32
    return %add3A_0, %c0_i32 : i32, i32
  }
  func.func @transform_3(%arg0: i32) -> (i32, i32) {
    %c0_i32 = arith.constant 0 : i32
    %c0_i32_0 = arith.constant 0 : i32
    %c0_i32_1 = arith.constant 0 : i32
    return %c0_i32, %c0_i32_0 : i32, i32
  }
  func.func @transform_4(%arg0: i32) -> (i32, i32) {
    %c0_i32 = arith.constant 0 : i32
    %c0_i32_0 = arith.constant 0 : i32
    %c0_i32_1 = arith.constant 0 : i32
    return %c0_i32, %c0_i32_0 : i32, i32
  }
  func.func @transform_5(%arg0: i32) -> (i32, i32) {
    %c0_i32 = arith.constant 0 : i32
    %c0_i32_0 = arith.constant 0 : i32
    %c0_i32_1 = arith.constant 0 : i32
    return %c0_i32, %c0_i32_0 : i32, i32
  }
  func.func @transform_6(%arg0: i32) -> (i32, i32) {
    %c0_i32 = arith.constant 0 : i32
    %c0_i32_0 = arith.constant 0 : i32
    %c0_i32_1 = arith.constant 0 : i32
    return %c0_i32, %c0_i32_0 : i32, i32
  }
  func.func @transform_7(%arg0: i32) -> (i32, i32) {
    %c0_i32 = arith.constant 0 : i32
    %c0_i32_0 = arith.constant 0 : i32
    %c0_i32_1 = arith.constant 0 : i32
    return %c0_i32, %c0_i32_0 : i32, i32
  }
  func.func @transform_8(%arg0: i32) -> (i32, i32) {
    %c0_i32 = arith.constant 0 : i32
    %c0_i32_0 = arith.constant 0 : i32
    %c0_i32_1 = arith.constant 0 : i32
    return %c0_i32, %c0_i32_0 : i32, i32
  }
  func.func @transform_9(%arg0: i32) -> (i32, i32) {
    %c0_i32 = arith.constant 0 : i32
    %c0_i32_0 = arith.constant 0 : i32
    %c0_i32_1 = arith.constant 0 : i32
    return %c0_i32, %c0_i32_0 : i32, i32
  }
  func.func @transform_12(%arg0: i32) -> (i32, i32) {
    %add3A = arith.constant 12 : i32
    %add3A_0 = arith.addi %arg0, %add3A : i32
    %c0_i32 = arith.constant 0 : i32
    %c0_i32_1 = arith.constant 0 : i32
    return %add3A_0, %c0_i32 : i32, i32
  }
  func.func @transform_13(%arg0: i32) -> (i32, i32) {
    %add3A = arith.constant 12 : i32
    %add3A_0 = arith.addi %arg0, %add3A : i32
    %c0_i32 = arith.constant 0 : i32
    %c0_i32_1 = arith.constant 0 : i32
    return %add3A_0, %c0_i32 : i32, i32
  }
}

module attributes {stable_mosaic.version = 14 : i64} {
  func.func @_tc_body(%arg0: i32, %arg1: memref<2048x128xi32, #tpu.memory_space<vmem>>, %arg2: memref<2048x128xi32, #tpu.memory_space<vmem>>, %arg3: memref<2048x384xf32, #tpu.memory_space<vmem>>, %arg4: memref<128x256xbf16, #tpu.memory_space<vmem>>, %arg5: memref<128x256xbf16, #tpu.memory_space<vmem>>, %arg6: memref<1x256xf32, #tpu.memory_space<vmem>>, %arg7: memref<128x384xbf16, #tpu.memory_space<vmem>>, %arg8: memref<128x384xbf16, #tpu.memory_space<vmem>>, %arg9: memref<1x384xf32, #tpu.memory_space<vmem>>, %arg10: memref<1x1xf32, #tpu.memory_space<vmem>>, %arg11: memref<8x128xf32, #tpu.memory_space<any>>, %arg12: memref<8x128xf32, #tpu.memory_space<any>>, %arg13: memref<2048x128xf32, #tpu.memory_space<vmem>>, %arg14: memref<2048x128xf32, #tpu.memory_space<vmem>>) attributes {dimension_semantics = [#tpu.dimension_semantics<arbitrary>], iteration_bounds = array<i64: 12>, scalar_prefetch = 0 : i64, scratch_operands = 0 : i64, tpu.core_type = #tpu.core_type<tc>, window_params = [{transform_indices = @transform_0, window_bounds = array<i64: 2048, 128>}, {transform_indices = @transform_1, window_bounds = array<i64: 2048, 128>}, {transform_indices = @transform_2, window_bounds = array<i64: 2048, 384>}, {pipeline_mode = #tpu.pipeline_mode<synchronous>, transform_indices = @transform_3, window_bounds = array<i64: 128, 256>}, {pipeline_mode = #tpu.pipeline_mode<synchronous>, transform_indices = @transform_4, window_bounds = array<i64: 128, 256>}, {pipeline_mode = #tpu.pipeline_mode<synchronous>, transform_indices = @transform_5, window_bounds = array<i64: 1, 256>}, {pipeline_mode = #tpu.pipeline_mode<synchronous>, transform_indices = @transform_6, window_bounds = array<i64: 128, 384>}, {pipeline_mode = #tpu.pipeline_mode<synchronous>, transform_indices = @transform_7, window_bounds = array<i64: 128, 384>}, {pipeline_mode = #tpu.pipeline_mode<synchronous>, transform_indices = @transform_8, window_bounds = array<i64: 1, 384>}, {pipeline_mode = #tpu.pipeline_mode<synchronous>, transform_indices = @transform_9, window_bounds = array<i64: 1, 1>}, {}, {}, {transform_indices = @transform_12, window_bounds = array<i64: 2048, 128>}, {transform_indices = @transform_13, window_bounds = array<i64: 2048, 128>}]} {
    %get3A = arith.constant 0 : index
    %get3A_0 = arith.constant 0 : index
    %get3A_1 = vector.load %arg1[%get3A, %get3A_0] : memref<2048x128xi32, #tpu.memory_space<vmem>>, vector<2048x128xi32>
    %get3A_2 = arith.constant 0 : index
    %get3A_3 = arith.constant 0 : index
    %get3A_4 = vector.load %arg2[%get3A_2, %get3A_3] : memref<2048x128xi32, #tpu.memory_space<vmem>>, vector<2048x128xi32>
    %shift_left3A = arith.constant 16 : i32
    %shift_left3A_5 = vector.broadcast %shift_left3A : i32 to vector<2048x128xi32>
    %shift_left3A_6 = arith.shli %get3A_1, %shift_left3A_5 : vector<2048x128xi32>
    %bitcast_convert_type3A = tpu.bitcast %shift_left3A_6 : vector<2048x128xi32> -> vector<2048x128xf32>
    %and3A = arith.constant -65536 : i32
    %and3A_7 = vector.broadcast %and3A : i32 to vector<2048x128xi32>
    %and3A_8 = arith.andi %get3A_1, %and3A_7 : vector<2048x128xi32>
    %bitcast_convert_type3A_9 = tpu.bitcast %and3A_8 : vector<2048x128xi32> -> vector<2048x128xf32>
    %shift_left3A_10 = arith.constant 16 : i32
    %shift_left3A_11 = vector.broadcast %shift_left3A_10 : i32 to vector<2048x128xi32>
    %shift_left3A_12 = arith.shli %get3A_4, %shift_left3A_11 : vector<2048x128xi32>
    %bitcast_convert_type3A_13 = tpu.bitcast %shift_left3A_12 : vector<2048x128xi32> -> vector<2048x128xf32>
    %and3A_14 = arith.constant -65536 : i32
    %and3A_15 = vector.broadcast %and3A_14 : i32 to vector<2048x128xi32>
    %and3A_16 = arith.andi %get3A_4, %and3A_15 : vector<2048x128xi32>
    %bitcast_convert_type3A_17 = tpu.bitcast %and3A_16 : vector<2048x128xi32> -> vector<2048x128xf32>
    %convert_element_type3A = arith.truncf %bitcast_convert_type3A : vector<2048x128xf32> to vector<2048x128xbf16>
    %convert_element_type3A_18 = arith.truncf %bitcast_convert_type3A_13 : vector<2048x128xf32> to vector<2048x128xbf16>
    %get3A_19 = arith.constant 0 : index
    %get3A_20 = arith.constant 0 : index
    %get3A_21 = vector.load %arg3[%get3A_19, %get3A_20] : memref<2048x384xf32, #tpu.memory_space<vmem>>, vector<2048x384xf32>
    %get3A_22 = arith.constant 0 : index
    %get3A_23 = arith.constant 0 : index
    %get3A_24 = vector.load %arg4[%get3A_22, %get3A_23] : memref<128x256xbf16, #tpu.memory_space<vmem>>, vector<128x256xbf16>
    %dot_general3A = arith.constant dense<0.000000e+00> : vector<2048x256xf32>
    %dot_general3A_25 = tpu.matmul %convert_element_type3A, %get3A_24, %dot_general3A {dimension_numbers = #tpu.dot_dimension_numbers<[1], [0], [0], [1], [0, 0, 1, 1], [], []>, transpose_lhs_hint = false} : vector<2048x128xbf16>, vector<128x256xbf16>, vector<2048x256xf32> -> vector<2048x256xf32>
    %get3A_26 = arith.constant 0 : index
    %get3A_27 = arith.constant 0 : index
    %get3A_28 = vector.load %arg5[%get3A_26, %get3A_27] : memref<128x256xbf16, #tpu.memory_space<vmem>>, vector<128x256xbf16>
    %dot_general3A_29 = arith.constant dense<0.000000e+00> : vector<2048x256xf32>
    %dot_general3A_30 = tpu.matmul %convert_element_type3A_18, %get3A_28, %dot_general3A_29 {dimension_numbers = #tpu.dot_dimension_numbers<[1], [0], [0], [1], [0, 0, 1, 1], [], []>, transpose_lhs_hint = false} : vector<2048x128xbf16>, vector<128x256xbf16>, vector<2048x256xf32> -> vector<2048x256xf32>
    %add3A = arith.addf %dot_general3A_25, %dot_general3A_30 : vector<2048x256xf32>
    %get3A_31 = arith.constant 0 : index
    %get3A_32 = arith.constant 0 : index
    %get3A_33 = vector.load %arg6[%get3A_31, %get3A_32] : memref<1x256xf32, #tpu.memory_space<vmem>>, vector<1x256xf32>
    %add3A_34 = vector.broadcast %get3A_33 : vector<1x256xf32> to vector<2048x256xf32>
    %add3A_35 = arith.addf %add3A, %add3A_34 : vector<2048x256xf32>
    %logistic3A = arith.negf %add3A_35 : vector<2048x256xf32>
    %logistic3A_36 = math.exp %logistic3A : vector<2048x256xf32>
    %logistic3A_37 = arith.constant 1.000000e+00 : f32
    %logistic3A_38 = vector.broadcast %logistic3A_37 : f32 to vector<2048x256xf32>
    %logistic3A_39 = arith.addf %logistic3A_38, %logistic3A_36 : vector<2048x256xf32>
    %logistic3A_40 = arith.divf %logistic3A_38, %logistic3A_39 : vector<2048x256xf32>
    %slice3A = vector.extract_strided_slice %logistic3A_40 {offsets = [0, 0], sizes = [2048, 128], strides = [1, 1]} : vector<2048x256xf32> to vector<2048x128xf32>
    %mul3A = arith.mulf %slice3A, %bitcast_convert_type3A_9 : vector<2048x128xf32>
    %slice3A_41 = vector.extract_strided_slice %logistic3A_40 {offsets = [0, 128], sizes = [2048, 128], strides = [1, 1]} : vector<2048x256xf32> to vector<2048x128xf32>
    %mul3A_42 = arith.mulf %slice3A_41, %bitcast_convert_type3A_17 : vector<2048x128xf32>
    %add3A_43 = arith.addf %mul3A, %mul3A_42 : vector<2048x128xf32>
    %mul3A_44 = arith.mulf %bitcast_convert_type3A, %bitcast_convert_type3A : vector<2048x128xf32>
    %mul3A_45 = arith.mulf %bitcast_convert_type3A_13, %bitcast_convert_type3A_13 : vector<2048x128xf32>
    %add3A_46 = arith.addf %mul3A_44, %mul3A_45 : vector<2048x128xf32>
    %reduce_sum3A = arith.constant dense<0.000000e+00> : vector<2048xf32>
    %reduce_sum3A_47 = vector.multi_reduction <add>, %add3A_46, %reduce_sum3A [1] : vector<2048x128xf32> to vector<2048xf32>
    %broadcast_in_dim3A = vector.shape_cast %reduce_sum3A_47 : vector<2048xf32> to vector<2048x1xf32>
    %sqrt3A = math.sqrt %broadcast_in_dim3A : vector<2048x1xf32>
    %mul3A_48 = arith.mulf %get3A_21, %get3A_21 : vector<2048x384xf32>
    %reduce_sum3A_49 = arith.constant dense<0.000000e+00> : vector<2048xf32>
    %reduce_sum3A_50 = vector.multi_reduction <add>, %mul3A_48, %reduce_sum3A_49 [1] : vector<2048x384xf32> to vector<2048xf32>
    %broadcast_in_dim3A_51 = vector.shape_cast %reduce_sum3A_50 : vector<2048xf32> to vector<2048x1xf32>
    %sqrt3A_52 = math.sqrt %broadcast_in_dim3A_51 : vector<2048x1xf32>
    %max3A = arith.constant 9.99999996E-13 : f32
    %max3A_53 = vector.broadcast %max3A : f32 to vector<2048x1xf32>
    %max3A_54 = arith.maximumf %sqrt3A, %max3A_53 : vector<2048x1xf32>
    %div3A = arith.divf %sqrt3A_52, %max3A_54 : vector<2048x1xf32>
    %get3A_55 = arith.constant 0 : index
    %get3A_56 = arith.constant 0 : index
    %get3A_57 = vector.load %arg7[%get3A_55, %get3A_56] : memref<128x384xbf16, #tpu.memory_space<vmem>>, vector<128x384xbf16>
    %dot_general3A_58 = arith.constant dense<0.000000e+00> : vector<2048x384xf32>
    %dot_general3A_59 = tpu.matmul %convert_element_type3A, %get3A_57, %dot_general3A_58 {dimension_numbers = #tpu.dot_dimension_numbers<[1], [0], [0], [1], [0, 0, 1, 1], [], []>, transpose_lhs_hint = false} : vector<2048x128xbf16>, vector<128x384xbf16>, vector<2048x384xf32> -> vector<2048x384xf32>
    %get3A_60 = arith.constant 0 : index
    %get3A_61 = arith.constant 0 : index
    %get3A_62 = vector.load %arg8[%get3A_60, %get3A_61] : memref<128x384xbf16, #tpu.memory_space<vmem>>, vector<128x384xbf16>
    %dot_general3A_63 = arith.constant dense<0.000000e+00> : vector<2048x384xf32>
    %dot_general3A_64 = tpu.matmul %convert_element_type3A_18, %get3A_62, %dot_general3A_63 {dimension_numbers = #tpu.dot_dimension_numbers<[1], [0], [0], [1], [0, 0, 1, 1], [], []>, transpose_lhs_hint = false} : vector<2048x128xbf16>, vector<128x384xbf16>, vector<2048x384xf32> -> vector<2048x384xf32>
    %add3A_65 = arith.addf %dot_general3A_59, %dot_general3A_64 : vector<2048x384xf32>
    %mul3A_66 = vector.broadcast %div3A : vector<2048x1xf32> to vector<2048x384xf32>
    %mul3A_67 = arith.mulf %mul3A_66, %add3A_65 : vector<2048x384xf32>
    %get3A_68 = arith.constant 0 : index
    %get3A_69 = arith.constant 0 : index
    %get3A_70 = vector.load %arg9[%get3A_68, %get3A_69] : memref<1x384xf32, #tpu.memory_space<vmem>>, vector<1x384xf32>
    %add3A_71 = vector.broadcast %get3A_70 : vector<1x384xf32> to vector<2048x384xf32>
    %add3A_72 = arith.addf %mul3A_67, %add3A_71 : vector<2048x384xf32>
    %mul3A_73 = arith.mulf %add3A_43, %add3A_43 : vector<2048x128xf32>
    %reduce_sum3A_74 = arith.constant dense<0.000000e+00> : vector<2048xf32>
    %reduce_sum3A_75 = vector.multi_reduction <add>, %mul3A_73, %reduce_sum3A_74 [1] : vector<2048x128xf32> to vector<2048xf32>
    %broadcast_in_dim3A_76 = vector.shape_cast %reduce_sum3A_75 : vector<2048xf32> to vector<2048x1xf32>
    %sqrt3A_77 = math.sqrt %broadcast_in_dim3A_76 : vector<2048x1xf32>
    %mul3A_78 = arith.mulf %bitcast_convert_type3A_9, %bitcast_convert_type3A_9 : vector<2048x128xf32>
    %reduce_sum3A_79 = arith.constant dense<0.000000e+00> : vector<2048xf32>
    %reduce_sum3A_80 = vector.multi_reduction <add>, %mul3A_78, %reduce_sum3A_79 [1] : vector<2048x128xf32> to vector<2048xf32>
    %broadcast_in_dim3A_81 = vector.shape_cast %reduce_sum3A_80 : vector<2048xf32> to vector<2048x1xf32>
    %sqrt3A_82 = math.sqrt %broadcast_in_dim3A_81 : vector<2048x1xf32>
    %get3A_83 = arith.constant 0 : index
    %get3A_84 = arith.constant 0 : index
    %get3A_85 = vector.load %arg10[%get3A_83, %get3A_84] : memref<1x1xf32, #tpu.memory_space<vmem>>, vector<1x1xf32>
    %get3A_86 = vector.extract %get3A_85[0, 0] : f32 from vector<1x1xf32>
    %mul3A_87 = vector.broadcast %get3A_86 : f32 to vector<2048x1xf32>
    %mul3A_88 = arith.mulf %sqrt3A_82, %mul3A_87 : vector<2048x1xf32>
    %max3A_89 = arith.constant 9.99999996E-13 : f32
    %max3A_90 = vector.broadcast %max3A_89 : f32 to vector<2048x1xf32>
    %max3A_91 = arith.maximumf %sqrt3A_77, %max3A_90 : vector<2048x1xf32>
    %div3A_92 = arith.divf %mul3A_88, %max3A_91 : vector<2048x1xf32>
    %mul3A_93 = vector.broadcast %div3A_92 : vector<2048x1xf32> to vector<2048x128xf32>
    %mul3A_94 = arith.mulf %add3A_43, %mul3A_93 : vector<2048x128xf32>
    %slice3A_95 = vector.extract_strided_slice %add3A_72 {offsets = [0, 0], sizes = [2048, 128], strides = [1, 1]} : vector<2048x384xf32> to vector<2048x128xf32>
    %logistic3A_96 = arith.negf %slice3A_95 : vector<2048x128xf32>
    %logistic3A_97 = math.exp %logistic3A_96 : vector<2048x128xf32>
    %logistic3A_98 = arith.constant 1.000000e+00 : f32
    %logistic3A_99 = vector.broadcast %logistic3A_98 : f32 to vector<2048x128xf32>
    %logistic3A_100 = arith.addf %logistic3A_99, %logistic3A_97 : vector<2048x128xf32>
    %logistic3A_101 = arith.divf %logistic3A_99, %logistic3A_100 : vector<2048x128xf32>
    %slice3A_102 = vector.extract_strided_slice %add3A_72 {offsets = [0, 128], sizes = [2048, 128], strides = [1, 1]} : vector<2048x384xf32> to vector<2048x128xf32>
    %logistic3A_103 = arith.negf %slice3A_102 : vector<2048x128xf32>
    %logistic3A_104 = math.exp %logistic3A_103 : vector<2048x128xf32>
    %logistic3A_105 = arith.constant 1.000000e+00 : f32
    %logistic3A_106 = vector.broadcast %logistic3A_105 : f32 to vector<2048x128xf32>
    %logistic3A_107 = arith.addf %logistic3A_106, %logistic3A_104 : vector<2048x128xf32>
    %logistic3A_108 = arith.divf %logistic3A_106, %logistic3A_107 : vector<2048x128xf32>
    %slice3A_109 = vector.extract_strided_slice %add3A_72 {offsets = [0, 256], sizes = [2048, 128], strides = [1, 1]} : vector<2048x384xf32> to vector<2048x128xf32>
    %tanh3A = math.tanh %slice3A_109 : vector<2048x128xf32>
    %mul3A_110 = arith.mulf %logistic3A_101, %tanh3A : vector<2048x128xf32>
    %add3A_111 = arith.addf %mul3A_110, %mul3A_94 : vector<2048x128xf32>
    %tanh3A_112 = math.tanh %add3A_111 : vector<2048x128xf32>
    %mul3A_113 = arith.mulf %logistic3A_108, %tanh3A_112 : vector<2048x128xf32>
    %swap3A = arith.constant 0 : index
    %swap3A_114 = arith.constant 0 : index
    %swap3A_115 = vector.load %arg13[%swap3A, %swap3A_114] : memref<2048x128xf32, #tpu.memory_space<vmem>>, vector<2048x128xf32>
    tpu.vector_store %arg13[%swap3A, %swap3A_114], %mul3A_113 {strides = array<i32>} : memref<2048x128xf32, #tpu.memory_space<vmem>>, vector<2048x128xf32>,
    %swap3A_116 = arith.constant 0 : index
    %swap3A_117 = arith.constant 0 : index
    %swap3A_118 = vector.load %arg14[%swap3A_116, %swap3A_117] : memref<2048x128xf32, #tpu.memory_space<vmem>>, vector<2048x128xf32>
    tpu.vector_store %arg14[%swap3A_116, %swap3A_117], %add3A_111 {strides = array<i32>} : memref<2048x128xf32, #tpu.memory_space<vmem>>, vector<2048x128xf32>,
    return
  }
  func.func @transform_0(%arg0: i32) -> (i32, i32) {
    %c0_i32 = arith.constant 0 : i32
    %c0_i32_0 = arith.constant 0 : i32
    return %arg0, %c0_i32 : i32, i32
  }
  func.func @transform_1(%arg0: i32) -> (i32, i32) {
    %add3A = arith.constant 12 : i32
    %add3A_0 = arith.addi %arg0, %add3A : i32
    %c0_i32 = arith.constant 0 : i32
    %c0_i32_1 = arith.constant 0 : i32
    return %add3A_0, %c0_i32 : i32, i32
  }
  func.func @transform_2(%arg0: i32) -> (i32, i32) {
    %add3A = arith.constant 0 : i32
    %add3A_0 = arith.addi %arg0, %add3A : i32
    %c0_i32 = arith.constant 0 : i32
    %c0_i32_1 = arith.constant 0 : i32
    return %add3A_0, %c0_i32 : i32, i32
  }
  func.func @transform_3(%arg0: i32) -> (i32, i32) {
    %c0_i32 = arith.constant 0 : i32
    %c0_i32_0 = arith.constant 0 : i32
    %c0_i32_1 = arith.constant 0 : i32
    return %c0_i32, %c0_i32_0 : i32, i32
  }
  func.func @transform_4(%arg0: i32) -> (i32, i32) {
    %c0_i32 = arith.constant 0 : i32
    %c0_i32_0 = arith.constant 0 : i32
    %c0_i32_1 = arith.constant 0 : i32
    return %c0_i32, %c0_i32_0 : i32, i32
  }
  func.func @transform_5(%arg0: i32) -> (i32, i32) {
    %c0_i32 = arith.constant 0 : i32
    %c0_i32_0 = arith.constant 0 : i32
    %c0_i32_1 = arith.constant 0 : i32
    return %c0_i32, %c0_i32_0 : i32, i32
  }
  func.func @transform_6(%arg0: i32) -> (i32, i32) {
    %c0_i32 = arith.constant 0 : i32
    %c0_i32_0 = arith.constant 0 : i32
    %c0_i32_1 = arith.constant 0 : i32
    return %c0_i32, %c0_i32_0 : i32, i32
  }
  func.func @transform_7(%arg0: i32) -> (i32, i32) {
    %c0_i32 = arith.constant 0 : i32
    %c0_i32_0 = arith.constant 0 : i32
    %c0_i32_1 = arith.constant 0 : i32
    return %c0_i32, %c0_i32_0 : i32, i32
  }
  func.func @transform_8(%arg0: i32) -> (i32, i32) {
    %c0_i32 = arith.constant 0 : i32
    %c0_i32_0 = arith.constant 0 : i32
    %c0_i32_1 = arith.constant 0 : i32
    return %c0_i32, %c0_i32_0 : i32, i32
  }
  func.func @transform_9(%arg0: i32) -> (i32, i32) {
    %c0_i32 = arith.constant 0 : i32
    %c0_i32_0 = arith.constant 0 : i32
    %c0_i32_1 = arith.constant 0 : i32
    return %c0_i32, %c0_i32_0 : i32, i32
  }
  func.func @transform_12(%arg0: i32) -> (i32, i32) {
    %add3A = arith.constant 0 : i32
    %add3A_0 = arith.addi %arg0, %add3A : i32
    %c0_i32 = arith.constant 0 : i32
    %c0_i32_1 = arith.constant 0 : i32
    return %add3A_0, %c0_i32 : i32, i32
  }
  func.func @transform_13(%arg0: i32) -> (i32, i32) {
    %add3A = arith.constant 0 : i32
    %add3A_0 = arith.addi %arg0, %add3A : i32
    %c0_i32 = arith.constant 0 : i32
    %c0_i32_1 = arith.constant 0 : i32
    return %add3A_0, %c0_i32 : i32, i32
  }
}

module attributes {stable_mosaic.version = 14 : i64} {
  func.func @_tc_body(%arg0: i32, %arg1: memref<2048x128xi32, #tpu.memory_space<vmem>>, %arg2: memref<2048x128xi32, #tpu.memory_space<vmem>>, %arg3: memref<2048x384xf32, #tpu.memory_space<vmem>>, %arg4: memref<128x256xbf16, #tpu.memory_space<vmem>>, %arg5: memref<128x256xbf16, #tpu.memory_space<vmem>>, %arg6: memref<1x256xf32, #tpu.memory_space<vmem>>, %arg7: memref<128x384xbf16, #tpu.memory_space<vmem>>, %arg8: memref<128x384xbf16, #tpu.memory_space<vmem>>, %arg9: memref<1x384xf32, #tpu.memory_space<vmem>>, %arg10: memref<1x1xf32, #tpu.memory_space<vmem>>, %arg11: memref<100000x128xf32, #tpu.memory_space<any>>, %arg12: memref<100000x128xf32, #tpu.memory_space<any>>, %arg13: memref<2048x128xf32, #tpu.memory_space<vmem>>, %arg14: memref<2048x128xf32, #tpu.memory_space<vmem>>) attributes {dimension_semantics = [#tpu.dimension_semantics<arbitrary>], iteration_bounds = array<i64: 12>, scalar_prefetch = 0 : i64, scratch_operands = 0 : i64, tpu.core_type = #tpu.core_type<tc>, window_params = [{transform_indices = @transform_0, window_bounds = array<i64: 2048, 128>}, {transform_indices = @transform_1, window_bounds = array<i64: 2048, 128>}, {transform_indices = @transform_2, window_bounds = array<i64: 2048, 384>}, {pipeline_mode = #tpu.pipeline_mode<synchronous>, transform_indices = @transform_3, window_bounds = array<i64: 128, 256>}, {pipeline_mode = #tpu.pipeline_mode<synchronous>, transform_indices = @transform_4, window_bounds = array<i64: 128, 256>}, {pipeline_mode = #tpu.pipeline_mode<synchronous>, transform_indices = @transform_5, window_bounds = array<i64: 1, 256>}, {pipeline_mode = #tpu.pipeline_mode<synchronous>, transform_indices = @transform_6, window_bounds = array<i64: 128, 384>}, {pipeline_mode = #tpu.pipeline_mode<synchronous>, transform_indices = @transform_7, window_bounds = array<i64: 128, 384>}, {pipeline_mode = #tpu.pipeline_mode<synchronous>, transform_indices = @transform_8, window_bounds = array<i64: 1, 384>}, {pipeline_mode = #tpu.pipeline_mode<synchronous>, transform_indices = @transform_9, window_bounds = array<i64: 1, 1>}, {}, {}, {transform_indices = @transform_12, window_bounds = array<i64: 2048, 128>}, {transform_indices = @transform_13, window_bounds = array<i64: 2048, 128>}]} {
    %get3A = arith.constant 0 : index
    %get3A_0 = arith.constant 0 : index
    %get3A_1 = vector.load %arg1[%get3A, %get3A_0] : memref<2048x128xi32, #tpu.memory_space<vmem>>, vector<2048x128xi32>
    %get3A_2 = arith.constant 0 : index
    %get3A_3 = arith.constant 0 : index
    %get3A_4 = vector.load %arg2[%get3A_2, %get3A_3] : memref<2048x128xi32, #tpu.memory_space<vmem>>, vector<2048x128xi32>
    %shift_left3A = arith.constant 16 : i32
    %shift_left3A_5 = vector.broadcast %shift_left3A : i32 to vector<2048x128xi32>
    %shift_left3A_6 = arith.shli %get3A_1, %shift_left3A_5 : vector<2048x128xi32>
    %bitcast_convert_type3A = tpu.bitcast %shift_left3A_6 : vector<2048x128xi32> -> vector<2048x128xf32>
    %and3A = arith.constant -65536 : i32
    %and3A_7 = vector.broadcast %and3A : i32 to vector<2048x128xi32>
    %and3A_8 = arith.andi %get3A_1, %and3A_7 : vector<2048x128xi32>
    %bitcast_convert_type3A_9 = tpu.bitcast %and3A_8 : vector<2048x128xi32> -> vector<2048x128xf32>
    %shift_left3A_10 = arith.constant 16 : i32
    %shift_left3A_11 = vector.broadcast %shift_left3A_10 : i32 to vector<2048x128xi32>
    %shift_left3A_12 = arith.shli %get3A_4, %shift_left3A_11 : vector<2048x128xi32>
    %bitcast_convert_type3A_13 = tpu.bitcast %shift_left3A_12 : vector<2048x128xi32> -> vector<2048x128xf32>
    %and3A_14 = arith.constant -65536 : i32
    %and3A_15 = vector.broadcast %and3A_14 : i32 to vector<2048x128xi32>
    %and3A_16 = arith.andi %get3A_4, %and3A_15 : vector<2048x128xi32>
    %bitcast_convert_type3A_17 = tpu.bitcast %and3A_16 : vector<2048x128xi32> -> vector<2048x128xf32>
    %convert_element_type3A = arith.truncf %bitcast_convert_type3A : vector<2048x128xf32> to vector<2048x128xbf16>
    %convert_element_type3A_18 = arith.truncf %bitcast_convert_type3A_13 : vector<2048x128xf32> to vector<2048x128xbf16>
    %get3A_19 = arith.constant 0 : index
    %get3A_20 = arith.constant 0 : index
    %get3A_21 = vector.load %arg3[%get3A_19, %get3A_20] : memref<2048x384xf32, #tpu.memory_space<vmem>>, vector<2048x384xf32>
    %get3A_22 = arith.constant 0 : index
    %get3A_23 = arith.constant 0 : index
    %get3A_24 = vector.load %arg4[%get3A_22, %get3A_23] : memref<128x256xbf16, #tpu.memory_space<vmem>>, vector<128x256xbf16>
    %dot_general3A = arith.constant dense<0.000000e+00> : vector<2048x256xf32>
    %dot_general3A_25 = tpu.matmul %convert_element_type3A, %get3A_24, %dot_general3A {dimension_numbers = #tpu.dot_dimension_numbers<[1], [0], [0], [1], [0, 0, 1, 1], [], []>, transpose_lhs_hint = false} : vector<2048x128xbf16>, vector<128x256xbf16>, vector<2048x256xf32> -> vector<2048x256xf32>
    %get3A_26 = arith.constant 0 : index
    %get3A_27 = arith.constant 0 : index
    %get3A_28 = vector.load %arg5[%get3A_26, %get3A_27] : memref<128x256xbf16, #tpu.memory_space<vmem>>, vector<128x256xbf16>
    %dot_general3A_29 = arith.constant dense<0.000000e+00> : vector<2048x256xf32>
    %dot_general3A_30 = tpu.matmul %convert_element_type3A_18, %get3A_28, %dot_general3A_29 {dimension_numbers = #tpu.dot_dimension_numbers<[1], [0], [0], [1], [0, 0, 1, 1], [], []>, transpose_lhs_hint = false} : vector<2048x128xbf16>, vector<128x256xbf16>, vector<2048x256xf32> -> vector<2048x256xf32>
    %add3A = arith.addf %dot_general3A_25, %dot_general3A_30 : vector<2048x256xf32>
    %get3A_31 = arith.constant 0 : index
    %get3A_32 = arith.constant 0 : index
    %get3A_33 = vector.load %arg6[%get3A_31, %get3A_32] : memref<1x256xf32, #tpu.memory_space<vmem>>, vector<1x256xf32>
    %add3A_34 = vector.broadcast %get3A_33 : vector<1x256xf32> to vector<2048x256xf32>
    %add3A_35 = arith.addf %add3A, %add3A_34 : vector<2048x256xf32>
    %logistic3A = arith.negf %add3A_35 : vector<2048x256xf32>
    %logistic3A_36 = math.exp %logistic3A : vector<2048x256xf32>
    %logistic3A_37 = arith.constant 1.000000e+00 : f32
    %logistic3A_38 = vector.broadcast %logistic3A_37 : f32 to vector<2048x256xf32>
    %logistic3A_39 = arith.addf %logistic3A_38, %logistic3A_36 : vector<2048x256xf32>
    %logistic3A_40 = arith.divf %logistic3A_38, %logistic3A_39 : vector<2048x256xf32>
    %slice3A = vector.extract_strided_slice %logistic3A_40 {offsets = [0, 0], sizes = [2048, 128], strides = [1, 1]} : vector<2048x256xf32> to vector<2048x128xf32>
    %mul3A = arith.mulf %slice3A, %bitcast_convert_type3A_9 : vector<2048x128xf32>
    %slice3A_41 = vector.extract_strided_slice %logistic3A_40 {offsets = [0, 128], sizes = [2048, 128], strides = [1, 1]} : vector<2048x256xf32> to vector<2048x128xf32>
    %mul3A_42 = arith.mulf %slice3A_41, %bitcast_convert_type3A_17 : vector<2048x128xf32>
    %add3A_43 = arith.addf %mul3A, %mul3A_42 : vector<2048x128xf32>
    %mul3A_44 = arith.mulf %bitcast_convert_type3A, %bitcast_convert_type3A : vector<2048x128xf32>
    %mul3A_45 = arith.mulf %bitcast_convert_type3A_13, %bitcast_convert_type3A_13 : vector<2048x128xf32>
    %add3A_46 = arith.addf %mul3A_44, %mul3A_45 : vector<2048x128xf32>
    %reduce_sum3A = arith.constant dense<0.000000e+00> : vector<2048xf32>
    %reduce_sum3A_47 = vector.multi_reduction <add>, %add3A_46, %reduce_sum3A [1] : vector<2048x128xf32> to vector<2048xf32>
    %broadcast_in_dim3A = vector.shape_cast %reduce_sum3A_47 : vector<2048xf32> to vector<2048x1xf32>
    %sqrt3A = math.sqrt %broadcast_in_dim3A : vector<2048x1xf32>
    %mul3A_48 = arith.mulf %get3A_21, %get3A_21 : vector<2048x384xf32>
    %reduce_sum3A_49 = arith.constant dense<0.000000e+00> : vector<2048xf32>
    %reduce_sum3A_50 = vector.multi_reduction <add>, %mul3A_48, %reduce_sum3A_49 [1] : vector<2048x384xf32> to vector<2048xf32>
    %broadcast_in_dim3A_51 = vector.shape_cast %reduce_sum3A_50 : vector<2048xf32> to vector<2048x1xf32>
    %sqrt3A_52 = math.sqrt %broadcast_in_dim3A_51 : vector<2048x1xf32>
    %max3A = arith.constant 9.99999996E-13 : f32
    %max3A_53 = vector.broadcast %max3A : f32 to vector<2048x1xf32>
    %max3A_54 = arith.maximumf %sqrt3A, %max3A_53 : vector<2048x1xf32>
    %div3A = arith.divf %sqrt3A_52, %max3A_54 : vector<2048x1xf32>
    %get3A_55 = arith.constant 0 : index
    %get3A_56 = arith.constant 0 : index
    %get3A_57 = vector.load %arg7[%get3A_55, %get3A_56] : memref<128x384xbf16, #tpu.memory_space<vmem>>, vector<128x384xbf16>
    %dot_general3A_58 = arith.constant dense<0.000000e+00> : vector<2048x384xf32>
    %dot_general3A_59 = tpu.matmul %convert_element_type3A, %get3A_57, %dot_general3A_58 {dimension_numbers = #tpu.dot_dimension_numbers<[1], [0], [0], [1], [0, 0, 1, 1], [], []>, transpose_lhs_hint = false} : vector<2048x128xbf16>, vector<128x384xbf16>, vector<2048x384xf32> -> vector<2048x384xf32>
    %get3A_60 = arith.constant 0 : index
    %get3A_61 = arith.constant 0 : index
    %get3A_62 = vector.load %arg8[%get3A_60, %get3A_61] : memref<128x384xbf16, #tpu.memory_space<vmem>>, vector<128x384xbf16>
    %dot_general3A_63 = arith.constant dense<0.000000e+00> : vector<2048x384xf32>
    %dot_general3A_64 = tpu.matmul %convert_element_type3A_18, %get3A_62, %dot_general3A_63 {dimension_numbers = #tpu.dot_dimension_numbers<[1], [0], [0], [1], [0, 0, 1, 1], [], []>, transpose_lhs_hint = false} : vector<2048x128xbf16>, vector<128x384xbf16>, vector<2048x384xf32> -> vector<2048x384xf32>
    %add3A_65 = arith.addf %dot_general3A_59, %dot_general3A_64 : vector<2048x384xf32>
    %mul3A_66 = vector.broadcast %div3A : vector<2048x1xf32> to vector<2048x384xf32>
    %mul3A_67 = arith.mulf %mul3A_66, %add3A_65 : vector<2048x384xf32>
    %get3A_68 = arith.constant 0 : index
    %get3A_69 = arith.constant 0 : index
    %get3A_70 = vector.load %arg9[%get3A_68, %get3A_69] : memref<1x384xf32, #tpu.memory_space<vmem>>, vector<1x384xf32>
    %add3A_71 = vector.broadcast %get3A_70 : vector<1x384xf32> to vector<2048x384xf32>
    %add3A_72 = arith.addf %mul3A_67, %add3A_71 : vector<2048x384xf32>
    %mul3A_73 = arith.mulf %add3A_43, %add3A_43 : vector<2048x128xf32>
    %reduce_sum3A_74 = arith.constant dense<0.000000e+00> : vector<2048xf32>
    %reduce_sum3A_75 = vector.multi_reduction <add>, %mul3A_73, %reduce_sum3A_74 [1] : vector<2048x128xf32> to vector<2048xf32>
    %broadcast_in_dim3A_76 = vector.shape_cast %reduce_sum3A_75 : vector<2048xf32> to vector<2048x1xf32>
    %sqrt3A_77 = math.sqrt %broadcast_in_dim3A_76 : vector<2048x1xf32>
    %mul3A_78 = arith.mulf %bitcast_convert_type3A_9, %bitcast_convert_type3A_9 : vector<2048x128xf32>
    %reduce_sum3A_79 = arith.constant dense<0.000000e+00> : vector<2048xf32>
    %reduce_sum3A_80 = vector.multi_reduction <add>, %mul3A_78, %reduce_sum3A_79 [1] : vector<2048x128xf32> to vector<2048xf32>
    %broadcast_in_dim3A_81 = vector.shape_cast %reduce_sum3A_80 : vector<2048xf32> to vector<2048x1xf32>
    %sqrt3A_82 = math.sqrt %broadcast_in_dim3A_81 : vector<2048x1xf32>
    %get3A_83 = arith.constant 0 : index
    %get3A_84 = arith.constant 0 : index
    %get3A_85 = vector.load %arg10[%get3A_83, %get3A_84] : memref<1x1xf32, #tpu.memory_space<vmem>>, vector<1x1xf32>
    %get3A_86 = vector.extract %get3A_85[0, 0] : f32 from vector<1x1xf32>
    %mul3A_87 = vector.broadcast %get3A_86 : f32 to vector<2048x1xf32>
    %mul3A_88 = arith.mulf %sqrt3A_82, %mul3A_87 : vector<2048x1xf32>
    %max3A_89 = arith.constant 9.99999996E-13 : f32
    %max3A_90 = vector.broadcast %max3A_89 : f32 to vector<2048x1xf32>
    %max3A_91 = arith.maximumf %sqrt3A_77, %max3A_90 : vector<2048x1xf32>
    %div3A_92 = arith.divf %mul3A_88, %max3A_91 : vector<2048x1xf32>
    %mul3A_93 = vector.broadcast %div3A_92 : vector<2048x1xf32> to vector<2048x128xf32>
    %mul3A_94 = arith.mulf %add3A_43, %mul3A_93 : vector<2048x128xf32>
    %slice3A_95 = vector.extract_strided_slice %add3A_72 {offsets = [0, 0], sizes = [2048, 128], strides = [1, 1]} : vector<2048x384xf32> to vector<2048x128xf32>
    %logistic3A_96 = arith.negf %slice3A_95 : vector<2048x128xf32>
    %logistic3A_97 = math.exp %logistic3A_96 : vector<2048x128xf32>
    %logistic3A_98 = arith.constant 1.000000e+00 : f32
    %logistic3A_99 = vector.broadcast %logistic3A_98 : f32 to vector<2048x128xf32>
    %logistic3A_100 = arith.addf %logistic3A_99, %logistic3A_97 : vector<2048x128xf32>
    %logistic3A_101 = arith.divf %logistic3A_99, %logistic3A_100 : vector<2048x128xf32>
    %slice3A_102 = vector.extract_strided_slice %add3A_72 {offsets = [0, 128], sizes = [2048, 128], strides = [1, 1]} : vector<2048x384xf32> to vector<2048x128xf32>
    %logistic3A_103 = arith.negf %slice3A_102 : vector<2048x128xf32>
    %logistic3A_104 = math.exp %logistic3A_103 : vector<2048x128xf32>
    %logistic3A_105 = arith.constant 1.000000e+00 : f32
    %logistic3A_106 = vector.broadcast %logistic3A_105 : f32 to vector<2048x128xf32>
    %logistic3A_107 = arith.addf %logistic3A_106, %logistic3A_104 : vector<2048x128xf32>
    %logistic3A_108 = arith.divf %logistic3A_106, %logistic3A_107 : vector<2048x128xf32>
    %slice3A_109 = vector.extract_strided_slice %add3A_72 {offsets = [0, 256], sizes = [2048, 128], strides = [1, 1]} : vector<2048x384xf32> to vector<2048x128xf32>
    %tanh3A = math.tanh %slice3A_109 : vector<2048x128xf32>
    %mul3A_110 = arith.mulf %logistic3A_101, %tanh3A : vector<2048x128xf32>
    %add3A_111 = arith.addf %mul3A_110, %mul3A_94 : vector<2048x128xf32>
    %tanh3A_112 = math.tanh %add3A_111 : vector<2048x128xf32>
    %mul3A_113 = arith.mulf %logistic3A_108, %tanh3A_112 : vector<2048x128xf32>
    %swap3A = arith.constant 0 : index
    %swap3A_114 = arith.constant 0 : index
    %swap3A_115 = vector.load %arg13[%swap3A, %swap3A_114] : memref<2048x128xf32, #tpu.memory_space<vmem>>, vector<2048x128xf32>
    tpu.vector_store %arg13[%swap3A, %swap3A_114], %mul3A_113 {strides = array<i32>} : memref<2048x128xf32, #tpu.memory_space<vmem>>, vector<2048x128xf32>,
    %swap3A_116 = arith.constant 0 : index
    %swap3A_117 = arith.constant 0 : index
    %swap3A_118 = vector.load %arg14[%swap3A_116, %swap3A_117] : memref<2048x128xf32, #tpu.memory_space<vmem>>, vector<2048x128xf32>
    tpu.vector_store %arg14[%swap3A_116, %swap3A_117], %add3A_111 {strides = array<i32>} : memref<2048x128xf32, #tpu.memory_space<vmem>>, vector<2048x128xf32>,
    return
  }
  func.func @transform_0(%arg0: i32) -> (i32, i32) {
    %c0_i32 = arith.constant 0 : i32
    %c0_i32_0 = arith.constant 0 : i32
    return %arg0, %c0_i32 : i32, i32
  }
  func.func @transform_1(%arg0: i32) -> (i32, i32) {
    %add3A = arith.constant 12 : i32
    %add3A_0 = arith.addi %arg0, %add3A : i32
    %c0_i32 = arith.constant 0 : i32
    %c0_i32_1 = arith.constant 0 : i32
    return %add3A_0, %c0_i32 : i32, i32
  }
  func.func @transform_2(%arg0: i32) -> (i32, i32) {
    %add3A = arith.constant 24 : i32
    %add3A_0 = arith.addi %arg0, %add3A : i32
    %c0_i32 = arith.constant 0 : i32
    %c0_i32_1 = arith.constant 0 : i32
    return %add3A_0, %c0_i32 : i32, i32
  }
  func.func @transform_3(%arg0: i32) -> (i32, i32) {
    %c0_i32 = arith.constant 0 : i32
    %c0_i32_0 = arith.constant 0 : i32
    %c0_i32_1 = arith.constant 0 : i32
    return %c0_i32, %c0_i32_0 : i32, i32
  }
  func.func @transform_4(%arg0: i32) -> (i32, i32) {
    %c0_i32 = arith.constant 0 : i32
    %c0_i32_0 = arith.constant 0 : i32
    %c0_i32_1 = arith.constant 0 : i32
    return %c0_i32, %c0_i32_0 : i32, i32
  }
  func.func @transform_5(%arg0: i32) -> (i32, i32) {
    %c0_i32 = arith.constant 0 : i32
    %c0_i32_0 = arith.constant 0 : i32
    %c0_i32_1 = arith.constant 0 : i32
    return %c0_i32, %c0_i32_0 : i32, i32
  }
  func.func @transform_6(%arg0: i32) -> (i32, i32) {
    %c0_i32 = arith.constant 0 : i32
    %c0_i32_0 = arith.constant 0 : i32
    %c0_i32_1 = arith.constant 0 : i32
    return %c0_i32, %c0_i32_0 : i32, i32
  }
  func.func @transform_7(%arg0: i32) -> (i32, i32) {
    %c0_i32 = arith.constant 0 : i32
    %c0_i32_0 = arith.constant 0 : i32
    %c0_i32_1 = arith.constant 0 : i32
    return %c0_i32, %c0_i32_0 : i32, i32
  }
  func.func @transform_8(%arg0: i32) -> (i32, i32) {
    %c0_i32 = arith.constant 0 : i32
    %c0_i32_0 = arith.constant 0 : i32
    %c0_i32_1 = arith.constant 0 : i32
    return %c0_i32, %c0_i32_0 : i32, i32
  }
  func.func @transform_9(%arg0: i32) -> (i32, i32) {
    %c0_i32 = arith.constant 0 : i32
    %c0_i32_0 = arith.constant 0 : i32
    %c0_i32_1 = arith.constant 0 : i32
    return %c0_i32, %c0_i32_0 : i32, i32
  }
  func.func @transform_12(%arg0: i32) -> (i32, i32) {
    %add3A = arith.constant 24 : i32
    %add3A_0 = arith.addi %arg0, %add3A : i32
    %c0_i32 = arith.constant 0 : i32
    %c0_i32_1 = arith.constant 0 : i32
    return %add3A_0, %c0_i32 : i32, i32
  }
  func.func @transform_13(%arg0: i32) -> (i32, i32) {
    %add3A = arith.constant 24 : i32
    %add3A_0 = arith.addi %arg0, %add3A : i32
    %c0_i32 = arith.constant 0 : i32
    %c0_i32_1 = arith.constant 0 : i32
    return %add3A_0, %c0_i32 : i32, i32
  }
}

module attributes {stable_mosaic.version = 14 : i64} {
  func.func @_tc_body(%arg0: i32, %arg1: memref<2048x128xi32, #tpu.memory_space<vmem>>, %arg2: memref<2048x128xi32, #tpu.memory_space<vmem>>, %arg3: memref<2048x384xf32, #tpu.memory_space<vmem>>, %arg4: memref<128x256xbf16, #tpu.memory_space<vmem>>, %arg5: memref<128x256xbf16, #tpu.memory_space<vmem>>, %arg6: memref<1x256xf32, #tpu.memory_space<vmem>>, %arg7: memref<128x384xbf16, #tpu.memory_space<vmem>>, %arg8: memref<128x384xbf16, #tpu.memory_space<vmem>>, %arg9: memref<1x384xf32, #tpu.memory_space<vmem>>, %arg10: memref<1x1xf32, #tpu.memory_space<vmem>>, %arg11: memref<100000x128xf32, #tpu.memory_space<any>>, %arg12: memref<100000x128xf32, #tpu.memory_space<any>>, %arg13: memref<2048x128xf32, #tpu.memory_space<vmem>>, %arg14: memref<2048x128xf32, #tpu.memory_space<vmem>>) attributes {dimension_semantics = [#tpu.dimension_semantics<arbitrary>], iteration_bounds = array<i64: 13>, scalar_prefetch = 0 : i64, scratch_operands = 0 : i64, tpu.core_type = #tpu.core_type<tc>, window_params = [{transform_indices = @transform_0, window_bounds = array<i64: 2048, 128>}, {transform_indices = @transform_1, window_bounds = array<i64: 2048, 128>}, {transform_indices = @transform_2, window_bounds = array<i64: 2048, 384>}, {pipeline_mode = #tpu.pipeline_mode<synchronous>, transform_indices = @transform_3, window_bounds = array<i64: 128, 256>}, {pipeline_mode = #tpu.pipeline_mode<synchronous>, transform_indices = @transform_4, window_bounds = array<i64: 128, 256>}, {pipeline_mode = #tpu.pipeline_mode<synchronous>, transform_indices = @transform_5, window_bounds = array<i64: 1, 256>}, {pipeline_mode = #tpu.pipeline_mode<synchronous>, transform_indices = @transform_6, window_bounds = array<i64: 128, 384>}, {pipeline_mode = #tpu.pipeline_mode<synchronous>, transform_indices = @transform_7, window_bounds = array<i64: 128, 384>}, {pipeline_mode = #tpu.pipeline_mode<synchronous>, transform_indices = @transform_8, window_bounds = array<i64: 1, 384>}, {pipeline_mode = #tpu.pipeline_mode<synchronous>, transform_indices = @transform_9, window_bounds = array<i64: 1, 1>}, {}, {}, {transform_indices = @transform_12, window_bounds = array<i64: 2048, 128>}, {transform_indices = @transform_13, window_bounds = array<i64: 2048, 128>}]} {
    %get3A = arith.constant 0 : index
    %get3A_0 = arith.constant 0 : index
    %get3A_1 = vector.load %arg1[%get3A, %get3A_0] : memref<2048x128xi32, #tpu.memory_space<vmem>>, vector<2048x128xi32>
    %get3A_2 = arith.constant 0 : index
    %get3A_3 = arith.constant 0 : index
    %get3A_4 = vector.load %arg2[%get3A_2, %get3A_3] : memref<2048x128xi32, #tpu.memory_space<vmem>>, vector<2048x128xi32>
    %shift_left3A = arith.constant 16 : i32
    %shift_left3A_5 = vector.broadcast %shift_left3A : i32 to vector<2048x128xi32>
    %shift_left3A_6 = arith.shli %get3A_1, %shift_left3A_5 : vector<2048x128xi32>
    %bitcast_convert_type3A = tpu.bitcast %shift_left3A_6 : vector<2048x128xi32> -> vector<2048x128xf32>
    %and3A = arith.constant -65536 : i32
    %and3A_7 = vector.broadcast %and3A : i32 to vector<2048x128xi32>
    %and3A_8 = arith.andi %get3A_1, %and3A_7 : vector<2048x128xi32>
    %bitcast_convert_type3A_9 = tpu.bitcast %and3A_8 : vector<2048x128xi32> -> vector<2048x128xf32>
    %shift_left3A_10 = arith.constant 16 : i32
    %shift_left3A_11 = vector.broadcast %shift_left3A_10 : i32 to vector<2048x128xi32>
    %shift_left3A_12 = arith.shli %get3A_4, %shift_left3A_11 : vector<2048x128xi32>
    %bitcast_convert_type3A_13 = tpu.bitcast %shift_left3A_12 : vector<2048x128xi32> -> vector<2048x128xf32>
    %and3A_14 = arith.constant -65536 : i32
    %and3A_15 = vector.broadcast %and3A_14 : i32 to vector<2048x128xi32>
    %and3A_16 = arith.andi %get3A_4, %and3A_15 : vector<2048x128xi32>
    %bitcast_convert_type3A_17 = tpu.bitcast %and3A_16 : vector<2048x128xi32> -> vector<2048x128xf32>
    %convert_element_type3A = arith.truncf %bitcast_convert_type3A : vector<2048x128xf32> to vector<2048x128xbf16>
    %convert_element_type3A_18 = arith.truncf %bitcast_convert_type3A_13 : vector<2048x128xf32> to vector<2048x128xbf16>
    %get3A_19 = arith.constant 0 : index
    %get3A_20 = arith.constant 0 : index
    %get3A_21 = vector.load %arg3[%get3A_19, %get3A_20] : memref<2048x384xf32, #tpu.memory_space<vmem>>, vector<2048x384xf32>
    %get3A_22 = arith.constant 0 : index
    %get3A_23 = arith.constant 0 : index
    %get3A_24 = vector.load %arg4[%get3A_22, %get3A_23] : memref<128x256xbf16, #tpu.memory_space<vmem>>, vector<128x256xbf16>
    %dot_general3A = arith.constant dense<0.000000e+00> : vector<2048x256xf32>
    %dot_general3A_25 = tpu.matmul %convert_element_type3A, %get3A_24, %dot_general3A {dimension_numbers = #tpu.dot_dimension_numbers<[1], [0], [0], [1], [0, 0, 1, 1], [], []>, transpose_lhs_hint = false} : vector<2048x128xbf16>, vector<128x256xbf16>, vector<2048x256xf32> -> vector<2048x256xf32>
    %get3A_26 = arith.constant 0 : index
    %get3A_27 = arith.constant 0 : index
    %get3A_28 = vector.load %arg5[%get3A_26, %get3A_27] : memref<128x256xbf16, #tpu.memory_space<vmem>>, vector<128x256xbf16>
    %dot_general3A_29 = arith.constant dense<0.000000e+00> : vector<2048x256xf32>
    %dot_general3A_30 = tpu.matmul %convert_element_type3A_18, %get3A_28, %dot_general3A_29 {dimension_numbers = #tpu.dot_dimension_numbers<[1], [0], [0], [1], [0, 0, 1, 1], [], []>, transpose_lhs_hint = false} : vector<2048x128xbf16>, vector<128x256xbf16>, vector<2048x256xf32> -> vector<2048x256xf32>
    %add3A = arith.addf %dot_general3A_25, %dot_general3A_30 : vector<2048x256xf32>
    %get3A_31 = arith.constant 0 : index
    %get3A_32 = arith.constant 0 : index
    %get3A_33 = vector.load %arg6[%get3A_31, %get3A_32] : memref<1x256xf32, #tpu.memory_space<vmem>>, vector<1x256xf32>
    %add3A_34 = vector.broadcast %get3A_33 : vector<1x256xf32> to vector<2048x256xf32>
    %add3A_35 = arith.addf %add3A, %add3A_34 : vector<2048x256xf32>
    %logistic3A = arith.negf %add3A_35 : vector<2048x256xf32>
    %logistic3A_36 = math.exp %logistic3A : vector<2048x256xf32>
    %logistic3A_37 = arith.constant 1.000000e+00 : f32
    %logistic3A_38 = vector.broadcast %logistic3A_37 : f32 to vector<2048x256xf32>
    %logistic3A_39 = arith.addf %logistic3A_38, %logistic3A_36 : vector<2048x256xf32>
    %logistic3A_40 = arith.divf %logistic3A_38, %logistic3A_39 : vector<2048x256xf32>
    %slice3A = vector.extract_strided_slice %logistic3A_40 {offsets = [0, 0], sizes = [2048, 128], strides = [1, 1]} : vector<2048x256xf32> to vector<2048x128xf32>
    %mul3A = arith.mulf %slice3A, %bitcast_convert_type3A_9 : vector<2048x128xf32>
    %slice3A_41 = vector.extract_strided_slice %logistic3A_40 {offsets = [0, 128], sizes = [2048, 128], strides = [1, 1]} : vector<2048x256xf32> to vector<2048x128xf32>
    %mul3A_42 = arith.mulf %slice3A_41, %bitcast_convert_type3A_17 : vector<2048x128xf32>
    %add3A_43 = arith.addf %mul3A, %mul3A_42 : vector<2048x128xf32>
    %mul3A_44 = arith.mulf %bitcast_convert_type3A, %bitcast_convert_type3A : vector<2048x128xf32>
    %mul3A_45 = arith.mulf %bitcast_convert_type3A_13, %bitcast_convert_type3A_13 : vector<2048x128xf32>
    %add3A_46 = arith.addf %mul3A_44, %mul3A_45 : vector<2048x128xf32>
    %reduce_sum3A = arith.constant dense<0.000000e+00> : vector<2048xf32>
    %reduce_sum3A_47 = vector.multi_reduction <add>, %add3A_46, %reduce_sum3A [1] : vector<2048x128xf32> to vector<2048xf32>
    %broadcast_in_dim3A = vector.shape_cast %reduce_sum3A_47 : vector<2048xf32> to vector<2048x1xf32>
    %sqrt3A = math.sqrt %broadcast_in_dim3A : vector<2048x1xf32>
    %mul3A_48 = arith.mulf %get3A_21, %get3A_21 : vector<2048x384xf32>
    %reduce_sum3A_49 = arith.constant dense<0.000000e+00> : vector<2048xf32>
    %reduce_sum3A_50 = vector.multi_reduction <add>, %mul3A_48, %reduce_sum3A_49 [1] : vector<2048x384xf32> to vector<2048xf32>
    %broadcast_in_dim3A_51 = vector.shape_cast %reduce_sum3A_50 : vector<2048xf32> to vector<2048x1xf32>
    %sqrt3A_52 = math.sqrt %broadcast_in_dim3A_51 : vector<2048x1xf32>
    %max3A = arith.constant 9.99999996E-13 : f32
    %max3A_53 = vector.broadcast %max3A : f32 to vector<2048x1xf32>
    %max3A_54 = arith.maximumf %sqrt3A, %max3A_53 : vector<2048x1xf32>
    %div3A = arith.divf %sqrt3A_52, %max3A_54 : vector<2048x1xf32>
    %get3A_55 = arith.constant 0 : index
    %get3A_56 = arith.constant 0 : index
    %get3A_57 = vector.load %arg7[%get3A_55, %get3A_56] : memref<128x384xbf16, #tpu.memory_space<vmem>>, vector<128x384xbf16>
    %dot_general3A_58 = arith.constant dense<0.000000e+00> : vector<2048x384xf32>
    %dot_general3A_59 = tpu.matmul %convert_element_type3A, %get3A_57, %dot_general3A_58 {dimension_numbers = #tpu.dot_dimension_numbers<[1], [0], [0], [1], [0, 0, 1, 1], [], []>, transpose_lhs_hint = false} : vector<2048x128xbf16>, vector<128x384xbf16>, vector<2048x384xf32> -> vector<2048x384xf32>
    %get3A_60 = arith.constant 0 : index
    %get3A_61 = arith.constant 0 : index
    %get3A_62 = vector.load %arg8[%get3A_60, %get3A_61] : memref<128x384xbf16, #tpu.memory_space<vmem>>, vector<128x384xbf16>
    %dot_general3A_63 = arith.constant dense<0.000000e+00> : vector<2048x384xf32>
    %dot_general3A_64 = tpu.matmul %convert_element_type3A_18, %get3A_62, %dot_general3A_63 {dimension_numbers = #tpu.dot_dimension_numbers<[1], [0], [0], [1], [0, 0, 1, 1], [], []>, transpose_lhs_hint = false} : vector<2048x128xbf16>, vector<128x384xbf16>, vector<2048x384xf32> -> vector<2048x384xf32>
    %add3A_65 = arith.addf %dot_general3A_59, %dot_general3A_64 : vector<2048x384xf32>
    %mul3A_66 = vector.broadcast %div3A : vector<2048x1xf32> to vector<2048x384xf32>
    %mul3A_67 = arith.mulf %mul3A_66, %add3A_65 : vector<2048x384xf32>
    %get3A_68 = arith.constant 0 : index
    %get3A_69 = arith.constant 0 : index
    %get3A_70 = vector.load %arg9[%get3A_68, %get3A_69] : memref<1x384xf32, #tpu.memory_space<vmem>>, vector<1x384xf32>
    %add3A_71 = vector.broadcast %get3A_70 : vector<1x384xf32> to vector<2048x384xf32>
    %add3A_72 = arith.addf %mul3A_67, %add3A_71 : vector<2048x384xf32>
    %mul3A_73 = arith.mulf %add3A_43, %add3A_43 : vector<2048x128xf32>
    %reduce_sum3A_74 = arith.constant dense<0.000000e+00> : vector<2048xf32>
    %reduce_sum3A_75 = vector.multi_reduction <add>, %mul3A_73, %reduce_sum3A_74 [1] : vector<2048x128xf32> to vector<2048xf32>
    %broadcast_in_dim3A_76 = vector.shape_cast %reduce_sum3A_75 : vector<2048xf32> to vector<2048x1xf32>
    %sqrt3A_77 = math.sqrt %broadcast_in_dim3A_76 : vector<2048x1xf32>
    %mul3A_78 = arith.mulf %bitcast_convert_type3A_9, %bitcast_convert_type3A_9 : vector<2048x128xf32>
    %reduce_sum3A_79 = arith.constant dense<0.000000e+00> : vector<2048xf32>
    %reduce_sum3A_80 = vector.multi_reduction <add>, %mul3A_78, %reduce_sum3A_79 [1] : vector<2048x128xf32> to vector<2048xf32>
    %broadcast_in_dim3A_81 = vector.shape_cast %reduce_sum3A_80 : vector<2048xf32> to vector<2048x1xf32>
    %sqrt3A_82 = math.sqrt %broadcast_in_dim3A_81 : vector<2048x1xf32>
    %get3A_83 = arith.constant 0 : index
    %get3A_84 = arith.constant 0 : index
    %get3A_85 = vector.load %arg10[%get3A_83, %get3A_84] : memref<1x1xf32, #tpu.memory_space<vmem>>, vector<1x1xf32>
    %get3A_86 = vector.extract %get3A_85[0, 0] : f32 from vector<1x1xf32>
    %mul3A_87 = vector.broadcast %get3A_86 : f32 to vector<2048x1xf32>
    %mul3A_88 = arith.mulf %sqrt3A_82, %mul3A_87 : vector<2048x1xf32>
    %max3A_89 = arith.constant 9.99999996E-13 : f32
    %max3A_90 = vector.broadcast %max3A_89 : f32 to vector<2048x1xf32>
    %max3A_91 = arith.maximumf %sqrt3A_77, %max3A_90 : vector<2048x1xf32>
    %div3A_92 = arith.divf %mul3A_88, %max3A_91 : vector<2048x1xf32>
    %mul3A_93 = vector.broadcast %div3A_92 : vector<2048x1xf32> to vector<2048x128xf32>
    %mul3A_94 = arith.mulf %add3A_43, %mul3A_93 : vector<2048x128xf32>
    %slice3A_95 = vector.extract_strided_slice %add3A_72 {offsets = [0, 0], sizes = [2048, 128], strides = [1, 1]} : vector<2048x384xf32> to vector<2048x128xf32>
    %logistic3A_96 = arith.negf %slice3A_95 : vector<2048x128xf32>
    %logistic3A_97 = math.exp %logistic3A_96 : vector<2048x128xf32>
    %logistic3A_98 = arith.constant 1.000000e+00 : f32
    %logistic3A_99 = vector.broadcast %logistic3A_98 : f32 to vector<2048x128xf32>
    %logistic3A_100 = arith.addf %logistic3A_99, %logistic3A_97 : vector<2048x128xf32>
    %logistic3A_101 = arith.divf %logistic3A_99, %logistic3A_100 : vector<2048x128xf32>
    %slice3A_102 = vector.extract_strided_slice %add3A_72 {offsets = [0, 128], sizes = [2048, 128], strides = [1, 1]} : vector<2048x384xf32> to vector<2048x128xf32>
    %logistic3A_103 = arith.negf %slice3A_102 : vector<2048x128xf32>
    %logistic3A_104 = math.exp %logistic3A_103 : vector<2048x128xf32>
    %logistic3A_105 = arith.constant 1.000000e+00 : f32
    %logistic3A_106 = vector.broadcast %logistic3A_105 : f32 to vector<2048x128xf32>
    %logistic3A_107 = arith.addf %logistic3A_106, %logistic3A_104 : vector<2048x128xf32>
    %logistic3A_108 = arith.divf %logistic3A_106, %logistic3A_107 : vector<2048x128xf32>
    %slice3A_109 = vector.extract_strided_slice %add3A_72 {offsets = [0, 256], sizes = [2048, 128], strides = [1, 1]} : vector<2048x384xf32> to vector<2048x128xf32>
    %tanh3A = math.tanh %slice3A_109 : vector<2048x128xf32>
    %mul3A_110 = arith.mulf %logistic3A_101, %tanh3A : vector<2048x128xf32>
    %add3A_111 = arith.addf %mul3A_110, %mul3A_94 : vector<2048x128xf32>
    %tanh3A_112 = math.tanh %add3A_111 : vector<2048x128xf32>
    %mul3A_113 = arith.mulf %logistic3A_108, %tanh3A_112 : vector<2048x128xf32>
    %swap3A = arith.constant 0 : index
    %swap3A_114 = arith.constant 0 : index
    %swap3A_115 = vector.load %arg13[%swap3A, %swap3A_114] : memref<2048x128xf32, #tpu.memory_space<vmem>>, vector<2048x128xf32>
    tpu.vector_store %arg13[%swap3A, %swap3A_114], %mul3A_113 {strides = array<i32>} : memref<2048x128xf32, #tpu.memory_space<vmem>>, vector<2048x128xf32>,
    %swap3A_116 = arith.constant 0 : index
    %swap3A_117 = arith.constant 0 : index
    %swap3A_118 = vector.load %arg14[%swap3A_116, %swap3A_117] : memref<2048x128xf32, #tpu.memory_space<vmem>>, vector<2048x128xf32>
    tpu.vector_store %arg14[%swap3A_116, %swap3A_117], %add3A_111 {strides = array<i32>} : memref<2048x128xf32, #tpu.memory_space<vmem>>, vector<2048x128xf32>,
    return
  }
  func.func @transform_0(%arg0: i32) -> (i32, i32) {
    %c0_i32 = arith.constant 0 : i32
    %c0_i32_0 = arith.constant 0 : i32
    return %arg0, %c0_i32 : i32, i32
  }
  func.func @transform_1(%arg0: i32) -> (i32, i32) {
    %add3A = arith.constant 13 : i32
    %add3A_0 = arith.addi %arg0, %add3A : i32
    %c0_i32 = arith.constant 0 : i32
    %c0_i32_1 = arith.constant 0 : i32
    return %add3A_0, %c0_i32 : i32, i32
  }
  func.func @transform_2(%arg0: i32) -> (i32, i32) {
    %add3A = arith.constant 36 : i32
    %add3A_0 = arith.addi %arg0, %add3A : i32
    %c0_i32 = arith.constant 0 : i32
    %c0_i32_1 = arith.constant 0 : i32
    return %add3A_0, %c0_i32 : i32, i32
  }
  func.func @transform_3(%arg0: i32) -> (i32, i32) {
    %c0_i32 = arith.constant 0 : i32
    %c0_i32_0 = arith.constant 0 : i32
    %c0_i32_1 = arith.constant 0 : i32
    return %c0_i32, %c0_i32_0 : i32, i32
  }
  func.func @transform_4(%arg0: i32) -> (i32, i32) {
    %c0_i32 = arith.constant 0 : i32
    %c0_i32_0 = arith.constant 0 : i32
    %c0_i32_1 = arith.constant 0 : i32
    return %c0_i32, %c0_i32_0 : i32, i32
  }
  func.func @transform_5(%arg0: i32) -> (i32, i32) {
    %c0_i32 = arith.constant 0 : i32
    %c0_i32_0 = arith.constant 0 : i32
    %c0_i32_1 = arith.constant 0 : i32
    return %c0_i32, %c0_i32_0 : i32, i32
  }
  func.func @transform_6(%arg0: i32) -> (i32, i32) {
    %c0_i32 = arith.constant 0 : i32
    %c0_i32_0 = arith.constant 0 : i32
    %c0_i32_1 = arith.constant 0 : i32
    return %c0_i32, %c0_i32_0 : i32, i32
  }
  func.func @transform_7(%arg0: i32) -> (i32, i32) {
    %c0_i32 = arith.constant 0 : i32
    %c0_i32_0 = arith.constant 0 : i32
    %c0_i32_1 = arith.constant 0 : i32
    return %c0_i32, %c0_i32_0 : i32, i32
  }
  func.func @transform_8(%arg0: i32) -> (i32, i32) {
    %c0_i32 = arith.constant 0 : i32
    %c0_i32_0 = arith.constant 0 : i32
    %c0_i32_1 = arith.constant 0 : i32
    return %c0_i32, %c0_i32_0 : i32, i32
  }
  func.func @transform_9(%arg0: i32) -> (i32, i32) {
    %c0_i32 = arith.constant 0 : i32
    %c0_i32_0 = arith.constant 0 : i32
    %c0_i32_1 = arith.constant 0 : i32
    return %c0_i32, %c0_i32_0 : i32, i32
  }
  func.func @transform_12(%arg0: i32) -> (i32, i32) {
    %add3A = arith.constant 36 : i32
    %add3A_0 = arith.addi %arg0, %add3A : i32
    %c0_i32 = arith.constant 0 : i32
    %c0_i32_1 = arith.constant 0 : i32
    return %add3A_0, %c0_i32 : i32, i32
  }
  func.func @transform_13(%arg0: i32) -> (i32, i32) {
    %add3A = arith.constant 36 : i32
    %add3A_0 = arith.addi %arg0, %add3A : i32
    %c0_i32 = arith.constant 0 : i32
    %c0_i32_1 = arith.constant 0 : i32
    return %add3A_0, %c0_i32 : i32, i32
  }
}

</mosaic_0001>

<sc_bundles>
// kernel: kernel.10.cloned.1.call-start
scs
__scs_entry_jumppad:
0x0: {  	(pc) =	sbr.rel $0x88, $3  }
0x1: {  	(tag) =	ssettag $0x0;
	lr =	simm.s32 $0x1  }
0x2: {  	[smem:$0x3F97] =	sst lr;
	_ =	strace $0xD0000000  }
0x3: {  	_ = 	snop  }
0x4: {  	_ = 	snop  }
0x5: {  	_ = 	snop  }
0x6: {  	_ = 	snop  }
0x7: {  	_ = 	snop  }
__scs_overlays_trampoline_lowered:
0x8: {  	[smem:$0x3FA6] =	sst s0  }
0x9: {  	[smem:$0x3FA7] =	sst s1  }
0xa: {  	[smem:$0x3FA8] =	sst s2  }
0xb: {  	[smem:$0x3FA9] =	sst s3  }
0xc: {  	[smem:$0x3FAA] =	sst s4  }
0xd: {  	[smem:$0x3FAB] =	sst s5  }
0xe: {  	[smem:$0x3FAC] =	sst s6  }
0xf: {  	[smem:$0x3FAD] =	sst s7  }
0x10: {  	[smem:$0x3FAE] =	sst s8  }
0x11: {  	[smem:$0x3FAF] =	sst s9;
	s0 =	simm.s32 @!p0 $0x0  }
0x12: {  	s1 =	sld [smem:$0x3F95];
	s0 =	simm.s32 @p0 $0x1  }
0x13: {  	[smem:$0x3FB0] =	sst s0;
	s0 =	simm.s32 @!p1 $0x0  }
0x14: {  	s2 =	sld [smem:$0x3F94];
	s0 =	simm.s32 @p1 $0x1  }
0x15: {  	[smem:$0x3FB1] =	sst s0;
	s0 =	simm.s32 @!p2 $0x0  }
0x16: {  	s3 =	sld [smem:$0x3FDB];
	s0 =	simm.s32 @p2 $0x1  }
0x17: {  	s4 =	simm.s32 $0x1BF5;
	[smem:$0x3FB3] =	sst s0  }
0x18: {  	s0 =	sld [smem:$0x3F96];
	_ =	swait.ge [sflag:s4], $0x0  }
0x19: {  	s7 =	sld [smem:$0x3F97]  }
0x1a: {  	s8 =	sadd.s32 $0xFFFFE003, lr  }
0x1b: {  	s9 =	sadd.s32 $0xFFFFFEF7, lr;
	s5 =	simm.s32 $0xFFFFFFFF;
	p2 =	slt.u32 s8, $0xFFFFF086  }
0x1c: {  	p1 =	slt.u32 s9, $0xF7A;
	s5 =	simm.s32 @!p2 $0x0  }
0x1d: {  	s5 =	simm.s32 @p1 $0x1;
	p0 =	seq.s32 s7, s2  }
0x1e: {  	s7 =	smul.u32 @!p0 $0xF7A, s2;
	p2 =	seq.s32 @!p0 s5, $0x0  }
0x1f: {  	s9 =	smul.u32 $0xF7A, s1;
	s8 =	simm.s32 @!p0 $0x1BF5;
	p2 =	por !p2, p0  }
0x20: {  	[sflag:s8] =	ssyncset.s32 @!p0 $0xFFFFF086;
	s6 =	sadd.s32 @!p0 s3, s7;
	s7 =	simm.s32 @!p0 $0x108  }
0x21: {  	s3 =	sadd.s32 s3, s9;
	s6 =	sadd.s32 @!p0 $0x88, s6;
	s7 =	simm.s32 @p2 $0x1082  }
0x22: {  	[simem:s7], [sflag:s8] =	dma.local @!p0 [hbm:s6], $0xF7A  }
0x23: {  	s9 =	sor.u32 $0xD0000000, s2;
	s6 =	simm.s32 $0x108;
	_ =	swait.ge @!p0 [sflag:s8], $0x0  }
0x24: {  	s3 =	sadd.s32 $0x88, s3;
	s6 =	simm.s32 @!p1 $0x1082;
	[sflag:s4] =	ssyncset.s32 $0xFFFFF086  }
0x25: {  	[simem:s6], [sflag:s4] =	dma.local [hbm:s3], $0xF7A  }
0x26: {  	[smem:$0x3F97] =	sst s1;
	(tag) =	ssettag s2;
	_ =	strace s9  }
0x27: {  	s1 =	sld [smem:$0x3FA7]  }
0x28: {  	s2 =	sld [smem:$0x3FA8]  }
0x29: {  	s4 =	sld [smem:$0x3FAA]  }
0x2a: {  	p0 =	seq.s32 s5, $0x0;
	s5 =	sld [smem:$0x3FAB]  }
0x2b: {  	s6 =	sld [smem:$0x3FAC]  }
0x2c: {  	s7 =	sld [smem:$0x3FAD]  }
0x2d: {  	s3 =	simm.s32 $0x108;
	s8 =	sld [smem:$0x3FAE]  }
0x2e: {  	s3 =	simm.s32 @!p0 $0x1082;
	s9 =	sld [smem:$0x3FAF]  }
0x2f: {  	lr =	sadd.s32 s0, s3;
	s0 =	sld [smem:$0x3FA6]  }
0x30: {  	s3 =	sld [smem:$0x3FA9]  }
0x31: {  	[smem:$0x3FB2] =	sst s10  }
0x32: {  	s10 =	sld [smem:$0x3FB0];
	_ =	sdelay $0x3  }
0x33: {  	p0 =	seq.s32 s10, $0x1;
	s10 =	sld [smem:$0x3FB2];
	_ =	sdelay $0x3  }
0x34: {  	[smem:$0x3FB2] =	sst s10  }
0x35: {  	s10 =	sld [smem:$0x3FB1];
	_ =	sdelay $0x3  }
0x36: {  	p1 =	seq.s32 s10, $0x1;
	s10 =	sld [smem:$0x3FB2];
	_ =	sdelay $0x3  }
0x37: {  	[smem:$0x3FB2] =	sst s10  }
0x38: {  	s10 =	sld [smem:$0x3FB3]  }
0x39: {  	_ = 	snop;
	(pc) =	sbr.ind lr, $3  }
0x3a: {  	_ = 	snop  }
0x3b: {  	_ = 	snop  }
0x3c: {  	p2 =	seq.s32 s10, $0x1;
	s10 =	sld [smem:$0x3FB2]  }
0x3d: {  	_ =	shalt  }
0x3e: {  	_ =	shalt  }
0x3f: {  	_ =	shalt  }
0x40: {  	_ =	shalt  }
0x41: {  	_ =	shalt  }
0x42: {  	_ =	shalt  }
0x43: {  	_ =	shalt  }
0x44: {  	_ =	shalt  }
0x45: {  	_ =	shalt  }
0x46: {  	_ =	shalt  }
0x47: {  	_ =	shalt  }
0x48: {  	_ =	shalt  }
0x49: {  	_ =	shalt  }
0x4a: {  	_ =	shalt  }
0x4b: {  	_ =	shalt  }
0x4c: {  	_ =	shalt  }
0x4d: {  	_ =	shalt  }
0x4e: {  	_ =	shalt  }
0x4f: {  	_ =	shalt  }
0x50: {  	_ =	shalt  }
0x51: {  	_ =	shalt  }
0x52: {  	_ =	shalt  }
0x53: {  	_ =	shalt  }
0x54: {  	_ =	shalt  }
0x55: {  	_ =	shalt  }
0x56: {  	_ =	shalt  }
0x57: {  	_ =	shalt  }
0x58: {  	_ =	shalt  }
0x59: {  	_ =	shalt  }
0x5a: {  	_ =	shalt  }
0x5b: {  	_ =	shalt  }
0x5c: {  	_ =	shalt  }
0x5d: {  	_ =	shalt  }
0x5e: {  	_ =	shalt  }
0x5f: {  	_ =	shalt  }
0x60: {  	_ =	shalt  }
0x61: {  	_ =	shalt  }
0x62: {  	_ =	shalt  }
0x63: {  	_ =	shalt  }
0x64: {  	_ =	shalt  }
0x65: {  	_ =	shalt  }
0x66: {  	_ =	shalt  }
0x67: {  	_ =	shalt  }
0x68: {  	_ =	shalt  }
0x69: {  	_ =	shalt  }
0x6a: {  	_ =	shalt  }
0x6b: {  	_ =	shalt  }
0x6c: {  	_ =	shalt  }
0x6d: {  	_ =	shalt  }
0x6e: {  	_ =	shalt  }
0x6f: {  	_ =	shalt  }
0x70: {  	_ =	shalt  }
0x71: {  	_ =	shalt  }
0x72: {  	_ =	shalt  }
0x73: {  	_ =	shalt  }
0x74: {  	_ =	shalt  }
0x75: {  	_ =	shalt  }
0x76: {  	_ =	shalt  }
0x77: {  	_ =	shalt  }
0x78: {  	_ =	shalt  }
0x79: {  	_ =	shalt  }
0x7a: {  	_ =	shalt  }
0x7b: {  	_ =	shalt  }
0x7c: {  	_ =	shalt  }
0x7d: {  	_ =	shalt  }
0x7e: {  	_ =	shalt  }
0x7f: {  	_ =	shalt  }
0x80: {  	_ =	shalt  }
0x81: {  	_ =	shalt  }
0x82: {  	_ =	shalt  }
0x83: {  	_ =	shalt  }
0x84: {  	_ =	shalt  }
0x85: {  	_ =	shalt  }
0x86: {  	_ =	shalt  }
0x87: {  	_ =	shalt  }
.Lfunc_end0:
.L_simem_size_0:
called_computation_lowered:
.L_overlay_start_0:
0x88: {  	s2 =	sld [smem:$0x3FD9]  }
0x89: {  	s3 =	sld [smem:$0x3FFE];
	_ =	sdelay $0x1  }
0x8a: {  	s1 =	srdreg.scid  }
0x8b: {  	s0 =	sand.u32 $0x1, s1  }
0x8c: {  	s14 =	sshll.u32 s0, $0xA;
	s2 =	sadd.s32 s3, s2  }
0x8d: {  	s2 =	sadd.s32 s2, s14  }
0x8e: {  	[smem:$0x3FBE] =	sst s2  }
0x8f: {  	_ = 	snop  }
0x90: {  	s2 =	sld [smem:$0x3FD0];
	_ =	sdelay $0x2  }
0x91: {  	s15 =	simm.s32 $0xD;
	s4 =	simm.s32 $0x10  }
0x92: {  	[smem:s4], [sflag:s15] =	dma.local [hbm:s2], $0x1  }
0x93: {  	_ =	swait.eq [sflag:s15], $0x1  }
0x94: {  	[sflag:s15] =	ssyncset.done $0x0  }
0x95: {  	[sflag:s15] =	ssyncadd.s32 $0xFFFFFFFF  }
0x96: {  	s16 =	sld [smem:$0x11];
	(tm) =	ssettm $0x1  }
0x97: {  	s17 =	sld [smem:$0x3FFB];
	_ =	sdelay $0x3  }
0x98: {  	_ =	strace s17  }
0x99: {  	s3 =	sld [smem:$0x3FFC];
	_ =	sdelay $0x3  }
0x9a: {  	_ =	strace s3  }
0x9b: {  	s3 =	sld [smem:$0x3FFD];
	_ =	sdelay $0x3  }
0x9c: {  	_ =	strace s3  }
0x9d: {  	_ =	strace $0x8FFFFFFF  }
0x9e: {  	s18 =	sld [smem:$0x3FDB];
	_ =	sdelay $0x1  }
0x9f: {  	s19 =	simm.s32 $_scs_section_size  }
0xa0: {  	s5 =	simm.s32 $_size__tile_overlayer_lowered;
	s6 =	simm.s32 $_tile_overlayer_lowered  }
0xa1: {  	s22 =	simm.s32 $0x1BFF;
	s21 =	sshll.u32 s6, $0x1;
	s3 =	sadd.s32 s19, s18  }
0xa2: {  	s7 =	simm.s32 $0x0;
	s20 =	sshll.u32 s5, $0x1;
	s5 =	sadd.s32 s21, s3  }
0xa3: {  	[timem:s7], [sflag:s22] =	dma.local [hbm:s5], s20  }
0xa4: {  	_ =	swait.ge [sflag:s22], s20  }
0xa5: {  	s4 =	ssub.s32 $0x0, s20;
	[sflag:s22] =	ssyncset.done $0x0  }
0xa6: {  	[sflag:s22] =	ssyncadd.s32 s4;
	_ =	sdelay $0x1  }
0xa7: {  	s23 =	simm.s32 $0x1B8B  }
0xa8: {  	_ =	swait.ge [sflag:s23], $0x1  }
0xa9: {  	[sflag:s23] =	ssyncset.done $0x0  }
0xaa: {  	s25 =	simm.s32 $0x1B8E;
	s24 =	sld [smem:$0x3FFE];
	[sflag:s23] =	ssyncadd.s32 $0xFFFFFFFF  }
0xab: {  	s26 =	simm.s32 $execute0_lowered;
	[smem:$0x3FD2] =	sst s25  }
0xac: {  	s5 =	sshll.u32 s26, $0x1;
	_ =	strace $0x80000046;
	[dreg:$0x1] =	wrdreg $0xFFFFFFFF  }
0xad: {  	s28 =	simm.s32 $_size_execute0_lowered;
	s3 =	sadd.s32 s3, s5;
	[dreg:$0x0] =	wrdreg $0x0  }
0xae: {  	s5 =	sshll.u32 s28, $0x1;
	[dreg:$0x2] =	wrdreg s3  }
0xaf: {  	[dreg:$0x3] =	wrdreg s5  }
0xb0: {  	[dreg:$0x4] =	wrdreg $0xC0  }
0xb1: {  	_ =	task [dreg:s7], $0x5FFFF  }
0xb2: {  	[dreg:$0x1] =	wrdreg $0xFFFFFFFF  }
0xb3: {  	[dreg:$0x0] =	wrdreg $0x60  }
0xb4: {  	[dreg:$0x2] =	wrdreg s24  }
0xb5: {  	[dreg:$0x3] =	wrdreg s16  }
0xb6: {  	[dreg:$0x4] =	wrdreg $0x9  }
0xb7: {  	_ =	task.clear_ibuf [dreg:s7], $0x5FFFF;
	_ =	strace $0x90000046  }
0xb8: {  	s29 =	simm.s32 $0x9;
	_ =	strace $0x80000048  }
0xb9: {  	_ =	swait.ge [sflag:s29], $0x1  }
0xba: {  	[sflag:s29] =	ssyncadd.s32 $0xFFFFFFFF  }
0xbb: {  	_ =	strace $0x90000048  }
0xbc: {  	_ =	sfence  }
0xbd: {  	s30 =	sld [smem:$0x0];
	_ =	sdelay $0x2  }
0xbe: {  	s31 =	sshll.u32 s1, $0xD;
	s1 =	sshrl.u32 s1, $0x2  }
0xbf: {  	s3 =	sand.u32 $0x4000, s31;
	s1 =	sadd.s32 s1, s30  }
0xc0: {  	s0 =	sor.u32 s3, s0;
	s1 =	sshll.u32 s1, $0x11  }
0xc1: {  	s0 =	sor.u32 s1, s0  }
0xc2: {  	s0 =	sadd.s32 $0x8F2B, s0  }
0xc3: {  	[sflag:s0] =	ssyncadd.remote.s32 $0x1  }
0xc4: {  	_ =	sfence.sel $0xFFFF  }
0xc5: {  	[dreg:$0x0] =	wrdreg $0xFFFFFFFF;
	(pc) =	sbr.abs _section_cstart, $3  }
0xc6: {  	[dreg:$0x1] =	wrdreg $0xFFFFFFFF  }
0xc7: {  	_ =	task.clear_ibuf [dreg:s7], $0x2FFFF;
	_ =	strace $0x9FFFFFFF  }
0xc8: {  	(tm) =	ssettm $0x7FFFFFFF  }
0xc9: {  	_ =	shalt  }
tec
execute0_lowered:
.L_overlay_start_1:
0x0: {  	(tag) =	ssettag $0x1  }
0x1: {  	s0 =	srdreg.scid;
	s1 =	rddreg [dreg:$0x0]  }
0x2: {  	s2 =	stileid.u32;
	s4 =	rddreg [dreg:$0x1]  }
0x3: {  	s31 =	simm.s32 $0x5;
	s9 =	simm.s32 $0x80;
	s10 =	simm.s32 $0x600  }
0x4: {  	s13 =	simm.s32 $0x1;
	s11 =	simm.s32 $0x2;
	s8 =	simm.s32 $0x3  }
0x5: {  	s30 =	simm.s32 $0x100;
	s29 =	simm.s32 $0x180;
	s28 =	simm.s32 $0x200  }
0x6: {  	p0 =	por $0x0, $0x0;
	s24 =	simm.s32 $0x380;
	s22 =	simm.s32 $0x400  }
0x7: {  	s20 =	simm.s32 $0x480;
	s0 =	sand.u32 $0x1, s0;
	s2 =	sshll.u32 s2, $0x1  }
0x8: {  	s18 =	simm.s32 $0x500;
	s16 =	simm.s32 $0x580;
	s3 =	sor.u32 s0, s2  }
0x9: {  	s2 =	simm.s32 $0x0;
	s0 =	ssub.s32 $0x2, s0;
	s5 =	smul.u32 $0x6000, s3  }
0xa: {  	[smem:$0x7FF] =	sst s2;
	s6 =	smul.u32 $0xC0, s3;
	s3 =	sadd.s32 $0x2000, s1  }
0xb: {  	s7 =	sshrl.u32 s0, $0x1;
	_ =	strace $0x80000047;
	s1 =	sadd.s32 s5, s1  }
0xc: {  	s0 =	ssub.s32 s0, s7;
	s7 =	simm.s32 $0x4;
	s25 =	sadd.s32 $0x188A00, s1  }
0xd: {  	s4 =	sadd.s32 s4, s6;
	s5 =	sadd.s32 $0x189200, s1;
	s26 =	sadd.s32 $0x189A00, s1  }
0xe: {  	s0 =	smax.u32 s0, $0x1;
	s23 =	sadd.s32 $0x18A200, s1;
	s21 =	sadd.s32 $0x18AA00, s1  }
0xf: {  	s19 =	sadd.s32 $0x18B200, s1;
	s17 =	sadd.s32 $0x18BA00, s1;
	p1 =	sne.s32 s0, $0x1  }
.Ltmp0:
0x10: {  	[dreg:$0x3] =	wrdreg s4;
	s15 =	sadd.s32 $0x18C200, s1;
	(pc) =	sbr.rel @!p1 .LBB2_3-.Ltmp0, $4  }
0x11: {  	s14 =	sadd.s32 $0x18CA00, s1;
	s12 =	sadd.s32 $0x18D200, s1;
	[dreg:$0x4] =	wrdreg s25  }
0x12: {  	s6 =	sadd.s32 $0x18DA00, s1;
	s4 =	sadd.s32 $0x18E200, s1;
	[dreg:$0x5] =	wrdreg s5  }
0x13: {  	s1 =	sadd.s32 $0xFFFFFFFF, s0;
	[dreg:$0x6] =	wrdreg s26;
	s5 =	simm.s32 $0x4600  }
0x14: {  	s26 =	simm.s32 $0x280;
	s25 =	simm.s32 $0x300;
	s0 =	rddreg [dreg:$0x3]  }
0x15: {  	[tilespmem:s2], [sflag:$0x5] =	stream.linear.gather [hbm4b:s0+s2], $0x600, $0x38;
	[tilespmem:$0x8600] =	vst v63  }
0x16: {  	_ =	swait.ge [sflag:s31], $0x600  }
0x17: {  	[sflag:s31] =	ssyncset.done $0x0  }
0x18: {  	[sflag:s31] =	ssyncadd.s32 $0xFFFFFA00  }
0x19: {  	[tilespmem:s10], [sflag:$0x1] =	stream.indirect.gather [hbm4b:s3+s9], $0x80, s2, s9, $0xb8;
	[tilespmem:$0x8600] =	vst v63  }
0x1a: {  	_ =	swait.ge [sflag:s13], $0x4000  }
0x1b: {  	[sflag:s13] =	ssyncset.done $0x0  }
0x1c: {  	[sflag:s13] =	ssyncadd.s32 $0xFFFFC000  }
0x1d: {  	[tilespmem:s5], [sflag:$0x2] =	stream.indirect.gather [hbm4b:s3+s9], $0x80, s9, s9, $0xb8;
	[tilespmem:$0x8600] =	vst v63  }
0x1e: {  	s0 =	rddreg [dreg:$0x4]  }
0x1f: {  	[hbm4b:s0+s2] =	stream.linear.scatter [tilespmem:s10], [sflag:$0x3], $0x4000, $0x38;
	[tilespmem:$0x8600] =	vst v63  }
0x20: {  	_ =	swait.ge [sflag:s11], $0x4000  }
0x21: {  	[sflag:s11] =	ssyncset.done $0x0  }
0x22: {  	[sflag:s11] =	ssyncadd.s32 $0xFFFFC000  }
0x23: {  	_ =	swait.ge [sflag:s8], $0x4000  }
0x24: {  	[sflag:s8] =	ssyncset.done $0x0  }
0x25: {  	[sflag:s8] =	ssyncadd.s32 $0xFFFFC000  }
0x26: {  	[tilespmem:s10], [sflag:$0x1] =	stream.indirect.gather [hbm4b:s3+s9], $0x80, s30, s9, $0xb8;
	[tilespmem:$0x8600] =	vst v63  }
0x27: {  	s0 =	rddreg [dreg:$0x5]  }
0x28: {  	[hbm4b:s0+s2] =	stream.linear.scatter [tilespmem:s5], [sflag:$0x4], $0x4000, $0x38;
	[tilespmem:$0x8600] =	vst v63  }
0x29: {  	_ =	swait.ge [sflag:s13], $0x4000  }
0x2a: {  	[sflag:s13] =	ssyncset.done $0x0  }
0x2b: {  	[sflag:s13] =	ssyncadd.s32 $0xFFFFC000  }
0x2c: {  	_ =	swait.ge [sflag:s7], $0x4000  }
0x2d: {  	[sflag:s7] =	ssyncset.done $0x0  }
0x2e: {  	[sflag:s7] =	ssyncadd.s32 $0xFFFFC000  }
0x2f: {  	[tilespmem:s5], [sflag:$0x2] =	stream.indirect.gather [hbm4b:s3+s9], $0x80, s29, s9, $0xb8;
	[tilespmem:$0x8600] =	vst v63  }
0x30: {  	s0 =	rddreg [dreg:$0x6]  }
0x31: {  	[hbm4b:s0+s2] =	stream.linear.scatter [tilespmem:s10], [sflag:$0x3], $0x4000, $0x38;
	[tilespmem:$0x8600] =	vst v63  }
0x32: {  	_ =	swait.ge [sflag:s11], $0x4000  }
0x33: {  	[sflag:s11] =	ssyncset.done $0x0  }
0x34: {  	[sflag:s11] =	ssyncadd.s32 $0xFFFFC000  }
0x35: {  	_ =	swait.ge [sflag:s8], $0x4000  }
0x36: {  	[sflag:s8] =	ssyncset.done $0x0  }
0x37: {  	[sflag:s8] =	ssyncadd.s32 $0xFFFFC000  }
0x38: {  	[tilespmem:s10], [sflag:$0x1] =	stream.indirect.gather [hbm4b:s3+s9], $0x80, s28, s9, $0xb8;
	[tilespmem:$0x8600] =	vst v63  }
0x39: {  	_ = 	snop  }
0x3a: {  	[hbm4b:s23+s2] =	stream.linear.scatter [tilespmem:s5], [sflag:$0x4], $0x4000, $0x38;
	[tilespmem:$0x8600] =	vst v63  }
0x3b: {  	_ =	swait.ge [sflag:s13], $0x4000  }
0x3c: {  	[sflag:s13] =	ssyncset.done $0x0  }
0x3d: {  	[sflag:s13] =	ssyncadd.s32 $0xFFFFC000  }
0x3e: {  	_ =	swait.ge [sflag:s7], $0x4000  }
0x3f: {  	[sflag:s7] =	ssyncset.done $0x0  }
0x40: {  	[sflag:s7] =	ssyncadd.s32 $0xFFFFC000  }
0x41: {  	[tilespmem:s5], [sflag:$0x2] =	stream.indirect.gather [hbm4b:s3+s9], $0x80, s26, s9, $0xb8;
	[tilespmem:$0x8600] =	vst v63  }
0x42: {  	_ = 	snop  }
0x43: {  	[hbm4b:s21+s2] =	stream.linear.scatter [tilespmem:s10], [sflag:$0x3], $0x4000, $0x38;
	[tilespmem:$0x8600] =	vst v63  }
0x44: {  	_ =	swait.ge [sflag:s11], $0x4000  }
0x45: {  	[sflag:s11] =	ssyncset.done $0x0  }
0x46: {  	[sflag:s11] =	ssyncadd.s32 $0xFFFFC000  }
0x47: {  	_ =	swait.ge [sflag:s8], $0x4000  }
0x48: {  	[sflag:s8] =	ssyncset.done $0x0  }
0x49: {  	[sflag:s8] =	ssyncadd.s32 $0xFFFFC000  }
0x4a: {  	[tilespmem:s10], [sflag:$0x1] =	stream.indirect.gather [hbm4b:s3+s9], $0x80, s25, s9, $0xb8;
	[tilespmem:$0x8600] =	vst v63  }
0x4b: {  	_ = 	snop  }
0x4c: {  	[hbm4b:s19+s2] =	stream.linear.scatter [tilespmem:s5], [sflag:$0x4], $0x4000, $0x38;
	[tilespmem:$0x8600] =	vst v63  }
0x4d: {  	_ =	swait.ge [sflag:s13], $0x4000  }
0x4e: {  	[sflag:s13] =	ssyncset.done $0x0  }
0x4f: {  	[sflag:s13] =	ssyncadd.s32 $0xFFFFC000  }
0x50: {  	_ =	swait.ge [sflag:s7], $0x4000  }
0x51: {  	[sflag:s7] =	ssyncset.done $0x0  }
0x52: {  	[sflag:s7] =	ssyncadd.s32 $0xFFFFC000  }
0x53: {  	[tilespmem:s5], [sflag:$0x2] =	stream.indirect.gather [hbm4b:s3+s9], $0x80, s24, s9, $0xb8;
	[tilespmem:$0x8600] =	vst v63  }
0x54: {  	_ = 	snop  }
0x55: {  	[hbm4b:s17+s2] =	stream.linear.scatter [tilespmem:s10], [sflag:$0x3], $0x4000, $0x38;
	[tilespmem:$0x8600] =	vst v63  }
0x56: {  	_ =	swait.ge [sflag:s11], $0x4000  }
0x57: {  	[sflag:s11] =	ssyncset.done $0x0  }
0x58: {  	[sflag:s11] =	ssyncadd.s32 $0xFFFFC000  }
0x59: {  	_ =	swait.ge [sflag:s8], $0x4000  }
0x5a: {  	[sflag:s8] =	ssyncset.done $0x0  }
0x5b: {  	[sflag:s8] =	ssyncadd.s32 $0xFFFFC000  }
0x5c: {  	[tilespmem:s10], [sflag:$0x1] =	stream.indirect.gather [hbm4b:s3+s9], $0x80, s22, s9, $0xb8;
	[tilespmem:$0x8600] =	vst v63  }
0x5d: {  	_ = 	snop  }
0x5e: {  	[hbm4b:s15+s2] =	stream.linear.scatter [tilespmem:s5], [sflag:$0x4], $0x4000, $0x38;
	[tilespmem:$0x8600] =	vst v63  }
0x5f: {  	_ =	swait.ge [sflag:s13], $0x4000  }
0x60: {  	[sflag:s13] =	ssyncset.done $0x0  }
0x61: {  	[sflag:s13] =	ssyncadd.s32 $0xFFFFC000  }
0x62: {  	_ =	swait.ge [sflag:s7], $0x4000  }
0x63: {  	[sflag:s7] =	ssyncset.done $0x0  }
0x64: {  	[sflag:s7] =	ssyncadd.s32 $0xFFFFC000  }
0x65: {  	[tilespmem:s5], [sflag:$0x2] =	stream.indirect.gather [hbm4b:s3+s9], $0x80, s20, s9, $0xb8;
	[tilespmem:$0x8600] =	vst v63  }
0x66: {  	_ = 	snop  }
0x67: {  	[hbm4b:s14+s2] =	stream.linear.scatter [tilespmem:s10], [sflag:$0x3], $0x4000, $0x38;
	[tilespmem:$0x8600] =	vst v63  }
0x68: {  	_ =	swait.ge [sflag:s11], $0x4000  }
0x69: {  	[sflag:s11] =	ssyncset.done $0x0  }
0x6a: {  	[sflag:s11] =	ssyncadd.s32 $0xFFFFC000  }
0x6b: {  	_ =	swait.ge [sflag:s8], $0x4000  }
0x6c: {  	[sflag:s8] =	ssyncset.done $0x0  }
0x6d: {  	[sflag:s8] =	ssyncadd.s32 $0xFFFFC000  }
0x6e: {  	[tilespmem:s10], [sflag:$0x1] =	stream.indirect.gather [hbm4b:s3+s9], $0x80, s18, s9, $0xb8;
	[tilespmem:$0x8600] =	vst v63  }
0x6f: {  	_ = 	snop  }
0x70: {  	[hbm4b:s12+s2] =	stream.linear.scatter [tilespmem:s5], [sflag:$0x4], $0x4000, $0x38;
	[tilespmem:$0x8600] =	vst v63  }
0x71: {  	_ =	swait.ge [sflag:s13], $0x4000  }
0x72: {  	[sflag:s13] =	ssyncset.done $0x0  }
0x73: {  	[sflag:s13] =	ssyncadd.s32 $0xFFFFC000  }
0x74: {  	_ =	swait.ge [sflag:s7], $0x4000  }
0x75: {  	[sflag:s7] =	ssyncset.done $0x0  }
0x76: {  	[sflag:s7] =	ssyncadd.s32 $0xFFFFC000  }
0x77: {  	[tilespmem:s5], [sflag:$0x2] =	stream.indirect.gather [hbm4b:s3+s9], $0x80, s16, s9, $0xb8;
	[tilespmem:$0x8600] =	vst v63  }
0x78: {  	_ = 	snop  }
0x79: {  	[hbm4b:s6+s2] =	stream.linear.scatter [tilespmem:s10], [sflag:$0x3], $0x4000, $0x38;
	[tilespmem:$0x8600] =	vst v63  }
0x7a: {  	_ =	swait.ge [sflag:s11], $0x4000  }
0x7b: {  	[sflag:s11] =	ssyncset.done $0x0  }
0x7c: {  	[sflag:s11] =	ssyncadd.s32 $0xFFFFC000  }
0x7d: {  	p1 =	sne.s32 s1, $0x1;
	_ =	swait.ge [sflag:s8], $0x4000  }
.Ltmp1:
0x7e: {  	[sflag:s8] =	ssyncset.done $0x0;
	(pc) =	sbr.rel @!p1 .LBB2_3-.Ltmp1, $4  }
0x7f: {  	[sflag:s8] =	ssyncadd.s32 $0xFFFFC000  }
0x80: {  	[hbm4b:s4+s2] =	stream.linear.scatter [tilespmem:s5], [sflag:$0x4], $0x4000, $0x38;
	[tilespmem:$0x8600] =	vst v63  }
0x81: {  	s1 =	sadd.s32 $0xFFFFFFFF, s1;
	_ =	swait.ge [sflag:s7], $0x4000  }
0x82: {  	p0 =	por $0x1, $0x1;
	s0 =	rddreg [dreg:$0x3];
	[sflag:s7] =	ssyncset.done $0x0  }
.LBB2_2:
0x83: {  	[sflag:s7] =	ssyncadd.s32 $0xFFFFC000  }
0x84: {  	[tilespmem:s2], [sflag:$0x5] =	stream.linear.gather [hbm4b:s0+s2], $0x600, $0x38;
	[tilespmem:$0x8600] =	vst v63  }
0x85: {  	_ =	swait.ge [sflag:s31], $0x600  }
0x86: {  	[sflag:s31] =	ssyncset.done $0x0  }
0x87: {  	[sflag:s31] =	ssyncadd.s32 $0xFFFFFA00  }
0x88: {  	[tilespmem:s10], [sflag:$0x1] =	stream.indirect.gather [hbm4b:s3+s9], $0x80, s2, s9, $0xb8;
	[tilespmem:$0x8600] =	vst v63  }
0x89: {  	_ =	swait.ge [sflag:s13], $0x4000  }
0x8a: {  	[sflag:s13] =	ssyncset.done $0x0  }
0x8b: {  	[sflag:s13] =	ssyncadd.s32 $0xFFFFC000  }
0x8c: {  	[tilespmem:s5], [sflag:$0x2] =	stream.indirect.gather [hbm4b:s3+s9], $0x80, s9, s9, $0xb8;
	[tilespmem:$0x8600] =	vst v63  }
0x8d: {  	s0 =	rddreg [dreg:$0x4]  }
0x8e: {  	[hbm4b:s0+s2] =	stream.linear.scatter [tilespmem:s10], [sflag:$0x3], $0x4000, $0x38;
	[tilespmem:$0x8600] =	vst v63  }
0x8f: {  	_ =	swait.ge [sflag:s11], $0x4000  }
0x90: {  	[sflag:s11] =	ssyncset.done $0x0  }
0x91: {  	[sflag:s11] =	ssyncadd.s32 $0xFFFFC000  }
0x92: {  	_ =	swait.ge [sflag:s8], $0x4000  }
0x93: {  	[sflag:s8] =	ssyncset.done $0x0  }
0x94: {  	[sflag:s8] =	ssyncadd.s32 $0xFFFFC000  }
0x95: {  	[tilespmem:s10], [sflag:$0x1] =	stream.indirect.gather [hbm4b:s3+s9], $0x80, s30, s9, $0xb8;
	[tilespmem:$0x8600] =	vst v63  }
0x96: {  	s0 =	rddreg [dreg:$0x5]  }
0x97: {  	[hbm4b:s0+s2] =	stream.linear.scatter [tilespmem:s5], [sflag:$0x4], $0x4000, $0x38;
	[tilespmem:$0x8600] =	vst v63  }
0x98: {  	_ =	swait.ge [sflag:s13], $0x4000  }
0x99: {  	[sflag:s13] =	ssyncset.done $0x0  }
0x9a: {  	[sflag:s13] =	ssyncadd.s32 $0xFFFFC000  }
0x9b: {  	_ =	swait.ge [sflag:s7], $0x4000  }
0x9c: {  	[sflag:s7] =	ssyncset.done $0x0  }
0x9d: {  	[sflag:s7] =	ssyncadd.s32 $0xFFFFC000  }
0x9e: {  	[tilespmem:s5], [sflag:$0x2] =	stream.indirect.gather [hbm4b:s3+s9], $0x80, s29, s9, $0xb8;
	[tilespmem:$0x8600] =	vst v63  }
0x9f: {  	s0 =	rddreg [dreg:$0x6]  }
0xa0: {  	[hbm4b:s0+s2] =	stream.linear.scatter [tilespmem:s10], [sflag:$0x3], $0x4000, $0x38;
	[tilespmem:$0x8600] =	vst v63  }
0xa1: {  	_ =	swait.ge [sflag:s11], $0x4000  }
0xa2: {  	[sflag:s11] =	ssyncset.done $0x0  }
0xa3: {  	[sflag:s11] =	ssyncadd.s32 $0xFFFFC000  }
0xa4: {  	_ =	swait.ge [sflag:s8], $0x4000  }
0xa5: {  	[sflag:s8] =	ssyncset.done $0x0  }
0xa6: {  	[sflag:s8] =	ssyncadd.s32 $0xFFFFC000  }
0xa7: {  	[tilespmem:s10], [sflag:$0x1] =	stream.indirect.gather [hbm4b:s3+s9], $0x80, s28, s9, $0xb8;
	[tilespmem:$0x8600] =	vst v63  }
0xa8: {  	_ = 	snop  }
0xa9: {  	[hbm4b:s23+s2] =	stream.linear.scatter [tilespmem:s5], [sflag:$0x4], $0x4000, $0x38;
	[tilespmem:$0x8600] =	vst v63  }
0xaa: {  	_ =	swait.ge [sflag:s13], $0x4000  }
0xab: {  	[sflag:s13] =	ssyncset.done $0x0  }
0xac: {  	[sflag:s13] =	ssyncadd.s32 $0xFFFFC000  }
0xad: {  	_ =	swait.ge [sflag:s7], $0x4000  }
0xae: {  	[sflag:s7] =	ssyncset.done $0x0  }
0xaf: {  	[sflag:s7] =	ssyncadd.s32 $0xFFFFC000  }
0xb0: {  	[tilespmem:s5], [sflag:$0x2] =	stream.indirect.gather [hbm4b:s3+s9], $0x80, s26, s9, $0xb8;
	[tilespmem:$0x8600] =	vst v63  }
0xb1: {  	_ = 	snop  }
0xb2: {  	[hbm4b:s21+s2] =	stream.linear.scatter [tilespmem:s10], [sflag:$0x3], $0x4000, $0x38;
	[tilespmem:$0x8600] =	vst v63  }
0xb3: {  	_ =	swait.ge [sflag:s11], $0x4000  }
0xb4: {  	[sflag:s11] =	ssyncset.done $0x0  }
0xb5: {  	[sflag:s11] =	ssyncadd.s32 $0xFFFFC000  }
0xb6: {  	_ =	swait.ge [sflag:s8], $0x4000  }
0xb7: {  	[sflag:s8] =	ssyncset.done $0x0  }
0xb8: {  	[sflag:s8] =	ssyncadd.s32 $0xFFFFC000  }
0xb9: {  	[tilespmem:s10], [sflag:$0x1] =	stream.indirect.gather [hbm4b:s3+s9], $0x80, s25, s9, $0xb8;
	[tilespmem:$0x8600] =	vst v63  }
0xba: {  	_ = 	snop  }
0xbb: {  	[hbm4b:s19+s2] =	stream.linear.scatter [tilespmem:s5], [sflag:$0x4], $0x4000, $0x38;
	[tilespmem:$0x8600] =	vst v63  }
0xbc: {  	_ =	swait.ge [sflag:s13], $0x4000  }
0xbd: {  	[sflag:s13] =	ssyncset.done $0x0  }
0xbe: {  	[sflag:s13] =	ssyncadd.s32 $0xFFFFC000  }
0xbf: {  	_ =	swait.ge [sflag:s7], $0x4000  }
0xc0: {  	[sflag:s7] =	ssyncset.done $0x0  }
0xc1: {  	[sflag:s7] =	ssyncadd.s32 $0xFFFFC000  }
0xc2: {  	[tilespmem:s5], [sflag:$0x2] =	stream.indirect.gather [hbm4b:s3+s9], $0x80, s24, s9, $0xb8;
	[tilespmem:$0x8600] =	vst v63  }
0xc3: {  	_ = 	snop  }
0xc4: {  	[hbm4b:s17+s2] =	stream.linear.scatter [tilespmem:s10], [sflag:$0x3], $0x4000, $0x38;
	[tilespmem:$0x8600] =	vst v63  }
0xc5: {  	_ =	swait.ge [sflag:s11], $0x4000  }
0xc6: {  	[sflag:s11] =	ssyncset.done $0x0  }
0xc7: {  	[sflag:s11] =	ssyncadd.s32 $0xFFFFC000  }
0xc8: {  	_ =	swait.ge [sflag:s8], $0x4000  }
0xc9: {  	[sflag:s8] =	ssyncset.done $0x0  }
0xca: {  	[sflag:s8] =	ssyncadd.s32 $0xFFFFC000  }
0xcb: {  	[tilespmem:s10], [sflag:$0x1] =	stream.indirect.gather [hbm4b:s3+s9], $0x80, s22, s9, $0xb8;
	[tilespmem:$0x8600] =	vst v63  }
0xcc: {  	_ = 	snop  }
0xcd: {  	[hbm4b:s15+s2] =	stream.linear.scatter [tilespmem:s5], [sflag:$0x4], $0x4000, $0x38;
	[tilespmem:$0x8600] =	vst v63  }
0xce: {  	_ =	swait.ge [sflag:s13], $0x4000  }
0xcf: {  	[sflag:s13] =	ssyncset.done $0x0  }
0xd0: {  	[sflag:s13] =	ssyncadd.s32 $0xFFFFC000  }
0xd1: {  	_ =	swait.ge [sflag:s7], $0x4000  }
0xd2: {  	[sflag:s7] =	ssyncset.done $0x0  }
0xd3: {  	[sflag:s7] =	ssyncadd.s32 $0xFFFFC000  }
0xd4: {  	[tilespmem:s5], [sflag:$0x2] =	stream.indirect.gather [hbm4b:s3+s9], $0x80, s20, s9, $0xb8;
	[tilespmem:$0x8600] =	vst v63  }
0xd5: {  	_ = 	snop  }
0xd6: {  	[hbm4b:s14+s2] =	stream.linear.scatter [tilespmem:s10], [sflag:$0x3], $0x4000, $0x38;
	[tilespmem:$0x8600] =	vst v63  }
0xd7: {  	_ =	swait.ge [sflag:s11], $0x4000  }
0xd8: {  	[sflag:s11] =	ssyncset.done $0x0  }
0xd9: {  	[sflag:s11] =	ssyncadd.s32 $0xFFFFC000  }
0xda: {  	_ =	swait.ge [sflag:s8], $0x4000  }
0xdb: {  	[sflag:s8] =	ssyncset.done $0x0  }
0xdc: {  	[sflag:s8] =	ssyncadd.s32 $0xFFFFC000  }
0xdd: {  	[tilespmem:s10], [sflag:$0x1] =	stream.indirect.gather [hbm4b:s3+s9], $0x80, s18, s9, $0xb8;
	[tilespmem:$0x8600] =	vst v63  }
0xde: {  	_ = 	snop  }
0xdf: {  	[hbm4b:s12+s2] =	stream.linear.scatter [tilespmem:s5], [sflag:$0x4], $0x4000, $0x38;
	[tilespmem:$0x8600] =	vst v63  }
0xe0: {  	_ =	swait.ge [sflag:s13], $0x4000  }
0xe1: {  	[sflag:s13] =	ssyncset.done $0x0  }
0xe2: {  	[sflag:s13] =	ssyncadd.s32 $0xFFFFC000  }
0xe3: {  	_ =	swait.ge [sflag:s7], $0x4000  }
0xe4: {  	[sflag:s7] =	ssyncset.done $0x0  }
0xe5: {  	[sflag:s7] =	ssyncadd.s32 $0xFFFFC000  }
0xe6: {  	[tilespmem:s5], [sflag:$0x2] =	stream.indirect.gather [hbm4b:s3+s9], $0x80, s16, s9, $0xb8;
	[tilespmem:$0x8600] =	vst v63  }
0xe7: {  	_ = 	snop  }
0xe8: {  	[hbm4b:s6+s2] =	stream.linear.scatter [tilespmem:s10], [sflag:$0x3], $0x4000, $0x38;
	[tilespmem:$0x8600] =	vst v63  }
0xe9: {  	_ =	swait.ge [sflag:s11], $0x4000  }
0xea: {  	[sflag:s11] =	ssyncset.done $0x0  }
0xeb: {  	[sflag:s11] =	ssyncadd.s32 $0xFFFFC000  }
0xec: {  	p1 =	sne.s32 s1, $0x1;
	_ =	swait.ge [sflag:s8], $0x4000  }
.Ltmp2:
0xed: {  	[sflag:s8] =	ssyncset.done $0x0;
	(pc) =	sbr.rel @p1 .LBB2_2-.Ltmp2, $4  }
0xee: {  	[sflag:s8] =	ssyncadd.s32 $0xFFFFC000  }
0xef: {  	[hbm4b:s4+s2] =	stream.linear.scatter [tilespmem:s5], [sflag:$0x4], $0x4000, $0x38;
	[tilespmem:$0x8600] =	vst v63  }
0xf0: {  	_ =	swait.ge [sflag:s7], $0x4000  }
0xf1: {  	s1 =	sadd.s32 $0xFFFFFFFF, s1;
	s0 =	rddreg [dreg:$0x3];
	[sflag:s7] =	ssyncset.done $0x0  }
.LBB2_3:
0xf2: {  	[sflag:s7] =	ssyncadd.s32 @p0 $0xFFFFC000  }
0xf3: {  	[tilespmem:s2], [sflag:$0x5] =	stream.linear.gather [hbm4b:s0+s2], $0x600, $0x38;
	[tilespmem:$0x8600] =	vst v63  }
0xf4: {  	_ =	swait.ge [sflag:s31], $0x600  }
0xf5: {  	[sflag:s31] =	ssyncset.done $0x0  }
0xf6: {  	[sflag:s31] =	ssyncadd.s32 $0xFFFFFA00  }
0xf7: {  	[tilespmem:s10], [sflag:$0x1] =	stream.indirect.gather [hbm4b:s3+s9], $0x80, s2, s9, $0xb8;
	[tilespmem:$0x8600] =	vst v63  }
0xf8: {  	_ =	swait.ge [sflag:s13], $0x4000  }
0xf9: {  	[sflag:s13] =	ssyncset.done $0x0  }
0xfa: {  	[sflag:s13] =	ssyncadd.s32 $0xFFFFC000  }
0xfb: {  	[tilespmem:s5], [sflag:$0x2] =	stream.indirect.gather [hbm4b:s3+s9], $0x80, s9, s9, $0xb8;
	[tilespmem:$0x8600] =	vst v63  }
0xfc: {  	s31 =	rddreg [dreg:$0x4]  }
0xfd: {  	[hbm4b:s31+s2] =	stream.linear.scatter [tilespmem:s10], [sflag:$0x3], $0x4000, $0x38;
	[tilespmem:$0x8600] =	vst v63  }
0xfe: {  	_ =	swait.ge [sflag:s11], $0x4000  }
0xff: {  	[sflag:s11] =	ssyncset.done $0x0  }
0x100: {  	[sflag:s11] =	ssyncadd.s32 $0xFFFFC000  }
0x101: {  	_ =	swait.ge [sflag:s8], $0x4000  }
0x102: {  	[sflag:s8] =	ssyncset.done $0x0  }
0x103: {  	[sflag:s8] =	ssyncadd.s32 $0xFFFFC000  }
0x104: {  	[tilespmem:s10], [sflag:$0x1] =	stream.indirect.gather [hbm4b:s3+s9], $0x80, s30, s9, $0xb8;
	[tilespmem:$0x8600] =	vst v63  }
0x105: {  	s1 =	rddreg [dreg:$0x5]  }
0x106: {  	[hbm4b:s1+s2] =	stream.linear.scatter [tilespmem:s5], [sflag:$0x4], $0x4000, $0x38;
	[tilespmem:$0x8600] =	vst v63  }
0x107: {  	_ =	swait.ge [sflag:s13], $0x4000  }
0x108: {  	[sflag:s13] =	ssyncset.done $0x0  }
0x109: {  	[sflag:s13] =	ssyncadd.s32 $0xFFFFC000  }
0x10a: {  	_ =	swait.ge [sflag:s7], $0x4000  }
0x10b: {  	[sflag:s7] =	ssyncset.done $0x0  }
0x10c: {  	[sflag:s7] =	ssyncadd.s32 $0xFFFFC000  }
0x10d: {  	[tilespmem:s5], [sflag:$0x2] =	stream.indirect.gather [hbm4b:s3+s9], $0x80, s29, s9, $0xb8;
	[tilespmem:$0x8600] =	vst v63  }
0x10e: {  	s30 =	rddreg [dreg:$0x6]  }
0x10f: {  	[hbm4b:s30+s2] =	stream.linear.scatter [tilespmem:s10], [sflag:$0x3], $0x4000, $0x38;
	[tilespmem:$0x8600] =	vst v63  }
0x110: {  	_ =	swait.ge [sflag:s11], $0x4000  }
0x111: {  	[sflag:s11] =	ssyncset.done $0x0  }
0x112: {  	[sflag:s11] =	ssyncadd.s32 $0xFFFFC000  }
0x113: {  	_ =	swait.ge [sflag:s8], $0x4000  }
0x114: {  	[sflag:s8] =	ssyncset.done $0x0  }
0x115: {  	[sflag:s8] =	ssyncadd.s32 $0xFFFFC000  }
0x116: {  	[tilespmem:s10], [sflag:$0x1] =	stream.indirect.gather [hbm4b:s3+s9], $0x80, s28, s9, $0xb8;
	[tilespmem:$0x8600] =	vst v63  }
0x117: {  	_ = 	snop  }
0x118: {  	[hbm4b:s23+s2] =	stream.linear.scatter [tilespmem:s5], [sflag:$0x4], $0x4000, $0x38;
	[tilespmem:$0x8600] =	vst v63  }
0x119: {  	_ =	swait.ge [sflag:s13], $0x4000  }
0x11a: {  	[sflag:s13] =	ssyncset.done $0x0  }
0x11b: {  	[sflag:s13] =	ssyncadd.s32 $0xFFFFC000  }
0x11c: {  	_ =	swait.ge [sflag:s7], $0x4000  }
0x11d: {  	[sflag:s7] =	ssyncset.done $0x0  }
0x11e: {  	[sflag:s7] =	ssyncadd.s32 $0xFFFFC000  }
0x11f: {  	[tilespmem:s5], [sflag:$0x2] =	stream.indirect.gather [hbm4b:s3+s9], $0x80, s26, s9, $0xb8;
	[tilespmem:$0x8600] =	vst v63  }
0x120: {  	_ = 	snop  }
0x121: {  	[hbm4b:s21+s2] =	stream.linear.scatter [tilespmem:s10], [sflag:$0x3], $0x4000, $0x38;
	[tilespmem:$0x8600] =	vst v63  }
0x122: {  	_ =	swait.ge [sflag:s11], $0x4000  }
0x123: {  	[sflag:s11] =	ssyncset.done $0x0  }
0x124: {  	[sflag:s11] =	ssyncadd.s32 $0xFFFFC000  }
0x125: {  	_ =	swait.ge [sflag:s8], $0x4000  }
0x126: {  	[sflag:s8] =	ssyncset.done $0x0  }
0x127: {  	[sflag:s8] =	ssyncadd.s32 $0xFFFFC000  }
0x128: {  	[tilespmem:s10], [sflag:$0x1] =	stream.indirect.gather [hbm4b:s3+s9], $0x80, s25, s9, $0xb8;
	[tilespmem:$0x8600] =	vst v63  }
0x129: {  	_ = 	snop  }
0x12a: {  	[hbm4b:s19+s2] =	stream.linear.scatter [tilespmem:s5], [sflag:$0x4], $0x4000, $0x38;
	[tilespmem:$0x8600] =	vst v63  }
0x12b: {  	_ =	swait.ge [sflag:s13], $0x4000  }
0x12c: {  	[sflag:s13] =	ssyncset.done $0x0  }
0x12d: {  	[sflag:s13] =	ssyncadd.s32 $0xFFFFC000  }
0x12e: {  	_ =	swait.ge [sflag:s7], $0x4000  }
0x12f: {  	[sflag:s7] =	ssyncset.done $0x0  }
0x130: {  	[sflag:s7] =	ssyncadd.s32 $0xFFFFC000  }
0x131: {  	[tilespmem:s5], [sflag:$0x2] =	stream.indirect.gather [hbm4b:s3+s9], $0x80, s24, s9, $0xb8;
	[tilespmem:$0x8600] =	vst v63  }
0x132: {  	_ = 	snop  }
0x133: {  	[hbm4b:s17+s2] =	stream.linear.scatter [tilespmem:s10], [sflag:$0x3], $0x4000, $0x38;
	[tilespmem:$0x8600] =	vst v63  }
0x134: {  	_ =	swait.ge [sflag:s11], $0x4000  }
0x135: {  	[sflag:s11] =	ssyncset.done $0x0  }
0x136: {  	[sflag:s11] =	ssyncadd.s32 $0xFFFFC000  }
0x137: {  	_ =	swait.ge [sflag:s8], $0x4000  }
0x138: {  	[sflag:s8] =	ssyncset.done $0x0  }
0x139: {  	[sflag:s8] =	ssyncadd.s32 $0xFFFFC000  }
0x13a: {  	[tilespmem:s10], [sflag:$0x1] =	stream.indirect.gather [hbm4b:s3+s9], $0x80, s22, s9, $0xb8;
	[tilespmem:$0x8600] =	vst v63  }
0x13b: {  	_ = 	snop  }
0x13c: {  	[hbm4b:s15+s2] =	stream.linear.scatter [tilespmem:s5], [sflag:$0x4], $0x4000, $0x38;
	[tilespmem:$0x8600] =	vst v63  }
0x13d: {  	_ =	swait.ge [sflag:s13], $0x4000  }
0x13e: {  	[sflag:s13] =	ssyncset.done $0x0  }
0x13f: {  	[sflag:s13] =	ssyncadd.s32 $0xFFFFC000  }
0x140: {  	_ =	swait.ge [sflag:s7], $0x4000  }
0x141: {  	[sflag:s7] =	ssyncset.done $0x0  }
0x142: {  	[sflag:s7] =	ssyncadd.s32 $0xFFFFC000  }
0x143: {  	[tilespmem:s5], [sflag:$0x2] =	stream.indirect.gather [hbm4b:s3+s9], $0x80, s20, s9, $0xb8;
	[tilespmem:$0x8600] =	vst v63  }
0x144: {  	_ = 	snop  }
0x145: {  	[hbm4b:s14+s2] =	stream.linear.scatter [tilespmem:s10], [sflag:$0x3], $0x4000, $0x38;
	[tilespmem:$0x8600] =	vst v63  }
0x146: {  	_ =	swait.ge [sflag:s11], $0x4000  }
0x147: {  	[sflag:s11] =	ssyncset.done $0x0  }
0x148: {  	[sflag:s11] =	ssyncadd.s32 $0xFFFFC000  }
0x149: {  	_ =	swait.ge [sflag:s8], $0x4000  }
0x14a: {  	[sflag:s8] =	ssyncset.done $0x0  }
0x14b: {  	[sflag:s8] =	ssyncadd.s32 $0xFFFFC000  }
0x14c: {  	[tilespmem:s10], [sflag:$0x1] =	stream.indirect.gather [hbm4b:s3+s9], $0x80, s18, s9, $0xb8;
	[tilespmem:$0x8600] =	vst v63  }
0x14d: {  	_ = 	snop  }
0x14e: {  	[hbm4b:s12+s2] =	stream.linear.scatter [tilespmem:s5], [sflag:$0x4], $0x4000, $0x38;
	[tilespmem:$0x8600] =	vst v63  }
0x14f: {  	_ =	swait.ge [sflag:s13], $0x4000  }
0x150: {  	[sflag:s13] =	ssyncset.done $0x0  }
0x151: {  	[sflag:s13] =	ssyncadd.s32 $0xFFFFC000  }
0x152: {  	_ =	swait.ge [sflag:s7], $0x4000  }
0x153: {  	[sflag:s7] =	ssyncset.done $0x0  }
0x154: {  	[sflag:s7] =	ssyncadd.s32 $0xFFFFC000  }
0x155: {  	[tilespmem:s5], [sflag:$0x2] =	stream.indirect.gather [hbm4b:s3+s9], $0x80, s16, s9, $0xb8;
	[tilespmem:$0x8600] =	vst v63  }
0x156: {  	_ = 	snop  }
0x157: {  	[hbm4b:s6+s2] =	stream.linear.scatter [tilespmem:s10], [sflag:$0x3], $0x4000, $0x38;
	[tilespmem:$0x8600] =	vst v63  }
0x158: {  	_ =	swait.ge [sflag:s11], $0x4000  }
0x159: {  	[sflag:s11] =	ssyncset.done $0x0  }
0x15a: {  	[sflag:s11] =	ssyncadd.s32 $0xFFFFC000  }
0x15b: {  	_ =	swait.ge [sflag:s8], $0x4000  }
0x15c: {  	[sflag:s8] =	ssyncset.done $0x0  }
0x15d: {  	[sflag:s8] =	ssyncadd.s32 $0xFFFFC000  }
0x15e: {  	[hbm4b:s4+s2] =	stream.linear.scatter [tilespmem:s5], [sflag:$0x4], $0x4000, $0x38;
	[tilespmem:$0x8600] =	vst v63  }
0x15f: {  	_ =	swait.ge [sflag:s7], $0x4000  }
0x160: {  	[sflag:s7] =	ssyncset.done $0x0  }
0x161: {  	[sflag:s7] =	ssyncadd.s32 $0xFFFFC000  }
0x162: {  	_ =	sfence.sel $0x180000  }
0x163: {  	[bflag:$0x0] =	sbarrier.arrive $0xFFFF  }
0x164: {  	_ =	strace $0x90000047  }
0x165: {  	s31 =	stileid.u32;
	[bflag:$0x2] =	sbarrier.arrive $0xFFFF  }
0x166: {  	p0 =	sne.s32 s31, $0x0;
	s0 =	rddreg [dreg:$0x2]  }
0x167: {  	s0 =	sadd.s32 @!p0 $0x100000, s0  }
0x168: {  	[sflag:s0] =	ssyncadd.tile.s32 @!p0 $0x1;
	_ =	shalt  }
.Lfunc_end2:
_tile_overlayer_lowered:
.L_overlay_start_2:
0x169: {  	(tag) =	ssettag $0x2  }
0x16a: {  	s0 =	rddreg [dreg:$0x0];
	s2 =	stileid.u32  }
0x16b: {  	s1 =	rddreg [dreg:$0x1];
	p0 =	sne.s32 s2, $0x0  }
0x16c: {  	s3 =	rddreg [dreg:$0x2];
	[bflag:$0x3] =	sbarrier.arrive $0xFFFF;
	s2 =	simm.s32 @!p0 $0x1C05  }
0x16d: {  	[timem:s3], [sflag:s2] =	dma.local @!p0 [hbm:s0], s1  }
0x16e: {  	s0 =	simm.s32 @!p0 $0x5  }
0x16f: {  	_ =	swait.ge @!p0 [sflag:s0], s1  }
0x170: {  	s1 =	ssub.s32 @!p0 $0x0, s1;
	[sflag:s0] =	ssyncset.done @!p0 $0x0  }
0x171: {  	[sflag:s0] =	ssyncadd.s32 @!p0 s1  }
0x172: {  	[bflag:$0x3] =	sbarrier.arrive $0xFFFF  }
0x173: {  	_ =	shalt  }

// kernel: kernel.13.cloned.1.call-start
scs
__scs_entry_jumppad:
0x0: {  	(pc) =	sbr.rel $0x88, $3  }
0x1: {  	(tag) =	ssettag $0x0;
	lr =	simm.s32 $0x1  }
0x2: {  	[smem:$0x3F97] =	sst lr;
	_ =	strace $0xD0000000  }
0x3: {  	_ = 	snop  }
0x4: {  	_ = 	snop  }
0x5: {  	_ = 	snop  }
0x6: {  	_ = 	snop  }
0x7: {  	_ = 	snop  }
__scs_overlays_trampoline_lowered:
0x8: {  	[smem:$0x3FA6] =	sst s0  }
0x9: {  	[smem:$0x3FA7] =	sst s1  }
0xa: {  	[smem:$0x3FA8] =	sst s2  }
0xb: {  	[smem:$0x3FA9] =	sst s3  }
0xc: {  	[smem:$0x3FAA] =	sst s4  }
0xd: {  	[smem:$0x3FAB] =	sst s5  }
0xe: {  	[smem:$0x3FAC] =	sst s6  }
0xf: {  	[smem:$0x3FAD] =	sst s7  }
0x10: {  	[smem:$0x3FAE] =	sst s8  }
0x11: {  	[smem:$0x3FAF] =	sst s9;
	s0 =	simm.s32 @!p0 $0x0  }
0x12: {  	s1 =	sld [smem:$0x3F95];
	s0 =	simm.s32 @p0 $0x1  }
0x13: {  	[smem:$0x3FB0] =	sst s0;
	s0 =	simm.s32 @!p1 $0x0  }
0x14: {  	s2 =	sld [smem:$0x3F94];
	s0 =	simm.s32 @p1 $0x1  }
0x15: {  	[smem:$0x3FB1] =	sst s0;
	s0 =	simm.s32 @!p2 $0x0  }
0x16: {  	s3 =	sld [smem:$0x3FDB];
	s0 =	simm.s32 @p2 $0x1  }
0x17: {  	s4 =	simm.s32 $0x1BF5;
	[smem:$0x3FB3] =	sst s0  }
0x18: {  	s0 =	sld [smem:$0x3F96];
	_ =	swait.ge [sflag:s4], $0x0  }
0x19: {  	s7 =	sld [smem:$0x3F97]  }
0x1a: {  	s8 =	sadd.s32 $0xFFFFE003, lr  }
0x1b: {  	s9 =	sadd.s32 $0xFFFFFEF7, lr;
	s5 =	simm.s32 $0xFFFFFFFF;
	p2 =	slt.u32 s8, $0xFFFFF086  }
0x1c: {  	p1 =	slt.u32 s9, $0xF7A;
	s5 =	simm.s32 @!p2 $0x0  }
0x1d: {  	s5 =	simm.s32 @p1 $0x1;
	p0 =	seq.s32 s7, s2  }
0x1e: {  	s7 =	smul.u32 @!p0 $0xF7A, s2;
	p2 =	seq.s32 @!p0 s5, $0x0  }
0x1f: {  	s9 =	smul.u32 $0xF7A, s1;
	s8 =	simm.s32 @!p0 $0x1BF5;
	p2 =	por !p2, p0  }
0x20: {  	[sflag:s8] =	ssyncset.s32 @!p0 $0xFFFFF086;
	s6 =	sadd.s32 @!p0 s3, s7;
	s7 =	simm.s32 @!p0 $0x108  }
0x21: {  	s3 =	sadd.s32 s3, s9;
	s6 =	sadd.s32 @!p0 $0x88, s6;
	s7 =	simm.s32 @p2 $0x1082  }
0x22: {  	[simem:s7], [sflag:s8] =	dma.local @!p0 [hbm:s6], $0xF7A  }
0x23: {  	s9 =	sor.u32 $0xD0000000, s2;
	s6 =	simm.s32 $0x108;
	_ =	swait.ge @!p0 [sflag:s8], $0x0  }
0x24: {  	s3 =	sadd.s32 $0x88, s3;
	s6 =	simm.s32 @!p1 $0x1082;
	[sflag:s4] =	ssyncset.s32 $0xFFFFF086  }
0x25: {  	[simem:s6], [sflag:s4] =	dma.local [hbm:s3], $0xF7A  }
0x26: {  	[smem:$0x3F97] =	sst s1;
	(tag) =	ssettag s2;
	_ =	strace s9  }
0x27: {  	s1 =	sld [smem:$0x3FA7]  }
0x28: {  	s2 =	sld [smem:$0x3FA8]  }
0x29: {  	s4 =	sld [smem:$0x3FAA]  }
0x2a: {  	p0 =	seq.s32 s5, $0x0;
	s5 =	sld [smem:$0x3FAB]  }
0x2b: {  	s6 =	sld [smem:$0x3FAC]  }
0x2c: {  	s7 =	sld [smem:$0x3FAD]  }
0x2d: {  	s3 =	simm.s32 $0x108;
	s8 =	sld [smem:$0x3FAE]  }
0x2e: {  	s3 =	simm.s32 @!p0 $0x1082;
	s9 =	sld [smem:$0x3FAF]  }
0x2f: {  	lr =	sadd.s32 s0, s3;
	s0 =	sld [smem:$0x3FA6]  }
0x30: {  	s3 =	sld [smem:$0x3FA9]  }
0x31: {  	[smem:$0x3FB2] =	sst s10  }
0x32: {  	s10 =	sld [smem:$0x3FB0];
	_ =	sdelay $0x3  }
0x33: {  	p0 =	seq.s32 s10, $0x1;
	s10 =	sld [smem:$0x3FB2];
	_ =	sdelay $0x3  }
0x34: {  	[smem:$0x3FB2] =	sst s10  }
0x35: {  	s10 =	sld [smem:$0x3FB1];
	_ =	sdelay $0x3  }
0x36: {  	p1 =	seq.s32 s10, $0x1;
	s10 =	sld [smem:$0x3FB2];
	_ =	sdelay $0x3  }
0x37: {  	[smem:$0x3FB2] =	sst s10  }
0x38: {  	s10 =	sld [smem:$0x3FB3]  }
0x39: {  	_ = 	snop;
	(pc) =	sbr.ind lr, $3  }
0x3a: {  	_ = 	snop  }
0x3b: {  	_ = 	snop  }
0x3c: {  	p2 =	seq.s32 s10, $0x1;
	s10 =	sld [smem:$0x3FB2]  }
0x3d: {  	_ =	shalt  }
0x3e: {  	_ =	shalt  }
0x3f: {  	_ =	shalt  }
0x40: {  	_ =	shalt  }
0x41: {  	_ =	shalt  }
0x42: {  	_ =	shalt  }
0x43: {  	_ =	shalt  }
0x44: {  	_ =	shalt  }
0x45: {  	_ =	shalt  }
0x46: {  	_ =	shalt  }
0x47: {  	_ =	shalt  }
0x48: {  	_ =	shalt  }
0x49: {  	_ =	shalt  }
0x4a: {  	_ =	shalt  }
0x4b: {  	_ =	shalt  }
0x4c: {  	_ =	shalt  }
0x4d: {  	_ =	shalt  }
0x4e: {  	_ =	shalt  }
0x4f: {  	_ =	shalt  }
0x50: {  	_ =	shalt  }
0x51: {  	_ =	shalt  }
0x52: {  	_ =	shalt  }
0x53: {  	_ =	shalt  }
0x54: {  	_ =	shalt  }
0x55: {  	_ =	shalt  }
0x56: {  	_ =	shalt  }
0x57: {  	_ =	shalt  }
0x58: {  	_ =	shalt  }
0x59: {  	_ =	shalt  }
0x5a: {  	_ =	shalt  }
0x5b: {  	_ =	shalt  }
0x5c: {  	_ =	shalt  }
0x5d: {  	_ =	shalt  }
0x5e: {  	_ =	shalt  }
0x5f: {  	_ =	shalt  }
0x60: {  	_ =	shalt  }
0x61: {  	_ =	shalt  }
0x62: {  	_ =	shalt  }
0x63: {  	_ =	shalt  }
0x64: {  	_ =	shalt  }
0x65: {  	_ =	shalt  }
0x66: {  	_ =	shalt  }
0x67: {  	_ =	shalt  }
0x68: {  	_ =	shalt  }
0x69: {  	_ =	shalt  }
0x6a: {  	_ =	shalt  }
0x6b: {  	_ =	shalt  }
0x6c: {  	_ =	shalt  }
0x6d: {  	_ =	shalt  }
0x6e: {  	_ =	shalt  }
0x6f: {  	_ =	shalt  }
0x70: {  	_ =	shalt  }
0x71: {  	_ =	shalt  }
0x72: {  	_ =	shalt  }
0x73: {  	_ =	shalt  }
0x74: {  	_ =	shalt  }
0x75: {  	_ =	shalt  }
0x76: {  	_ =	shalt  }
0x77: {  	_ =	shalt  }
0x78: {  	_ =	shalt  }
0x79: {  	_ =	shalt  }
0x7a: {  	_ =	shalt  }
0x7b: {  	_ =	shalt  }
0x7c: {  	_ =	shalt  }
0x7d: {  	_ =	shalt  }
0x7e: {  	_ =	shalt  }
0x7f: {  	_ =	shalt  }
0x80: {  	_ =	shalt  }
0x81: {  	_ =	shalt  }
0x82: {  	_ =	shalt  }
0x83: {  	_ =	shalt  }
0x84: {  	_ =	shalt  }
0x85: {  	_ =	shalt  }
0x86: {  	_ =	shalt  }
0x87: {  	_ =	shalt  }
.Lfunc_end0:
.L_simem_size_0:
called_computation.1_lowered:
.L_overlay_start_0:
0x88: {  	s2 =	sld [smem:$0x3FD9]  }
0x89: {  	s3 =	sld [smem:$0x3FFE];
	_ =	sdelay $0x1  }
0x8a: {  	s1 =	srdreg.scid  }
0x8b: {  	s0 =	sand.u32 $0x1, s1  }
0x8c: {  	s17 =	sshll.u32 s0, $0xA;
	s2 =	sadd.s32 s3, s2  }
0x8d: {  	s2 =	sadd.s32 s2, s17  }
0x8e: {  	[smem:$0x3FBE] =	sst s2  }
0x8f: {  	_ = 	snop  }
0x90: {  	(tm) =	ssettm $0x1  }
0x91: {  	s18 =	sld [smem:$0x3FFB];
	_ =	sdelay $0x3  }
0x92: {  	_ =	strace s18  }
0x93: {  	s2 =	sld [smem:$0x3FFC];
	_ =	sdelay $0x3  }
0x94: {  	_ =	strace s2  }
0x95: {  	s2 =	sld [smem:$0x3FFD];
	_ =	sdelay $0x3  }
0x96: {  	_ =	strace s2  }
0x97: {  	_ =	strace $0x8FFFFFFF  }
0x98: {  	s19 =	sld [smem:$0x3FDB];
	_ =	sdelay $0x1  }
0x99: {  	s20 =	simm.s32 $_scs_section_size  }
0x9a: {  	s4 =	simm.s32 $_size__tile_overlayer_lowered;
	s5 =	simm.s32 $_tile_overlayer_lowered  }
0x9b: {  	s6 =	simm.s32 $0x1BFF;
	s21 =	sshll.u32 s5, $0x1;
	s3 =	sadd.s32 s20, s19  }
0x9c: {  	s22 =	simm.s32 $0x0;
	s4 =	sshll.u32 s4, $0x1;
	s5 =	sadd.s32 s21, s3  }
0x9d: {  	[timem:s22], [sflag:s6] =	dma.local [hbm:s5], s4  }
0x9e: {  	_ =	swait.ge [sflag:s6], s4  }
0x9f: {  	s4 =	ssub.s32 $0x0, s4;
	[sflag:s6] =	ssyncset.done $0x0  }
0xa0: {  	[sflag:s6] =	ssyncadd.s32 s4;
	_ =	sdelay $0x1  }
0xa1: {  	s23 =	simm.s32 $0x1B8B  }
0xa2: {  	_ =	swait.ge [sflag:s23], $0x1  }
0xa3: {  	[sflag:s23] =	ssyncset.done $0x0  }
0xa4: {  	[sflag:s23] =	ssyncadd.s32 $0xFFFFFFFF  }
0xa5: {  	s4 =	sld [smem:$0x0]  }
0xa6: {  	s5 =	sand.u32 $0xFFFFFFFE, s1  }
0xa7: {  	p0 =	sne.s32 s1, s5  }
0xa8: {  	s5 =	sshll.u32 @p0 s5, $0xE  }
0xa9: {  	s5 =	sadd.s32 @p0 $0x11B8D, s5;
	s6 =	sshll.u32 @p0 s4, $0x11  }
0xaa: {  	s5 =	sor.u32 @p0 s6, s5  }
0xab: {  	[sflag:s5] =	ssyncadd.remote.s32 @p0 $0x1;
	_ =	sdelay $0x1  }
0xac: {  	s5 =	simm.s32 @p0 $0x1B8D  }
0xad: {  	_ =	swait.eq @p0 [sflag:s5], $0x1  }
0xae: {  	[sflag:s5] =	ssyncadd.s32 @p0 $0xFFFFFFFF  }
0xaf: {  	s6 =	sshll.u32 @!p0 s1, $0xE  }
0xb0: {  	s6 =	sor.u32 @!p0 $0x4000, s6;
	s5 =	simm.s32 @!p0 $0x1B8D  }
0xb1: {  	s4 =	sshll.u32 @!p0 s4, $0x11;
	s6 =	sadd.s32 @!p0 $0x11B8D, s6;
	_ =	swait.eq @!p0 [sflag:s5], $0x1  }
0xb2: {  	s4 =	sor.u32 @!p0 s4, s6;
	[sflag:s5] =	ssyncadd.s32 @!p0 $0xFFFFFFFF  }
0xb3: {  	s25 =	simm.s32 $0x1B8E;
	s24 =	sld [smem:$0x3FFE];
	[sflag:s4] =	ssyncadd.remote.s32 @!p0 $0x1  }
0xb4: {  	s26 =	simm.s32 $execute0_lowered;
	[smem:$0x3FD2] =	sst s25  }
0xb5: {  	s5 =	sshll.u32 s26, $0x1;
	_ =	strace $0x80000049;
	[dreg:$0x1] =	wrdreg $0xFFFFFFFF  }
0xb6: {  	s28 =	simm.s32 $_size_execute0_lowered;
	s3 =	sadd.s32 s3, s5;
	[dreg:$0x0] =	wrdreg $0x0  }
0xb7: {  	s5 =	sshll.u32 s28, $0x1;
	[dreg:$0x2] =	wrdreg s3  }
0xb8: {  	[dreg:$0x3] =	wrdreg s5  }
0xb9: {  	[dreg:$0x4] =	wrdreg $0xC0  }
0xba: {  	_ =	task [dreg:s22], $0x5FFFF  }
0xbb: {  	[dreg:$0x1] =	wrdreg $0xFFFFFFFF  }
0xbc: {  	[dreg:$0x0] =	wrdreg $0x60  }
0xbd: {  	[dreg:$0x2] =	wrdreg s24  }
0xbe: {  	[dreg:$0x3] =	wrdreg $0xA  }
0xbf: {  	_ =	task.clear_ibuf [dreg:s22], $0x4FFFF;
	_ =	strace $0x90000049  }
0xc0: {  	s29 =	simm.s32 $0xA;
	_ =	strace $0x8000004B  }
0xc1: {  	_ =	swait.ge [sflag:s29], $0x1  }
0xc2: {  	[sflag:s29] =	ssyncadd.s32 $0xFFFFFFFF  }
0xc3: {  	_ =	strace $0x9000004B  }
0xc4: {  	_ =	sfence  }
0xc5: {  	s30 =	sld [smem:$0x0];
	_ =	sdelay $0x2  }
0xc6: {  	s31 =	sshll.u32 s1, $0xD;
	s1 =	sshrl.u32 s1, $0x2  }
0xc7: {  	s4 =	sand.u32 $0x4000, s31;
	s1 =	sadd.s32 s1, s30  }
0xc8: {  	s0 =	sor.u32 s4, s0;
	s1 =	sshll.u32 s1, $0x11  }
0xc9: {  	s0 =	sor.u32 s1, s0  }
0xca: {  	s0 =	sadd.s32 $0x8F2B, s0  }
0xcb: {  	[sflag:s0] =	ssyncadd.remote.s32 $0x1  }
0xcc: {  	_ =	sfence.sel $0xFFFF  }
0xcd: {  	[dreg:$0x0] =	wrdreg $0xFFFFFFFF;
	(pc) =	sbr.abs _section_cstart, $3  }
0xce: {  	[dreg:$0x1] =	wrdreg $0xFFFFFFFF  }
0xcf: {  	_ =	task.clear_ibuf [dreg:s22], $0x2FFFF;
	_ =	strace $0x9FFFFFFF  }
0xd0: {  	(tm) =	ssettm $0x7FFFFFFF  }
0xd1: {  	_ =	shalt  }
tec
execute0_lowered:
.L_overlay_start_1:
0x0: {  	(tag) =	ssettag $0x1  }
0x1: {  	s0 =	srdreg.scid  }
0x2: {  	s2 =	stileid.u32;
	s1 =	rddreg [dreg:$0x0];
	s31 =	simm.s32 $0x5  }
0x3: {  	s9 =	simm.s32 $0x80;
	s10 =	simm.s32 $0x600;
	s13 =	simm.s32 $0x1  }
0x4: {  	s11 =	simm.s32 $0x2;
	s8 =	simm.s32 $0x3;
	s30 =	simm.s32 $0x100  }
0x5: {  	s7 =	simm.s32 $0x4;
	s29 =	simm.s32 $0x180;
	s28 =	simm.s32 $0x200  }
0x6: {  	p0 =	por $0x0, $0x0;
	s0 =	sand.u32 $0x1, s0;
	s3 =	sshll.u32 s2, $0x1  }
0x7: {  	s24 =	simm.s32 $0x380;
	s22 =	simm.s32 $0x400;
	s3 =	sor.u32 s0, s3  }
0x8: {  	s20 =	simm.s32 $0x480;
	s2 =	simm.s32 $0x0;
	s4 =	smul.u32 $0xC0, s3  }
0x9: {  	s18 =	simm.s32 $0x500;
	[smem:$0x7FF] =	sst s2;
	s5 =	smul.u32 $0x6000, s3  }
0xa: {  	s16 =	simm.s32 $0x580;
	s0 =	ssub.s32 $0x2, s0;
	_ =	strace $0x8000004A  }
0xb: {  	s3 =	sadd.s32 $0x2000, s1;
	s4 =	sadd.s32 s4, s1;
	s1 =	sadd.s32 s5, s1  }
0xc: {  	s6 =	sshrl.u32 s0, $0x1;
	s4 =	sadd.s32 $0x248A00, s4;
	s25 =	sadd.s32 $0x24A200, s1  }
0xd: {  	s0 =	ssub.s32 s0, s6;
	s5 =	sadd.s32 $0x24AA00, s1;
	s26 =	sadd.s32 $0x24B200, s1  }
0xe: {  	s0 =	smax.u32 s0, $0x1;
	s23 =	sadd.s32 $0x24BA00, s1;
	s21 =	sadd.s32 $0x24C200, s1  }
0xf: {  	s19 =	sadd.s32 $0x24CA00, s1;
	p1 =	sne.s32 s0, $0x1;
	[dreg:$0x2] =	wrdreg s4  }
.Ltmp0:
0x10: {  	s17 =	sadd.s32 $0x24D200, s1;
	[dreg:$0x3] =	wrdreg s25;
	(pc) =	sbr.rel @!p1 .LBB2_3-.Ltmp0, $4  }
0x11: {  	s15 =	sadd.s32 $0x24DA00, s1;
	s14 =	sadd.s32 $0x24E200, s1;
	[dreg:$0x4] =	wrdreg s5  }
0x12: {  	s12 =	sadd.s32 $0x24EA00, s1;
	s6 =	sadd.s32 $0x24F200, s1;
	[dreg:$0x5] =	wrdreg s26  }
0x13: {  	s4 =	sadd.s32 $0x24FA00, s1;
	s5 =	simm.s32 $0x4600;
	s26 =	simm.s32 $0x280  }
0x14: {  	s1 =	sadd.s32 $0xFFFFFFFF, s0;
	s25 =	simm.s32 $0x300;
	s0 =	rddreg [dreg:$0x2]  }
0x15: {  	[tilespmem:s2], [sflag:$0x5] =	stream.linear.gather [hbm4b:s0+s2], $0x600, $0x38;
	[tilespmem:$0x8600] =	vst v63  }
0x16: {  	_ =	swait.ge [sflag:s31], $0x600  }
0x17: {  	[sflag:s31] =	ssyncset.done $0x0  }
0x18: {  	[sflag:s31] =	ssyncadd.s32 $0xFFFFFA00  }
0x19: {  	[tilespmem:s10], [sflag:$0x1] =	stream.indirect.gather [hbm4b:s3+s9], $0x80, s2, s9, $0xb8;
	[tilespmem:$0x8600] =	vst v63  }
0x1a: {  	_ =	swait.ge [sflag:s13], $0x4000  }
0x1b: {  	[sflag:s13] =	ssyncset.done $0x0  }
0x1c: {  	[sflag:s13] =	ssyncadd.s32 $0xFFFFC000  }
0x1d: {  	[tilespmem:s5], [sflag:$0x2] =	stream.indirect.gather [hbm4b:s3+s9], $0x80, s9, s9, $0xb8;
	[tilespmem:$0x8600] =	vst v63  }
0x1e: {  	s0 =	rddreg [dreg:$0x3]  }
0x1f: {  	[hbm4b:s0+s2] =	stream.linear.scatter [tilespmem:s10], [sflag:$0x3], $0x4000, $0x38;
	[tilespmem:$0x8600] =	vst v63  }
0x20: {  	_ =	swait.ge [sflag:s11], $0x4000  }
0x21: {  	[sflag:s11] =	ssyncset.done $0x0  }
0x22: {  	[sflag:s11] =	ssyncadd.s32 $0xFFFFC000  }
0x23: {  	_ =	swait.ge [sflag:s8], $0x4000  }
0x24: {  	[sflag:s8] =	ssyncset.done $0x0  }
0x25: {  	[sflag:s8] =	ssyncadd.s32 $0xFFFFC000  }
0x26: {  	[tilespmem:s10], [sflag:$0x1] =	stream.indirect.gather [hbm4b:s3+s9], $0x80, s30, s9, $0xb8;
	[tilespmem:$0x8600] =	vst v63  }
0x27: {  	s0 =	rddreg [dreg:$0x4]  }
0x28: {  	[hbm4b:s0+s2] =	stream.linear.scatter [tilespmem:s5], [sflag:$0x4], $0x4000, $0x38;
	[tilespmem:$0x8600] =	vst v63  }
0x29: {  	_ =	swait.ge [sflag:s13], $0x4000  }
0x2a: {  	[sflag:s13] =	ssyncset.done $0x0  }
0x2b: {  	[sflag:s13] =	ssyncadd.s32 $0xFFFFC000  }
0x2c: {  	_ =	swait.ge [sflag:s7], $0x4000  }
0x2d: {  	[sflag:s7] =	ssyncset.done $0x0  }
0x2e: {  	[sflag:s7] =	ssyncadd.s32 $0xFFFFC000  }
0x2f: {  	[tilespmem:s5], [sflag:$0x2] =	stream.indirect.gather [hbm4b:s3+s9], $0x80, s29, s9, $0xb8;
	[tilespmem:$0x8600] =	vst v63  }
0x30: {  	s0 =	rddreg [dreg:$0x5]  }
0x31: {  	[hbm4b:s0+s2] =	stream.linear.scatter [tilespmem:s10], [sflag:$0x3], $0x4000, $0x38;
	[tilespmem:$0x8600] =	vst v63  }
0x32: {  	_ =	swait.ge [sflag:s11], $0x4000  }
0x33: {  	[sflag:s11] =	ssyncset.done $0x0  }
0x34: {  	[sflag:s11] =	ssyncadd.s32 $0xFFFFC000  }
0x35: {  	_ =	swait.ge [sflag:s8], $0x4000  }
0x36: {  	[sflag:s8] =	ssyncset.done $0x0  }
0x37: {  	[sflag:s8] =	ssyncadd.s32 $0xFFFFC000  }
0x38: {  	[tilespmem:s10], [sflag:$0x1] =	stream.indirect.gather [hbm4b:s3+s9], $0x80, s28, s9, $0xb8;
	[tilespmem:$0x8600] =	vst v63  }
0x39: {  	_ = 	snop  }
0x3a: {  	[hbm4b:s23+s2] =	stream.linear.scatter [tilespmem:s5], [sflag:$0x4], $0x4000, $0x38;
	[tilespmem:$0x8600] =	vst v63  }
0x3b: {  	_ =	swait.ge [sflag:s13], $0x4000  }
0x3c: {  	[sflag:s13] =	ssyncset.done $0x0  }
0x3d: {  	[sflag:s13] =	ssyncadd.s32 $0xFFFFC000  }
0x3e: {  	_ =	swait.ge [sflag:s7], $0x4000  }
0x3f: {  	[sflag:s7] =	ssyncset.done $0x0  }
0x40: {  	[sflag:s7] =	ssyncadd.s32 $0xFFFFC000  }
0x41: {  	[tilespmem:s5], [sflag:$0x2] =	stream.indirect.gather [hbm4b:s3+s9], $0x80, s26, s9, $0xb8;
	[tilespmem:$0x8600] =	vst v63  }
0x42: {  	_ = 	snop  }
0x43: {  	[hbm4b:s21+s2] =	stream.linear.scatter [tilespmem:s10], [sflag:$0x3], $0x4000, $0x38;
	[tilespmem:$0x8600] =	vst v63  }
0x44: {  	_ =	swait.ge [sflag:s11], $0x4000  }
0x45: {  	[sflag:s11] =	ssyncset.done $0x0  }
0x46: {  	[sflag:s11] =	ssyncadd.s32 $0xFFFFC000  }
0x47: {  	_ =	swait.ge [sflag:s8], $0x4000  }
0x48: {  	[sflag:s8] =	ssyncset.done $0x0  }
0x49: {  	[sflag:s8] =	ssyncadd.s32 $0xFFFFC000  }
0x4a: {  	[tilespmem:s10], [sflag:$0x1] =	stream.indirect.gather [hbm4b:s3+s9], $0x80, s25, s9, $0xb8;
	[tilespmem:$0x8600] =	vst v63  }
0x4b: {  	_ = 	snop  }
0x4c: {  	[hbm4b:s19+s2] =	stream.linear.scatter [tilespmem:s5], [sflag:$0x4], $0x4000, $0x38;
	[tilespmem:$0x8600] =	vst v63  }
0x4d: {  	_ =	swait.ge [sflag:s13], $0x4000  }
0x4e: {  	[sflag:s13] =	ssyncset.done $0x0  }
0x4f: {  	[sflag:s13] =	ssyncadd.s32 $0xFFFFC000  }
0x50: {  	_ =	swait.ge [sflag:s7], $0x4000  }
0x51: {  	[sflag:s7] =	ssyncset.done $0x0  }
0x52: {  	[sflag:s7] =	ssyncadd.s32 $0xFFFFC000  }
0x53: {  	[tilespmem:s5], [sflag:$0x2] =	stream.indirect.gather [hbm4b:s3+s9], $0x80, s24, s9, $0xb8;
	[tilespmem:$0x8600] =	vst v63  }
0x54: {  	_ = 	snop  }
0x55: {  	[hbm4b:s17+s2] =	stream.linear.scatter [tilespmem:s10], [sflag:$0x3], $0x4000, $0x38;
	[tilespmem:$0x8600] =	vst v63  }
0x56: {  	_ =	swait.ge [sflag:s11], $0x4000  }
0x57: {  	[sflag:s11] =	ssyncset.done $0x0  }
0x58: {  	[sflag:s11] =	ssyncadd.s32 $0xFFFFC000  }
0x59: {  	_ =	swait.ge [sflag:s8], $0x4000  }
0x5a: {  	[sflag:s8] =	ssyncset.done $0x0  }
0x5b: {  	[sflag:s8] =	ssyncadd.s32 $0xFFFFC000  }
0x5c: {  	[tilespmem:s10], [sflag:$0x1] =	stream.indirect.gather [hbm4b:s3+s9], $0x80, s22, s9, $0xb8;
	[tilespmem:$0x8600] =	vst v63  }
0x5d: {  	_ = 	snop  }
0x5e: {  	[hbm4b:s15+s2] =	stream.linear.scatter [tilespmem:s5], [sflag:$0x4], $0x4000, $0x38;
	[tilespmem:$0x8600] =	vst v63  }
0x5f: {  	_ =	swait.ge [sflag:s13], $0x4000  }
0x60: {  	[sflag:s13] =	ssyncset.done $0x0  }
0x61: {  	[sflag:s13] =	ssyncadd.s32 $0xFFFFC000  }
0x62: {  	_ =	swait.ge [sflag:s7], $0x4000  }
0x63: {  	[sflag:s7] =	ssyncset.done $0x0  }
0x64: {  	[sflag:s7] =	ssyncadd.s32 $0xFFFFC000  }
0x65: {  	[tilespmem:s5], [sflag:$0x2] =	stream.indirect.gather [hbm4b:s3+s9], $0x80, s20, s9, $0xb8;
	[tilespmem:$0x8600] =	vst v63  }
0x66: {  	_ = 	snop  }
0x67: {  	[hbm4b:s14+s2] =	stream.linear.scatter [tilespmem:s10], [sflag:$0x3], $0x4000, $0x38;
	[tilespmem:$0x8600] =	vst v63  }
0x68: {  	_ =	swait.ge [sflag:s11], $0x4000  }
0x69: {  	[sflag:s11] =	ssyncset.done $0x0  }
0x6a: {  	[sflag:s11] =	ssyncadd.s32 $0xFFFFC000  }
0x6b: {  	_ =	swait.ge [sflag:s8], $0x4000  }
0x6c: {  	[sflag:s8] =	ssyncset.done $0x0  }
0x6d: {  	[sflag:s8] =	ssyncadd.s32 $0xFFFFC000  }
0x6e: {  	[tilespmem:s10], [sflag:$0x1] =	stream.indirect.gather [hbm4b:s3+s9], $0x80, s18, s9, $0xb8;
	[tilespmem:$0x8600] =	vst v63  }
0x6f: {  	_ = 	snop  }
0x70: {  	[hbm4b:s12+s2] =	stream.linear.scatter [tilespmem:s5], [sflag:$0x4], $0x4000, $0x38;
	[tilespmem:$0x8600] =	vst v63  }
0x71: {  	_ =	swait.ge [sflag:s13], $0x4000  }
0x72: {  	[sflag:s13] =	ssyncset.done $0x0  }
0x73: {  	[sflag:s13] =	ssyncadd.s32 $0xFFFFC000  }
0x74: {  	_ =	swait.ge [sflag:s7], $0x4000  }
0x75: {  	[sflag:s7] =	ssyncset.done $0x0  }
0x76: {  	[sflag:s7] =	ssyncadd.s32 $0xFFFFC000  }
0x77: {  	[tilespmem:s5], [sflag:$0x2] =	stream.indirect.gather [hbm4b:s3+s9], $0x80, s16, s9, $0xb8;
	[tilespmem:$0x8600] =	vst v63  }
0x78: {  	_ = 	snop  }
0x79: {  	[hbm4b:s6+s2] =	stream.linear.scatter [tilespmem:s10], [sflag:$0x3], $0x4000, $0x38;
	[tilespmem:$0x8600] =	vst v63  }
0x7a: {  	_ =	swait.ge [sflag:s11], $0x4000  }
0x7b: {  	[sflag:s11] =	ssyncset.done $0x0  }
0x7c: {  	[sflag:s11] =	ssyncadd.s32 $0xFFFFC000  }
0x7d: {  	p1 =	sne.s32 s1, $0x1;
	_ =	swait.ge [sflag:s8], $0x4000  }
.Ltmp1:
0x7e: {  	[sflag:s8] =	ssyncset.done $0x0;
	(pc) =	sbr.rel @!p1 .LBB2_3-.Ltmp1, $4  }
0x7f: {  	[sflag:s8] =	ssyncadd.s32 $0xFFFFC000  }
0x80: {  	[hbm4b:s4+s2] =	stream.linear.scatter [tilespmem:s5], [sflag:$0x4], $0x4000, $0x38;
	[tilespmem:$0x8600] =	vst v63  }
0x81: {  	s1 =	sadd.s32 $0xFFFFFFFF, s1;
	_ =	swait.ge [sflag:s7], $0x4000  }
0x82: {  	p0 =	por $0x1, $0x1;
	s0 =	rddreg [dreg:$0x2];
	[sflag:s7] =	ssyncset.done $0x0  }
.LBB2_2:
0x83: {  	[sflag:s7] =	ssyncadd.s32 $0xFFFFC000  }
0x84: {  	[tilespmem:s2], [sflag:$0x5] =	stream.linear.gather [hbm4b:s0+s2], $0x600, $0x38;
	[tilespmem:$0x8600] =	vst v63  }
0x85: {  	_ =	swait.ge [sflag:s31], $0x600  }
0x86: {  	[sflag:s31] =	ssyncset.done $0x0  }
0x87: {  	[sflag:s31] =	ssyncadd.s32 $0xFFFFFA00  }
0x88: {  	[tilespmem:s10], [sflag:$0x1] =	stream.indirect.gather [hbm4b:s3+s9], $0x80, s2, s9, $0xb8;
	[tilespmem:$0x8600] =	vst v63  }
0x89: {  	_ =	swait.ge [sflag:s13], $0x4000  }
0x8a: {  	[sflag:s13] =	ssyncset.done $0x0  }
0x8b: {  	[sflag:s13] =	ssyncadd.s32 $0xFFFFC000  }
0x8c: {  	[tilespmem:s5], [sflag:$0x2] =	stream.indirect.gather [hbm4b:s3+s9], $0x80, s9, s9, $0xb8;
	[tilespmem:$0x8600] =	vst v63  }
0x8d: {  	s0 =	rddreg [dreg:$0x3]  }
0x8e: {  	[hbm4b:s0+s2] =	stream.linear.scatter [tilespmem:s10], [sflag:$0x3], $0x4000, $0x38;
	[tilespmem:$0x8600] =	vst v63  }
0x8f: {  	_ =	swait.ge [sflag:s11], $0x4000  }
0x90: {  	[sflag:s11] =	ssyncset.done $0x0  }
0x91: {  	[sflag:s11] =	ssyncadd.s32 $0xFFFFC000  }
0x92: {  	_ =	swait.ge [sflag:s8], $0x4000  }
0x93: {  	[sflag:s8] =	ssyncset.done $0x0  }
0x94: {  	[sflag:s8] =	ssyncadd.s32 $0xFFFFC000  }
0x95: {  	[tilespmem:s10], [sflag:$0x1] =	stream.indirect.gather [hbm4b:s3+s9], $0x80, s30, s9, $0xb8;
	[tilespmem:$0x8600] =	vst v63  }
0x96: {  	s0 =	rddreg [dreg:$0x4]  }
0x97: {  	[hbm4b:s0+s2] =	stream.linear.scatter [tilespmem:s5], [sflag:$0x4], $0x4000, $0x38;
	[tilespmem:$0x8600] =	vst v63  }
0x98: {  	_ =	swait.ge [sflag:s13], $0x4000  }
0x99: {  	[sflag:s13] =	ssyncset.done $0x0  }
0x9a: {  	[sflag:s13] =	ssyncadd.s32 $0xFFFFC000  }
0x9b: {  	_ =	swait.ge [sflag:s7], $0x4000  }
0x9c: {  	[sflag:s7] =	ssyncset.done $0x0  }
0x9d: {  	[sflag:s7] =	ssyncadd.s32 $0xFFFFC000  }
0x9e: {  	[tilespmem:s5], [sflag:$0x2] =	stream.indirect.gather [hbm4b:s3+s9], $0x80, s29, s9, $0xb8;
	[tilespmem:$0x8600] =	vst v63  }
0x9f: {  	s0 =	rddreg [dreg:$0x5]  }
0xa0: {  	[hbm4b:s0+s2] =	stream.linear.scatter [tilespmem:s10], [sflag:$0x3], $0x4000, $0x38;
	[tilespmem:$0x8600] =	vst v63  }
0xa1: {  	_ =	swait.ge [sflag:s11], $0x4000  }
0xa2: {  	[sflag:s11] =	ssyncset.done $0x0  }
0xa3: {  	[sflag:s11] =	ssyncadd.s32 $0xFFFFC000  }
0xa4: {  	_ =	swait.ge [sflag:s8], $0x4000  }
0xa5: {  	[sflag:s8] =	ssyncset.done $0x0  }
0xa6: {  	[sflag:s8] =	ssyncadd.s32 $0xFFFFC000  }
0xa7: {  	[tilespmem:s10], [sflag:$0x1] =	stream.indirect.gather [hbm4b:s3+s9], $0x80, s28, s9, $0xb8;
	[tilespmem:$0x8600] =	vst v63  }
0xa8: {  	_ = 	snop  }
0xa9: {  	[hbm4b:s23+s2] =	stream.linear.scatter [tilespmem:s5], [sflag:$0x4], $0x4000, $0x38;
	[tilespmem:$0x8600] =	vst v63  }
0xaa: {  	_ =	swait.ge [sflag:s13], $0x4000  }
0xab: {  	[sflag:s13] =	ssyncset.done $0x0  }
0xac: {  	[sflag:s13] =	ssyncadd.s32 $0xFFFFC000  }
0xad: {  	_ =	swait.ge [sflag:s7], $0x4000  }
0xae: {  	[sflag:s7] =	ssyncset.done $0x0  }
0xaf: {  	[sflag:s7] =	ssyncadd.s32 $0xFFFFC000  }
0xb0: {  	[tilespmem:s5], [sflag:$0x2] =	stream.indirect.gather [hbm4b:s3+s9], $0x80, s26, s9, $0xb8;
	[tilespmem:$0x8600] =	vst v63  }
0xb1: {  	_ = 	snop  }
0xb2: {  	[hbm4b:s21+s2] =	stream.linear.scatter [tilespmem:s10], [sflag:$0x3], $0x4000, $0x38;
	[tilespmem:$0x8600] =	vst v63  }
0xb3: {  	_ =	swait.ge [sflag:s11], $0x4000  }
0xb4: {  	[sflag:s11] =	ssyncset.done $0x0  }
0xb5: {  	[sflag:s11] =	ssyncadd.s32 $0xFFFFC000  }
0xb6: {  	_ =	swait.ge [sflag:s8], $0x4000  }
0xb7: {  	[sflag:s8] =	ssyncset.done $0x0  }
0xb8: {  	[sflag:s8] =	ssyncadd.s32 $0xFFFFC000  }
0xb9: {  	[tilespmem:s10], [sflag:$0x1] =	stream.indirect.gather [hbm4b:s3+s9], $0x80, s25, s9, $0xb8;
	[tilespmem:$0x8600] =	vst v63  }
0xba: {  	_ = 	snop  }
0xbb: {  	[hbm4b:s19+s2] =	stream.linear.scatter [tilespmem:s5], [sflag:$0x4], $0x4000, $0x38;
	[tilespmem:$0x8600] =	vst v63  }
0xbc: {  	_ =	swait.ge [sflag:s13], $0x4000  }
0xbd: {  	[sflag:s13] =	ssyncset.done $0x0  }
0xbe: {  	[sflag:s13] =	ssyncadd.s32 $0xFFFFC000  }
0xbf: {  	_ =	swait.ge [sflag:s7], $0x4000  }
0xc0: {  	[sflag:s7] =	ssyncset.done $0x0  }
0xc1: {  	[sflag:s7] =	ssyncadd.s32 $0xFFFFC000  }
0xc2: {  	[tilespmem:s5], [sflag:$0x2] =	stream.indirect.gather [hbm4b:s3+s9], $0x80, s24, s9, $0xb8;
	[tilespmem:$0x8600] =	vst v63  }
0xc3: {  	_ = 	snop  }
0xc4: {  	[hbm4b:s17+s2] =	stream.linear.scatter [tilespmem:s10], [sflag:$0x3], $0x4000, $0x38;
	[tilespmem:$0x8600] =	vst v63  }
0xc5: {  	_ =	swait.ge [sflag:s11], $0x4000  }
0xc6: {  	[sflag:s11] =	ssyncset.done $0x0  }
0xc7: {  	[sflag:s11] =	ssyncadd.s32 $0xFFFFC000  }
0xc8: {  	_ =	swait.ge [sflag:s8], $0x4000  }
0xc9: {  	[sflag:s8] =	ssyncset.done $0x0  }
0xca: {  	[sflag:s8] =	ssyncadd.s32 $0xFFFFC000  }
0xcb: {  	[tilespmem:s10], [sflag:$0x1] =	stream.indirect.gather [hbm4b:s3+s9], $0x80, s22, s9, $0xb8;
	[tilespmem:$0x8600] =	vst v63  }
0xcc: {  	_ = 	snop  }
0xcd: {  	[hbm4b:s15+s2] =	stream.linear.scatter [tilespmem:s5], [sflag:$0x4], $0x4000, $0x38;
	[tilespmem:$0x8600] =	vst v63  }
0xce: {  	_ =	swait.ge [sflag:s13], $0x4000  }
0xcf: {  	[sflag:s13] =	ssyncset.done $0x0  }
0xd0: {  	[sflag:s13] =	ssyncadd.s32 $0xFFFFC000  }
0xd1: {  	_ =	swait.ge [sflag:s7], $0x4000  }
0xd2: {  	[sflag:s7] =	ssyncset.done $0x0  }
0xd3: {  	[sflag:s7] =	ssyncadd.s32 $0xFFFFC000  }
0xd4: {  	[tilespmem:s5], [sflag:$0x2] =	stream.indirect.gather [hbm4b:s3+s9], $0x80, s20, s9, $0xb8;
	[tilespmem:$0x8600] =	vst v63  }
0xd5: {  	_ = 	snop  }
0xd6: {  	[hbm4b:s14+s2] =	stream.linear.scatter [tilespmem:s10], [sflag:$0x3], $0x4000, $0x38;
	[tilespmem:$0x8600] =	vst v63  }
0xd7: {  	_ =	swait.ge [sflag:s11], $0x4000  }
0xd8: {  	[sflag:s11] =	ssyncset.done $0x0  }
0xd9: {  	[sflag:s11] =	ssyncadd.s32 $0xFFFFC000  }
0xda: {  	_ =	swait.ge [sflag:s8], $0x4000  }
0xdb: {  	[sflag:s8] =	ssyncset.done $0x0  }
0xdc: {  	[sflag:s8] =	ssyncadd.s32 $0xFFFFC000  }
0xdd: {  	[tilespmem:s10], [sflag:$0x1] =	stream.indirect.gather [hbm4b:s3+s9], $0x80, s18, s9, $0xb8;
	[tilespmem:$0x8600] =	vst v63  }
0xde: {  	_ = 	snop  }
0xdf: {  	[hbm4b:s12+s2] =	stream.linear.scatter [tilespmem:s5], [sflag:$0x4], $0x4000, $0x38;
	[tilespmem:$0x8600] =	vst v63  }
0xe0: {  	_ =	swait.ge [sflag:s13], $0x4000  }
0xe1: {  	[sflag:s13] =	ssyncset.done $0x0  }
0xe2: {  	[sflag:s13] =	ssyncadd.s32 $0xFFFFC000  }
0xe3: {  	_ =	swait.ge [sflag:s7], $0x4000  }
0xe4: {  	[sflag:s7] =	ssyncset.done $0x0  }
0xe5: {  	[sflag:s7] =	ssyncadd.s32 $0xFFFFC000  }
0xe6: {  	[tilespmem:s5], [sflag:$0x2] =	stream.indirect.gather [hbm4b:s3+s9], $0x80, s16, s9, $0xb8;
	[tilespmem:$0x8600] =	vst v63  }
0xe7: {  	_ = 	snop  }
0xe8: {  	[hbm4b:s6+s2] =	stream.linear.scatter [tilespmem:s10], [sflag:$0x3], $0x4000, $0x38;
	[tilespmem:$0x8600] =	vst v63  }
0xe9: {  	_ =	swait.ge [sflag:s11], $0x4000  }
0xea: {  	[sflag:s11] =	ssyncset.done $0x0  }
0xeb: {  	[sflag:s11] =	ssyncadd.s32 $0xFFFFC000  }
0xec: {  	p1 =	sne.s32 s1, $0x1;
	_ =	swait.ge [sflag:s8], $0x4000  }
.Ltmp2:
0xed: {  	[sflag:s8] =	ssyncset.done $0x0;
	(pc) =	sbr.rel @p1 .LBB2_2-.Ltmp2, $4  }
0xee: {  	[sflag:s8] =	ssyncadd.s32 $0xFFFFC000  }
0xef: {  	[hbm4b:s4+s2] =	stream.linear.scatter [tilespmem:s5], [sflag:$0x4], $0x4000, $0x38;
	[tilespmem:$0x8600] =	vst v63  }
0xf0: {  	_ =	swait.ge [sflag:s7], $0x4000  }
0xf1: {  	s1 =	sadd.s32 $0xFFFFFFFF, s1;
	s0 =	rddreg [dreg:$0x2];
	[sflag:s7] =	ssyncset.done $0x0  }
.LBB2_3:
0xf2: {  	[sflag:s7] =	ssyncadd.s32 @p0 $0xFFFFC000  }
0xf3: {  	[tilespmem:s2], [sflag:$0x5] =	stream.linear.gather [hbm4b:s0+s2], $0x600, $0x38;
	[tilespmem:$0x8600] =	vst v63  }
0xf4: {  	_ =	swait.ge [sflag:s31], $0x600  }
0xf5: {  	[sflag:s31] =	ssyncset.done $0x0  }
0xf6: {  	[sflag:s31] =	ssyncadd.s32 $0xFFFFFA00  }
0xf7: {  	[tilespmem:s10], [sflag:$0x1] =	stream.indirect.gather [hbm4b:s3+s9], $0x80, s2, s9, $0xb8;
	[tilespmem:$0x8600] =	vst v63  }
0xf8: {  	_ =	swait.ge [sflag:s13], $0x4000  }
0xf9: {  	[sflag:s13] =	ssyncset.done $0x0  }
0xfa: {  	[sflag:s13] =	ssyncadd.s32 $0xFFFFC000  }
0xfb: {  	[tilespmem:s5], [sflag:$0x2] =	stream.indirect.gather [hbm4b:s3+s9], $0x80, s9, s9, $0xb8;
	[tilespmem:$0x8600] =	vst v63  }
0xfc: {  	s31 =	rddreg [dreg:$0x3]  }
0xfd: {  	[hbm4b:s31+s2] =	stream.linear.scatter [tilespmem:s10], [sflag:$0x3], $0x4000, $0x38;
	[tilespmem:$0x8600] =	vst v63  }
0xfe: {  	_ =	swait.ge [sflag:s11], $0x4000  }
0xff: {  	[sflag:s11] =	ssyncset.done $0x0  }
0x100: {  	[sflag:s11] =	ssyncadd.s32 $0xFFFFC000  }
0x101: {  	_ =	swait.ge [sflag:s8], $0x4000  }
0x102: {  	[sflag:s8] =	ssyncset.done $0x0  }
0x103: {  	[sflag:s8] =	ssyncadd.s32 $0xFFFFC000  }
0x104: {  	[tilespmem:s10], [sflag:$0x1] =	stream.indirect.gather [hbm4b:s3+s9], $0x80, s30, s9, $0xb8;
	[tilespmem:$0x8600] =	vst v63  }
0x105: {  	s1 =	rddreg [dreg:$0x4]  }
0x106: {  	[hbm4b:s1+s2] =	stream.linear.scatter [tilespmem:s5], [sflag:$0x4], $0x4000, $0x38;
	[tilespmem:$0x8600] =	vst v63  }
0x107: {  	_ =	swait.ge [sflag:s13], $0x4000  }
0x108: {  	[sflag:s13] =	ssyncset.done $0x0  }
0x109: {  	[sflag:s13] =	ssyncadd.s32 $0xFFFFC000  }
0x10a: {  	_ =	swait.ge [sflag:s7], $0x4000  }
0x10b: {  	[sflag:s7] =	ssyncset.done $0x0  }
0x10c: {  	[sflag:s7] =	ssyncadd.s32 $0xFFFFC000  }
0x10d: {  	[tilespmem:s5], [sflag:$0x2] =	stream.indirect.gather [hbm4b:s3+s9], $0x80, s29, s9, $0xb8;
	[tilespmem:$0x8600] =	vst v63  }
0x10e: {  	s30 =	rddreg [dreg:$0x5]  }
0x10f: {  	[hbm4b:s30+s2] =	stream.linear.scatter [tilespmem:s10], [sflag:$0x3], $0x4000, $0x38;
	[tilespmem:$0x8600] =	vst v63  }
0x110: {  	_ =	swait.ge [sflag:s11], $0x4000  }
0x111: {  	[sflag:s11] =	ssyncset.done $0x0  }
0x112: {  	[sflag:s11] =	ssyncadd.s32 $0xFFFFC000  }
0x113: {  	_ =	swait.ge [sflag:s8], $0x4000  }
0x114: {  	[sflag:s8] =	ssyncset.done $0x0  }
0x115: {  	[sflag:s8] =	ssyncadd.s32 $0xFFFFC000  }
0x116: {  	[tilespmem:s10], [sflag:$0x1] =	stream.indirect.gather [hbm4b:s3+s9], $0x80, s28, s9, $0xb8;
	[tilespmem:$0x8600] =	vst v63  }
0x117: {  	_ = 	snop  }
0x118: {  	[hbm4b:s23+s2] =	stream.linear.scatter [tilespmem:s5], [sflag:$0x4], $0x4000, $0x38;
	[tilespmem:$0x8600] =	vst v63  }
0x119: {  	_ =	swait.ge [sflag:s13], $0x4000  }
0x11a: {  	[sflag:s13] =	ssyncset.done $0x0  }
0x11b: {  	[sflag:s13] =	ssyncadd.s32 $0xFFFFC000  }
0x11c: {  	_ =	swait.ge [sflag:s7], $0x4000  }
0x11d: {  	[sflag:s7] =	ssyncset.done $0x0  }
0x11e: {  	[sflag:s7] =	ssyncadd.s32 $0xFFFFC000  }
0x11f: {  	[tilespmem:s5], [sflag:$0x2] =	stream.indirect.gather [hbm4b:s3+s9], $0x80, s26, s9, $0xb8;
	[tilespmem:$0x8600] =	vst v63  }
0x120: {  	_ = 	snop  }
0x121: {  	[hbm4b:s21+s2] =	stream.linear.scatter [tilespmem:s10], [sflag:$0x3], $0x4000, $0x38;
	[tilespmem:$0x8600] =	vst v63  }
0x122: {  	_ =	swait.ge [sflag:s11], $0x4000  }
0x123: {  	[sflag:s11] =	ssyncset.done $0x0  }
0x124: {  	[sflag:s11] =	ssyncadd.s32 $0xFFFFC000  }
0x125: {  	_ =	swait.ge [sflag:s8], $0x4000  }
0x126: {  	[sflag:s8] =	ssyncset.done $0x0  }
0x127: {  	[sflag:s8] =	ssyncadd.s32 $0xFFFFC000  }
0x128: {  	[tilespmem:s10], [sflag:$0x1] =	stream.indirect.gather [hbm4b:s3+s9], $0x80, s25, s9, $0xb8;
	[tilespmem:$0x8600] =	vst v63  }
0x129: {  	_ = 	snop  }
0x12a: {  	[hbm4b:s19+s2] =	stream.linear.scatter [tilespmem:s5], [sflag:$0x4], $0x4000, $0x38;
	[tilespmem:$0x8600] =	vst v63  }
0x12b: {  	_ =	swait.ge [sflag:s13], $0x4000  }
0x12c: {  	[sflag:s13] =	ssyncset.done $0x0  }
0x12d: {  	[sflag:s13] =	ssyncadd.s32 $0xFFFFC000  }
0x12e: {  	_ =	swait.ge [sflag:s7], $0x4000  }
0x12f: {  	[sflag:s7] =	ssyncset.done $0x0  }
0x130: {  	[sflag:s7] =	ssyncadd.s32 $0xFFFFC000  }
0x131: {  	[tilespmem:s5], [sflag:$0x2] =	stream.indirect.gather [hbm4b:s3+s9], $0x80, s24, s9, $0xb8;
	[tilespmem:$0x8600] =	vst v63  }
0x132: {  	_ = 	snop  }
0x133: {  	[hbm4b:s17+s2] =	stream.linear.scatter [tilespmem:s10], [sflag:$0x3], $0x4000, $0x38;
	[tilespmem:$0x8600] =	vst v63  }
0x134: {  	_ =	swait.ge [sflag:s11], $0x4000  }
0x135: {  	[sflag:s11] =	ssyncset.done $0x0  }
0x136: {  	[sflag:s11] =	ssyncadd.s32 $0xFFFFC000  }
0x137: {  	_ =	swait.ge [sflag:s8], $0x4000  }
0x138: {  	[sflag:s8] =	ssyncset.done $0x0  }
0x139: {  	[sflag:s8] =	ssyncadd.s32 $0xFFFFC000  }
0x13a: {  	[tilespmem:s10], [sflag:$0x1] =	stream.indirect.gather [hbm4b:s3+s9], $0x80, s22, s9, $0xb8;
	[tilespmem:$0x8600] =	vst v63  }
0x13b: {  	_ = 	snop  }
0x13c: {  	[hbm4b:s15+s2] =	stream.linear.scatter [tilespmem:s5], [sflag:$0x4], $0x4000, $0x38;
	[tilespmem:$0x8600] =	vst v63  }
0x13d: {  	_ =	swait.ge [sflag:s13], $0x4000  }
0x13e: {  	[sflag:s13] =	ssyncset.done $0x0  }
0x13f: {  	[sflag:s13] =	ssyncadd.s32 $0xFFFFC000  }
0x140: {  	_ =	swait.ge [sflag:s7], $0x4000  }
0x141: {  	[sflag:s7] =	ssyncset.done $0x0  }
0x142: {  	[sflag:s7] =	ssyncadd.s32 $0xFFFFC000  }
0x143: {  	[tilespmem:s5], [sflag:$0x2] =	stream.indirect.gather [hbm4b:s3+s9], $0x80, s20, s9, $0xb8;
	[tilespmem:$0x8600] =	vst v63  }
0x144: {  	_ = 	snop  }
0x145: {  	[hbm4b:s14+s2] =	stream.linear.scatter [tilespmem:s10], [sflag:$0x3], $0x4000, $0x38;
	[tilespmem:$0x8600] =	vst v63  }
0x146: {  	_ =	swait.ge [sflag:s11], $0x4000  }
0x147: {  	[sflag:s11] =	ssyncset.done $0x0  }
0x148: {  	[sflag:s11] =	ssyncadd.s32 $0xFFFFC000  }
0x149: {  	_ =	swait.ge [sflag:s8], $0x4000  }
0x14a: {  	[sflag:s8] =	ssyncset.done $0x0  }
0x14b: {  	[sflag:s8] =	ssyncadd.s32 $0xFFFFC000  }
0x14c: {  	[tilespmem:s10], [sflag:$0x1] =	stream.indirect.gather [hbm4b:s3+s9], $0x80, s18, s9, $0xb8;
	[tilespmem:$0x8600] =	vst v63  }
0x14d: {  	_ = 	snop  }
0x14e: {  	[hbm4b:s12+s2] =	stream.linear.scatter [tilespmem:s5], [sflag:$0x4], $0x4000, $0x38;
	[tilespmem:$0x8600] =	vst v63  }
0x14f: {  	_ =	swait.ge [sflag:s13], $0x4000  }
0x150: {  	[sflag:s13] =	ssyncset.done $0x0  }
0x151: {  	[sflag:s13] =	ssyncadd.s32 $0xFFFFC000  }
0x152: {  	_ =	swait.ge [sflag:s7], $0x4000  }
0x153: {  	[sflag:s7] =	ssyncset.done $0x0  }
0x154: {  	[sflag:s7] =	ssyncadd.s32 $0xFFFFC000  }
0x155: {  	[tilespmem:s5], [sflag:$0x2] =	stream.indirect.gather [hbm4b:s3+s9], $0x80, s16, s9, $0xb8;
	[tilespmem:$0x8600] =	vst v63  }
0x156: {  	_ = 	snop  }
0x157: {  	[hbm4b:s6+s2] =	stream.linear.scatter [tilespmem:s10], [sflag:$0x3], $0x4000, $0x38;
	[tilespmem:$0x8600] =	vst v63  }
0x158: {  	_ =	swait.ge [sflag:s11], $0x4000  }
0x159: {  	[sflag:s11] =	ssyncset.done $0x0  }
0x15a: {  	[sflag:s11] =	ssyncadd.s32 $0xFFFFC000  }
0x15b: {  	_ =	swait.ge [sflag:s8], $0x4000  }
0x15c: {  	[sflag:s8] =	ssyncset.done $0x0  }
0x15d: {  	[sflag:s8] =	ssyncadd.s32 $0xFFFFC000  }
0x15e: {  	[hbm4b:s4+s2] =	stream.linear.scatter [tilespmem:s5], [sflag:$0x4], $0x4000, $0x38;
	[tilespmem:$0x8600] =	vst v63  }
0x15f: {  	_ =	swait.ge [sflag:s7], $0x4000  }
0x160: {  	[sflag:s7] =	ssyncset.done $0x0  }
0x161: {  	[sflag:s7] =	ssyncadd.s32 $0xFFFFC000  }
0x162: {  	_ =	sfence.sel $0x180000  }
0x163: {  	[bflag:$0x0] =	sbarrier.arrive $0xFFFF  }
0x164: {  	_ =	strace $0x9000004A  }
0x165: {  	s31 =	stileid.u32;
	[bflag:$0x2] =	sbarrier.arrive $0xFFFF  }
0x166: {  	p0 =	sne.s32 s31, $0x0;
	s0 =	rddreg [dreg:$0x1]  }
0x167: {  	s0 =	sadd.s32 @!p0 $0x100000, s0  }
0x168: {  	[sflag:s0] =	ssyncadd.tile.s32 @!p0 $0x1;
	_ =	shalt  }
.Lfunc_end2:
_tile_overlayer_lowered:
.L_overlay_start_2:
0x169: {  	(tag) =	ssettag $0x2  }
0x16a: {  	s0 =	rddreg [dreg:$0x0];
	s2 =	stileid.u32  }
0x16b: {  	s1 =	rddreg [dreg:$0x1];
	p0 =	sne.s32 s2, $0x0  }
0x16c: {  	s3 =	rddreg [dreg:$0x2];
	[bflag:$0x3] =	sbarrier.arrive $0xFFFF;
	s2 =	simm.s32 @!p0 $0x1C05  }
0x16d: {  	[timem:s3], [sflag:s2] =	dma.local @!p0 [hbm:s0], s1  }
0x16e: {  	s0 =	simm.s32 @!p0 $0x5  }
0x16f: {  	_ =	swait.ge @!p0 [sflag:s0], s1  }
0x170: {  	s1 =	ssub.s32 @!p0 $0x0, s1;
	[sflag:s0] =	ssyncset.done @!p0 $0x0  }
0x171: {  	[sflag:s0] =	ssyncadd.s32 @!p0 s1  }
0x172: {  	[bflag:$0x3] =	sbarrier.arrive $0xFFFF  }
0x173: {  	_ =	shalt  }

// kernel: kernel.16.cloned.1.call-start
scs
__scs_entry_jumppad:
0x0: {  	(pc) =	sbr.rel $0x88, $3  }
0x1: {  	(tag) =	ssettag $0x0;
	lr =	simm.s32 $0x1  }
0x2: {  	[smem:$0x3F97] =	sst lr;
	_ =	strace $0xD0000000  }
0x3: {  	_ = 	snop  }
0x4: {  	_ = 	snop  }
0x5: {  	_ = 	snop  }
0x6: {  	_ = 	snop  }
0x7: {  	_ = 	snop  }
__scs_overlays_trampoline_lowered:
0x8: {  	[smem:$0x3FA6] =	sst s0  }
0x9: {  	[smem:$0x3FA7] =	sst s1  }
0xa: {  	[smem:$0x3FA8] =	sst s2  }
0xb: {  	[smem:$0x3FA9] =	sst s3  }
0xc: {  	[smem:$0x3FAA] =	sst s4  }
0xd: {  	[smem:$0x3FAB] =	sst s5  }
0xe: {  	[smem:$0x3FAC] =	sst s6  }
0xf: {  	[smem:$0x3FAD] =	sst s7  }
0x10: {  	[smem:$0x3FAE] =	sst s8  }
0x11: {  	[smem:$0x3FAF] =	sst s9;
	s0 =	simm.s32 @!p0 $0x0  }
0x12: {  	s1 =	sld [smem:$0x3F95];
	s0 =	simm.s32 @p0 $0x1  }
0x13: {  	[smem:$0x3FB0] =	sst s0;
	s0 =	simm.s32 @!p1 $0x0  }
0x14: {  	s2 =	sld [smem:$0x3F94];
	s0 =	simm.s32 @p1 $0x1  }
0x15: {  	[smem:$0x3FB1] =	sst s0;
	s0 =	simm.s32 @!p2 $0x0  }
0x16: {  	s3 =	sld [smem:$0x3FDB];
	s0 =	simm.s32 @p2 $0x1  }
0x17: {  	s4 =	simm.s32 $0x1BF5;
	[smem:$0x3FB3] =	sst s0  }
0x18: {  	s0 =	sld [smem:$0x3F96];
	_ =	swait.ge [sflag:s4], $0x0  }
0x19: {  	s7 =	sld [smem:$0x3F97]  }
0x1a: {  	s8 =	sadd.s32 $0xFFFFE003, lr  }
0x1b: {  	s9 =	sadd.s32 $0xFFFFFEF7, lr;
	s5 =	simm.s32 $0xFFFFFFFF;
	p2 =	slt.u32 s8, $0xFFFFF086  }
0x1c: {  	p1 =	slt.u32 s9, $0xF7A;
	s5 =	simm.s32 @!p2 $0x0  }
0x1d: {  	s5 =	simm.s32 @p1 $0x1;
	p0 =	seq.s32 s7, s2  }
0x1e: {  	s7 =	smul.u32 @!p0 $0xF7A, s2;
	p2 =	seq.s32 @!p0 s5, $0x0  }
0x1f: {  	s9 =	smul.u32 $0xF7A, s1;
	s8 =	simm.s32 @!p0 $0x1BF5;
	p2 =	por !p2, p0  }
0x20: {  	[sflag:s8] =	ssyncset.s32 @!p0 $0xFFFFF086;
	s6 =	sadd.s32 @!p0 s3, s7;
	s7 =	simm.s32 @!p0 $0x108  }
0x21: {  	s3 =	sadd.s32 s3, s9;
	s6 =	sadd.s32 @!p0 $0x88, s6;
	s7 =	simm.s32 @p2 $0x1082  }
0x22: {  	[simem:s7], [sflag:s8] =	dma.local @!p0 [hbm:s6], $0xF7A  }
0x23: {  	s9 =	sor.u32 $0xD0000000, s2;
	s6 =	simm.s32 $0x108;
	_ =	swait.ge @!p0 [sflag:s8], $0x0  }
0x24: {  	s3 =	sadd.s32 $0x88, s3;
	s6 =	simm.s32 @!p1 $0x1082;
	[sflag:s4] =	ssyncset.s32 $0xFFFFF086  }
0x25: {  	[simem:s6], [sflag:s4] =	dma.local [hbm:s3], $0xF7A  }
0x26: {  	[smem:$0x3F97] =	sst s1;
	(tag) =	ssettag s2;
	_ =	strace s9  }
0x27: {  	s1 =	sld [smem:$0x3FA7]  }
0x28: {  	s2 =	sld [smem:$0x3FA8]  }
0x29: {  	s4 =	sld [smem:$0x3FAA]  }
0x2a: {  	p0 =	seq.s32 s5, $0x0;
	s5 =	sld [smem:$0x3FAB]  }
0x2b: {  	s6 =	sld [smem:$0x3FAC]  }
0x2c: {  	s7 =	sld [smem:$0x3FAD]  }
0x2d: {  	s3 =	simm.s32 $0x108;
	s8 =	sld [smem:$0x3FAE]  }
0x2e: {  	s3 =	simm.s32 @!p0 $0x1082;
	s9 =	sld [smem:$0x3FAF]  }
0x2f: {  	lr =	sadd.s32 s0, s3;
	s0 =	sld [smem:$0x3FA6]  }
0x30: {  	s3 =	sld [smem:$0x3FA9]  }
0x31: {  	[smem:$0x3FB2] =	sst s10  }
0x32: {  	s10 =	sld [smem:$0x3FB0];
	_ =	sdelay $0x3  }
0x33: {  	p0 =	seq.s32 s10, $0x1;
	s10 =	sld [smem:$0x3FB2];
	_ =	sdelay $0x3  }
0x34: {  	[smem:$0x3FB2] =	sst s10  }
0x35: {  	s10 =	sld [smem:$0x3FB1];
	_ =	sdelay $0x3  }
0x36: {  	p1 =	seq.s32 s10, $0x1;
	s10 =	sld [smem:$0x3FB2];
	_ =	sdelay $0x3  }
0x37: {  	[smem:$0x3FB2] =	sst s10  }
0x38: {  	s10 =	sld [smem:$0x3FB3]  }
0x39: {  	_ = 	snop;
	(pc) =	sbr.ind lr, $3  }
0x3a: {  	_ = 	snop  }
0x3b: {  	_ = 	snop  }
0x3c: {  	p2 =	seq.s32 s10, $0x1;
	s10 =	sld [smem:$0x3FB2]  }
0x3d: {  	_ =	shalt  }
0x3e: {  	_ =	shalt  }
0x3f: {  	_ =	shalt  }
0x40: {  	_ =	shalt  }
0x41: {  	_ =	shalt  }
0x42: {  	_ =	shalt  }
0x43: {  	_ =	shalt  }
0x44: {  	_ =	shalt  }
0x45: {  	_ =	shalt  }
0x46: {  	_ =	shalt  }
0x47: {  	_ =	shalt  }
0x48: {  	_ =	shalt  }
0x49: {  	_ =	shalt  }
0x4a: {  	_ =	shalt  }
0x4b: {  	_ =	shalt  }
0x4c: {  	_ =	shalt  }
0x4d: {  	_ =	shalt  }
0x4e: {  	_ =	shalt  }
0x4f: {  	_ =	shalt  }
0x50: {  	_ =	shalt  }
0x51: {  	_ =	shalt  }
0x52: {  	_ =	shalt  }
0x53: {  	_ =	shalt  }
0x54: {  	_ =	shalt  }
0x55: {  	_ =	shalt  }
0x56: {  	_ =	shalt  }
0x57: {  	_ =	shalt  }
0x58: {  	_ =	shalt  }
0x59: {  	_ =	shalt  }
0x5a: {  	_ =	shalt  }
0x5b: {  	_ =	shalt  }
0x5c: {  	_ =	shalt  }
0x5d: {  	_ =	shalt  }
0x5e: {  	_ =	shalt  }
0x5f: {  	_ =	shalt  }
0x60: {  	_ =	shalt  }
0x61: {  	_ =	shalt  }
0x62: {  	_ =	shalt  }
0x63: {  	_ =	shalt  }
0x64: {  	_ =	shalt  }
0x65: {  	_ =	shalt  }
0x66: {  	_ =	shalt  }
0x67: {  	_ =	shalt  }
0x68: {  	_ =	shalt  }
0x69: {  	_ =	shalt  }
0x6a: {  	_ =	shalt  }
0x6b: {  	_ =	shalt  }
0x6c: {  	_ =	shalt  }
0x6d: {  	_ =	shalt  }
0x6e: {  	_ =	shalt  }
0x6f: {  	_ =	shalt  }
0x70: {  	_ =	shalt  }
0x71: {  	_ =	shalt  }
0x72: {  	_ =	shalt  }
0x73: {  	_ =	shalt  }
0x74: {  	_ =	shalt  }
0x75: {  	_ =	shalt  }
0x76: {  	_ =	shalt  }
0x77: {  	_ =	shalt  }
0x78: {  	_ =	shalt  }
0x79: {  	_ =	shalt  }
0x7a: {  	_ =	shalt  }
0x7b: {  	_ =	shalt  }
0x7c: {  	_ =	shalt  }
0x7d: {  	_ =	shalt  }
0x7e: {  	_ =	shalt  }
0x7f: {  	_ =	shalt  }
0x80: {  	_ =	shalt  }
0x81: {  	_ =	shalt  }
0x82: {  	_ =	shalt  }
0x83: {  	_ =	shalt  }
0x84: {  	_ =	shalt  }
0x85: {  	_ =	shalt  }
0x86: {  	_ =	shalt  }
0x87: {  	_ =	shalt  }
.Lfunc_end0:
.L_simem_size_0:
called_computation.2_lowered:
.L_overlay_start_0:
0x88: {  	s2 =	sld [smem:$0x3FD9]  }
0x89: {  	s3 =	sld [smem:$0x3FFE];
	_ =	sdelay $0x1  }
0x8a: {  	s1 =	srdreg.scid  }
0x8b: {  	s0 =	sand.u32 $0x1, s1  }
0x8c: {  	s17 =	sshll.u32 s0, $0xA;
	s2 =	sadd.s32 s3, s2  }
0x8d: {  	s2 =	sadd.s32 s2, s17  }
0x8e: {  	[smem:$0x3FBE] =	sst s2  }
0x8f: {  	_ = 	snop  }
0x90: {  	(tm) =	ssettm $0x1  }
0x91: {  	s18 =	sld [smem:$0x3FFB];
	_ =	sdelay $0x3  }
0x92: {  	_ =	strace s18  }
0x93: {  	s2 =	sld [smem:$0x3FFC];
	_ =	sdelay $0x3  }
0x94: {  	_ =	strace s2  }
0x95: {  	s2 =	sld [smem:$0x3FFD];
	_ =	sdelay $0x3  }
0x96: {  	_ =	strace s2  }
0x97: {  	_ =	strace $0x8FFFFFFF  }
0x98: {  	s19 =	sld [smem:$0x3FDB];
	_ =	sdelay $0x1  }
0x99: {  	s20 =	simm.s32 $_scs_section_size  }
0x9a: {  	s4 =	simm.s32 $_size__tile_overlayer_lowered;
	s5 =	simm.s32 $_tile_overlayer_lowered  }
0x9b: {  	s6 =	simm.s32 $0x1BFF;
	s21 =	sshll.u32 s5, $0x1;
	s3 =	sadd.s32 s20, s19  }
0x9c: {  	s22 =	simm.s32 $0x0;
	s4 =	sshll.u32 s4, $0x1;
	s5 =	sadd.s32 s21, s3  }
0x9d: {  	[timem:s22], [sflag:s6] =	dma.local [hbm:s5], s4  }
0x9e: {  	_ =	swait.ge [sflag:s6], s4  }
0x9f: {  	s4 =	ssub.s32 $0x0, s4;
	[sflag:s6] =	ssyncset.done $0x0  }
0xa0: {  	[sflag:s6] =	ssyncadd.s32 s4;
	_ =	sdelay $0x1  }
0xa1: {  	s23 =	simm.s32 $0x1B8B  }
0xa2: {  	_ =	swait.ge [sflag:s23], $0x1  }
0xa3: {  	[sflag:s23] =	ssyncset.done $0x0  }
0xa4: {  	[sflag:s23] =	ssyncadd.s32 $0xFFFFFFFF  }
0xa5: {  	s4 =	sld [smem:$0x0]  }
0xa6: {  	s5 =	sand.u32 $0xFFFFFFFE, s1  }
0xa7: {  	p0 =	sne.s32 s1, s5  }
0xa8: {  	s5 =	sshll.u32 @p0 s5, $0xE  }
0xa9: {  	s5 =	sadd.s32 @p0 $0x11B8D, s5;
	s6 =	sshll.u32 @p0 s4, $0x11  }
0xaa: {  	s5 =	sor.u32 @p0 s6, s5  }
0xab: {  	[sflag:s5] =	ssyncadd.remote.s32 @p0 $0x1;
	_ =	sdelay $0x1  }
0xac: {  	s5 =	simm.s32 @p0 $0x1B8D  }
0xad: {  	_ =	swait.eq @p0 [sflag:s5], $0x1  }
0xae: {  	[sflag:s5] =	ssyncadd.s32 @p0 $0xFFFFFFFF  }
0xaf: {  	s6 =	sshll.u32 @!p0 s1, $0xE  }
0xb0: {  	s6 =	sor.u32 @!p0 $0x4000, s6;
	s5 =	simm.s32 @!p0 $0x1B8D  }
0xb1: {  	s4 =	sshll.u32 @!p0 s4, $0x11;
	s6 =	sadd.s32 @!p0 $0x11B8D, s6;
	_ =	swait.eq @!p0 [sflag:s5], $0x1  }
0xb2: {  	s4 =	sor.u32 @!p0 s4, s6;
	[sflag:s5] =	ssyncadd.s32 @!p0 $0xFFFFFFFF  }
0xb3: {  	s25 =	simm.s32 $0x1B8E;
	s24 =	sld [smem:$0x3FFE];
	[sflag:s4] =	ssyncadd.remote.s32 @!p0 $0x1  }
0xb4: {  	s26 =	simm.s32 $execute0_lowered;
	[smem:$0x3FD2] =	sst s25  }
0xb5: {  	s5 =	sshll.u32 s26, $0x1;
	_ =	strace $0x8000004C;
	[dreg:$0x1] =	wrdreg $0xFFFFFFFF  }
0xb6: {  	s28 =	simm.s32 $_size_execute0_lowered;
	s3 =	sadd.s32 s3, s5;
	[dreg:$0x0] =	wrdreg $0x0  }
0xb7: {  	s5 =	sshll.u32 s28, $0x1;
	[dreg:$0x2] =	wrdreg s3  }
0xb8: {  	[dreg:$0x3] =	wrdreg s5  }
0xb9: {  	[dreg:$0x4] =	wrdreg $0xC0  }
0xba: {  	_ =	task [dreg:s22], $0x5FFFF  }
0xbb: {  	[dreg:$0x1] =	wrdreg $0xFFFFFFFF  }
0xbc: {  	[dreg:$0x0] =	wrdreg $0x60  }
0xbd: {  	[dreg:$0x2] =	wrdreg s24  }
0xbe: {  	[dreg:$0x3] =	wrdreg $0xB  }
0xbf: {  	_ =	task.clear_ibuf [dreg:s22], $0x4FFFF;
	_ =	strace $0x9000004C  }
0xc0: {  	s29 =	simm.s32 $0xB;
	_ =	strace $0x8000004E  }
0xc1: {  	_ =	swait.ge [sflag:s29], $0x1  }
0xc2: {  	[sflag:s29] =	ssyncadd.s32 $0xFFFFFFFF  }
0xc3: {  	_ =	strace $0x9000004E  }
0xc4: {  	_ =	sfence  }
0xc5: {  	s30 =	sld [smem:$0x0];
	_ =	sdelay $0x2  }
0xc6: {  	s31 =	sshll.u32 s1, $0xD;
	s1 =	sshrl.u32 s1, $0x2  }
0xc7: {  	s4 =	sand.u32 $0x4000, s31;
	s1 =	sadd.s32 s1, s30  }
0xc8: {  	s0 =	sor.u32 s4, s0;
	s1 =	sshll.u32 s1, $0x11  }
0xc9: {  	s0 =	sor.u32 s1, s0  }
0xca: {  	s0 =	sadd.s32 $0x8F2B, s0  }
0xcb: {  	[sflag:s0] =	ssyncadd.remote.s32 $0x1  }
0xcc: {  	_ =	sfence.sel $0xFFFF  }
0xcd: {  	[dreg:$0x0] =	wrdreg $0xFFFFFFFF;
	(pc) =	sbr.abs _section_cstart, $3  }
0xce: {  	[dreg:$0x1] =	wrdreg $0xFFFFFFFF  }
0xcf: {  	_ =	task.clear_ibuf [dreg:s22], $0x2FFFF;
	_ =	strace $0x9FFFFFFF  }
0xd0: {  	(tm) =	ssettm $0x7FFFFFFF  }
0xd1: {  	_ =	shalt  }
tec
execute0_lowered:
.L_overlay_start_1:
0x0: {  	(tag) =	ssettag $0x1  }
0x1: {  	s0 =	srdreg.scid  }
0x2: {  	s2 =	stileid.u32;
	s1 =	rddreg [dreg:$0x0];
	s31 =	simm.s32 $0x5  }
0x3: {  	s9 =	simm.s32 $0x80;
	s10 =	simm.s32 $0x600;
	s13 =	simm.s32 $0x1  }
0x4: {  	s11 =	simm.s32 $0x2;
	s8 =	simm.s32 $0x3;
	s30 =	simm.s32 $0x100  }
0x5: {  	s7 =	simm.s32 $0x4;
	s29 =	simm.s32 $0x180;
	s28 =	simm.s32 $0x200  }
0x6: {  	p0 =	por $0x0, $0x0;
	s0 =	sand.u32 $0x1, s0;
	s3 =	sshll.u32 s2, $0x1  }
0x7: {  	s24 =	simm.s32 $0x380;
	s22 =	simm.s32 $0x400;
	s3 =	sor.u32 s0, s3  }
0x8: {  	s20 =	simm.s32 $0x480;
	s2 =	simm.s32 $0x0;
	s4 =	smul.u32 $0xC0, s3  }
0x9: {  	s18 =	simm.s32 $0x500;
	[smem:$0x7FF] =	sst s2;
	s5 =	smul.u32 $0x6000, s3  }
0xa: {  	s16 =	simm.s32 $0x580;
	s0 =	ssub.s32 $0x2, s0;
	_ =	strace $0x8000004D  }
0xb: {  	s3 =	sadd.s32 $0x2000, s1;
	s4 =	sadd.s32 s4, s1;
	s1 =	sadd.s32 s5, s1  }
0xc: {  	s6 =	sshrl.u32 s0, $0x1;
	s4 =	sadd.s32 $0x30A200, s4;
	s25 =	sadd.s32 $0x30BA00, s1  }
0xd: {  	s0 =	ssub.s32 s0, s6;
	s5 =	sadd.s32 $0x30C200, s1;
	s26 =	sadd.s32 $0x30CA00, s1  }
0xe: {  	s0 =	smax.u32 s0, $0x1;
	s23 =	sadd.s32 $0x30D200, s1;
	s21 =	sadd.s32 $0x30DA00, s1  }
0xf: {  	s19 =	sadd.s32 $0x30E200, s1;
	p1 =	sne.s32 s0, $0x1;
	[dreg:$0x2] =	wrdreg s4  }
.Ltmp0:
0x10: {  	s17 =	sadd.s32 $0x30EA00, s1;
	[dreg:$0x3] =	wrdreg s25;
	(pc) =	sbr.rel @!p1 .LBB2_3-.Ltmp0, $4  }
0x11: {  	s15 =	sadd.s32 $0x30F200, s1;
	s14 =	sadd.s32 $0x30FA00, s1;
	[dreg:$0x4] =	wrdreg s5  }
0x12: {  	s12 =	sadd.s32 $0x310200, s1;
	s6 =	sadd.s32 $0x310A00, s1;
	[dreg:$0x5] =	wrdreg s26  }
0x13: {  	s4 =	sadd.s32 $0x311200, s1;
	s5 =	simm.s32 $0x4600;
	s26 =	simm.s32 $0x280  }
0x14: {  	s1 =	sadd.s32 $0xFFFFFFFF, s0;
	s25 =	simm.s32 $0x300;
	s0 =	rddreg [dreg:$0x2]  }
0x15: {  	[tilespmem:s2], [sflag:$0x5] =	stream.linear.gather [hbm4b:s0+s2], $0x600, $0x38;
	[tilespmem:$0x8600] =	vst v63  }
0x16: {  	_ =	swait.ge [sflag:s31], $0x600  }
0x17: {  	[sflag:s31] =	ssyncset.done $0x0  }
0x18: {  	[sflag:s31] =	ssyncadd.s32 $0xFFFFFA00  }
0x19: {  	[tilespmem:s10], [sflag:$0x1] =	stream.indirect.gather [hbm4b:s3+s9], $0x80, s2, s9, $0xb8;
	[tilespmem:$0x8600] =	vst v63  }
0x1a: {  	_ =	swait.ge [sflag:s13], $0x4000  }
0x1b: {  	[sflag:s13] =	ssyncset.done $0x0  }
0x1c: {  	[sflag:s13] =	ssyncadd.s32 $0xFFFFC000  }
0x1d: {  	[tilespmem:s5], [sflag:$0x2] =	stream.indirect.gather [hbm4b:s3+s9], $0x80, s9, s9, $0xb8;
	[tilespmem:$0x8600] =	vst v63  }
0x1e: {  	s0 =	rddreg [dreg:$0x3]  }
0x1f: {  	[hbm4b:s0+s2] =	stream.linear.scatter [tilespmem:s10], [sflag:$0x3], $0x4000, $0x38;
	[tilespmem:$0x8600] =	vst v63  }
0x20: {  	_ =	swait.ge [sflag:s11], $0x4000  }
0x21: {  	[sflag:s11] =	ssyncset.done $0x0  }
0x22: {  	[sflag:s11] =	ssyncadd.s32 $0xFFFFC000  }
0x23: {  	_ =	swait.ge [sflag:s8], $0x4000  }
0x24: {  	[sflag:s8] =	ssyncset.done $0x0  }
0x25: {  	[sflag:s8] =	ssyncadd.s32 $0xFFFFC000  }
0x26: {  	[tilespmem:s10], [sflag:$0x1] =	stream.indirect.gather [hbm4b:s3+s9], $0x80, s30, s9, $0xb8;
	[tilespmem:$0x8600] =	vst v63  }
0x27: {  	s0 =	rddreg [dreg:$0x4]  }
0x28: {  	[hbm4b:s0+s2] =	stream.linear.scatter [tilespmem:s5], [sflag:$0x4], $0x4000, $0x38;
	[tilespmem:$0x8600] =	vst v63  }
0x29: {  	_ =	swait.ge [sflag:s13], $0x4000  }
0x2a: {  	[sflag:s13] =	ssyncset.done $0x0  }
0x2b: {  	[sflag:s13] =	ssyncadd.s32 $0xFFFFC000  }
0x2c: {  	_ =	swait.ge [sflag:s7], $0x4000  }
0x2d: {  	[sflag:s7] =	ssyncset.done $0x0  }
0x2e: {  	[sflag:s7] =	ssyncadd.s32 $0xFFFFC000  }
0x2f: {  	[tilespmem:s5], [sflag:$0x2] =	stream.indirect.gather [hbm4b:s3+s9], $0x80, s29, s9, $0xb8;
	[tilespmem:$0x8600] =	vst v63  }
0x30: {  	s0 =	rddreg [dreg:$0x5]  }
0x31: {  	[hbm4b:s0+s2] =	stream.linear.scatter [tilespmem:s10], [sflag:$0x3], $0x4000, $0x38;
	[tilespmem:$0x8600] =	vst v63  }
0x32: {  	_ =	swait.ge [sflag:s11], $0x4000  }
0x33: {  	[sflag:s11] =	ssyncset.done $0x0  }
0x34: {  	[sflag:s11] =	ssyncadd.s32 $0xFFFFC000  }
0x35: {  	_ =	swait.ge [sflag:s8], $0x4000  }
0x36: {  	[sflag:s8] =	ssyncset.done $0x0  }
0x37: {  	[sflag:s8] =	ssyncadd.s32 $0xFFFFC000  }
0x38: {  	[tilespmem:s10], [sflag:$0x1] =	stream.indirect.gather [hbm4b:s3+s9], $0x80, s28, s9, $0xb8;
	[tilespmem:$0x8600] =	vst v63  }
0x39: {  	_ = 	snop  }
0x3a: {  	[hbm4b:s23+s2] =	stream.linear.scatter [tilespmem:s5], [sflag:$0x4], $0x4000, $0x38;
	[tilespmem:$0x8600] =	vst v63  }
0x3b: {  	_ =	swait.ge [sflag:s13], $0x4000  }
0x3c: {  	[sflag:s13] =	ssyncset.done $0x0  }
0x3d: {  	[sflag:s13] =	ssyncadd.s32 $0xFFFFC000  }
0x3e: {  	_ =	swait.ge [sflag:s7], $0x4000  }
0x3f: {  	[sflag:s7] =	ssyncset.done $0x0  }
0x40: {  	[sflag:s7] =	ssyncadd.s32 $0xFFFFC000  }
0x41: {  	[tilespmem:s5], [sflag:$0x2] =	stream.indirect.gather [hbm4b:s3+s9], $0x80, s26, s9, $0xb8;
	[tilespmem:$0x8600] =	vst v63  }
0x42: {  	_ = 	snop  }
0x43: {  	[hbm4b:s21+s2] =	stream.linear.scatter [tilespmem:s10], [sflag:$0x3], $0x4000, $0x38;
	[tilespmem:$0x8600] =	vst v63  }
0x44: {  	_ =	swait.ge [sflag:s11], $0x4000  }
0x45: {  	[sflag:s11] =	ssyncset.done $0x0  }
0x46: {  	[sflag:s11] =	ssyncadd.s32 $0xFFFFC000  }
0x47: {  	_ =	swait.ge [sflag:s8], $0x4000  }
0x48: {  	[sflag:s8] =	ssyncset.done $0x0  }
0x49: {  	[sflag:s8] =	ssyncadd.s32 $0xFFFFC000  }
0x4a: {  	[tilespmem:s10], [sflag:$0x1] =	stream.indirect.gather [hbm4b:s3+s9], $0x80, s25, s9, $0xb8;
	[tilespmem:$0x8600] =	vst v63  }
0x4b: {  	_ = 	snop  }
0x4c: {  	[hbm4b:s19+s2] =	stream.linear.scatter [tilespmem:s5], [sflag:$0x4], $0x4000, $0x38;
	[tilespmem:$0x8600] =	vst v63  }
0x4d: {  	_ =	swait.ge [sflag:s13], $0x4000  }
0x4e: {  	[sflag:s13] =	ssyncset.done $0x0  }
0x4f: {  	[sflag:s13] =	ssyncadd.s32 $0xFFFFC000  }
0x50: {  	_ =	swait.ge [sflag:s7], $0x4000  }
0x51: {  	[sflag:s7] =	ssyncset.done $0x0  }
0x52: {  	[sflag:s7] =	ssyncadd.s32 $0xFFFFC000  }
0x53: {  	[tilespmem:s5], [sflag:$0x2] =	stream.indirect.gather [hbm4b:s3+s9], $0x80, s24, s9, $0xb8;
	[tilespmem:$0x8600] =	vst v63  }
0x54: {  	_ = 	snop  }
0x55: {  	[hbm4b:s17+s2] =	stream.linear.scatter [tilespmem:s10], [sflag:$0x3], $0x4000, $0x38;
	[tilespmem:$0x8600] =	vst v63  }
0x56: {  	_ =	swait.ge [sflag:s11], $0x4000  }
0x57: {  	[sflag:s11] =	ssyncset.done $0x0  }
0x58: {  	[sflag:s11] =	ssyncadd.s32 $0xFFFFC000  }
0x59: {  	_ =	swait.ge [sflag:s8], $0x4000  }
0x5a: {  	[sflag:s8] =	ssyncset.done $0x0  }
0x5b: {  	[sflag:s8] =	ssyncadd.s32 $0xFFFFC000  }
0x5c: {  	[tilespmem:s10], [sflag:$0x1] =	stream.indirect.gather [hbm4b:s3+s9], $0x80, s22, s9, $0xb8;
	[tilespmem:$0x8600] =	vst v63  }
0x5d: {  	_ = 	snop  }
0x5e: {  	[hbm4b:s15+s2] =	stream.linear.scatter [tilespmem:s5], [sflag:$0x4], $0x4000, $0x38;
	[tilespmem:$0x8600] =	vst v63  }
0x5f: {  	_ =	swait.ge [sflag:s13], $0x4000  }
0x60: {  	[sflag:s13] =	ssyncset.done $0x0  }
0x61: {  	[sflag:s13] =	ssyncadd.s32 $0xFFFFC000  }
0x62: {  	_ =	swait.ge [sflag:s7], $0x4000  }
0x63: {  	[sflag:s7] =	ssyncset.done $0x0  }
0x64: {  	[sflag:s7] =	ssyncadd.s32 $0xFFFFC000  }
0x65: {  	[tilespmem:s5], [sflag:$0x2] =	stream.indirect.gather [hbm4b:s3+s9], $0x80, s20, s9, $0xb8;
	[tilespmem:$0x8600] =	vst v63  }
0x66: {  	_ = 	snop  }
0x67: {  	[hbm4b:s14+s2] =	stream.linear.scatter [tilespmem:s10], [sflag:$0x3], $0x4000, $0x38;
	[tilespmem:$0x8600] =	vst v63  }
0x68: {  	_ =	swait.ge [sflag:s11], $0x4000  }
0x69: {  	[sflag:s11] =	ssyncset.done $0x0  }
0x6a: {  	[sflag:s11] =	ssyncadd.s32 $0xFFFFC000  }
0x6b: {  	_ =	swait.ge [sflag:s8], $0x4000  }
0x6c: {  	[sflag:s8] =	ssyncset.done $0x0  }
0x6d: {  	[sflag:s8] =	ssyncadd.s32 $0xFFFFC000  }
0x6e: {  	[tilespmem:s10], [sflag:$0x1] =	stream.indirect.gather [hbm4b:s3+s9], $0x80, s18, s9, $0xb8;
	[tilespmem:$0x8600] =	vst v63  }
0x6f: {  	_ = 	snop  }
0x70: {  	[hbm4b:s12+s2] =	stream.linear.scatter [tilespmem:s5], [sflag:$0x4], $0x4000, $0x38;
	[tilespmem:$0x8600] =	vst v63  }
0x71: {  	_ =	swait.ge [sflag:s13], $0x4000  }
0x72: {  	[sflag:s13] =	ssyncset.done $0x0  }
0x73: {  	[sflag:s13] =	ssyncadd.s32 $0xFFFFC000  }
0x74: {  	_ =	swait.ge [sflag:s7], $0x4000  }
0x75: {  	[sflag:s7] =	ssyncset.done $0x0  }
0x76: {  	[sflag:s7] =	ssyncadd.s32 $0xFFFFC000  }
0x77: {  	[tilespmem:s5], [sflag:$0x2] =	stream.indirect.gather [hbm4b:s3+s9], $0x80, s16, s9, $0xb8;
	[tilespmem:$0x8600] =	vst v63  }
0x78: {  	_ = 	snop  }
0x79: {  	[hbm4b:s6+s2] =	stream.linear.scatter [tilespmem:s10], [sflag:$0x3], $0x4000, $0x38;
	[tilespmem:$0x8600] =	vst v63  }
0x7a: {  	_ =	swait.ge [sflag:s11], $0x4000  }
0x7b: {  	[sflag:s11] =	ssyncset.done $0x0  }
0x7c: {  	[sflag:s11] =	ssyncadd.s32 $0xFFFFC000  }
0x7d: {  	p1 =	sne.s32 s1, $0x1;
	_ =	swait.ge [sflag:s8], $0x4000  }
.Ltmp1:
0x7e: {  	[sflag:s8] =	ssyncset.done $0x0;
	(pc) =	sbr.rel @!p1 .LBB2_3-.Ltmp1, $4  }
0x7f: {  	[sflag:s8] =	ssyncadd.s32 $0xFFFFC000  }
0x80: {  	[hbm4b:s4+s2] =	stream.linear.scatter [tilespmem:s5], [sflag:$0x4], $0x4000, $0x38;
	[tilespmem:$0x8600] =	vst v63  }
0x81: {  	s1 =	sadd.s32 $0xFFFFFFFF, s1;
	_ =	swait.ge [sflag:s7], $0x4000  }
0x82: {  	p0 =	por $0x1, $0x1;
	s0 =	rddreg [dreg:$0x2];
	[sflag:s7] =	ssyncset.done $0x0  }
.LBB2_2:
0x83: {  	[sflag:s7] =	ssyncadd.s32 $0xFFFFC000  }
0x84: {  	[tilespmem:s2], [sflag:$0x5] =	stream.linear.gather [hbm4b:s0+s2], $0x600, $0x38;
	[tilespmem:$0x8600] =	vst v63  }
0x85: {  	_ =	swait.ge [sflag:s31], $0x600  }
0x86: {  	[sflag:s31] =	ssyncset.done $0x0  }
0x87: {  	[sflag:s31] =	ssyncadd.s32 $0xFFFFFA00  }
0x88: {  	[tilespmem:s10], [sflag:$0x1] =	stream.indirect.gather [hbm4b:s3+s9], $0x80, s2, s9, $0xb8;
	[tilespmem:$0x8600] =	vst v63  }
0x89: {  	_ =	swait.ge [sflag:s13], $0x4000  }
0x8a: {  	[sflag:s13] =	ssyncset.done $0x0  }
0x8b: {  	[sflag:s13] =	ssyncadd.s32 $0xFFFFC000  }
0x8c: {  	[tilespmem:s5], [sflag:$0x2] =	stream.indirect.gather [hbm4b:s3+s9], $0x80, s9, s9, $0xb8;
	[tilespmem:$0x8600] =	vst v63  }
0x8d: {  	s0 =	rddreg [dreg:$0x3]  }
0x8e: {  	[hbm4b:s0+s2] =	stream.linear.scatter [tilespmem:s10], [sflag:$0x3], $0x4000, $0x38;
	[tilespmem:$0x8600] =	vst v63  }
0x8f: {  	_ =	swait.ge [sflag:s11], $0x4000  }
0x90: {  	[sflag:s11] =	ssyncset.done $0x0  }
0x91: {  	[sflag:s11] =	ssyncadd.s32 $0xFFFFC000  }
0x92: {  	_ =	swait.ge [sflag:s8], $0x4000  }
0x93: {  	[sflag:s8] =	ssyncset.done $0x0  }
0x94: {  	[sflag:s8] =	ssyncadd.s32 $0xFFFFC000  }
0x95: {  	[tilespmem:s10], [sflag:$0x1] =	stream.indirect.gather [hbm4b:s3+s9], $0x80, s30, s9, $0xb8;
	[tilespmem:$0x8600] =	vst v63  }
0x96: {  	s0 =	rddreg [dreg:$0x4]  }
0x97: {  	[hbm4b:s0+s2] =	stream.linear.scatter [tilespmem:s5], [sflag:$0x4], $0x4000, $0x38;
	[tilespmem:$0x8600] =	vst v63  }
0x98: {  	_ =	swait.ge [sflag:s13], $0x4000  }
0x99: {  	[sflag:s13] =	ssyncset.done $0x0  }
0x9a: {  	[sflag:s13] =	ssyncadd.s32 $0xFFFFC000  }
0x9b: {  	_ =	swait.ge [sflag:s7], $0x4000  }
0x9c: {  	[sflag:s7] =	ssyncset.done $0x0  }
0x9d: {  	[sflag:s7] =	ssyncadd.s32 $0xFFFFC000  }
0x9e: {  	[tilespmem:s5], [sflag:$0x2] =	stream.indirect.gather [hbm4b:s3+s9], $0x80, s29, s9, $0xb8;
	[tilespmem:$0x8600] =	vst v63  }
0x9f: {  	s0 =	rddreg [dreg:$0x5]  }
0xa0: {  	[hbm4b:s0+s2] =	stream.linear.scatter [tilespmem:s10], [sflag:$0x3], $0x4000, $0x38;
	[tilespmem:$0x8600] =	vst v63  }
0xa1: {  	_ =	swait.ge [sflag:s11], $0x4000  }
0xa2: {  	[sflag:s11] =	ssyncset.done $0x0  }
0xa3: {  	[sflag:s11] =	ssyncadd.s32 $0xFFFFC000  }
0xa4: {  	_ =	swait.ge [sflag:s8], $0x4000  }
0xa5: {  	[sflag:s8] =	ssyncset.done $0x0  }
0xa6: {  	[sflag:s8] =	ssyncadd.s32 $0xFFFFC000  }
0xa7: {  	[tilespmem:s10], [sflag:$0x1] =	stream.indirect.gather [hbm4b:s3+s9], $0x80, s28, s9, $0xb8;
	[tilespmem:$0x8600] =	vst v63  }
0xa8: {  	_ = 	snop  }
0xa9: {  	[hbm4b:s23+s2] =	stream.linear.scatter [tilespmem:s5], [sflag:$0x4], $0x4000, $0x38;
	[tilespmem:$0x8600] =	vst v63  }
0xaa: {  	_ =	swait.ge [sflag:s13], $0x4000  }
0xab: {  	[sflag:s13] =	ssyncset.done $0x0  }
0xac: {  	[sflag:s13] =	ssyncadd.s32 $0xFFFFC000  }
0xad: {  	_ =	swait.ge [sflag:s7], $0x4000  }
0xae: {  	[sflag:s7] =	ssyncset.done $0x0  }
0xaf: {  	[sflag:s7] =	ssyncadd.s32 $0xFFFFC000  }
0xb0: {  	[tilespmem:s5], [sflag:$0x2] =	stream.indirect.gather [hbm4b:s3+s9], $0x80, s26, s9, $0xb8;
	[tilespmem:$0x8600] =	vst v63  }
0xb1: {  	_ = 	snop  }
0xb2: {  	[hbm4b:s21+s2] =	stream.linear.scatter [tilespmem:s10], [sflag:$0x3], $0x4000, $0x38;
	[tilespmem:$0x8600] =	vst v63  }
0xb3: {  	_ =	swait.ge [sflag:s11], $0x4000  }
0xb4: {  	[sflag:s11] =	ssyncset.done $0x0  }
0xb5: {  	[sflag:s11] =	ssyncadd.s32 $0xFFFFC000  }
0xb6: {  	_ =	swait.ge [sflag:s8], $0x4000  }
0xb7: {  	[sflag:s8] =	ssyncset.done $0x0  }
0xb8: {  	[sflag:s8] =	ssyncadd.s32 $0xFFFFC000  }
0xb9: {  	[tilespmem:s10], [sflag:$0x1] =	stream.indirect.gather [hbm4b:s3+s9], $0x80, s25, s9, $0xb8;
	[tilespmem:$0x8600] =	vst v63  }
0xba: {  	_ = 	snop  }
0xbb: {  	[hbm4b:s19+s2] =	stream.linear.scatter [tilespmem:s5], [sflag:$0x4], $0x4000, $0x38;
	[tilespmem:$0x8600] =	vst v63  }
0xbc: {  	_ =	swait.ge [sflag:s13], $0x4000  }
0xbd: {  	[sflag:s13] =	ssyncset.done $0x0  }
0xbe: {  	[sflag:s13] =	ssyncadd.s32 $0xFFFFC000  }
0xbf: {  	_ =	swait.ge [sflag:s7], $0x4000  }
0xc0: {  	[sflag:s7] =	ssyncset.done $0x0  }
0xc1: {  	[sflag:s7] =	ssyncadd.s32 $0xFFFFC000  }
0xc2: {  	[tilespmem:s5], [sflag:$0x2] =	stream.indirect.gather [hbm4b:s3+s9], $0x80, s24, s9, $0xb8;
	[tilespmem:$0x8600] =	vst v63  }
0xc3: {  	_ = 	snop  }
0xc4: {  	[hbm4b:s17+s2] =	stream.linear.scatter [tilespmem:s10], [sflag:$0x3], $0x4000, $0x38;
	[tilespmem:$0x8600] =	vst v63  }
0xc5: {  	_ =	swait.ge [sflag:s11], $0x4000  }
0xc6: {  	[sflag:s11] =	ssyncset.done $0x0  }
0xc7: {  	[sflag:s11] =	ssyncadd.s32 $0xFFFFC000  }
0xc8: {  	_ =	swait.ge [sflag:s8], $0x4000  }
0xc9: {  	[sflag:s8] =	ssyncset.done $0x0  }
0xca: {  	[sflag:s8] =	ssyncadd.s32 $0xFFFFC000  }
0xcb: {  	[tilespmem:s10], [sflag:$0x1] =	stream.indirect.gather [hbm4b:s3+s9], $0x80, s22, s9, $0xb8;
	[tilespmem:$0x8600] =	vst v63  }
0xcc: {  	_ = 	snop  }
0xcd: {  	[hbm4b:s15+s2] =	stream.linear.scatter [tilespmem:s5], [sflag:$0x4], $0x4000, $0x38;
	[tilespmem:$0x8600] =	vst v63  }
0xce: {  	_ =	swait.ge [sflag:s13], $0x4000  }
0xcf: {  	[sflag:s13] =	ssyncset.done $0x0  }
0xd0: {  	[sflag:s13] =	ssyncadd.s32 $0xFFFFC000  }
0xd1: {  	_ =	swait.ge [sflag:s7], $0x4000  }
0xd2: {  	[sflag:s7] =	ssyncset.done $0x0  }
0xd3: {  	[sflag:s7] =	ssyncadd.s32 $0xFFFFC000  }
0xd4: {  	[tilespmem:s5], [sflag:$0x2] =	stream.indirect.gather [hbm4b:s3+s9], $0x80, s20, s9, $0xb8;
	[tilespmem:$0x8600] =	vst v63  }
0xd5: {  	_ = 	snop  }
0xd6: {  	[hbm4b:s14+s2] =	stream.linear.scatter [tilespmem:s10], [sflag:$0x3], $0x4000, $0x38;
	[tilespmem:$0x8600] =	vst v63  }
0xd7: {  	_ =	swait.ge [sflag:s11], $0x4000  }
0xd8: {  	[sflag:s11] =	ssyncset.done $0x0  }
0xd9: {  	[sflag:s11] =	ssyncadd.s32 $0xFFFFC000  }
0xda: {  	_ =	swait.ge [sflag:s8], $0x4000  }
0xdb: {  	[sflag:s8] =	ssyncset.done $0x0  }
0xdc: {  	[sflag:s8] =	ssyncadd.s32 $0xFFFFC000  }
0xdd: {  	[tilespmem:s10], [sflag:$0x1] =	stream.indirect.gather [hbm4b:s3+s9], $0x80, s18, s9, $0xb8;
	[tilespmem:$0x8600] =	vst v63  }
0xde: {  	_ = 	snop  }
0xdf: {  	[hbm4b:s12+s2] =	stream.linear.scatter [tilespmem:s5], [sflag:$0x4], $0x4000, $0x38;
	[tilespmem:$0x8600] =	vst v63  }
0xe0: {  	_ =	swait.ge [sflag:s13], $0x4000  }
0xe1: {  	[sflag:s13] =	ssyncset.done $0x0  }
0xe2: {  	[sflag:s13] =	ssyncadd.s32 $0xFFFFC000  }
0xe3: {  	_ =	swait.ge [sflag:s7], $0x4000  }
0xe4: {  	[sflag:s7] =	ssyncset.done $0x0  }
0xe5: {  	[sflag:s7] =	ssyncadd.s32 $0xFFFFC000  }
0xe6: {  	[tilespmem:s5], [sflag:$0x2] =	stream.indirect.gather [hbm4b:s3+s9], $0x80, s16, s9, $0xb8;
	[tilespmem:$0x8600] =	vst v63  }
0xe7: {  	_ = 	snop  }
0xe8: {  	[hbm4b:s6+s2] =	stream.linear.scatter [tilespmem:s10], [sflag:$0x3], $0x4000, $0x38;
	[tilespmem:$0x8600] =	vst v63  }
0xe9: {  	_ =	swait.ge [sflag:s11], $0x4000  }
0xea: {  	[sflag:s11] =	ssyncset.done $0x0  }
0xeb: {  	[sflag:s11] =	ssyncadd.s32 $0xFFFFC000  }
0xec: {  	p1 =	sne.s32 s1, $0x1;
	_ =	swait.ge [sflag:s8], $0x4000  }
.Ltmp2:
0xed: {  	[sflag:s8] =	ssyncset.done $0x0;
	(pc) =	sbr.rel @p1 .LBB2_2-.Ltmp2, $4  }
0xee: {  	[sflag:s8] =	ssyncadd.s32 $0xFFFFC000  }
0xef: {  	[hbm4b:s4+s2] =	stream.linear.scatter [tilespmem:s5], [sflag:$0x4], $0x4000, $0x38;
	[tilespmem:$0x8600] =	vst v63  }
0xf0: {  	_ =	swait.ge [sflag:s7], $0x4000  }
0xf1: {  	s1 =	sadd.s32 $0xFFFFFFFF, s1;
	s0 =	rddreg [dreg:$0x2];
	[sflag:s7] =	ssyncset.done $0x0  }
.LBB2_3:
0xf2: {  	[sflag:s7] =	ssyncadd.s32 @p0 $0xFFFFC000  }
0xf3: {  	[tilespmem:s2], [sflag:$0x5] =	stream.linear.gather [hbm4b:s0+s2], $0x600, $0x38;
	[tilespmem:$0x8600] =	vst v63  }
0xf4: {  	_ =	swait.ge [sflag:s31], $0x600  }
0xf5: {  	[sflag:s31] =	ssyncset.done $0x0  }
0xf6: {  	[sflag:s31] =	ssyncadd.s32 $0xFFFFFA00  }
0xf7: {  	[tilespmem:s10], [sflag:$0x1] =	stream.indirect.gather [hbm4b:s3+s9], $0x80, s2, s9, $0xb8;
	[tilespmem:$0x8600] =	vst v63  }
0xf8: {  	_ =	swait.ge [sflag:s13], $0x4000  }
0xf9: {  	[sflag:s13] =	ssyncset.done $0x0  }
0xfa: {  	[sflag:s13] =	ssyncadd.s32 $0xFFFFC000  }
0xfb: {  	[tilespmem:s5], [sflag:$0x2] =	stream.indirect.gather [hbm4b:s3+s9], $0x80, s9, s9, $0xb8;
	[tilespmem:$0x8600] =	vst v63  }
0xfc: {  	s31 =	rddreg [dreg:$0x3]  }
0xfd: {  	[hbm4b:s31+s2] =	stream.linear.scatter [tilespmem:s10], [sflag:$0x3], $0x4000, $0x38;
	[tilespmem:$0x8600] =	vst v63  }
0xfe: {  	_ =	swait.ge [sflag:s11], $0x4000  }
0xff: {  	[sflag:s11] =	ssyncset.done $0x0  }
0x100: {  	[sflag:s11] =	ssyncadd.s32 $0xFFFFC000  }
0x101: {  	_ =	swait.ge [sflag:s8], $0x4000  }
0x102: {  	[sflag:s8] =	ssyncset.done $0x0  }
0x103: {  	[sflag:s8] =	ssyncadd.s32 $0xFFFFC000  }
0x104: {  	[tilespmem:s10], [sflag:$0x1] =	stream.indirect.gather [hbm4b:s3+s9], $0x80, s30, s9, $0xb8;
	[tilespmem:$0x8600] =	vst v63  }
0x105: {  	s1 =	rddreg [dreg:$0x4]  }
0x106: {  	[hbm4b:s1+s2] =	stream.linear.scatter [tilespmem:s5], [sflag:$0x4], $0x4000, $0x38;
	[tilespmem:$0x8600] =	vst v63  }
0x107: {  	_ =	swait.ge [sflag:s13], $0x4000  }
0x108: {  	[sflag:s13] =	ssyncset.done $0x0  }
0x109: {  	[sflag:s13] =	ssyncadd.s32 $0xFFFFC000  }
0x10a: {  	_ =	swait.ge [sflag:s7], $0x4000  }
0x10b: {  	[sflag:s7] =	ssyncset.done $0x0  }
0x10c: {  	[sflag:s7] =	ssyncadd.s32 $0xFFFFC000  }
0x10d: {  	[tilespmem:s5], [sflag:$0x2] =	stream.indirect.gather [hbm4b:s3+s9], $0x80, s29, s9, $0xb8;
	[tilespmem:$0x8600] =	vst v63  }
0x10e: {  	s30 =	rddreg [dreg:$0x5]  }
0x10f: {  	[hbm4b:s30+s2] =	stream.linear.scatter [tilespmem:s10], [sflag:$0x3], $0x4000, $0x38;
	[tilespmem:$0x8600] =	vst v63  }
0x110: {  	_ =	swait.ge [sflag:s11], $0x4000  }
0x111: {  	[sflag:s11] =	ssyncset.done $0x0  }
0x112: {  	[sflag:s11] =	ssyncadd.s32 $0xFFFFC000  }
0x113: {  	_ =	swait.ge [sflag:s8], $0x4000  }
0x114: {  	[sflag:s8] =	ssyncset.done $0x0  }
0x115: {  	[sflag:s8] =	ssyncadd.s32 $0xFFFFC000  }
0x116: {  	[tilespmem:s10], [sflag:$0x1] =	stream.indirect.gather [hbm4b:s3+s9], $0x80, s28, s9, $0xb8;
	[tilespmem:$0x8600] =	vst v63  }
0x117: {  	_ = 	snop  }
0x118: {  	[hbm4b:s23+s2] =	stream.linear.scatter [tilespmem:s5], [sflag:$0x4], $0x4000, $0x38;
	[tilespmem:$0x8600] =	vst v63  }
0x119: {  	_ =	swait.ge [sflag:s13], $0x4000  }
0x11a: {  	[sflag:s13] =	ssyncset.done $0x0  }
0x11b: {  	[sflag:s13] =	ssyncadd.s32 $0xFFFFC000  }
0x11c: {  	_ =	swait.ge [sflag:s7], $0x4000  }
0x11d: {  	[sflag:s7] =	ssyncset.done $0x0  }
0x11e: {  	[sflag:s7] =	ssyncadd.s32 $0xFFFFC000  }
0x11f: {  	[tilespmem:s5], [sflag:$0x2] =	stream.indirect.gather [hbm4b:s3+s9], $0x80, s26, s9, $0xb8;
	[tilespmem:$0x8600] =	vst v63  }
0x120: {  	_ = 	snop  }
0x121: {  	[hbm4b:s21+s2] =	stream.linear.scatter [tilespmem:s10], [sflag:$0x3], $0x4000, $0x38;
	[tilespmem:$0x8600] =	vst v63  }
0x122: {  	_ =	swait.ge [sflag:s11], $0x4000  }
0x123: {  	[sflag:s11] =	ssyncset.done $0x0  }
0x124: {  	[sflag:s11] =	ssyncadd.s32 $0xFFFFC000  }
0x125: {  	_ =	swait.ge [sflag:s8], $0x4000  }
0x126: {  	[sflag:s8] =	ssyncset.done $0x0  }
0x127: {  	[sflag:s8] =	ssyncadd.s32 $0xFFFFC000  }
0x128: {  	[tilespmem:s10], [sflag:$0x1] =	stream.indirect.gather [hbm4b:s3+s9], $0x80, s25, s9, $0xb8;
	[tilespmem:$0x8600] =	vst v63  }
0x129: {  	_ = 	snop  }
0x12a: {  	[hbm4b:s19+s2] =	stream.linear.scatter [tilespmem:s5], [sflag:$0x4], $0x4000, $0x38;
	[tilespmem:$0x8600] =	vst v63  }
0x12b: {  	_ =	swait.ge [sflag:s13], $0x4000  }
0x12c: {  	[sflag:s13] =	ssyncset.done $0x0  }
0x12d: {  	[sflag:s13] =	ssyncadd.s32 $0xFFFFC000  }
0x12e: {  	_ =	swait.ge [sflag:s7], $0x4000  }
0x12f: {  	[sflag:s7] =	ssyncset.done $0x0  }
0x130: {  	[sflag:s7] =	ssyncadd.s32 $0xFFFFC000  }
0x131: {  	[tilespmem:s5], [sflag:$0x2] =	stream.indirect.gather [hbm4b:s3+s9], $0x80, s24, s9, $0xb8;
	[tilespmem:$0x8600] =	vst v63  }
0x132: {  	_ = 	snop  }
0x133: {  	[hbm4b:s17+s2] =	stream.linear.scatter [tilespmem:s10], [sflag:$0x3], $0x4000, $0x38;
	[tilespmem:$0x8600] =	vst v63  }
0x134: {  	_ =	swait.ge [sflag:s11], $0x4000  }
0x135: {  	[sflag:s11] =	ssyncset.done $0x0  }
0x136: {  	[sflag:s11] =	ssyncadd.s32 $0xFFFFC000  }
0x137: {  	_ =	swait.ge [sflag:s8], $0x4000  }
0x138: {  	[sflag:s8] =	ssyncset.done $0x0  }
0x139: {  	[sflag:s8] =	ssyncadd.s32 $0xFFFFC000  }
0x13a: {  	[tilespmem:s10], [sflag:$0x1] =	stream.indirect.gather [hbm4b:s3+s9], $0x80, s22, s9, $0xb8;
	[tilespmem:$0x8600] =	vst v63  }
0x13b: {  	_ = 	snop  }
0x13c: {  	[hbm4b:s15+s2] =	stream.linear.scatter [tilespmem:s5], [sflag:$0x4], $0x4000, $0x38;
	[tilespmem:$0x8600] =	vst v63  }
0x13d: {  	_ =	swait.ge [sflag:s13], $0x4000  }
0x13e: {  	[sflag:s13] =	ssyncset.done $0x0  }
0x13f: {  	[sflag:s13] =	ssyncadd.s32 $0xFFFFC000  }
0x140: {  	_ =	swait.ge [sflag:s7], $0x4000  }
0x141: {  	[sflag:s7] =	ssyncset.done $0x0  }
0x142: {  	[sflag:s7] =	ssyncadd.s32 $0xFFFFC000  }
0x143: {  	[tilespmem:s5], [sflag:$0x2] =	stream.indirect.gather [hbm4b:s3+s9], $0x80, s20, s9, $0xb8;
	[tilespmem:$0x8600] =	vst v63  }
0x144: {  	_ = 	snop  }
0x145: {  	[hbm4b:s14+s2] =	stream.linear.scatter [tilespmem:s10], [sflag:$0x3], $0x4000, $0x38;
	[tilespmem:$0x8600] =	vst v63  }
0x146: {  	_ =	swait.ge [sflag:s11], $0x4000  }
0x147: {  	[sflag:s11] =	ssyncset.done $0x0  }
0x148: {  	[sflag:s11] =	ssyncadd.s32 $0xFFFFC000  }
0x149: {  	_ =	swait.ge [sflag:s8], $0x4000  }
0x14a: {  	[sflag:s8] =	ssyncset.done $0x0  }
0x14b: {  	[sflag:s8] =	ssyncadd.s32 $0xFFFFC000  }
0x14c: {  	[tilespmem:s10], [sflag:$0x1] =	stream.indirect.gather [hbm4b:s3+s9], $0x80, s18, s9, $0xb8;
	[tilespmem:$0x8600] =	vst v63  }
0x14d: {  	_ = 	snop  }
0x14e: {  	[hbm4b:s12+s2] =	stream.linear.scatter [tilespmem:s5], [sflag:$0x4], $0x4000, $0x38;
	[tilespmem:$0x8600] =	vst v63  }
0x14f: {  	_ =	swait.ge [sflag:s13], $0x4000  }
0x150: {  	[sflag:s13] =	ssyncset.done $0x0  }
0x151: {  	[sflag:s13] =	ssyncadd.s32 $0xFFFFC000  }
0x152: {  	_ =	swait.ge [sflag:s7], $0x4000  }
0x153: {  	[sflag:s7] =	ssyncset.done $0x0  }
0x154: {  	[sflag:s7] =	ssyncadd.s32 $0xFFFFC000  }
0x155: {  	[tilespmem:s5], [sflag:$0x2] =	stream.indirect.gather [hbm4b:s3+s9], $0x80, s16, s9, $0xb8;
	[tilespmem:$0x8600] =	vst v63  }
0x156: {  	_ = 	snop  }
0x157: {  	[hbm4b:s6+s2] =	stream.linear.scatter [tilespmem:s10], [sflag:$0x3], $0x4000, $0x38;
	[tilespmem:$0x8600] =	vst v63  }
0x158: {  	_ =	swait.ge [sflag:s11], $0x4000  }
0x159: {  	[sflag:s11] =	ssyncset.done $0x0  }
0x15a: {  	[sflag:s11] =	ssyncadd.s32 $0xFFFFC000  }
0x15b: {  	_ =	swait.ge [sflag:s8], $0x4000  }
0x15c: {  	[sflag:s8] =	ssyncset.done $0x0  }
0x15d: {  	[sflag:s8] =	ssyncadd.s32 $0xFFFFC000  }
0x15e: {  	[hbm4b:s4+s2] =	stream.linear.scatter [tilespmem:s5], [sflag:$0x4], $0x4000, $0x38;
	[tilespmem:$0x8600] =	vst v63  }
0x15f: {  	_ =	swait.ge [sflag:s7], $0x4000  }
0x160: {  	[sflag:s7] =	ssyncset.done $0x0  }
0x161: {  	[sflag:s7] =	ssyncadd.s32 $0xFFFFC000  }
0x162: {  	_ =	sfence.sel $0x180000  }
0x163: {  	[bflag:$0x0] =	sbarrier.arrive $0xFFFF  }
0x164: {  	_ =	strace $0x9000004D  }
0x165: {  	s31 =	stileid.u32;
	[bflag:$0x2] =	sbarrier.arrive $0xFFFF  }
0x166: {  	p0 =	sne.s32 s31, $0x0;
	s0 =	rddreg [dreg:$0x1]  }
0x167: {  	s0 =	sadd.s32 @!p0 $0x100000, s0  }
0x168: {  	[sflag:s0] =	ssyncadd.tile.s32 @!p0 $0x1;
	_ =	shalt  }
.Lfunc_end2:
_tile_overlayer_lowered:
.L_overlay_start_2:
0x169: {  	(tag) =	ssettag $0x2  }
0x16a: {  	s0 =	rddreg [dreg:$0x0];
	s2 =	stileid.u32  }
0x16b: {  	s1 =	rddreg [dreg:$0x1];
	p0 =	sne.s32 s2, $0x0  }
0x16c: {  	s3 =	rddreg [dreg:$0x2];
	[bflag:$0x3] =	sbarrier.arrive $0xFFFF;
	s2 =	simm.s32 @!p0 $0x1C05  }
0x16d: {  	[timem:s3], [sflag:s2] =	dma.local @!p0 [hbm:s0], s1  }
0x16e: {  	s0 =	simm.s32 @!p0 $0x5  }
0x16f: {  	_ =	swait.ge @!p0 [sflag:s0], s1  }
0x170: {  	s1 =	ssub.s32 @!p0 $0x0, s1;
	[sflag:s0] =	ssyncset.done @!p0 $0x0  }
0x171: {  	[sflag:s0] =	ssyncadd.s32 @!p0 s1  }
0x172: {  	[bflag:$0x3] =	sbarrier.arrive $0xFFFF  }
0x173: {  	_ =	shalt  }

// kernel: kernel.19.cloned.1.call-start
scs
__scs_entry_jumppad:
0x0: {  	(pc) =	sbr.rel $0x88, $3  }
0x1: {  	(tag) =	ssettag $0x0;
	lr =	simm.s32 $0x1  }
0x2: {  	[smem:$0x3F97] =	sst lr;
	_ =	strace $0xD0000000  }
0x3: {  	_ = 	snop  }
0x4: {  	_ = 	snop  }
0x5: {  	_ = 	snop  }
0x6: {  	_ = 	snop  }
0x7: {  	_ = 	snop  }
__scs_overlays_trampoline_lowered:
0x8: {  	[smem:$0x3FA6] =	sst s0  }
0x9: {  	[smem:$0x3FA7] =	sst s1  }
0xa: {  	[smem:$0x3FA8] =	sst s2  }
0xb: {  	[smem:$0x3FA9] =	sst s3  }
0xc: {  	[smem:$0x3FAA] =	sst s4  }
0xd: {  	[smem:$0x3FAB] =	sst s5  }
0xe: {  	[smem:$0x3FAC] =	sst s6  }
0xf: {  	[smem:$0x3FAD] =	sst s7  }
0x10: {  	[smem:$0x3FAE] =	sst s8  }
0x11: {  	[smem:$0x3FAF] =	sst s9;
	s0 =	simm.s32 @!p0 $0x0  }
0x12: {  	s1 =	sld [smem:$0x3F95];
	s0 =	simm.s32 @p0 $0x1  }
0x13: {  	[smem:$0x3FB0] =	sst s0;
	s0 =	simm.s32 @!p1 $0x0  }
0x14: {  	s2 =	sld [smem:$0x3F94];
	s0 =	simm.s32 @p1 $0x1  }
0x15: {  	[smem:$0x3FB1] =	sst s0;
	s0 =	simm.s32 @!p2 $0x0  }
0x16: {  	s3 =	sld [smem:$0x3FDB];
	s0 =	simm.s32 @p2 $0x1  }
0x17: {  	s4 =	simm.s32 $0x1BF5;
	[smem:$0x3FB3] =	sst s0  }
0x18: {  	s0 =	sld [smem:$0x3F96];
	_ =	swait.ge [sflag:s4], $0x0  }
0x19: {  	s7 =	sld [smem:$0x3F97]  }
0x1a: {  	s8 =	sadd.s32 $0xFFFFE003, lr  }
0x1b: {  	s9 =	sadd.s32 $0xFFFFFEF7, lr;
	s5 =	simm.s32 $0xFFFFFFFF;
	p2 =	slt.u32 s8, $0xFFFFF086  }
0x1c: {  	p1 =	slt.u32 s9, $0xF7A;
	s5 =	simm.s32 @!p2 $0x0  }
0x1d: {  	s5 =	simm.s32 @p1 $0x1;
	p0 =	seq.s32 s7, s2  }
0x1e: {  	s7 =	smul.u32 @!p0 $0xF7A, s2;
	p2 =	seq.s32 @!p0 s5, $0x0  }
0x1f: {  	s9 =	smul.u32 $0xF7A, s1;
	s8 =	simm.s32 @!p0 $0x1BF5;
	p2 =	por !p2, p0  }
0x20: {  	[sflag:s8] =	ssyncset.s32 @!p0 $0xFFFFF086;
	s6 =	sadd.s32 @!p0 s3, s7;
	s7 =	simm.s32 @!p0 $0x108  }
0x21: {  	s3 =	sadd.s32 s3, s9;
	s6 =	sadd.s32 @!p0 $0x88, s6;
	s7 =	simm.s32 @p2 $0x1082  }
0x22: {  	[simem:s7], [sflag:s8] =	dma.local @!p0 [hbm:s6], $0xF7A  }
0x23: {  	s9 =	sor.u32 $0xD0000000, s2;
	s6 =	simm.s32 $0x108;
	_ =	swait.ge @!p0 [sflag:s8], $0x0  }
0x24: {  	s3 =	sadd.s32 $0x88, s3;
	s6 =	simm.s32 @!p1 $0x1082;
	[sflag:s4] =	ssyncset.s32 $0xFFFFF086  }
0x25: {  	[simem:s6], [sflag:s4] =	dma.local [hbm:s3], $0xF7A  }
0x26: {  	[smem:$0x3F97] =	sst s1;
	(tag) =	ssettag s2;
	_ =	strace s9  }
0x27: {  	s1 =	sld [smem:$0x3FA7]  }
0x28: {  	s2 =	sld [smem:$0x3FA8]  }
0x29: {  	s4 =	sld [smem:$0x3FAA]  }
0x2a: {  	p0 =	seq.s32 s5, $0x0;
	s5 =	sld [smem:$0x3FAB]  }
0x2b: {  	s6 =	sld [smem:$0x3FAC]  }
0x2c: {  	s7 =	sld [smem:$0x3FAD]  }
0x2d: {  	s3 =	simm.s32 $0x108;
	s8 =	sld [smem:$0x3FAE]  }
0x2e: {  	s3 =	simm.s32 @!p0 $0x1082;
	s9 =	sld [smem:$0x3FAF]  }
0x2f: {  	lr =	sadd.s32 s0, s3;
	s0 =	sld [smem:$0x3FA6]  }
0x30: {  	s3 =	sld [smem:$0x3FA9]  }
0x31: {  	[smem:$0x3FB2] =	sst s10  }
0x32: {  	s10 =	sld [smem:$0x3FB0];
	_ =	sdelay $0x3  }
0x33: {  	p0 =	seq.s32 s10, $0x1;
	s10 =	sld [smem:$0x3FB2];
	_ =	sdelay $0x3  }
0x34: {  	[smem:$0x3FB2] =	sst s10  }
0x35: {  	s10 =	sld [smem:$0x3FB1];
	_ =	sdelay $0x3  }
0x36: {  	p1 =	seq.s32 s10, $0x1;
	s10 =	sld [smem:$0x3FB2];
	_ =	sdelay $0x3  }
0x37: {  	[smem:$0x3FB2] =	sst s10  }
0x38: {  	s10 =	sld [smem:$0x3FB3]  }
0x39: {  	_ = 	snop;
	(pc) =	sbr.ind lr, $3  }
0x3a: {  	_ = 	snop  }
0x3b: {  	_ = 	snop  }
0x3c: {  	p2 =	seq.s32 s10, $0x1;
	s10 =	sld [smem:$0x3FB2]  }
0x3d: {  	_ =	shalt  }
0x3e: {  	_ =	shalt  }
0x3f: {  	_ =	shalt  }
0x40: {  	_ =	shalt  }
0x41: {  	_ =	shalt  }
0x42: {  	_ =	shalt  }
0x43: {  	_ =	shalt  }
0x44: {  	_ =	shalt  }
0x45: {  	_ =	shalt  }
0x46: {  	_ =	shalt  }
0x47: {  	_ =	shalt  }
0x48: {  	_ =	shalt  }
0x49: {  	_ =	shalt  }
0x4a: {  	_ =	shalt  }
0x4b: {  	_ =	shalt  }
0x4c: {  	_ =	shalt  }
0x4d: {  	_ =	shalt  }
0x4e: {  	_ =	shalt  }
0x4f: {  	_ =	shalt  }
0x50: {  	_ =	shalt  }
0x51: {  	_ =	shalt  }
0x52: {  	_ =	shalt  }
0x53: {  	_ =	shalt  }
0x54: {  	_ =	shalt  }
0x55: {  	_ =	shalt  }
0x56: {  	_ =	shalt  }
0x57: {  	_ =	shalt  }
0x58: {  	_ =	shalt  }
0x59: {  	_ =	shalt  }
0x5a: {  	_ =	shalt  }
0x5b: {  	_ =	shalt  }
0x5c: {  	_ =	shalt  }
0x5d: {  	_ =	shalt  }
0x5e: {  	_ =	shalt  }
0x5f: {  	_ =	shalt  }
0x60: {  	_ =	shalt  }
0x61: {  	_ =	shalt  }
0x62: {  	_ =	shalt  }
0x63: {  	_ =	shalt  }
0x64: {  	_ =	shalt  }
0x65: {  	_ =	shalt  }
0x66: {  	_ =	shalt  }
0x67: {  	_ =	shalt  }
0x68: {  	_ =	shalt  }
0x69: {  	_ =	shalt  }
0x6a: {  	_ =	shalt  }
0x6b: {  	_ =	shalt  }
0x6c: {  	_ =	shalt  }
0x6d: {  	_ =	shalt  }
0x6e: {  	_ =	shalt  }
0x6f: {  	_ =	shalt  }
0x70: {  	_ =	shalt  }
0x71: {  	_ =	shalt  }
0x72: {  	_ =	shalt  }
0x73: {  	_ =	shalt  }
0x74: {  	_ =	shalt  }
0x75: {  	_ =	shalt  }
0x76: {  	_ =	shalt  }
0x77: {  	_ =	shalt  }
0x78: {  	_ =	shalt  }
0x79: {  	_ =	shalt  }
0x7a: {  	_ =	shalt  }
0x7b: {  	_ =	shalt  }
0x7c: {  	_ =	shalt  }
0x7d: {  	_ =	shalt  }
0x7e: {  	_ =	shalt  }
0x7f: {  	_ =	shalt  }
0x80: {  	_ =	shalt  }
0x81: {  	_ =	shalt  }
0x82: {  	_ =	shalt  }
0x83: {  	_ =	shalt  }
0x84: {  	_ =	shalt  }
0x85: {  	_ =	shalt  }
0x86: {  	_ =	shalt  }
0x87: {  	_ =	shalt  }
.Lfunc_end0:
.L_simem_size_0:
called_computation.3_lowered:
.L_overlay_start_0:
0x88: {  	s2 =	sld [smem:$0x3FD9]  }
0x89: {  	s3 =	sld [smem:$0x3FFE];
	_ =	sdelay $0x1  }
0x8a: {  	s1 =	srdreg.scid  }
0x8b: {  	s0 =	sand.u32 $0x1, s1  }
0x8c: {  	s17 =	sshll.u32 s0, $0xA;
	s2 =	sadd.s32 s3, s2  }
0x8d: {  	s2 =	sadd.s32 s2, s17  }
0x8e: {  	[smem:$0x3FBE] =	sst s2  }
0x8f: {  	_ = 	snop  }
0x90: {  	(tm) =	ssettm $0x1  }
0x91: {  	s18 =	sld [smem:$0x3FFB];
	_ =	sdelay $0x3  }
0x92: {  	_ =	strace s18  }
0x93: {  	s2 =	sld [smem:$0x3FFC];
	_ =	sdelay $0x3  }
0x94: {  	_ =	strace s2  }
0x95: {  	s2 =	sld [smem:$0x3FFD];
	_ =	sdelay $0x3  }
0x96: {  	_ =	strace s2  }
0x97: {  	_ =	strace $0x8FFFFFFF  }
0x98: {  	s19 =	sld [smem:$0x3FDB];
	_ =	sdelay $0x1  }
0x99: {  	s20 =	simm.s32 $_scs_section_size  }
0x9a: {  	s4 =	simm.s32 $_size__tile_overlayer_lowered;
	s5 =	simm.s32 $_tile_overlayer_lowered  }
0x9b: {  	s6 =	simm.s32 $0x1BFF;
	s21 =	sshll.u32 s5, $0x1;
	s3 =	sadd.s32 s20, s19  }
0x9c: {  	s22 =	simm.s32 $0x0;
	s4 =	sshll.u32 s4, $0x1;
	s5 =	sadd.s32 s21, s3  }
0x9d: {  	[timem:s22], [sflag:s6] =	dma.local [hbm:s5], s4  }
0x9e: {  	_ =	swait.ge [sflag:s6], s4  }
0x9f: {  	s4 =	ssub.s32 $0x0, s4;
	[sflag:s6] =	ssyncset.done $0x0  }
0xa0: {  	[sflag:s6] =	ssyncadd.s32 s4;
	_ =	sdelay $0x1  }
0xa1: {  	s23 =	simm.s32 $0x1B8B  }
0xa2: {  	_ =	swait.ge [sflag:s23], $0x1  }
0xa3: {  	[sflag:s23] =	ssyncset.done $0x0  }
0xa4: {  	[sflag:s23] =	ssyncadd.s32 $0xFFFFFFFF  }
0xa5: {  	s4 =	sld [smem:$0x0]  }
0xa6: {  	s5 =	sand.u32 $0xFFFFFFFE, s1  }
0xa7: {  	p0 =	sne.s32 s1, s5  }
0xa8: {  	s5 =	sshll.u32 @p0 s5, $0xE  }
0xa9: {  	s5 =	sadd.s32 @p0 $0x11B8D, s5;
	s6 =	sshll.u32 @p0 s4, $0x11  }
0xaa: {  	s5 =	sor.u32 @p0 s6, s5  }
0xab: {  	[sflag:s5] =	ssyncadd.remote.s32 @p0 $0x1;
	_ =	sdelay $0x1  }
0xac: {  	s5 =	simm.s32 @p0 $0x1B8D  }
0xad: {  	_ =	swait.eq @p0 [sflag:s5], $0x1  }
0xae: {  	[sflag:s5] =	ssyncadd.s32 @p0 $0xFFFFFFFF  }
0xaf: {  	s6 =	sshll.u32 @!p0 s1, $0xE  }
0xb0: {  	s6 =	sor.u32 @!p0 $0x4000, s6;
	s5 =	simm.s32 @!p0 $0x1B8D  }
0xb1: {  	s4 =	sshll.u32 @!p0 s4, $0x11;
	s6 =	sadd.s32 @!p0 $0x11B8D, s6;
	_ =	swait.eq @!p0 [sflag:s5], $0x1  }
0xb2: {  	s4 =	sor.u32 @!p0 s4, s6;
	[sflag:s5] =	ssyncadd.s32 @!p0 $0xFFFFFFFF  }
0xb3: {  	s25 =	simm.s32 $0x1B8E;
	s24 =	sld [smem:$0x3FFE];
	[sflag:s4] =	ssyncadd.remote.s32 @!p0 $0x1  }
0xb4: {  	s26 =	simm.s32 $execute0_lowered;
	[smem:$0x3FD2] =	sst s25  }
0xb5: {  	s5 =	sshll.u32 s26, $0x1;
	_ =	strace $0x8000004F;
	[dreg:$0x1] =	wrdreg $0xFFFFFFFF  }
0xb6: {  	s28 =	simm.s32 $_size_execute0_lowered;
	s3 =	sadd.s32 s3, s5;
	[dreg:$0x0] =	wrdreg $0x0  }
0xb7: {  	s5 =	sshll.u32 s28, $0x1;
	[dreg:$0x2] =	wrdreg s3  }
0xb8: {  	[dreg:$0x3] =	wrdreg s5  }
0xb9: {  	[dreg:$0x4] =	wrdreg $0xC0  }
0xba: {  	_ =	task [dreg:s22], $0x5FFFF  }
0xbb: {  	[dreg:$0x1] =	wrdreg $0xFFFFFFFF  }
0xbc: {  	[dreg:$0x0] =	wrdreg $0x60  }
0xbd: {  	[dreg:$0x2] =	wrdreg s24  }
0xbe: {  	[dreg:$0x3] =	wrdreg $0xC  }
0xbf: {  	_ =	task.clear_ibuf [dreg:s22], $0x4FFFF;
	_ =	strace $0x9000004F  }
0xc0: {  	s29 =	simm.s32 $0xC;
	_ =	strace $0x80000051  }
0xc1: {  	_ =	swait.ge [sflag:s29], $0x1  }
0xc2: {  	[sflag:s29] =	ssyncadd.s32 $0xFFFFFFFF  }
0xc3: {  	_ =	strace $0x90000051  }
0xc4: {  	_ =	sfence  }
0xc5: {  	s30 =	sld [smem:$0x0];
	_ =	sdelay $0x2  }
0xc6: {  	s31 =	sshll.u32 s1, $0xD;
	s1 =	sshrl.u32 s1, $0x2  }
0xc7: {  	s4 =	sand.u32 $0x4000, s31;
	s1 =	sadd.s32 s1, s30  }
0xc8: {  	s0 =	sor.u32 s4, s0;
	s1 =	sshll.u32 s1, $0x11  }
0xc9: {  	s0 =	sor.u32 s1, s0  }
0xca: {  	s0 =	sadd.s32 $0x8F2B, s0  }
0xcb: {  	[sflag:s0] =	ssyncadd.remote.s32 $0x1  }
0xcc: {  	_ =	sfence.sel $0xFFFF  }
0xcd: {  	[dreg:$0x0] =	wrdreg $0xFFFFFFFF;
	(pc) =	sbr.abs _section_cstart, $3  }
0xce: {  	[dreg:$0x1] =	wrdreg $0xFFFFFFFF  }
0xcf: {  	_ =	task.clear_ibuf [dreg:s22], $0x2FFFF;
	_ =	strace $0x9FFFFFFF  }
0xd0: {  	(tm) =	ssettm $0x7FFFFFFF  }
0xd1: {  	_ =	shalt  }
tec
execute0_lowered:
.L_overlay_start_1:
0x0: {  	(tag) =	ssettag $0x1  }
0x1: {  	s0 =	srdreg.scid;
	s1 =	stileid.u32  }
0x2: {  	s3 =	rddreg [dreg:$0x0];
	s2 =	simm.s32 $0x0;
	s31 =	simm.s32 $0x5  }
0x3: {  	s9 =	simm.s32 $0x80;
	s7 =	simm.s32 $0x1;
	s10 =	simm.s32 $0x4680  }
0x4: {  	s12 =	simm.s32 $0x2;
	s30 =	simm.s32 $0x100;
	s8 =	simm.s32 $0x4  }
0x5: {  	s29 =	simm.s32 $0x180;
	s28 =	simm.s32 $0x200;
	p0 =	por $0x0, $0x0  }
0x6: {  	s19 =	simm.s32 $0x500;
	s0 =	sand.u32 $0x1, s0;
	s1 =	sshll.u32 s1, $0x1  }
0x7: {  	s17 =	simm.s32 $0x580;
	s15 =	simm.s32 $0x600;
	s1 =	sor.u32 s0, s1  }
0x8: {  	[smem:$0x7FF] =	sst s2;
	s0 =	ssub.s32 $0x2, s0;
	s4 =	smul.u32 $0xD0, s1  }
0x9: {  	s6 =	sadd.s32 $0x3CD400, s3;
	s5 =	smul.u32 $0x34000, s1;
	s23 =	sshrl.u32 s0, $0x1  }
0xa: {  	_ =	strace $0x80000050;
	s1 =	smul.u32 $0x6800, s1;
	s0 =	ssub.s32 s0, s23  }
0xb: {  	s23 =	simm.s32 $0x380;
	s4 =	sadd.s32 s4, s3;
	s5 =	sshrl.u32 s5, $0x3  }
0xc: {  	s26 =	sadd.s32 s6, s1;
	s3 =	sadd.s32 $0x2000, s3;
	s0 =	smax.u32 s0, $0x1  }
0xd: {  	s4 =	sadd.s32 $0x3CBA00, s4;
	s5 =	sadd.s32 s6, s5;
	s1 =	sadd.s32 $0x800, s26  }
0xe: {  	s22 =	sadd.s32 $0x1000, s26;
	s24 =	sadd.s32 $0x1800, s26;
	s25 =	sadd.s32 $0x2000, s26  }
0xf: {  	s20 =	sadd.s32 $0x2800, s26;
	s18 =	sadd.s32 $0x3000, s26;
	[dreg:$0x2] =	wrdreg s4  }
0x10: {  	s16 =	sadd.s32 $0x3800, s26;
	s14 =	sadd.s32 $0x4000, s26;
	[dreg:$0x4] =	wrdreg s1  }
0x11: {  	s13 =	sadd.s32 $0x4800, s26;
	p1 =	sne.s32 s0, $0x1;
	[dreg:$0x5] =	wrdreg s22  }
.Ltmp0:
0x12: {  	s11 =	sadd.s32 $0x5000, s26;
	[dreg:$0x6] =	wrdreg s24;
	(pc) =	sbr.rel @!p1 .LBB2_3-.Ltmp0, $4  }
0x13: {  	s6 =	sadd.s32 $0x5800, s26;
	s21 =	sadd.s32 $0x6000, s5;
	[dreg:$0x7] =	wrdreg s25  }
0x14: {  	s4 =	simm.s32 $0x680;
	s5 =	simm.s32 $0x3;
	s25 =	simm.s32 $0x280  }
0x15: {  	s24 =	simm.s32 $0x300;
	s1 =	sadd.s32 $0xFFFFFFFF, s0;
	[dreg:$0x3] =	wrdreg s21  }
0x16: {  	s22 =	simm.s32 $0x400;
	s21 =	simm.s32 $0x480;
	s0 =	rddreg [dreg:$0x2]  }
0x17: {  	[tilespmem:s2], [sflag:$0x5] =	stream.linear.gather [hbm4b:s0+s2], $0x680, $0x38;
	[tilespmem:$0x8680] =	vst v63  }
0x18: {  	_ =	swait.ge [sflag:s31], $0x680  }
0x19: {  	[sflag:s31] =	ssyncset.done $0x0  }
0x1a: {  	[sflag:s31] =	ssyncadd.s32 $0xFFFFF980  }
0x1b: {  	[tilespmem:s4], [sflag:$0x1] =	stream.indirect.gather [hbm4b:s3+s9], $0x80, s2, s9, $0xb8;
	[tilespmem:$0x8680] =	vst v63  }
0x1c: {  	_ =	swait.ge [sflag:s7], $0x4000  }
0x1d: {  	[sflag:s7] =	ssyncset.done $0x0  }
0x1e: {  	[sflag:s7] =	ssyncadd.s32 $0xFFFFC000  }
0x1f: {  	[tilespmem:s10], [sflag:$0x2] =	stream.indirect.gather [hbm4b:s3+s9], $0x80, s9, s9, $0xb8;
	[tilespmem:$0x8680] =	vst v63  }
0x20: {  	_ = 	snop  }
0x21: {  	[hbm4b:s26+s2] =	stream.linear.scatter [tilespmem:s4], [sflag:$0x3], $0x4000, $0x38;
	[tilespmem:$0x8680] =	vst v63  }
0x22: {  	_ =	swait.ge [sflag:s12], $0x4000  }
0x23: {  	[sflag:s12] =	ssyncset.done $0x0  }
0x24: {  	[sflag:s12] =	ssyncadd.s32 $0xFFFFC000  }
0x25: {  	_ =	swait.ge [sflag:s5], $0x4000  }
0x26: {  	[sflag:s5] =	ssyncset.done $0x0  }
0x27: {  	[sflag:s5] =	ssyncadd.s32 $0xFFFFC000  }
0x28: {  	[tilespmem:s4], [sflag:$0x1] =	stream.indirect.gather [hbm4b:s3+s9], $0x80, s30, s9, $0xb8;
	[tilespmem:$0x8680] =	vst v63  }
0x29: {  	s0 =	rddreg [dreg:$0x4]  }
0x2a: {  	[hbm4b:s0+s2] =	stream.linear.scatter [tilespmem:s10], [sflag:$0x4], $0x4000, $0x38;
	[tilespmem:$0x8680] =	vst v63  }
0x2b: {  	_ =	swait.ge [sflag:s7], $0x4000  }
0x2c: {  	[sflag:s7] =	ssyncset.done $0x0  }
0x2d: {  	[sflag:s7] =	ssyncadd.s32 $0xFFFFC000  }
0x2e: {  	_ =	swait.ge [sflag:s8], $0x4000  }
0x2f: {  	[sflag:s8] =	ssyncset.done $0x0  }
0x30: {  	[sflag:s8] =	ssyncadd.s32 $0xFFFFC000  }
0x31: {  	[tilespmem:s10], [sflag:$0x2] =	stream.indirect.gather [hbm4b:s3+s9], $0x80, s29, s9, $0xb8;
	[tilespmem:$0x8680] =	vst v63  }
0x32: {  	s0 =	rddreg [dreg:$0x5]  }
0x33: {  	[hbm4b:s0+s2] =	stream.linear.scatter [tilespmem:s4], [sflag:$0x3], $0x4000, $0x38;
	[tilespmem:$0x8680] =	vst v63  }
0x34: {  	_ =	swait.ge [sflag:s12], $0x4000  }
0x35: {  	[sflag:s12] =	ssyncset.done $0x0  }
0x36: {  	[sflag:s12] =	ssyncadd.s32 $0xFFFFC000  }
0x37: {  	_ =	swait.ge [sflag:s5], $0x4000  }
0x38: {  	[sflag:s5] =	ssyncset.done $0x0  }
0x39: {  	[sflag:s5] =	ssyncadd.s32 $0xFFFFC000  }
0x3a: {  	[tilespmem:s4], [sflag:$0x1] =	stream.indirect.gather [hbm4b:s3+s9], $0x80, s28, s9, $0xb8;
	[tilespmem:$0x8680] =	vst v63  }
0x3b: {  	s0 =	rddreg [dreg:$0x6]  }
0x3c: {  	[hbm4b:s0+s2] =	stream.linear.scatter [tilespmem:s10], [sflag:$0x4], $0x4000, $0x38;
	[tilespmem:$0x8680] =	vst v63  }
0x3d: {  	_ =	swait.ge [sflag:s7], $0x4000  }
0x3e: {  	[sflag:s7] =	ssyncset.done $0x0  }
0x3f: {  	[sflag:s7] =	ssyncadd.s32 $0xFFFFC000  }
0x40: {  	_ =	swait.ge [sflag:s8], $0x4000  }
0x41: {  	[sflag:s8] =	ssyncset.done $0x0  }
0x42: {  	[sflag:s8] =	ssyncadd.s32 $0xFFFFC000  }
0x43: {  	[tilespmem:s10], [sflag:$0x2] =	stream.indirect.gather [hbm4b:s3+s9], $0x80, s25, s9, $0xb8;
	[tilespmem:$0x8680] =	vst v63  }
0x44: {  	s0 =	rddreg [dreg:$0x7]  }
0x45: {  	[hbm4b:s0+s2] =	stream.linear.scatter [tilespmem:s4], [sflag:$0x3], $0x4000, $0x38;
	[tilespmem:$0x8680] =	vst v63  }
0x46: {  	_ =	swait.ge [sflag:s12], $0x4000  }
0x47: {  	[sflag:s12] =	ssyncset.done $0x0  }
0x48: {  	[sflag:s12] =	ssyncadd.s32 $0xFFFFC000  }
0x49: {  	_ =	swait.ge [sflag:s5], $0x4000  }
0x4a: {  	[sflag:s5] =	ssyncset.done $0x0  }
0x4b: {  	[sflag:s5] =	ssyncadd.s32 $0xFFFFC000  }
0x4c: {  	[tilespmem:s4], [sflag:$0x1] =	stream.indirect.gather [hbm4b:s3+s9], $0x80, s24, s9, $0xb8;
	[tilespmem:$0x8680] =	vst v63  }
0x4d: {  	_ = 	snop  }
0x4e: {  	[hbm4b:s20+s2] =	stream.linear.scatter [tilespmem:s10], [sflag:$0x4], $0x4000, $0x38;
	[tilespmem:$0x8680] =	vst v63  }
0x4f: {  	_ =	swait.ge [sflag:s7], $0x4000  }
0x50: {  	[sflag:s7] =	ssyncset.done $0x0  }
0x51: {  	[sflag:s7] =	ssyncadd.s32 $0xFFFFC000  }
0x52: {  	_ =	swait.ge [sflag:s8], $0x4000  }
0x53: {  	[sflag:s8] =	ssyncset.done $0x0  }
0x54: {  	[sflag:s8] =	ssyncadd.s32 $0xFFFFC000  }
0x55: {  	[tilespmem:s10], [sflag:$0x2] =	stream.indirect.gather [hbm4b:s3+s9], $0x80, s23, s9, $0xb8;
	[tilespmem:$0x8680] =	vst v63  }
0x56: {  	_ = 	snop  }
0x57: {  	[hbm4b:s18+s2] =	stream.linear.scatter [tilespmem:s4], [sflag:$0x3], $0x4000, $0x38;
	[tilespmem:$0x8680] =	vst v63  }
0x58: {  	_ =	swait.ge [sflag:s12], $0x4000  }
0x59: {  	[sflag:s12] =	ssyncset.done $0x0  }
0x5a: {  	[sflag:s12] =	ssyncadd.s32 $0xFFFFC000  }
0x5b: {  	_ =	swait.ge [sflag:s5], $0x4000  }
0x5c: {  	[sflag:s5] =	ssyncset.done $0x0  }
0x5d: {  	[sflag:s5] =	ssyncadd.s32 $0xFFFFC000  }
0x5e: {  	[tilespmem:s4], [sflag:$0x1] =	stream.indirect.gather [hbm4b:s3+s9], $0x80, s22, s9, $0xb8;
	[tilespmem:$0x8680] =	vst v63  }
0x5f: {  	_ = 	snop  }
0x60: {  	[hbm4b:s16+s2] =	stream.linear.scatter [tilespmem:s10], [sflag:$0x4], $0x4000, $0x38;
	[tilespmem:$0x8680] =	vst v63  }
0x61: {  	_ =	swait.ge [sflag:s7], $0x4000  }
0x62: {  	[sflag:s7] =	ssyncset.done $0x0  }
0x63: {  	[sflag:s7] =	ssyncadd.s32 $0xFFFFC000  }
0x64: {  	_ =	swait.ge [sflag:s8], $0x4000  }
0x65: {  	[sflag:s8] =	ssyncset.done $0x0  }
0x66: {  	[sflag:s8] =	ssyncadd.s32 $0xFFFFC000  }
0x67: {  	[tilespmem:s10], [sflag:$0x2] =	stream.indirect.gather [hbm4b:s3+s9], $0x80, s21, s9, $0xb8;
	[tilespmem:$0x8680] =	vst v63  }
0x68: {  	_ = 	snop  }
0x69: {  	[hbm4b:s14+s2] =	stream.linear.scatter [tilespmem:s4], [sflag:$0x3], $0x4000, $0x38;
	[tilespmem:$0x8680] =	vst v63  }
0x6a: {  	_ =	swait.ge [sflag:s12], $0x4000  }
0x6b: {  	[sflag:s12] =	ssyncset.done $0x0  }
0x6c: {  	[sflag:s12] =	ssyncadd.s32 $0xFFFFC000  }
0x6d: {  	_ =	swait.ge [sflag:s5], $0x4000  }
0x6e: {  	[sflag:s5] =	ssyncset.done $0x0  }
0x6f: {  	[sflag:s5] =	ssyncadd.s32 $0xFFFFC000  }
0x70: {  	[tilespmem:s4], [sflag:$0x1] =	stream.indirect.gather [hbm4b:s3+s9], $0x80, s19, s9, $0xb8;
	[tilespmem:$0x8680] =	vst v63  }
0x71: {  	_ = 	snop  }
0x72: {  	[hbm4b:s13+s2] =	stream.linear.scatter [tilespmem:s10], [sflag:$0x4], $0x4000, $0x38;
	[tilespmem:$0x8680] =	vst v63  }
0x73: {  	_ =	swait.ge [sflag:s7], $0x4000  }
0x74: {  	[sflag:s7] =	ssyncset.done $0x0  }
0x75: {  	[sflag:s7] =	ssyncadd.s32 $0xFFFFC000  }
0x76: {  	_ =	swait.ge [sflag:s8], $0x4000  }
0x77: {  	[sflag:s8] =	ssyncset.done $0x0  }
0x78: {  	[sflag:s8] =	ssyncadd.s32 $0xFFFFC000  }
0x79: {  	[tilespmem:s10], [sflag:$0x2] =	stream.indirect.gather [hbm4b:s3+s9], $0x80, s17, s9, $0xb8;
	[tilespmem:$0x8680] =	vst v63  }
0x7a: {  	_ = 	snop  }
0x7b: {  	[hbm4b:s11+s2] =	stream.linear.scatter [tilespmem:s4], [sflag:$0x3], $0x4000, $0x38;
	[tilespmem:$0x8680] =	vst v63  }
0x7c: {  	_ =	swait.ge [sflag:s12], $0x4000  }
0x7d: {  	[sflag:s12] =	ssyncset.done $0x0  }
0x7e: {  	[sflag:s12] =	ssyncadd.s32 $0xFFFFC000  }
0x7f: {  	_ =	swait.ge [sflag:s5], $0x4000  }
0x80: {  	[sflag:s5] =	ssyncset.done $0x0  }
0x81: {  	[sflag:s5] =	ssyncadd.s32 $0xFFFFC000  }
0x82: {  	[tilespmem:s4], [sflag:$0x1] =	stream.indirect.gather [hbm4b:s3+s9], $0x80, s15, s9, $0xb8;
	[tilespmem:$0x8680] =	vst v63  }
0x83: {  	_ = 	snop  }
0x84: {  	[hbm4b:s6+s2] =	stream.linear.scatter [tilespmem:s10], [sflag:$0x4], $0x4000, $0x38;
	[tilespmem:$0x8680] =	vst v63  }
0x85: {  	_ =	swait.ge [sflag:s7], $0x4000  }
0x86: {  	[sflag:s7] =	ssyncset.done $0x0  }
0x87: {  	[sflag:s7] =	ssyncadd.s32 $0xFFFFC000  }
0x88: {  	p1 =	sne.s32 s1, $0x1;
	_ =	swait.ge [sflag:s8], $0x4000  }
.Ltmp1:
0x89: {  	[sflag:s8] =	ssyncset.done $0x0;
	(pc) =	sbr.rel @!p1 .LBB2_3-.Ltmp1, $4  }
0x8a: {  	s0 =	rddreg [dreg:$0x3];
	[sflag:s8] =	ssyncadd.s32 $0xFFFFC000  }
0x8b: {  	[hbm4b:s0+s2] =	stream.linear.scatter [tilespmem:s4], [sflag:$0x3], $0x4000, $0x38;
	[tilespmem:$0x8680] =	vst v63  }
0x8c: {  	s1 =	sadd.s32 $0xFFFFFFFF, s1;
	_ =	swait.ge [sflag:s5], $0x4000  }
0x8d: {  	p0 =	por $0x1, $0x1;
	s0 =	rddreg [dreg:$0x2];
	[sflag:s5] =	ssyncset.done $0x0  }
.LBB2_2:
0x8e: {  	[sflag:s5] =	ssyncadd.s32 $0xFFFFC000  }
0x8f: {  	[tilespmem:s2], [sflag:$0x5] =	stream.linear.gather [hbm4b:s0+s2], $0x680, $0x38;
	[tilespmem:$0x8680] =	vst v63  }
0x90: {  	_ =	swait.ge [sflag:s31], $0x680  }
0x91: {  	[sflag:s31] =	ssyncset.done $0x0  }
0x92: {  	[sflag:s31] =	ssyncadd.s32 $0xFFFFF980  }
0x93: {  	[tilespmem:s4], [sflag:$0x1] =	stream.indirect.gather [hbm4b:s3+s9], $0x80, s2, s9, $0xb8;
	[tilespmem:$0x8680] =	vst v63  }
0x94: {  	_ =	swait.ge [sflag:s7], $0x4000  }
0x95: {  	[sflag:s7] =	ssyncset.done $0x0  }
0x96: {  	[sflag:s7] =	ssyncadd.s32 $0xFFFFC000  }
0x97: {  	[tilespmem:s10], [sflag:$0x2] =	stream.indirect.gather [hbm4b:s3+s9], $0x80, s9, s9, $0xb8;
	[tilespmem:$0x8680] =	vst v63  }
0x98: {  	_ = 	snop  }
0x99: {  	[hbm4b:s26+s2] =	stream.linear.scatter [tilespmem:s4], [sflag:$0x3], $0x4000, $0x38;
	[tilespmem:$0x8680] =	vst v63  }
0x9a: {  	_ =	swait.ge [sflag:s12], $0x4000  }
0x9b: {  	[sflag:s12] =	ssyncset.done $0x0  }
0x9c: {  	[sflag:s12] =	ssyncadd.s32 $0xFFFFC000  }
0x9d: {  	_ =	swait.ge [sflag:s5], $0x4000  }
0x9e: {  	[sflag:s5] =	ssyncset.done $0x0  }
0x9f: {  	[sflag:s5] =	ssyncadd.s32 $0xFFFFC000  }
0xa0: {  	[tilespmem:s4], [sflag:$0x1] =	stream.indirect.gather [hbm4b:s3+s9], $0x80, s30, s9, $0xb8;
	[tilespmem:$0x8680] =	vst v63  }
0xa1: {  	s0 =	rddreg [dreg:$0x4]  }
0xa2: {  	[hbm4b:s0+s2] =	stream.linear.scatter [tilespmem:s10], [sflag:$0x4], $0x4000, $0x38;
	[tilespmem:$0x8680] =	vst v63  }
0xa3: {  	_ =	swait.ge [sflag:s7], $0x4000  }
0xa4: {  	[sflag:s7] =	ssyncset.done $0x0  }
0xa5: {  	[sflag:s7] =	ssyncadd.s32 $0xFFFFC000  }
0xa6: {  	_ =	swait.ge [sflag:s8], $0x4000  }
0xa7: {  	[sflag:s8] =	ssyncset.done $0x0  }
0xa8: {  	[sflag:s8] =	ssyncadd.s32 $0xFFFFC000  }
0xa9: {  	[tilespmem:s10], [sflag:$0x2] =	stream.indirect.gather [hbm4b:s3+s9], $0x80, s29, s9, $0xb8;
	[tilespmem:$0x8680] =	vst v63  }
0xaa: {  	s0 =	rddreg [dreg:$0x5]  }
0xab: {  	[hbm4b:s0+s2] =	stream.linear.scatter [tilespmem:s4], [sflag:$0x3], $0x4000, $0x38;
	[tilespmem:$0x8680] =	vst v63  }
0xac: {  	_ =	swait.ge [sflag:s12], $0x4000  }
0xad: {  	[sflag:s12] =	ssyncset.done $0x0  }
0xae: {  	[sflag:s12] =	ssyncadd.s32 $0xFFFFC000  }
0xaf: {  	_ =	swait.ge [sflag:s5], $0x4000  }
0xb0: {  	[sflag:s5] =	ssyncset.done $0x0  }
0xb1: {  	[sflag:s5] =	ssyncadd.s32 $0xFFFFC000  }
0xb2: {  	[tilespmem:s4], [sflag:$0x1] =	stream.indirect.gather [hbm4b:s3+s9], $0x80, s28, s9, $0xb8;
	[tilespmem:$0x8680] =	vst v63  }
0xb3: {  	s0 =	rddreg [dreg:$0x6]  }
0xb4: {  	[hbm4b:s0+s2] =	stream.linear.scatter [tilespmem:s10], [sflag:$0x4], $0x4000, $0x38;
	[tilespmem:$0x8680] =	vst v63  }
0xb5: {  	_ =	swait.ge [sflag:s7], $0x4000  }
0xb6: {  	[sflag:s7] =	ssyncset.done $0x0  }
0xb7: {  	[sflag:s7] =	ssyncadd.s32 $0xFFFFC000  }
0xb8: {  	_ =	swait.ge [sflag:s8], $0x4000  }
0xb9: {  	[sflag:s8] =	ssyncset.done $0x0  }
0xba: {  	[sflag:s8] =	ssyncadd.s32 $0xFFFFC000  }
0xbb: {  	[tilespmem:s10], [sflag:$0x2] =	stream.indirect.gather [hbm4b:s3+s9], $0x80, s25, s9, $0xb8;
	[tilespmem:$0x8680] =	vst v63  }
0xbc: {  	s0 =	rddreg [dreg:$0x7]  }
0xbd: {  	[hbm4b:s0+s2] =	stream.linear.scatter [tilespmem:s4], [sflag:$0x3], $0x4000, $0x38;
	[tilespmem:$0x8680] =	vst v63  }
0xbe: {  	_ =	swait.ge [sflag:s12], $0x4000  }
0xbf: {  	[sflag:s12] =	ssyncset.done $0x0  }
0xc0: {  	[sflag:s12] =	ssyncadd.s32 $0xFFFFC000  }
0xc1: {  	_ =	swait.ge [sflag:s5], $0x4000  }
0xc2: {  	[sflag:s5] =	ssyncset.done $0x0  }
0xc3: {  	[sflag:s5] =	ssyncadd.s32 $0xFFFFC000  }
0xc4: {  	[tilespmem:s4], [sflag:$0x1] =	stream.indirect.gather [hbm4b:s3+s9], $0x80, s24, s9, $0xb8;
	[tilespmem:$0x8680] =	vst v63  }
0xc5: {  	_ = 	snop  }
0xc6: {  	[hbm4b:s20+s2] =	stream.linear.scatter [tilespmem:s10], [sflag:$0x4], $0x4000, $0x38;
	[tilespmem:$0x8680] =	vst v63  }
0xc7: {  	_ =	swait.ge [sflag:s7], $0x4000  }
0xc8: {  	[sflag:s7] =	ssyncset.done $0x0  }
0xc9: {  	[sflag:s7] =	ssyncadd.s32 $0xFFFFC000  }
0xca: {  	_ =	swait.ge [sflag:s8], $0x4000  }
0xcb: {  	[sflag:s8] =	ssyncset.done $0x0  }
0xcc: {  	[sflag:s8] =	ssyncadd.s32 $0xFFFFC000  }
0xcd: {  	[tilespmem:s10], [sflag:$0x2] =	stream.indirect.gather [hbm4b:s3+s9], $0x80, s23, s9, $0xb8;
	[tilespmem:$0x8680] =	vst v63  }
0xce: {  	_ = 	snop  }
0xcf: {  	[hbm4b:s18+s2] =	stream.linear.scatter [tilespmem:s4], [sflag:$0x3], $0x4000, $0x38;
	[tilespmem:$0x8680] =	vst v63  }
0xd0: {  	_ =	swait.ge [sflag:s12], $0x4000  }
0xd1: {  	[sflag:s12] =	ssyncset.done $0x0  }
0xd2: {  	[sflag:s12] =	ssyncadd.s32 $0xFFFFC000  }
0xd3: {  	_ =	swait.ge [sflag:s5], $0x4000  }
0xd4: {  	[sflag:s5] =	ssyncset.done $0x0  }
0xd5: {  	[sflag:s5] =	ssyncadd.s32 $0xFFFFC000  }
0xd6: {  	[tilespmem:s4], [sflag:$0x1] =	stream.indirect.gather [hbm4b:s3+s9], $0x80, s22, s9, $0xb8;
	[tilespmem:$0x8680] =	vst v63  }
0xd7: {  	_ = 	snop  }
0xd8: {  	[hbm4b:s16+s2] =	stream.linear.scatter [tilespmem:s10], [sflag:$0x4], $0x4000, $0x38;
	[tilespmem:$0x8680] =	vst v63  }
0xd9: {  	_ =	swait.ge [sflag:s7], $0x4000  }
0xda: {  	[sflag:s7] =	ssyncset.done $0x0  }
0xdb: {  	[sflag:s7] =	ssyncadd.s32 $0xFFFFC000  }
0xdc: {  	_ =	swait.ge [sflag:s8], $0x4000  }
0xdd: {  	[sflag:s8] =	ssyncset.done $0x0  }
0xde: {  	[sflag:s8] =	ssyncadd.s32 $0xFFFFC000  }
0xdf: {  	[tilespmem:s10], [sflag:$0x2] =	stream.indirect.gather [hbm4b:s3+s9], $0x80, s21, s9, $0xb8;
	[tilespmem:$0x8680] =	vst v63  }
0xe0: {  	_ = 	snop  }
0xe1: {  	[hbm4b:s14+s2] =	stream.linear.scatter [tilespmem:s4], [sflag:$0x3], $0x4000, $0x38;
	[tilespmem:$0x8680] =	vst v63  }
0xe2: {  	_ =	swait.ge [sflag:s12], $0x4000  }
0xe3: {  	[sflag:s12] =	ssyncset.done $0x0  }
0xe4: {  	[sflag:s12] =	ssyncadd.s32 $0xFFFFC000  }
0xe5: {  	_ =	swait.ge [sflag:s5], $0x4000  }
0xe6: {  	[sflag:s5] =	ssyncset.done $0x0  }
0xe7: {  	[sflag:s5] =	ssyncadd.s32 $0xFFFFC000  }
0xe8: {  	[tilespmem:s4], [sflag:$0x1] =	stream.indirect.gather [hbm4b:s3+s9], $0x80, s19, s9, $0xb8;
	[tilespmem:$0x8680] =	vst v63  }
0xe9: {  	_ = 	snop  }
0xea: {  	[hbm4b:s13+s2] =	stream.linear.scatter [tilespmem:s10], [sflag:$0x4], $0x4000, $0x38;
	[tilespmem:$0x8680] =	vst v63  }
0xeb: {  	_ =	swait.ge [sflag:s7], $0x4000  }
0xec: {  	[sflag:s7] =	ssyncset.done $0x0  }
0xed: {  	[sflag:s7] =	ssyncadd.s32 $0xFFFFC000  }
0xee: {  	_ =	swait.ge [sflag:s8], $0x4000  }
0xef: {  	[sflag:s8] =	ssyncset.done $0x0  }
0xf0: {  	[sflag:s8] =	ssyncadd.s32 $0xFFFFC000  }
0xf1: {  	[tilespmem:s10], [sflag:$0x2] =	stream.indirect.gather [hbm4b:s3+s9], $0x80, s17, s9, $0xb8;
	[tilespmem:$0x8680] =	vst v63  }
0xf2: {  	_ = 	snop  }
0xf3: {  	[hbm4b:s11+s2] =	stream.linear.scatter [tilespmem:s4], [sflag:$0x3], $0x4000, $0x38;
	[tilespmem:$0x8680] =	vst v63  }
0xf4: {  	_ =	swait.ge [sflag:s12], $0x4000  }
0xf5: {  	[sflag:s12] =	ssyncset.done $0x0  }
0xf6: {  	[sflag:s12] =	ssyncadd.s32 $0xFFFFC000  }
0xf7: {  	_ =	swait.ge [sflag:s5], $0x4000  }
0xf8: {  	[sflag:s5] =	ssyncset.done $0x0  }
0xf9: {  	[sflag:s5] =	ssyncadd.s32 $0xFFFFC000  }
0xfa: {  	[tilespmem:s4], [sflag:$0x1] =	stream.indirect.gather [hbm4b:s3+s9], $0x80, s15, s9, $0xb8;
	[tilespmem:$0x8680] =	vst v63  }
0xfb: {  	_ = 	snop  }
0xfc: {  	[hbm4b:s6+s2] =	stream.linear.scatter [tilespmem:s10], [sflag:$0x4], $0x4000, $0x38;
	[tilespmem:$0x8680] =	vst v63  }
0xfd: {  	_ =	swait.ge [sflag:s7], $0x4000  }
0xfe: {  	[sflag:s7] =	ssyncset.done $0x0  }
0xff: {  	[sflag:s7] =	ssyncadd.s32 $0xFFFFC000  }
0x100: {  	p1 =	sne.s32 s1, $0x1;
	_ =	swait.ge [sflag:s8], $0x4000  }
.Ltmp2:
0x101: {  	[sflag:s8] =	ssyncset.done $0x0;
	(pc) =	sbr.rel @p1 .LBB2_2-.Ltmp2, $4  }
0x102: {  	s0 =	rddreg [dreg:$0x3];
	[sflag:s8] =	ssyncadd.s32 $0xFFFFC000  }
0x103: {  	[hbm4b:s0+s2] =	stream.linear.scatter [tilespmem:s4], [sflag:$0x3], $0x4000, $0x38;
	[tilespmem:$0x8680] =	vst v63  }
0x104: {  	_ =	swait.ge [sflag:s5], $0x4000  }
0x105: {  	s1 =	sadd.s32 $0xFFFFFFFF, s1;
	s0 =	rddreg [dreg:$0x2];
	[sflag:s5] =	ssyncset.done $0x0  }
.LBB2_3:
0x106: {  	[sflag:s5] =	ssyncadd.s32 @p0 $0xFFFFC000  }
0x107: {  	[tilespmem:s2], [sflag:$0x5] =	stream.linear.gather [hbm4b:s0+s2], $0x680, $0x38;
	[tilespmem:$0x8680] =	vst v63  }
0x108: {  	_ =	swait.ge [sflag:s31], $0x680  }
0x109: {  	[sflag:s31] =	ssyncset.done $0x0  }
0x10a: {  	[sflag:s31] =	ssyncadd.s32 $0xFFFFF980  }
0x10b: {  	[tilespmem:s4], [sflag:$0x1] =	stream.indirect.gather [hbm4b:s3+s9], $0x80, s2, s9, $0xb8;
	[tilespmem:$0x8680] =	vst v63  }
0x10c: {  	_ =	swait.ge [sflag:s7], $0x4000  }
0x10d: {  	[sflag:s7] =	ssyncset.done $0x0  }
0x10e: {  	[sflag:s7] =	ssyncadd.s32 $0xFFFFC000  }
0x10f: {  	[tilespmem:s10], [sflag:$0x2] =	stream.indirect.gather [hbm4b:s3+s9], $0x80, s9, s9, $0xb8;
	[tilespmem:$0x8680] =	vst v63  }
0x110: {  	_ = 	snop  }
0x111: {  	[hbm4b:s26+s2] =	stream.linear.scatter [tilespmem:s4], [sflag:$0x3], $0x4000, $0x38;
	[tilespmem:$0x8680] =	vst v63  }
0x112: {  	_ =	swait.ge [sflag:s12], $0x4000  }
0x113: {  	[sflag:s12] =	ssyncset.done $0x0  }
0x114: {  	[sflag:s12] =	ssyncadd.s32 $0xFFFFC000  }
0x115: {  	_ =	swait.ge [sflag:s5], $0x4000  }
0x116: {  	[sflag:s5] =	ssyncset.done $0x0  }
0x117: {  	[sflag:s5] =	ssyncadd.s32 $0xFFFFC000  }
0x118: {  	[tilespmem:s4], [sflag:$0x1] =	stream.indirect.gather [hbm4b:s3+s9], $0x80, s30, s9, $0xb8;
	[tilespmem:$0x8680] =	vst v63  }
0x119: {  	s31 =	rddreg [dreg:$0x4]  }
0x11a: {  	[hbm4b:s31+s2] =	stream.linear.scatter [tilespmem:s10], [sflag:$0x4], $0x4000, $0x38;
	[tilespmem:$0x8680] =	vst v63  }
0x11b: {  	_ =	swait.ge [sflag:s7], $0x4000  }
0x11c: {  	[sflag:s7] =	ssyncset.done $0x0  }
0x11d: {  	[sflag:s7] =	ssyncadd.s32 $0xFFFFC000  }
0x11e: {  	_ =	swait.ge [sflag:s8], $0x4000  }
0x11f: {  	[sflag:s8] =	ssyncset.done $0x0  }
0x120: {  	[sflag:s8] =	ssyncadd.s32 $0xFFFFC000  }
0x121: {  	[tilespmem:s10], [sflag:$0x2] =	stream.indirect.gather [hbm4b:s3+s9], $0x80, s29, s9, $0xb8;
	[tilespmem:$0x8680] =	vst v63  }
0x122: {  	s1 =	rddreg [dreg:$0x5]  }
0x123: {  	[hbm4b:s1+s2] =	stream.linear.scatter [tilespmem:s4], [sflag:$0x3], $0x4000, $0x38;
	[tilespmem:$0x8680] =	vst v63  }
0x124: {  	_ =	swait.ge [sflag:s12], $0x4000  }
0x125: {  	[sflag:s12] =	ssyncset.done $0x0  }
0x126: {  	[sflag:s12] =	ssyncadd.s32 $0xFFFFC000  }
0x127: {  	_ =	swait.ge [sflag:s5], $0x4000  }
0x128: {  	[sflag:s5] =	ssyncset.done $0x0  }
0x129: {  	[sflag:s5] =	ssyncadd.s32 $0xFFFFC000  }
0x12a: {  	[tilespmem:s4], [sflag:$0x1] =	stream.indirect.gather [hbm4b:s3+s9], $0x80, s28, s9, $0xb8;
	[tilespmem:$0x8680] =	vst v63  }
0x12b: {  	s26 =	rddreg [dreg:$0x6]  }
0x12c: {  	[hbm4b:s26+s2] =	stream.linear.scatter [tilespmem:s10], [sflag:$0x4], $0x4000, $0x38;
	[tilespmem:$0x8680] =	vst v63  }
0x12d: {  	_ =	swait.ge [sflag:s7], $0x4000  }
0x12e: {  	[sflag:s7] =	ssyncset.done $0x0  }
0x12f: {  	[sflag:s7] =	ssyncadd.s32 $0xFFFFC000  }
0x130: {  	_ =	swait.ge [sflag:s8], $0x4000  }
0x131: {  	[sflag:s8] =	ssyncset.done $0x0  }
0x132: {  	[sflag:s8] =	ssyncadd.s32 $0xFFFFC000  }
0x133: {  	[tilespmem:s10], [sflag:$0x2] =	stream.indirect.gather [hbm4b:s3+s9], $0x80, s25, s9, $0xb8;
	[tilespmem:$0x8680] =	vst v63  }
0x134: {  	s29 =	rddreg [dreg:$0x7]  }
0x135: {  	[hbm4b:s29+s2] =	stream.linear.scatter [tilespmem:s4], [sflag:$0x3], $0x4000, $0x38;
	[tilespmem:$0x8680] =	vst v63  }
0x136: {  	_ =	swait.ge [sflag:s12], $0x4000  }
0x137: {  	[sflag:s12] =	ssyncset.done $0x0  }
0x138: {  	[sflag:s12] =	ssyncadd.s32 $0xFFFFC000  }
0x139: {  	_ =	swait.ge [sflag:s5], $0x4000  }
0x13a: {  	[sflag:s5] =	ssyncset.done $0x0  }
0x13b: {  	[sflag:s5] =	ssyncadd.s32 $0xFFFFC000  }
0x13c: {  	[tilespmem:s4], [sflag:$0x1] =	stream.indirect.gather [hbm4b:s3+s9], $0x80, s24, s9, $0xb8;
	[tilespmem:$0x8680] =	vst v63  }
0x13d: {  	_ = 	snop  }
0x13e: {  	[hbm4b:s20+s2] =	stream.linear.scatter [tilespmem:s10], [sflag:$0x4], $0x4000, $0x38;
	[tilespmem:$0x8680] =	vst v63  }
0x13f: {  	_ =	swait.ge [sflag:s7], $0x4000  }
0x140: {  	[sflag:s7] =	ssyncset.done $0x0  }
0x141: {  	[sflag:s7] =	ssyncadd.s32 $0xFFFFC000  }
0x142: {  	_ =	swait.ge [sflag:s8], $0x4000  }
0x143: {  	[sflag:s8] =	ssyncset.done $0x0  }
0x144: {  	[sflag:s8] =	ssyncadd.s32 $0xFFFFC000  }
0x145: {  	[tilespmem:s10], [sflag:$0x2] =	stream.indirect.gather [hbm4b:s3+s9], $0x80, s23, s9, $0xb8;
	[tilespmem:$0x8680] =	vst v63  }
0x146: {  	_ = 	snop  }
0x147: {  	[hbm4b:s18+s2] =	stream.linear.scatter [tilespmem:s4], [sflag:$0x3], $0x4000, $0x38;
	[tilespmem:$0x8680] =	vst v63  }
0x148: {  	_ =	swait.ge [sflag:s12], $0x4000  }
0x149: {  	[sflag:s12] =	ssyncset.done $0x0  }
0x14a: {  	[sflag:s12] =	ssyncadd.s32 $0xFFFFC000  }
0x14b: {  	_ =	swait.ge [sflag:s5], $0x4000  }
0x14c: {  	[sflag:s5] =	ssyncset.done $0x0  }
0x14d: {  	[sflag:s5] =	ssyncadd.s32 $0xFFFFC000  }
0x14e: {  	[tilespmem:s4], [sflag:$0x1] =	stream.indirect.gather [hbm4b:s3+s9], $0x80, s22, s9, $0xb8;
	[tilespmem:$0x8680] =	vst v63  }
0x14f: {  	_ = 	snop  }
0x150: {  	[hbm4b:s16+s2] =	stream.linear.scatter [tilespmem:s10], [sflag:$0x4], $0x4000, $0x38;
	[tilespmem:$0x8680] =	vst v63  }
0x151: {  	_ =	swait.ge [sflag:s7], $0x4000  }
0x152: {  	[sflag:s7] =	ssyncset.done $0x0  }
0x153: {  	[sflag:s7] =	ssyncadd.s32 $0xFFFFC000  }
0x154: {  	_ =	swait.ge [sflag:s8], $0x4000  }
0x155: {  	[sflag:s8] =	ssyncset.done $0x0  }
0x156: {  	[sflag:s8] =	ssyncadd.s32 $0xFFFFC000  }
0x157: {  	[tilespmem:s10], [sflag:$0x2] =	stream.indirect.gather [hbm4b:s3+s9], $0x80, s21, s9, $0xb8;
	[tilespmem:$0x8680] =	vst v63  }
0x158: {  	_ = 	snop  }
0x159: {  	[hbm4b:s14+s2] =	stream.linear.scatter [tilespmem:s4], [sflag:$0x3], $0x4000, $0x38;
	[tilespmem:$0x8680] =	vst v63  }
0x15a: {  	_ =	swait.ge [sflag:s12], $0x4000  }
0x15b: {  	[sflag:s12] =	ssyncset.done $0x0  }
0x15c: {  	[sflag:s12] =	ssyncadd.s32 $0xFFFFC000  }
0x15d: {  	_ =	swait.ge [sflag:s5], $0x4000  }
0x15e: {  	[sflag:s5] =	ssyncset.done $0x0  }
0x15f: {  	[sflag:s5] =	ssyncadd.s32 $0xFFFFC000  }
0x160: {  	[tilespmem:s4], [sflag:$0x1] =	stream.indirect.gather [hbm4b:s3+s9], $0x80, s19, s9, $0xb8;
	[tilespmem:$0x8680] =	vst v63  }
0x161: {  	_ = 	snop  }
0x162: {  	[hbm4b:s13+s2] =	stream.linear.scatter [tilespmem:s10], [sflag:$0x4], $0x4000, $0x38;
	[tilespmem:$0x8680] =	vst v63  }
0x163: {  	_ =	swait.ge [sflag:s7], $0x4000  }
0x164: {  	[sflag:s7] =	ssyncset.done $0x0  }
0x165: {  	[sflag:s7] =	ssyncadd.s32 $0xFFFFC000  }
0x166: {  	_ =	swait.ge [sflag:s8], $0x4000  }
0x167: {  	[sflag:s8] =	ssyncset.done $0x0  }
0x168: {  	[sflag:s8] =	ssyncadd.s32 $0xFFFFC000  }
0x169: {  	[tilespmem:s10], [sflag:$0x2] =	stream.indirect.gather [hbm4b:s3+s9], $0x80, s17, s9, $0xb8;
	[tilespmem:$0x8680] =	vst v63  }
0x16a: {  	_ = 	snop  }
0x16b: {  	[hbm4b:s11+s2] =	stream.linear.scatter [tilespmem:s4], [sflag:$0x3], $0x4000, $0x38;
	[tilespmem:$0x8680] =	vst v63  }
0x16c: {  	_ =	swait.ge [sflag:s12], $0x4000  }
0x16d: {  	[sflag:s12] =	ssyncset.done $0x0  }
0x16e: {  	[sflag:s12] =	ssyncadd.s32 $0xFFFFC000  }
0x16f: {  	_ =	swait.ge [sflag:s5], $0x4000  }
0x170: {  	[sflag:s5] =	ssyncset.done $0x0  }
0x171: {  	[sflag:s5] =	ssyncadd.s32 $0xFFFFC000  }
0x172: {  	[tilespmem:s4], [sflag:$0x1] =	stream.indirect.gather [hbm4b:s3+s9], $0x80, s15, s9, $0xb8;
	[tilespmem:$0x8680] =	vst v63  }
0x173: {  	_ = 	snop  }
0x174: {  	[hbm4b:s6+s2] =	stream.linear.scatter [tilespmem:s10], [sflag:$0x4], $0x4000, $0x38;
	[tilespmem:$0x8680] =	vst v63  }
0x175: {  	_ =	swait.ge [sflag:s7], $0x4000  }
0x176: {  	[sflag:s7] =	ssyncset.done $0x0  }
0x177: {  	[sflag:s7] =	ssyncadd.s32 $0xFFFFC000  }
0x178: {  	_ =	swait.ge [sflag:s8], $0x4000  }
0x179: {  	[sflag:s8] =	ssyncset.done $0x0  }
0x17a: {  	s30 =	rddreg [dreg:$0x3];
	[sflag:s8] =	ssyncadd.s32 $0xFFFFC000  }
0x17b: {  	[hbm4b:s30+s2] =	stream.linear.scatter [tilespmem:s4], [sflag:$0x3], $0x4000, $0x38;
	[tilespmem:$0x8680] =	vst v63  }
0x17c: {  	_ =	swait.ge [sflag:s5], $0x4000  }
0x17d: {  	[sflag:s5] =	ssyncset.done $0x0  }
0x17e: {  	[sflag:s5] =	ssyncadd.s32 $0xFFFFC000  }
0x17f: {  	_ =	sfence.sel $0x180000  }
0x180: {  	[bflag:$0x0] =	sbarrier.arrive $0xFFFF  }
0x181: {  	_ =	strace $0x90000050  }
0x182: {  	s31 =	stileid.u32;
	[bflag:$0x2] =	sbarrier.arrive $0xFFFF  }
0x183: {  	p0 =	sne.s32 s31, $0x0;
	s0 =	rddreg [dreg:$0x1]  }
0x184: {  	s0 =	sadd.s32 @!p0 $0x100000, s0  }
0x185: {  	[sflag:s0] =	ssyncadd.tile.s32 @!p0 $0x1;
	_ =	shalt  }
.Lfunc_end2:
_tile_overlayer_lowered:
.L_overlay_start_2:
0x186: {  	(tag) =	ssettag $0x2  }
0x187: {  	s0 =	rddreg [dreg:$0x0];
	s2 =	stileid.u32  }
0x188: {  	s1 =	rddreg [dreg:$0x1];
	p0 =	sne.s32 s2, $0x0  }
0x189: {  	s3 =	rddreg [dreg:$0x2];
	[bflag:$0x3] =	sbarrier.arrive $0xFFFF;
	s2 =	simm.s32 @!p0 $0x1C05  }
0x18a: {  	[timem:s3], [sflag:s2] =	dma.local @!p0 [hbm:s0], s1  }
0x18b: {  	s0 =	simm.s32 @!p0 $0x5  }
0x18c: {  	_ =	swait.ge @!p0 [sflag:s0], s1  }
0x18d: {  	s1 =	ssub.s32 @!p0 $0x0, s1;
	[sflag:s0] =	ssyncset.done @!p0 $0x0  }
0x18e: {  	[sflag:s0] =	ssyncadd.s32 @!p0 s1  }
0x18f: {  	[bflag:$0x3] =	sbarrier.arrive $0xFFFF  }
0x190: {  	_ =	shalt  }

</sc_bundles>
